<compile_context>
chip_gen: v7x
topology: tpu7x:2x2x1
jax: 0.10.2.dev20260603
libtpu: 0.0.44.dev20260713+nightly
codegen_flags: <defaults>
</compile_context>

<pallas_src>
import functools

import jax
import jax.numpy as jnp
import numpy as np
from jax import lax
from jax.experimental import pallas as pl
from jax.experimental.pallas import tpu as pltpu
from jax.experimental.pallas import tpu_sc as plsc

N_NODES = 10000
P_NODES = 10240
N_EDGES = 320000
N_WORKERS = 32
EPW = 10240
P_EDGES = N_WORKERS * EPW
STATE = 128
N_CLASSES = 40
NUM_LAYERS = 4
BOUND = 10
BN_SCALE = np.float32(1.0 / np.sqrt(1.0 + 1e-5))
BLK = 1024
GRID = P_NODES // BLK
HALF = P_NODES // 2
NSH = HALF * STATE
PERM = np.concatenate([np.arange(0, P_NODES, 2), np.arange(1, P_NODES, 2)])



def _argmax_soft(l):
    m = jnp.max(l, axis=-1, keepdims=True)
    p = jnp.exp(l - m)
    q = p / jnp.sum(p, axis=-1, keepdims=True)
    qm = jnp.max(q, axis=-1, keepdims=True)
    ii = lax.broadcasted_iota(jnp.int32, l.shape, l.ndim - 1)
    return jnp.min(jnp.where(q == qm, ii, STATE), axis=-1)



def _input_body(x_ref, w_ref, b_ref, out_ref):
    l = jnp.dot(x_ref[...], w_ref[...], preferred_element_type=jnp.float32)
    out_ref[...] = _argmax_soft(l + b_ref[...])


def _input_call(x_pad, w_in, b_in):
    return pl.pallas_call(
        _input_body,
        grid=(GRID,),
        in_specs=[
            pl.BlockSpec((BLK, STATE), lambda i: (i, 0)),
            pl.BlockSpec((STATE, STATE), lambda i: (0, 0)),
            pl.BlockSpec((1, STATE), lambda i: (0, 0)),
        ],
        out_specs=pl.BlockSpec((BLK,), lambda i: (i,)),
        out_shape=jax.ShapeDtypeStruct((P_NODES,), jnp.int32),
    )(x_pad, w_in, b_in)


def _table_body(w_ref, b_ref, out_ref):
    i = pl.program_id(0)
    p = i * BLK + lax.broadcasted_iota(jnp.int32, (BLK, 2 * STATE), 0)
    ii = lax.broadcasted_iota(jnp.int32, (BLK, 2 * STATE), 1)
    a = p // STATE
    b = p % STATE
    e = ((ii == a) | (ii == b + STATE)).astype(jnp.float32)
    l = (jnp.dot(e, w_ref[...], preferred_element_type=jnp.float32)
         + b_ref[...]) * BN_SCALE
    out_ref[...] = _argmax_soft(l)


def _table_call(w_edge, b_edge):
    return pl.pallas_call(
        _table_body,
        grid=(STATE * STATE // BLK,),
        in_specs=[
            pl.BlockSpec((2 * STATE, STATE), lambda i: (0, 0)),
            pl.BlockSpec((1, STATE), lambda i: (0, 0)),
        ],
        out_specs=pl.BlockSpec((BLK,), lambda i: (i,)),
        out_shape=jax.ShapeDtypeStruct((STATE * STATE,), jnp.int32),
    )(w_edge, b_edge.reshape(1, STATE))


def _new_h(c0_ref, c1_ref, h_ref, w_ref, b_ref, eps_ref):
    packed = c0_ref[0] + c1_ref[0]
    lo = jnp.bitwise_and(packed, 0xFFFF)
    hi = lax.shift_right_logical(packed, 16)
    cnt = jnp.where(pl.program_id(0) < GRID // 2, lo, hi)
    aggr = jnp.minimum(cnt, BOUND).astype(jnp.float32)
    ii = lax.broadcasted_iota(jnp.int32, aggr.shape, 1)
    hcol = h_ref[...][:, None]
    a = aggr + jnp.where(ii == hcol, 1.0 + eps_ref[0, 0], 0.0)
    l = (jnp.dot(a, w_ref[...], preferred_element_type=jnp.float32)
         + b_ref[...]) * BN_SCALE
    return _argmax_soft(l)


def _update_body(c0_ref, c1_ref, h_ref, w_ref, b_ref, eps_ref, out_ref):
    out_ref[...] = _new_h(c0_ref, c1_ref, h_ref, w_ref, b_ref, eps_ref)


_COUNT_SPECS = [
    pl.BlockSpec((1, BLK, STATE), lambda i: (0, i % (GRID // 2), 0)),
    pl.BlockSpec((1, BLK, STATE), lambda i: (1, i % (GRID // 2), 0)),
    pl.BlockSpec((BLK,), lambda i: (i,)),
    pl.BlockSpec((STATE, STATE), lambda i: (0, 0)),
    pl.BlockSpec((1, STATE), lambda i: (0, 0)),
    pl.BlockSpec((1, 1), lambda i: (0, 0)),
]


def _update_call(counts3, h_idx, w_node, b_node, eps2):
    return pl.pallas_call(
        _update_body,
        grid=(GRID,),
        in_specs=_COUNT_SPECS,
        out_specs=pl.BlockSpec((BLK,), lambda i: (i,)),
        out_shape=jax.ShapeDtypeStruct((P_NODES,), jnp.int32),
    )(counts3, counts3, h_idx, w_node, b_node, eps2)


def _half_out(cnt, h, w_ref, b_ref, eps_ref, wp_ref, bp_ref):
    aggr = jnp.minimum(cnt, BOUND).astype(jnp.float32)
    ii = lax.broadcasted_iota(jnp.int32, aggr.shape, 1)
    a = aggr + jnp.where(ii == h[:, None], 1.0 + eps_ref[0, 0], 0.0)
    l = (jnp.dot(a, w_ref[...], preferred_element_type=jnp.float32)
         + b_ref[...]) * BN_SCALE
    idx = _argmax_soft(l)
    oh = jnp.where(ii == idx[:, None], 1.0, 0.0)
    return jnp.dot(oh, wp_ref[...], preferred_element_type=jnp.float32,
                   precision=lax.Precision.HIGHEST) + bp_ref[...]


def _final_body(c0_ref, c1_ref, he_ref, ho_ref, w_ref, b_ref, eps_ref,
                wp_ref, bp_ref, out_ref):
    packed = c0_ref[0] + c1_ref[0]
    out_e = _half_out(jnp.bitwise_and(packed, 0xFFFF), he_ref[...],
                      w_ref, b_ref, eps_ref, wp_ref, bp_ref)
    out_o = _half_out(lax.shift_right_logical(packed, 16), ho_ref[...],
                      w_ref, b_ref, eps_ref, wp_ref, bp_ref)
    il = jnp.stack([out_e, out_o], axis=1)
    out_ref[...] = il.reshape(BLK, N_CLASSES)


def _final_call(counts3, h_idx, w_node, b_node, eps2, w_pool, b_pool):
    hb = BLK // 2
    return pl.pallas_call(
        _final_body,
        grid=(GRID,),
        in_specs=[
            pl.BlockSpec((1, hb, STATE), lambda i: (0, i, 0)),
            pl.BlockSpec((1, hb, STATE), lambda i: (1, i, 0)),
            pl.BlockSpec((hb,), lambda i: (i,)),
            pl.BlockSpec((hb,), lambda i: (GRID + i,)),
            pl.BlockSpec((STATE, STATE), lambda i: (0, 0)),
            pl.BlockSpec((1, STATE), lambda i: (0, 0)),
            pl.BlockSpec((1, 1), lambda i: (0, 0)),
            pl.BlockSpec((STATE, N_CLASSES), lambda i: (0, 0)),
            pl.BlockSpec((1, N_CLASSES), lambda i: (0, 0)),
        ],
        out_specs=pl.BlockSpec((BLK, N_CLASSES), lambda i: (i, 0)),
        out_shape=jax.ShapeDtypeStruct((P_NODES, N_CLASSES), jnp.float32),
    )(counts3, counts3, h_idx, h_idx, w_node, b_node, eps2, w_pool, b_pool)



PART = 2048
NPART = EPW // PART
ZCH = 2560


def _sc_body(hidx_hbm, src_hbm, dst_hbm, t_hbm, out_hbm,
             src_v, dst_v, hidx_v, t_v, keys_v, vals_v, zb_v,
             counts_sh, sc_sem):
    cc = lax.axis_index("c")
    ss = lax.axis_index("s")

    zeros16 = jnp.zeros((16,), jnp.int32)

    def fill_z(i, carry):
        zb_v[pl.ds(i * 16, 16)] = zeros16
        return carry
    lax.fori_loop(0, ZCH // 16, fill_z, 0)

    nz = NSH // 16 // ZCH
    def zero_c(i, carry):
        pltpu.async_copy(zb_v,
                         counts_sh.at[pl.ds((ss * nz + i) * ZCH, ZCH)],
                         sc_sem)
        return carry
    lax.fori_loop(0, nz, zero_c, 0)

    base = cc * (P_EDGES // 2) + ss * EPW
    pltpu.sync_copy(hidx_hbm, hidx_v)
    pltpu.sync_copy(t_hbm, t_v)

    def zero_drain(i, carry):
        pltpu.make_async_copy(
            zb_v, counts_sh.at[pl.ds((ss * nz + i) * ZCH, ZCH)],
            sc_sem).wait()
        return carry
    lax.fori_loop(0, nz, zero_drain, 0)
    plsc.subcore_barrier()

    def part(p, carry):
        pb = base + p * PART
        pltpu.sync_copy(src_hbm.at[pl.ds(pb, PART)], src_v)
        pltpu.sync_copy(dst_hbm.at[pl.ds(pb, PART)], dst_v)

        def chunk(s, c2):
            for j in range(8):
                off = s * 128 + j * 16
                sv = src_v[pl.ds(off, 16)]
                dv = dst_v[pl.ds(off, 16)]
                spos = (sv >> 1) + (sv & 1) * HALF
                dpos = (dv >> 1) + (dv & 1) * HALF
                a = plsc.load_gather(hidx_v, [spos])
                b = plsc.load_gather(hidx_v, [dpos])
                cidx = plsc.load_gather(t_v, [a * STATE + b])
                keys_v[s, pl.ds(j * 16, 16)] = (dv >> 1) * STATE + cidx
                vals_v[s, pl.ds(j * 16, 16)] = jnp.left_shift(
                    1, (dv & 1) * 16)
            pltpu.async_copy(vals_v.at[s], counts_sh.at[keys_v.at[s]],
                             sc_sem, add=True)
            return c2
        lax.fori_loop(0, PART // 128, chunk, 0)

        def drain(s, c2):
            pltpu.make_async_copy(vals_v.at[s], counts_sh.at[keys_v.at[s]],
                                  sc_sem).wait()
            return c2
        lax.fori_loop(0, PART // 128, drain, 0)
        return carry
    lax.fori_loop(0, NPART, part, 0)
    plsc.subcore_barrier()

    och = NSH // 16
    pltpu.sync_copy(counts_sh.at[pl.ds(ss * och, och)],
                    out_hbm.at[pl.ds(cc * NSH + ss * och, och)])


@functools.lru_cache(maxsize=None)
def _get_sc_histogram():
    mesh = plsc.VectorSubcoreMesh(core_axis_name="c", subcore_axis_name="s")
    return pl.kernel(
        _sc_body,
        out_type=jax.ShapeDtypeStruct((2 * NSH,), jnp.int32),
        mesh=mesh,
        compiler_params=pltpu.CompilerParams(needs_layout_passes=False),
        scratch_types=[
            pltpu.VMEM((PART,), jnp.int32),
            pltpu.VMEM((PART,), jnp.int32),
            pltpu.VMEM((P_NODES,), jnp.int32),
            pltpu.VMEM((STATE * STATE,), jnp.int32),
            pltpu.VMEM((PART // 128, 128), jnp.int32),
            pltpu.VMEM((PART // 128, 128), jnp.int32),
            pltpu.VMEM((ZCH,), jnp.int32),
            pltpu.VMEM_SHARED((NSH,), jnp.int32),
            pltpu.SemaphoreType.DMA,
        ],
    )



def kernel(x, edge_index, W_in, b_in, W_edge, b_edge, W_node, b_node, eps,
           W_pool, b_pool):
    src = edge_index[0].astype(jnp.int32)
    dst = edge_index[1].astype(jnp.int32)
    pad = P_EDGES - N_EDGES
    srcp = jnp.concatenate([src, jnp.zeros((pad,), jnp.int32)])
    dstp = jnp.concatenate([dst, jnp.full((pad,), N_NODES, jnp.int32)])
    x_pad = jnp.concatenate(
        [x, jnp.zeros((P_NODES - N_NODES, x.shape[1]), x.dtype)])
    x_pad = x_pad[PERM]
    b_in2 = b_in.reshape(1, STATE)
    b_node2 = b_node.reshape(1, STATE)
    b_pool2 = b_pool.reshape(1, N_CLASSES)
    eps2 = eps.reshape(1, 1).astype(jnp.float32)

    h_idx = _input_call(x_pad, W_in, b_in2)
    t_flat = _table_call(W_edge, b_edge)

    sc_hist = _get_sc_histogram()
    for layer in range(NUM_LAYERS):
        counts = sc_hist(h_idx, srcp, dstp, t_flat)
        counts3 = counts.reshape(2, HALF, STATE)
        if layer < NUM_LAYERS - 1:
            h_idx = _update_call(counts3, h_idx, W_node, b_node2, eps2)
        else:
            out = _final_call(counts3, h_idx, W_node, b_node2, eps2,
                              W_pool, b_pool2)
    return out[:N_NODES]

# --- scband reference (transcript-rebuilt; emitter-appended) ---
"""Pipeline reference for scband-recurrent-graph-chef-22179211117286 (READ-ONLY COPY).

The authoritative reference and input builder live on the scoring server;
editing this copy changes nothing except your own understanding.
"""

import jax, jax.numpy as jnp
import numpy as np

N_NODES = 10000
N_EDGES = 320000
D_FEAT = 128
STATE = 128
N_CLASSES = 40
NUM_LAYERS = 4
BOUND = 10.0
TAU = 1.0
BN_SCALE = 1.0 / np.sqrt(1.0 + 1e-5)


def setup_inputs(seed: int = 0) -> dict:
    key = jax.random.key(seed)
    ks = jax.random.split(key, 12)
    x = jax.random.normal(ks[0], (N_NODES, D_FEAT), dtype=jnp.float32)
    edge_index = jax.random.randint(ks[1], (2, N_EDGES), 0, N_NODES, dtype=jnp.int64)
    s_in = 1.0 / np.sqrt(D_FEAT)
    s_e = 1.0 / np.sqrt(2 * STATE)
    s_n = 1.0 / np.sqrt(STATE)
    W_in = jax.random.uniform(ks[2], (D_FEAT, STATE), jnp.float32, -s_in, s_in)
    b_in = jax.random.uniform(ks[3], (STATE,), jnp.float32, -s_in, s_in)
    W_edge = jax.random.uniform(ks[4], (2 * STATE, STATE), jnp.float32, -s_e, s_e)
    b_edge = jax.random.uniform(ks[5], (STATE,), jnp.float32, -s_e, s_e)
    W_node = jax.random.uniform(ks[6], (STATE, STATE), jnp.float32, -s_n, s_n)
    b_node = jax.random.uniform(ks[7], (STATE,), jnp.float32, -s_n, s_n)
    eps = jnp.zeros((), dtype=jnp.float32)
    W_pool = jax.random.uniform(ks[8], (STATE, N_CLASSES), jnp.float32, -s_n, s_n)
    b_pool = jax.random.uniform(ks[9], (N_CLASSES,), jnp.float32, -s_n, s_n)
    return {"x": x, "edge_index": edge_index, "W_in": W_in, "b_in": b_in,
            "W_edge": W_edge, "b_edge": b_edge, "W_node": W_node, "b_node": b_node,
            "eps": eps, "W_pool": W_pool, "b_pool": b_pool}


def _hard_gumbel_st(logits):
    # beta=0.0 in the module, so the gumbel noise term vanishes: deterministic
    # hard softmax with straight-through estimator.
    y_soft = jax.nn.softmax(logits / TAU, axis=-1)
    idx = jnp.argmax(y_soft, axis=-1)
    y_hard = jax.nn.one_hot(idx, logits.shape[-1], dtype=logits.dtype)
    return y_hard - jax.lax.stop_gradient(y_soft) + y_soft


def _bn_eval(h):
    # eval-mode BatchNorm1d with default running stats (mean=0, var=1), gamma=1, beta=0
    return h * BN_SCALE


def reference(x, edge_index, W_in, b_in, W_edge, b_edge, W_node, b_node, eps, W_pool, b_pool):
    # InputLayer: linear + hard gumbel softmax (alpha=1.0, eval mode -> x = x_d)
    h = _hard_gumbel_st(x @ W_in + b_in)
    src = edge_index[0]
    dst = edge_index[1]
    n = x.shape[0]
    for _ in range(NUM_LAYERS):  # recurrent: shared weights across iterations
        x_j = jnp.take(h, src, axis=0)
        x_i = jnp.take(h, dst, axis=0)
        msg = _hard_gumbel_st(_bn_eval(jnp.concatenate([x_j, x_i], axis=1) @ W_edge + b_edge))
        aggr = jax.ops.segment_sum(msg, dst, num_segments=n)
        aggr = jnp.clip(aggr, 0.0, BOUND)
        h = _hard_gumbel_st(_bn_eval(((1.0 + eps) * h + aggr) @ W_node + b_node))
    # PoolingLayer (decoder): linear readout per node
    out = h @ W_pool + b_pool
    return out

if __name__ == "__main__":
    import jax
    _d = setup_inputs()
    print(jax.jit(kernel)(*tuple(_d.values())))

</pallas_src>

<mosaic_0001>
#map = affine_map<(d0, d1) -> (0)>
module attributes {stable_mosaic.version = 14 : i64} {
  func.func @_sc_body(%arg0: i32, %arg1: i32, %arg2: memref<10240xi32, #tpu.memory_space<hbm>>, %arg3: memref<327680xi32, #tpu.memory_space<hbm>>, %arg4: memref<327680xi32, #tpu.memory_space<hbm>>, %arg5: memref<16384xi32, #tpu.memory_space<hbm>>, %arg6: memref<1310720xi32, #tpu.memory_space<hbm>>, %arg7: memref<2048xi32, #tpu.memory_space<vmem>>, %arg8: memref<2048xi32, #tpu.memory_space<vmem>>, %arg9: memref<10240xi32, #tpu.memory_space<vmem>>, %arg10: memref<16384xi32, #tpu.memory_space<vmem>>, %arg11: memref<16x128xi32, #tpu.memory_space<vmem>>, %arg12: memref<16x128xi32, #tpu.memory_space<vmem>>, %arg13: memref<2560xi32, #tpu.memory_space<vmem>>, %arg14: memref<655360xi32, #tpu.memory_space<vmem_shared>>, %arg15: memref<!tpu.dma_semaphore, #tpu.memory_space<semaphore_mem>>) attributes {dimension_semantics = [#tpu.dimension_semantics<core_parallel>, #tpu.dimension_semantics<subcore_parallel>], iteration_bounds = array<i64: 2, 16>, scalar_prefetch = 0 : i64, scratch_operands = 9 : i64, tpu.core_type = #tpu.core_type<sc_vector_subcore>, window_params = [{transform_indices = #map}, {transform_indices = #map}, {transform_indices = #map}, {transform_indices = #map}, {transform_indices = #map}]} {
    %broadcast_in_dim3A = arith.constant 0 : i32
    %broadcast_in_dim3A_0 = vector.broadcast %broadcast_in_dim3A : i32 to vector<16xi32>
    %scan3A = arith.constant 0 : i32
    %scan3A_1 = arith.constant 0 : i32
    %scan3A_2 = arith.constant 160 : i32
    %scan3A_3 = arith.addi %scan3A_1, %scan3A_2 : i32
    %scan3A_4 = arith.constant 1 : i32
    scf.for %scan3A_35 = %scan3A_1 to %scan3A_3 step %scan3A_4  : i32 {
      %mul3A_36 = arith.constant 16 : i32
      %mul3A_37 = arith.muli %scan3A_35, %mul3A_36 : i32
      %swap3A = arith.index_cast %mul3A_37 : i32 to index
      %swap3A_38 = tpu.vector_load %arg13[%swap3A] {strides = array<i32>} : memref<2560xi32, #tpu.memory_space<vmem>>, vector<16xi32>,
      tpu.vector_store %arg13[%swap3A], %broadcast_in_dim3A_0 {strides = array<i32>} : memref<2560xi32, #tpu.memory_space<vmem>>, vector<16xi32>,
    }
    %scan3A_5 = arith.constant 160 : i32
    %scan3A_6 = arith.constant 0 : i32
    %scan3A_7 = arith.constant 0 : i32
    %scan3A_8 = arith.constant 16 : i32
    %scan3A_9 = arith.addi %scan3A_7, %scan3A_8 : i32
    %scan3A_10 = arith.constant 1 : i32
    scf.for %scan3A_35 = %scan3A_7 to %scan3A_9 step %scan3A_10  : i32 {
      %mul3A_36 = arith.constant 16 : i32
      %mul3A_37 = arith.muli %arg1, %mul3A_36 : i32
      %add3A_38 = arith.addi %mul3A_37, %scan3A_35 : i32
      %mul3A_39 = arith.constant 2560 : i32
      %mul3A_40 = arith.muli %add3A_38, %mul3A_39 : i32
      %dma_start3A = tpu.memref_slice %arg14[%mul3A_40] : memref<655360xi32, #tpu.memory_space<vmem_shared>> -> memref<2560xi32, #tpu.memory_space<vmem_shared>>
      %dma_start3A_41 = tpu.memref_slice %arg14[%mul3A_40] : memref<655360xi32, #tpu.memory_space<vmem_shared>> -> memref<2560xi32, #tpu.memory_space<vmem_shared>>
      tpu.enqueue_dma source(%arg13 : memref<2560xi32, #tpu.memory_space<vmem>>) target(%dma_start3A_41 : memref<2560xi32, #tpu.memory_space<vmem_shared>>) target_semaphore(%arg15 : memref<!tpu.dma_semaphore, #tpu.memory_space<semaphore_mem>>)
    }
    %scan3A_11 = arith.constant 16 : i32
    %mul3A = arith.constant 163840 : i32
    %mul3A_12 = arith.muli %arg0, %mul3A : i32
    %mul3A_13 = arith.constant 10240 : i32
    %mul3A_14 = arith.muli %arg1, %mul3A_13 : i32
    %add3A = arith.addi %mul3A_12, %mul3A_14 : i32
    "tpu.region"() ({
      %run_scoped3A = tpu.sem_alloc : memref<!tpu.dma_semaphore, #tpu.memory_space<semaphore_mem>>
      tpu.enqueue_dma source(%arg2 : memref<10240xi32, #tpu.memory_space<hbm>>) target(%arg9 : memref<10240xi32, #tpu.memory_space<vmem>>) target_semaphore(%run_scoped3A : memref<!tpu.dma_semaphore, #tpu.memory_space<semaphore_mem>>)
      tpu.wait_dma2 semaphore(%run_scoped3A : memref<!tpu.dma_semaphore, #tpu.memory_space<semaphore_mem>>) src(%arg2 : memref<10240xi32, #tpu.memory_space<hbm>>) dst(%arg9 : memref<10240xi32, #tpu.memory_space<vmem>>)
      tpu.yield
    }) : () -> ()
    "tpu.region"() ({
      %run_scoped3A = tpu.sem_alloc : memref<!tpu.dma_semaphore, #tpu.memory_space<semaphore_mem>>
      tpu.enqueue_dma source(%arg5 : memref<16384xi32, #tpu.memory_space<hbm>>) target(%arg10 : memref<16384xi32, #tpu.memory_space<vmem>>) target_semaphore(%run_scoped3A : memref<!tpu.dma_semaphore, #tpu.memory_space<semaphore_mem>>)
      tpu.wait_dma2 semaphore(%run_scoped3A : memref<!tpu.dma_semaphore, #tpu.memory_space<semaphore_mem>>) src(%arg5 : memref<16384xi32, #tpu.memory_space<hbm>>) dst(%arg10 : memref<16384xi32, #tpu.memory_space<vmem>>)
      tpu.yield
    }) : () -> ()
    %scan3A_15 = arith.constant 0 : i32
    %scan3A_16 = arith.constant 0 : i32
    %scan3A_17 = arith.constant 16 : i32
    %scan3A_18 = arith.addi %scan3A_16, %scan3A_17 : i32
    %scan3A_19 = arith.constant 1 : i32
    scf.for %scan3A_35 = %scan3A_16 to %scan3A_18 step %scan3A_19  : i32 {
      %mul3A_36 = arith.constant 16 : i32
      %mul3A_37 = arith.muli %arg1, %mul3A_36 : i32
      %add3A_38 = arith.addi %mul3A_37, %scan3A_35 : i32
      %mul3A_39 = arith.constant 2560 : i32
      %mul3A_40 = arith.muli %add3A_38, %mul3A_39 : i32
      %dma_wait3A = tpu.memref_slice %arg14[%mul3A_40] : memref<655360xi32, #tpu.memory_space<vmem_shared>> -> memref<2560xi32, #tpu.memory_space<vmem_shared>>
      %dma_wait3A_41 = tpu.memref_slice %arg14[%mul3A_40] : memref<655360xi32, #tpu.memory_space<vmem_shared>> -> memref<2560xi32, #tpu.memory_space<vmem_shared>>
      tpu.wait_dma2 semaphore(%arg15 : memref<!tpu.dma_semaphore, #tpu.memory_space<semaphore_mem>>) src(%arg13 : memref<2560xi32, #tpu.memory_space<vmem>>) dst(%dma_wait3A_41 : memref<2560xi32, #tpu.memory_space<vmem_shared>>)
    }
    %scan3A_20 = arith.constant 16 : i32
    %barrier3A = arith.constant 0 : index
    tpu.barrier barrier_id(%barrier3A)
    %scan3A_21 = arith.constant 0 : i32
    %scan3A_22 = arith.constant 0 : i32
    %scan3A_23 = arith.constant 5 : i32
    %scan3A_24 = arith.addi %scan3A_22, %scan3A_23 : i32
    %scan3A_25 = arith.constant 1 : i32
    scf.for %scan3A_35 = %scan3A_22 to %scan3A_24 step %scan3A_25  : i32 {
      %mul3A_36 = arith.constant 2048 : i32
      %mul3A_37 = arith.muli %scan3A_35, %mul3A_36 : i32
      %add3A_38 = arith.addi %add3A, %mul3A_37 : i32
      "tpu.region"() ({
        %run_scoped3A = tpu.sem_alloc : memref<!tpu.dma_semaphore, #tpu.memory_space<semaphore_mem>>
        %dma_start3A = tpu.memref_slice %arg3[%add3A_38] : memref<327680xi32, #tpu.memory_space<hbm>> -> memref<2048xi32, #tpu.memory_space<hbm>>
        %dma_start3A_51 = tpu.memref_slice %arg3[%add3A_38] : memref<327680xi32, #tpu.memory_space<hbm>> -> memref<2048xi32, #tpu.memory_space<hbm>>
        tpu.enqueue_dma source(%dma_start3A_51 : memref<2048xi32, #tpu.memory_space<hbm>>) target(%arg7 : memref<2048xi32, #tpu.memory_space<vmem>>) target_semaphore(%run_scoped3A : memref<!tpu.dma_semaphore, #tpu.memory_space<semaphore_mem>>)
        %dma_wait3A = tpu.memref_slice %arg3[%add3A_38] : memref<327680xi32, #tpu.memory_space<hbm>> -> memref<2048xi32, #tpu.memory_space<hbm>>
        %dma_wait3A_52 = tpu.memref_slice %arg3[%add3A_38] : memref<327680xi32, #tpu.memory_space<hbm>> -> memref<2048xi32, #tpu.memory_space<hbm>>
        tpu.wait_dma2 semaphore(%run_scoped3A : memref<!tpu.dma_semaphore, #tpu.memory_space<semaphore_mem>>) src(%dma_wait3A_52 : memref<2048xi32, #tpu.memory_space<hbm>>) dst(%arg7 : memref<2048xi32, #tpu.memory_space<vmem>>)
        tpu.yield
      }) : () -> ()
      "tpu.region"() ({
        %run_scoped3A = tpu.sem_alloc : memref<!tpu.dma_semaphore, #tpu.memory_space<semaphore_mem>>
        %dma_start3A = tpu.memref_slice %arg4[%add3A_38] : memref<327680xi32, #tpu.memory_space<hbm>> -> memref<2048xi32, #tpu.memory_space<hbm>>
        %dma_start3A_51 = tpu.memref_slice %arg4[%add3A_38] : memref<327680xi32, #tpu.memory_space<hbm>> -> memref<2048xi32, #tpu.memory_space<hbm>>
        tpu.enqueue_dma source(%dma_start3A_51 : memref<2048xi32, #tpu.memory_space<hbm>>) target(%arg8 : memref<2048xi32, #tpu.memory_space<vmem>>) target_semaphore(%run_scoped3A : memref<!tpu.dma_semaphore, #tpu.memory_space<semaphore_mem>>)
        %dma_wait3A = tpu.memref_slice %arg4[%add3A_38] : memref<327680xi32, #tpu.memory_space<hbm>> -> memref<2048xi32, #tpu.memory_space<hbm>>
        %dma_wait3A_52 = tpu.memref_slice %arg4[%add3A_38] : memref<327680xi32, #tpu.memory_space<hbm>> -> memref<2048xi32, #tpu.memory_space<hbm>>
        tpu.wait_dma2 semaphore(%run_scoped3A : memref<!tpu.dma_semaphore, #tpu.memory_space<semaphore_mem>>) src(%dma_wait3A_52 : memref<2048xi32, #tpu.memory_space<hbm>>) dst(%arg8 : memref<2048xi32, #tpu.memory_space<vmem>>)
        tpu.yield
      }) : () -> ()
      %scan3A_39 = arith.constant 0 : i32
      %scan3A_40 = arith.constant 0 : i32
      %scan3A_41 = arith.constant 16 : i32
      %scan3A_42 = arith.addi %scan3A_40, %scan3A_41 : i32
      %scan3A_43 = arith.constant 1 : i32
      scf.for %scan3A_51 = %scan3A_40 to %scan3A_42 step %scan3A_43  : i32 {
        %mul3A_52 = arith.constant 128 : i32
        %mul3A_53 = arith.muli %scan3A_51, %mul3A_52 : i32
        %add3A_54 = arith.constant 0 : i32
        %add3A_55 = arith.addi %mul3A_53, %add3A_54 : i32
        %get3A = arith.index_cast %add3A_55 : i32 to index
        %get3A_56 = tpu.vector_load %arg7[%get3A] {strides = array<i32>} : memref<2048xi32, #tpu.memory_space<vmem>>, vector<16xi32>,
        %get3A_57 = arith.index_cast %add3A_55 : i32 to index
        %get3A_58 = tpu.vector_load %arg8[%get3A_57] {strides = array<i32>} : memref<2048xi32, #tpu.memory_space<vmem>>, vector<16xi32>,
        %shift_right_arithmetic3A = arith.constant 1 : i32
        %shift_right_arithmetic3A_59 = vector.broadcast %shift_right_arithmetic3A : i32 to vector<16xi32>
        %shift_right_arithmetic3A_60 = arith.shrsi %get3A_56, %shift_right_arithmetic3A_59 : vector<16xi32>
        %and3A = arith.constant 1 : i32
        %and3A_61 = vector.broadcast %and3A : i32 to vector<16xi32>
        %and3A_62 = arith.andi %get3A_56, %and3A_61 : vector<16xi32>
        %mul3A_63 = arith.constant 5120 : i32
        %mul3A_64 = vector.broadcast %mul3A_63 : i32 to vector<16xi32>
        %mul3A_65 = arith.muli %and3A_62, %mul3A_64 : vector<16xi32>
        %add3A_66 = arith.addi %shift_right_arithmetic3A_60, %mul3A_65 : vector<16xi32>
        %shift_right_arithmetic3A_67 = arith.constant 1 : i32
        %shift_right_arithmetic3A_68 = vector.broadcast %shift_right_arithmetic3A_67 : i32 to vector<16xi32>
        %shift_right_arithmetic3A_69 = arith.shrsi %get3A_58, %shift_right_arithmetic3A_68 : vector<16xi32>
        %and3A_70 = arith.constant 1 : i32
        %and3A_71 = vector.broadcast %and3A_70 : i32 to vector<16xi32>
        %and3A_72 = arith.andi %get3A_58, %and3A_71 : vector<16xi32>
        %mul3A_73 = arith.constant 5120 : i32
        %mul3A_74 = vector.broadcast %mul3A_73 : i32 to vector<16xi32>
        %mul3A_75 = arith.muli %and3A_72, %mul3A_74 : vector<16xi32>
        %add3A_76 = arith.addi %shift_right_arithmetic3A_69, %mul3A_75 : vector<16xi32>
        %gather3A = tpu.vector_load_idx %arg9[%add3A_66] : memref<10240xi32, #tpu.memory_space<vmem>>[vector<16xi32>], vector<16xi32>,
        %gather3A_77 = tpu.vector_load_idx %arg9[%add3A_76] : memref<10240xi32, #tpu.memory_space<vmem>>[vector<16xi32>], vector<16xi32>,
        %mul3A_78 = arith.constant 128 : i32
        %mul3A_79 = vector.broadcast %mul3A_78 : i32 to vector<16xi32>
        %mul3A_80 = arith.muli %gather3A, %mul3A_79 : vector<16xi32>
        %add3A_81 = arith.addi %mul3A_80, %gather3A_77 : vector<16xi32>
        %gather3A_82 = tpu.vector_load_idx %arg10[%add3A_81] : memref<16384xi32, #tpu.memory_space<vmem>>[vector<16xi32>], vector<16xi32>,
        %shift_right_arithmetic3A_83 = arith.constant 1 : i32
        %shift_right_arithmetic3A_84 = vector.broadcast %shift_right_arithmetic3A_83 : i32 to vector<16xi32>
        %shift_right_arithmetic3A_85 = arith.shrsi %get3A_58, %shift_right_arithmetic3A_84 : vector<16xi32>
        %mul3A_86 = arith.constant 128 : i32
        %mul3A_87 = vector.broadcast %mul3A_86 : i32 to vector<16xi32>
        %mul3A_88 = arith.muli %shift_right_arithmetic3A_85, %mul3A_87 : vector<16xi32>
        %add3A_89 = arith.addi %mul3A_88, %gather3A_82 : vector<16xi32>
        %swap3A = arith.index_cast %scan3A_51 : i32 to index
        %swap3A_90 = arith.constant 0 : index
        %swap3A_91 = tpu.vector_load %arg11[%swap3A, %swap3A_90] {strides = array<i32>} : memref<16x128xi32, #tpu.memory_space<vmem>>, vector<16xi32>,
        tpu.vector_store %arg11[%swap3A, %swap3A_90], %add3A_89 {strides = array<i32>} : memref<16x128xi32, #tpu.memory_space<vmem>>, vector<16xi32>,
        %and3A_92 = arith.constant 1 : i32
        %and3A_93 = vector.broadcast %and3A_92 : i32 to vector<16xi32>
        %and3A_94 = arith.andi %get3A_58, %and3A_93 : vector<16xi32>
        %mul3A_95 = arith.constant 16 : i32
        %mul3A_96 = vector.broadcast %mul3A_95 : i32 to vector<16xi32>
        %mul3A_97 = arith.muli %and3A_94, %mul3A_96 : vector<16xi32>
        %shift_left3A = arith.constant 1 : i32
        %shift_left3A_98 = vector.broadcast %shift_left3A : i32 to vector<16xi32>
        %shift_left3A_99 = arith.shli %shift_left3A_98, %mul3A_97 : vector<16xi32>
        %swap3A_100 = arith.index_cast %scan3A_51 : i32 to index
        %swap3A_101 = arith.constant 0 : index
        %swap3A_102 = tpu.vector_load %arg12[%swap3A_100, %swap3A_101] {strides = array<i32>} : memref<16x128xi32, #tpu.memory_space<vmem>>, vector<16xi32>,
        tpu.vector_store %arg12[%swap3A_100, %swap3A_101], %shift_left3A_99 {strides = array<i32>} : memref<16x128xi32, #tpu.memory_space<vmem>>, vector<16xi32>,
        %mul3A_103 = arith.constant 128 : i32
        %mul3A_104 = arith.muli %scan3A_51, %mul3A_103 : i32
        %add3A_105 = arith.constant 16 : i32
        %add3A_106 = arith.addi %mul3A_104, %add3A_105 : i32
        %get3A_107 = arith.index_cast %add3A_106 : i32 to index
        %get3A_108 = tpu.vector_load %arg7[%get3A_107] {strides = array<i32>} : memref<2048xi32, #tpu.memory_space<vmem>>, vector<16xi32>,
        %get3A_109 = arith.index_cast %add3A_106 : i32 to index
        %get3A_110 = tpu.vector_load %arg8[%get3A_109] {strides = array<i32>} : memref<2048xi32, #tpu.memory_space<vmem>>, vector<16xi32>,
        %shift_right_arithmetic3A_111 = arith.constant 1 : i32
        %shift_right_arithmetic3A_112 = vector.broadcast %shift_right_arithmetic3A_111 : i32 to vector<16xi32>
        %shift_right_arithmetic3A_113 = arith.shrsi %get3A_108, %shift_right_arithmetic3A_112 : vector<16xi32>
        %and3A_114 = arith.constant 1 : i32
        %and3A_115 = vector.broadcast %and3A_114 : i32 to vector<16xi32>
        %and3A_116 = arith.andi %get3A_108, %and3A_115 : vector<16xi32>
        %mul3A_117 = arith.constant 5120 : i32
        %mul3A_118 = vector.broadcast %mul3A_117 : i32 to vector<16xi32>
        %mul3A_119 = arith.muli %and3A_116, %mul3A_118 : vector<16xi32>
        %add3A_120 = arith.addi %shift_right_arithmetic3A_113, %mul3A_119 : vector<16xi32>
        %shift_right_arithmetic3A_121 = arith.constant 1 : i32
        %shift_right_arithmetic3A_122 = vector.broadcast %shift_right_arithmetic3A_121 : i32 to vector<16xi32>
        %shift_right_arithmetic3A_123 = arith.shrsi %get3A_110, %shift_right_arithmetic3A_122 : vector<16xi32>
        %and3A_124 = arith.constant 1 : i32
        %and3A_125 = vector.broadcast %and3A_124 : i32 to vector<16xi32>
        %and3A_126 = arith.andi %get3A_110, %and3A_125 : vector<16xi32>
        %mul3A_127 = arith.constant 5120 : i32
        %mul3A_128 = vector.broadcast %mul3A_127 : i32 to vector<16xi32>
        %mul3A_129 = arith.muli %and3A_126, %mul3A_128 : vector<16xi32>
        %add3A_130 = arith.addi %shift_right_arithmetic3A_123, %mul3A_129 : vector<16xi32>
        %gather3A_131 = tpu.vector_load_idx %arg9[%add3A_120] : memref<10240xi32, #tpu.memory_space<vmem>>[vector<16xi32>], vector<16xi32>,
        %gather3A_132 = tpu.vector_load_idx %arg9[%add3A_130] : memref<10240xi32, #tpu.memory_space<vmem>>[vector<16xi32>], vector<16xi32>,
        %mul3A_133 = arith.constant 128 : i32
        %mul3A_134 = vector.broadcast %mul3A_133 : i32 to vector<16xi32>
        %mul3A_135 = arith.muli %gather3A_131, %mul3A_134 : vector<16xi32>
        %add3A_136 = arith.addi %mul3A_135, %gather3A_132 : vector<16xi32>
        %gather3A_137 = tpu.vector_load_idx %arg10[%add3A_136] : memref<16384xi32, #tpu.memory_space<vmem>>[vector<16xi32>], vector<16xi32>,
        %shift_right_arithmetic3A_138 = arith.constant 1 : i32
        %shift_right_arithmetic3A_139 = vector.broadcast %shift_right_arithmetic3A_138 : i32 to vector<16xi32>
        %shift_right_arithmetic3A_140 = arith.shrsi %get3A_110, %shift_right_arithmetic3A_139 : vector<16xi32>
        %mul3A_141 = arith.constant 128 : i32
        %mul3A_142 = vector.broadcast %mul3A_141 : i32 to vector<16xi32>
        %mul3A_143 = arith.muli %shift_right_arithmetic3A_140, %mul3A_142 : vector<16xi32>
        %add3A_144 = arith.addi %mul3A_143, %gather3A_137 : vector<16xi32>
        %swap3A_145 = arith.index_cast %scan3A_51 : i32 to index
        %swap3A_146 = arith.constant 16 : index
        %swap3A_147 = tpu.vector_load %arg11[%swap3A_145, %swap3A_146] {strides = array<i32>} : memref<16x128xi32, #tpu.memory_space<vmem>>, vector<16xi32>,
        tpu.vector_store %arg11[%swap3A_145, %swap3A_146], %add3A_144 {strides = array<i32>} : memref<16x128xi32, #tpu.memory_space<vmem>>, vector<16xi32>,
        %and3A_148 = arith.constant 1 : i32
        %and3A_149 = vector.broadcast %and3A_148 : i32 to vector<16xi32>
        %and3A_150 = arith.andi %get3A_110, %and3A_149 : vector<16xi32>
        %mul3A_151 = arith.constant 16 : i32
        %mul3A_152 = vector.broadcast %mul3A_151 : i32 to vector<16xi32>
        %mul3A_153 = arith.muli %and3A_150, %mul3A_152 : vector<16xi32>
        %shift_left3A_154 = arith.constant 1 : i32
        %shift_left3A_155 = vector.broadcast %shift_left3A_154 : i32 to vector<16xi32>
        %shift_left3A_156 = arith.shli %shift_left3A_155, %mul3A_153 : vector<16xi32>
        %swap3A_157 = arith.index_cast %scan3A_51 : i32 to index
        %swap3A_158 = arith.constant 16 : index
        %swap3A_159 = tpu.vector_load %arg12[%swap3A_157, %swap3A_158] {strides = array<i32>} : memref<16x128xi32, #tpu.memory_space<vmem>>, vector<16xi32>,
        tpu.vector_store %arg12[%swap3A_157, %swap3A_158], %shift_left3A_156 {strides = array<i32>} : memref<16x128xi32, #tpu.memory_space<vmem>>, vector<16xi32>,
        %mul3A_160 = arith.constant 128 : i32
        %mul3A_161 = arith.muli %scan3A_51, %mul3A_160 : i32
        %add3A_162 = arith.constant 32 : i32
        %add3A_163 = arith.addi %mul3A_161, %add3A_162 : i32
        %get3A_164 = arith.index_cast %add3A_163 : i32 to index
        %get3A_165 = tpu.vector_load %arg7[%get3A_164] {strides = array<i32>} : memref<2048xi32, #tpu.memory_space<vmem>>, vector<16xi32>,
        %get3A_166 = arith.index_cast %add3A_163 : i32 to index
        %get3A_167 = tpu.vector_load %arg8[%get3A_166] {strides = array<i32>} : memref<2048xi32, #tpu.memory_space<vmem>>, vector<16xi32>,
        %shift_right_arithmetic3A_168 = arith.constant 1 : i32
        %shift_right_arithmetic3A_169 = vector.broadcast %shift_right_arithmetic3A_168 : i32 to vector<16xi32>
        %shift_right_arithmetic3A_170 = arith.shrsi %get3A_165, %shift_right_arithmetic3A_169 : vector<16xi32>
        %and3A_171 = arith.constant 1 : i32
        %and3A_172 = vector.broadcast %and3A_171 : i32 to vector<16xi32>
        %and3A_173 = arith.andi %get3A_165, %and3A_172 : vector<16xi32>
        %mul3A_174 = arith.constant 5120 : i32
        %mul3A_175 = vector.broadcast %mul3A_174 : i32 to vector<16xi32>
        %mul3A_176 = arith.muli %and3A_173, %mul3A_175 : vector<16xi32>
        %add3A_177 = arith.addi %shift_right_arithmetic3A_170, %mul3A_176 : vector<16xi32>
        %shift_right_arithmetic3A_178 = arith.constant 1 : i32
        %shift_right_arithmetic3A_179 = vector.broadcast %shift_right_arithmetic3A_178 : i32 to vector<16xi32>
        %shift_right_arithmetic3A_180 = arith.shrsi %get3A_167, %shift_right_arithmetic3A_179 : vector<16xi32>
        %and3A_181 = arith.constant 1 : i32
        %and3A_182 = vector.broadcast %and3A_181 : i32 to vector<16xi32>
        %and3A_183 = arith.andi %get3A_167, %and3A_182 : vector<16xi32>
        %mul3A_184 = arith.constant 5120 : i32
        %mul3A_185 = vector.broadcast %mul3A_184 : i32 to vector<16xi32>
        %mul3A_186 = arith.muli %and3A_183, %mul3A_185 : vector<16xi32>
        %add3A_187 = arith.addi %shift_right_arithmetic3A_180, %mul3A_186 : vector<16xi32>
        %gather3A_188 = tpu.vector_load_idx %arg9[%add3A_177] : memref<10240xi32, #tpu.memory_space<vmem>>[vector<16xi32>], vector<16xi32>,
        %gather3A_189 = tpu.vector_load_idx %arg9[%add3A_187] : memref<10240xi32, #tpu.memory_space<vmem>>[vector<16xi32>], vector<16xi32>,
        %mul3A_190 = arith.constant 128 : i32
        %mul3A_191 = vector.broadcast %mul3A_190 : i32 to vector<16xi32>
        %mul3A_192 = arith.muli %gather3A_188, %mul3A_191 : vector<16xi32>
        %add3A_193 = arith.addi %mul3A_192, %gather3A_189 : vector<16xi32>
        %gather3A_194 = tpu.vector_load_idx %arg10[%add3A_193] : memref<16384xi32, #tpu.memory_space<vmem>>[vector<16xi32>], vector<16xi32>,
        %shift_right_arithmetic3A_195 = arith.constant 1 : i32
        %shift_right_arithmetic3A_196 = vector.broadcast %shift_right_arithmetic3A_195 : i32 to vector<16xi32>
        %shift_right_arithmetic3A_197 = arith.shrsi %get3A_167, %shift_right_arithmetic3A_196 : vector<16xi32>
        %mul3A_198 = arith.constant 128 : i32
        %mul3A_199 = vector.broadcast %mul3A_198 : i32 to vector<16xi32>
        %mul3A_200 = arith.muli %shift_right_arithmetic3A_197, %mul3A_199 : vector<16xi32>
        %add3A_201 = arith.addi %mul3A_200, %gather3A_194 : vector<16xi32>
        %swap3A_202 = arith.index_cast %scan3A_51 : i32 to index
        %swap3A_203 = arith.constant 32 : index
        %swap3A_204 = tpu.vector_load %arg11[%swap3A_202, %swap3A_203] {strides = array<i32>} : memref<16x128xi32, #tpu.memory_space<vmem>>, vector<16xi32>,
        tpu.vector_store %arg11[%swap3A_202, %swap3A_203], %add3A_201 {strides = array<i32>} : memref<16x128xi32, #tpu.memory_space<vmem>>, vector<16xi32>,
        %and3A_205 = arith.constant 1 : i32
        %and3A_206 = vector.broadcast %and3A_205 : i32 to vector<16xi32>
        %and3A_207 = arith.andi %get3A_167, %and3A_206 : vector<16xi32>
        %mul3A_208 = arith.constant 16 : i32
        %mul3A_209 = vector.broadcast %mul3A_208 : i32 to vector<16xi32>
        %mul3A_210 = arith.muli %and3A_207, %mul3A_209 : vector<16xi32>
        %shift_left3A_211 = arith.constant 1 : i32
        %shift_left3A_212 = vector.broadcast %shift_left3A_211 : i32 to vector<16xi32>
        %shift_left3A_213 = arith.shli %shift_left3A_212, %mul3A_210 : vector<16xi32>
        %swap3A_214 = arith.index_cast %scan3A_51 : i32 to index
        %swap3A_215 = arith.constant 32 : index
        %swap3A_216 = tpu.vector_load %arg12[%swap3A_214, %swap3A_215] {strides = array<i32>} : memref<16x128xi32, #tpu.memory_space<vmem>>, vector<16xi32>,
        tpu.vector_store %arg12[%swap3A_214, %swap3A_215], %shift_left3A_213 {strides = array<i32>} : memref<16x128xi32, #tpu.memory_space<vmem>>, vector<16xi32>,
        %mul3A_217 = arith.constant 128 : i32
        %mul3A_218 = arith.muli %scan3A_51, %mul3A_217 : i32
        %add3A_219 = arith.constant 48 : i32
        %add3A_220 = arith.addi %mul3A_218, %add3A_219 : i32
        %get3A_221 = arith.index_cast %add3A_220 : i32 to index
        %get3A_222 = tpu.vector_load %arg7[%get3A_221] {strides = array<i32>} : memref<2048xi32, #tpu.memory_space<vmem>>, vector<16xi32>,
        %get3A_223 = arith.index_cast %add3A_220 : i32 to index
        %get3A_224 = tpu.vector_load %arg8[%get3A_223] {strides = array<i32>} : memref<2048xi32, #tpu.memory_space<vmem>>, vector<16xi32>,
        %shift_right_arithmetic3A_225 = arith.constant 1 : i32
        %shift_right_arithmetic3A_226 = vector.broadcast %shift_right_arithmetic3A_225 : i32 to vector<16xi32>
        %shift_right_arithmetic3A_227 = arith.shrsi %get3A_222, %shift_right_arithmetic3A_226 : vector<16xi32>
        %and3A_228 = arith.constant 1 : i32
        %and3A_229 = vector.broadcast %and3A_228 : i32 to vector<16xi32>
        %and3A_230 = arith.andi %get3A_222, %and3A_229 : vector<16xi32>
        %mul3A_231 = arith.constant 5120 : i32
        %mul3A_232 = vector.broadcast %mul3A_231 : i32 to vector<16xi32>
        %mul3A_233 = arith.muli %and3A_230, %mul3A_232 : vector<16xi32>
        %add3A_234 = arith.addi %shift_right_arithmetic3A_227, %mul3A_233 : vector<16xi32>
        %shift_right_arithmetic3A_235 = arith.constant 1 : i32
        %shift_right_arithmetic3A_236 = vector.broadcast %shift_right_arithmetic3A_235 : i32 to vector<16xi32>
        %shift_right_arithmetic3A_237 = arith.shrsi %get3A_224, %shift_right_arithmetic3A_236 : vector<16xi32>
        %and3A_238 = arith.constant 1 : i32
        %and3A_239 = vector.broadcast %and3A_238 : i32 to vector<16xi32>
        %and3A_240 = arith.andi %get3A_224, %and3A_239 : vector<16xi32>
        %mul3A_241 = arith.constant 5120 : i32
        %mul3A_242 = vector.broadcast %mul3A_241 : i32 to vector<16xi32>
        %mul3A_243 = arith.muli %and3A_240, %mul3A_242 : vector<16xi32>
        %add3A_244 = arith.addi %shift_right_arithmetic3A_237, %mul3A_243 : vector<16xi32>
        %gather3A_245 = tpu.vector_load_idx %arg9[%add3A_234] : memref<10240xi32, #tpu.memory_space<vmem>>[vector<16xi32>], vector<16xi32>,
        %gather3A_246 = tpu.vector_load_idx %arg9[%add3A_244] : memref<10240xi32, #tpu.memory_space<vmem>>[vector<16xi32>], vector<16xi32>,
        %mul3A_247 = arith.constant 128 : i32
        %mul3A_248 = vector.broadcast %mul3A_247 : i32 to vector<16xi32>
        %mul3A_249 = arith.muli %gather3A_245, %mul3A_248 : vector<16xi32>
        %add3A_250 = arith.addi %mul3A_249, %gather3A_246 : vector<16xi32>
        %gather3A_251 = tpu.vector_load_idx %arg10[%add3A_250] : memref<16384xi32, #tpu.memory_space<vmem>>[vector<16xi32>], vector<16xi32>,
        %shift_right_arithmetic3A_252 = arith.constant 1 : i32
        %shift_right_arithmetic3A_253 = vector.broadcast %shift_right_arithmetic3A_252 : i32 to vector<16xi32>
        %shift_right_arithmetic3A_254 = arith.shrsi %get3A_224, %shift_right_arithmetic3A_253 : vector<16xi32>
        %mul3A_255 = arith.constant 128 : i32
        %mul3A_256 = vector.broadcast %mul3A_255 : i32 to vector<16xi32>
        %mul3A_257 = arith.muli %shift_right_arithmetic3A_254, %mul3A_256 : vector<16xi32>
        %add3A_258 = arith.addi %mul3A_257, %gather3A_251 : vector<16xi32>
        %swap3A_259 = arith.index_cast %scan3A_51 : i32 to index
        %swap3A_260 = arith.constant 48 : index
        %swap3A_261 = tpu.vector_load %arg11[%swap3A_259, %swap3A_260] {strides = array<i32>} : memref<16x128xi32, #tpu.memory_space<vmem>>, vector<16xi32>,
        tpu.vector_store %arg11[%swap3A_259, %swap3A_260], %add3A_258 {strides = array<i32>} : memref<16x128xi32, #tpu.memory_space<vmem>>, vector<16xi32>,
        %and3A_262 = arith.constant 1 : i32
        %and3A_263 = vector.broadcast %and3A_262 : i32 to vector<16xi32>
        %and3A_264 = arith.andi %get3A_224, %and3A_263 : vector<16xi32>
        %mul3A_265 = arith.constant 16 : i32
        %mul3A_266 = vector.broadcast %mul3A_265 : i32 to vector<16xi32>
        %mul3A_267 = arith.muli %and3A_264, %mul3A_266 : vector<16xi32>
        %shift_left3A_268 = arith.constant 1 : i32
        %shift_left3A_269 = vector.broadcast %shift_left3A_268 : i32 to vector<16xi32>
        %shift_left3A_270 = arith.shli %shift_left3A_269, %mul3A_267 : vector<16xi32>
        %swap3A_271 = arith.index_cast %scan3A_51 : i32 to index
        %swap3A_272 = arith.constant 48 : index
        %swap3A_273 = tpu.vector_load %arg12[%swap3A_271, %swap3A_272] {strides = array<i32>} : memref<16x128xi32, #tpu.memory_space<vmem>>, vector<16xi32>,
        tpu.vector_store %arg12[%swap3A_271, %swap3A_272], %shift_left3A_270 {strides = array<i32>} : memref<16x128xi32, #tpu.memory_space<vmem>>, vector<16xi32>,
        %mul3A_274 = arith.constant 128 : i32
        %mul3A_275 = arith.muli %scan3A_51, %mul3A_274 : i32
        %add3A_276 = arith.constant 64 : i32
        %add3A_277 = arith.addi %mul3A_275, %add3A_276 : i32
        %get3A_278 = arith.index_cast %add3A_277 : i32 to index
        %get3A_279 = tpu.vector_load %arg7[%get3A_278] {strides = array<i32>} : memref<2048xi32, #tpu.memory_space<vmem>>, vector<16xi32>,
        %get3A_280 = arith.index_cast %add3A_277 : i32 to index
        %get3A_281 = tpu.vector_load %arg8[%get3A_280] {strides = array<i32>} : memref<2048xi32, #tpu.memory_space<vmem>>, vector<16xi32>,
        %shift_right_arithmetic3A_282 = arith.constant 1 : i32
        %shift_right_arithmetic3A_283 = vector.broadcast %shift_right_arithmetic3A_282 : i32 to vector<16xi32>
        %shift_right_arithmetic3A_284 = arith.shrsi %get3A_279, %shift_right_arithmetic3A_283 : vector<16xi32>
        %and3A_285 = arith.constant 1 : i32
        %and3A_286 = vector.broadcast %and3A_285 : i32 to vector<16xi32>
        %and3A_287 = arith.andi %get3A_279, %and3A_286 : vector<16xi32>
        %mul3A_288 = arith.constant 5120 : i32
        %mul3A_289 = vector.broadcast %mul3A_288 : i32 to vector<16xi32>
        %mul3A_290 = arith.muli %and3A_287, %mul3A_289 : vector<16xi32>
        %add3A_291 = arith.addi %shift_right_arithmetic3A_284, %mul3A_290 : vector<16xi32>
        %shift_right_arithmetic3A_292 = arith.constant 1 : i32
        %shift_right_arithmetic3A_293 = vector.broadcast %shift_right_arithmetic3A_292 : i32 to vector<16xi32>
        %shift_right_arithmetic3A_294 = arith.shrsi %get3A_281, %shift_right_arithmetic3A_293 : vector<16xi32>
        %and3A_295 = arith.constant 1 : i32
        %and3A_296 = vector.broadcast %and3A_295 : i32 to vector<16xi32>
        %and3A_297 = arith.andi %get3A_281, %and3A_296 : vector<16xi32>
        %mul3A_298 = arith.constant 5120 : i32
        %mul3A_299 = vector.broadcast %mul3A_298 : i32 to vector<16xi32>
        %mul3A_300 = arith.muli %and3A_297, %mul3A_299 : vector<16xi32>
        %add3A_301 = arith.addi %shift_right_arithmetic3A_294, %mul3A_300 : vector<16xi32>
        %gather3A_302 = tpu.vector_load_idx %arg9[%add3A_291] : memref<10240xi32, #tpu.memory_space<vmem>>[vector<16xi32>], vector<16xi32>,
        %gather3A_303 = tpu.vector_load_idx %arg9[%add3A_301] : memref<10240xi32, #tpu.memory_space<vmem>>[vector<16xi32>], vector<16xi32>,
        %mul3A_304 = arith.constant 128 : i32
        %mul3A_305 = vector.broadcast %mul3A_304 : i32 to vector<16xi32>
        %mul3A_306 = arith.muli %gather3A_302, %mul3A_305 : vector<16xi32>
        %add3A_307 = arith.addi %mul3A_306, %gather3A_303 : vector<16xi32>
        %gather3A_308 = tpu.vector_load_idx %arg10[%add3A_307] : memref<16384xi32, #tpu.memory_space<vmem>>[vector<16xi32>], vector<16xi32>,
        %shift_right_arithmetic3A_309 = arith.constant 1 : i32
        %shift_right_arithmetic3A_310 = vector.broadcast %shift_right_arithmetic3A_309 : i32 to vector<16xi32>
        %shift_right_arithmetic3A_311 = arith.shrsi %get3A_281, %shift_right_arithmetic3A_310 : vector<16xi32>
        %mul3A_312 = arith.constant 128 : i32
        %mul3A_313 = vector.broadcast %mul3A_312 : i32 to vector<16xi32>
        %mul3A_314 = arith.muli %shift_right_arithmetic3A_311, %mul3A_313 : vector<16xi32>
        %add3A_315 = arith.addi %mul3A_314, %gather3A_308 : vector<16xi32>
        %swap3A_316 = arith.index_cast %scan3A_51 : i32 to index
        %swap3A_317 = arith.constant 64 : index
        %swap3A_318 = tpu.vector_load %arg11[%swap3A_316, %swap3A_317] {strides = array<i32>} : memref<16x128xi32, #tpu.memory_space<vmem>>, vector<16xi32>,
        tpu.vector_store %arg11[%swap3A_316, %swap3A_317], %add3A_315 {strides = array<i32>} : memref<16x128xi32, #tpu.memory_space<vmem>>, vector<16xi32>,
        %and3A_319 = arith.constant 1 : i32
        %and3A_320 = vector.broadcast %and3A_319 : i32 to vector<16xi32>
        %and3A_321 = arith.andi %get3A_281, %and3A_320 : vector<16xi32>
        %mul3A_322 = arith.constant 16 : i32
        %mul3A_323 = vector.broadcast %mul3A_322 : i32 to vector<16xi32>
        %mul3A_324 = arith.muli %and3A_321, %mul3A_323 : vector<16xi32>
        %shift_left3A_325 = arith.constant 1 : i32
        %shift_left3A_326 = vector.broadcast %shift_left3A_325 : i32 to vector<16xi32>
        %shift_left3A_327 = arith.shli %shift_left3A_326, %mul3A_324 : vector<16xi32>
        %swap3A_328 = arith.index_cast %scan3A_51 : i32 to index
        %swap3A_329 = arith.constant 64 : index
        %swap3A_330 = tpu.vector_load %arg12[%swap3A_328, %swap3A_329] {strides = array<i32>} : memref<16x128xi32, #tpu.memory_space<vmem>>, vector<16xi32>,
        tpu.vector_store %arg12[%swap3A_328, %swap3A_329], %shift_left3A_327 {strides = array<i32>} : memref<16x128xi32, #tpu.memory_space<vmem>>, vector<16xi32>,
        %mul3A_331 = arith.constant 128 : i32
        %mul3A_332 = arith.muli %scan3A_51, %mul3A_331 : i32
        %add3A_333 = arith.constant 80 : i32
        %add3A_334 = arith.addi %mul3A_332, %add3A_333 : i32
        %get3A_335 = arith.index_cast %add3A_334 : i32 to index
        %get3A_336 = tpu.vector_load %arg7[%get3A_335] {strides = array<i32>} : memref<2048xi32, #tpu.memory_space<vmem>>, vector<16xi32>,
        %get3A_337 = arith.index_cast %add3A_334 : i32 to index
        %get3A_338 = tpu.vector_load %arg8[%get3A_337] {strides = array<i32>} : memref<2048xi32, #tpu.memory_space<vmem>>, vector<16xi32>,
        %shift_right_arithmetic3A_339 = arith.constant 1 : i32
        %shift_right_arithmetic3A_340 = vector.broadcast %shift_right_arithmetic3A_339 : i32 to vector<16xi32>
        %shift_right_arithmetic3A_341 = arith.shrsi %get3A_336, %shift_right_arithmetic3A_340 : vector<16xi32>
        %and3A_342 = arith.constant 1 : i32
        %and3A_343 = vector.broadcast %and3A_342 : i32 to vector<16xi32>
        %and3A_344 = arith.andi %get3A_336, %and3A_343 : vector<16xi32>
        %mul3A_345 = arith.constant 5120 : i32
        %mul3A_346 = vector.broadcast %mul3A_345 : i32 to vector<16xi32>
        %mul3A_347 = arith.muli %and3A_344, %mul3A_346 : vector<16xi32>
        %add3A_348 = arith.addi %shift_right_arithmetic3A_341, %mul3A_347 : vector<16xi32>
        %shift_right_arithmetic3A_349 = arith.constant 1 : i32
        %shift_right_arithmetic3A_350 = vector.broadcast %shift_right_arithmetic3A_349 : i32 to vector<16xi32>
        %shift_right_arithmetic3A_351 = arith.shrsi %get3A_338, %shift_right_arithmetic3A_350 : vector<16xi32>
        %and3A_352 = arith.constant 1 : i32
        %and3A_353 = vector.broadcast %and3A_352 : i32 to vector<16xi32>
        %and3A_354 = arith.andi %get3A_338, %and3A_353 : vector<16xi32>
        %mul3A_355 = arith.constant 5120 : i32
        %mul3A_356 = vector.broadcast %mul3A_355 : i32 to vector<16xi32>
        %mul3A_357 = arith.muli %and3A_354, %mul3A_356 : vector<16xi32>
        %add3A_358 = arith.addi %shift_right_arithmetic3A_351, %mul3A_357 : vector<16xi32>
        %gather3A_359 = tpu.vector_load_idx %arg9[%add3A_348] : memref<10240xi32, #tpu.memory_space<vmem>>[vector<16xi32>], vector<16xi32>,
        %gather3A_360 = tpu.vector_load_idx %arg9[%add3A_358] : memref<10240xi32, #tpu.memory_space<vmem>>[vector<16xi32>], vector<16xi32>,
        %mul3A_361 = arith.constant 128 : i32
        %mul3A_362 = vector.broadcast %mul3A_361 : i32 to vector<16xi32>
        %mul3A_363 = arith.muli %gather3A_359, %mul3A_362 : vector<16xi32>
        %add3A_364 = arith.addi %mul3A_363, %gather3A_360 : vector<16xi32>
        %gather3A_365 = tpu.vector_load_idx %arg10[%add3A_364] : memref<16384xi32, #tpu.memory_space<vmem>>[vector<16xi32>], vector<16xi32>,
        %shift_right_arithmetic3A_366 = arith.constant 1 : i32
        %shift_right_arithmetic3A_367 = vector.broadcast %shift_right_arithmetic3A_366 : i32 to vector<16xi32>
        %shift_right_arithmetic3A_368 = arith.shrsi %get3A_338, %shift_right_arithmetic3A_367 : vector<16xi32>
        %mul3A_369 = arith.constant 128 : i32
        %mul3A_370 = vector.broadcast %mul3A_369 : i32 to vector<16xi32>
        %mul3A_371 = arith.muli %shift_right_arithmetic3A_368, %mul3A_370 : vector<16xi32>
        %add3A_372 = arith.addi %mul3A_371, %gather3A_365 : vector<16xi32>
        %swap3A_373 = arith.index_cast %scan3A_51 : i32 to index
        %swap3A_374 = arith.constant 80 : index
        %swap3A_375 = tpu.vector_load %arg11[%swap3A_373, %swap3A_374] {strides = array<i32>} : memref<16x128xi32, #tpu.memory_space<vmem>>, vector<16xi32>,
        tpu.vector_store %arg11[%swap3A_373, %swap3A_374], %add3A_372 {strides = array<i32>} : memref<16x128xi32, #tpu.memory_space<vmem>>, vector<16xi32>,
        %and3A_376 = arith.constant 1 : i32
        %and3A_377 = vector.broadcast %and3A_376 : i32 to vector<16xi32>
        %and3A_378 = arith.andi %get3A_338, %and3A_377 : vector<16xi32>
        %mul3A_379 = arith.constant 16 : i32
        %mul3A_380 = vector.broadcast %mul3A_379 : i32 to vector<16xi32>
        %mul3A_381 = arith.muli %and3A_378, %mul3A_380 : vector<16xi32>
        %shift_left3A_382 = arith.constant 1 : i32
        %shift_left3A_383 = vector.broadcast %shift_left3A_382 : i32 to vector<16xi32>
        %shift_left3A_384 = arith.shli %shift_left3A_383, %mul3A_381 : vector<16xi32>
        %swap3A_385 = arith.index_cast %scan3A_51 : i32 to index
        %swap3A_386 = arith.constant 80 : index
        %swap3A_387 = tpu.vector_load %arg12[%swap3A_385, %swap3A_386] {strides = array<i32>} : memref<16x128xi32, #tpu.memory_space<vmem>>, vector<16xi32>,
        tpu.vector_store %arg12[%swap3A_385, %swap3A_386], %shift_left3A_384 {strides = array<i32>} : memref<16x128xi32, #tpu.memory_space<vmem>>, vector<16xi32>,
        %mul3A_388 = arith.constant 128 : i32
        %mul3A_389 = arith.muli %scan3A_51, %mul3A_388 : i32
        %add3A_390 = arith.constant 96 : i32
        %add3A_391 = arith.addi %mul3A_389, %add3A_390 : i32
        %get3A_392 = arith.index_cast %add3A_391 : i32 to index
        %get3A_393 = tpu.vector_load %arg7[%get3A_392] {strides = array<i32>} : memref<2048xi32, #tpu.memory_space<vmem>>, vector<16xi32>,
        %get3A_394 = arith.index_cast %add3A_391 : i32 to index
        %get3A_395 = tpu.vector_load %arg8[%get3A_394] {strides = array<i32>} : memref<2048xi32, #tpu.memory_space<vmem>>, vector<16xi32>,
        %shift_right_arithmetic3A_396 = arith.constant 1 : i32
        %shift_right_arithmetic3A_397 = vector.broadcast %shift_right_arithmetic3A_396 : i32 to vector<16xi32>
        %shift_right_arithmetic3A_398 = arith.shrsi %get3A_393, %shift_right_arithmetic3A_397 : vector<16xi32>
        %and3A_399 = arith.constant 1 : i32
        %and3A_400 = vector.broadcast %and3A_399 : i32 to vector<16xi32>
        %and3A_401 = arith.andi %get3A_393, %and3A_400 : vector<16xi32>
        %mul3A_402 = arith.constant 5120 : i32
        %mul3A_403 = vector.broadcast %mul3A_402 : i32 to vector<16xi32>
        %mul3A_404 = arith.muli %and3A_401, %mul3A_403 : vector<16xi32>
        %add3A_405 = arith.addi %shift_right_arithmetic3A_398, %mul3A_404 : vector<16xi32>
        %shift_right_arithmetic3A_406 = arith.constant 1 : i32
        %shift_right_arithmetic3A_407 = vector.broadcast %shift_right_arithmetic3A_406 : i32 to vector<16xi32>
        %shift_right_arithmetic3A_408 = arith.shrsi %get3A_395, %shift_right_arithmetic3A_407 : vector<16xi32>
        %and3A_409 = arith.constant 1 : i32
        %and3A_410 = vector.broadcast %and3A_409 : i32 to vector<16xi32>
        %and3A_411 = arith.andi %get3A_395, %and3A_410 : vector<16xi32>
        %mul3A_412 = arith.constant 5120 : i32
        %mul3A_413 = vector.broadcast %mul3A_412 : i32 to vector<16xi32>
        %mul3A_414 = arith.muli %and3A_411, %mul3A_413 : vector<16xi32>
        %add3A_415 = arith.addi %shift_right_arithmetic3A_408, %mul3A_414 : vector<16xi32>
        %gather3A_416 = tpu.vector_load_idx %arg9[%add3A_405] : memref<10240xi32, #tpu.memory_space<vmem>>[vector<16xi32>], vector<16xi32>,
        %gather3A_417 = tpu.vector_load_idx %arg9[%add3A_415] : memref<10240xi32, #tpu.memory_space<vmem>>[vector<16xi32>], vector<16xi32>,
        %mul3A_418 = arith.constant 128 : i32
        %mul3A_419 = vector.broadcast %mul3A_418 : i32 to vector<16xi32>
        %mul3A_420 = arith.muli %gather3A_416, %mul3A_419 : vector<16xi32>
        %add3A_421 = arith.addi %mul3A_420, %gather3A_417 : vector<16xi32>
        %gather3A_422 = tpu.vector_load_idx %arg10[%add3A_421] : memref<16384xi32, #tpu.memory_space<vmem>>[vector<16xi32>], vector<16xi32>,
        %shift_right_arithmetic3A_423 = arith.constant 1 : i32
        %shift_right_arithmetic3A_424 = vector.broadcast %shift_right_arithmetic3A_423 : i32 to vector<16xi32>
        %shift_right_arithmetic3A_425 = arith.shrsi %get3A_395, %shift_right_arithmetic3A_424 : vector<16xi32>
        %mul3A_426 = arith.constant 128 : i32
        %mul3A_427 = vector.broadcast %mul3A_426 : i32 to vector<16xi32>
        %mul3A_428 = arith.muli %shift_right_arithmetic3A_425, %mul3A_427 : vector<16xi32>
        %add3A_429 = arith.addi %mul3A_428, %gather3A_422 : vector<16xi32>
        %swap3A_430 = arith.index_cast %scan3A_51 : i32 to index
        %swap3A_431 = arith.constant 96 : index
        %swap3A_432 = tpu.vector_load %arg11[%swap3A_430, %swap3A_431] {strides = array<i32>} : memref<16x128xi32, #tpu.memory_space<vmem>>, vector<16xi32>,
        tpu.vector_store %arg11[%swap3A_430, %swap3A_431], %add3A_429 {strides = array<i32>} : memref<16x128xi32, #tpu.memory_space<vmem>>, vector<16xi32>,
        %and3A_433 = arith.constant 1 : i32
        %and3A_434 = vector.broadcast %and3A_433 : i32 to vector<16xi32>
        %and3A_435 = arith.andi %get3A_395, %and3A_434 : vector<16xi32>
        %mul3A_436 = arith.constant 16 : i32
        %mul3A_437 = vector.broadcast %mul3A_436 : i32 to vector<16xi32>
        %mul3A_438 = arith.muli %and3A_435, %mul3A_437 : vector<16xi32>
        %shift_left3A_439 = arith.constant 1 : i32
        %shift_left3A_440 = vector.broadcast %shift_left3A_439 : i32 to vector<16xi32>
        %shift_left3A_441 = arith.shli %shift_left3A_440, %mul3A_438 : vector<16xi32>
        %swap3A_442 = arith.index_cast %scan3A_51 : i32 to index
        %swap3A_443 = arith.constant 96 : index
        %swap3A_444 = tpu.vector_load %arg12[%swap3A_442, %swap3A_443] {strides = array<i32>} : memref<16x128xi32, #tpu.memory_space<vmem>>, vector<16xi32>,
        tpu.vector_store %arg12[%swap3A_442, %swap3A_443], %shift_left3A_441 {strides = array<i32>} : memref<16x128xi32, #tpu.memory_space<vmem>>, vector<16xi32>,
        %mul3A_445 = arith.constant 128 : i32
        %mul3A_446 = arith.muli %scan3A_51, %mul3A_445 : i32
        %add3A_447 = arith.constant 112 : i32
        %add3A_448 = arith.addi %mul3A_446, %add3A_447 : i32
        %get3A_449 = arith.index_cast %add3A_448 : i32 to index
        %get3A_450 = tpu.vector_load %arg7[%get3A_449] {strides = array<i32>} : memref<2048xi32, #tpu.memory_space<vmem>>, vector<16xi32>,
        %get3A_451 = arith.index_cast %add3A_448 : i32 to index
        %get3A_452 = tpu.vector_load %arg8[%get3A_451] {strides = array<i32>} : memref<2048xi32, #tpu.memory_space<vmem>>, vector<16xi32>,
        %shift_right_arithmetic3A_453 = arith.constant 1 : i32
        %shift_right_arithmetic3A_454 = vector.broadcast %shift_right_arithmetic3A_453 : i32 to vector<16xi32>
        %shift_right_arithmetic3A_455 = arith.shrsi %get3A_450, %shift_right_arithmetic3A_454 : vector<16xi32>
        %and3A_456 = arith.constant 1 : i32
        %and3A_457 = vector.broadcast %and3A_456 : i32 to vector<16xi32>
        %and3A_458 = arith.andi %get3A_450, %and3A_457 : vector<16xi32>
        %mul3A_459 = arith.constant 5120 : i32
        %mul3A_460 = vector.broadcast %mul3A_459 : i32 to vector<16xi32>
        %mul3A_461 = arith.muli %and3A_458, %mul3A_460 : vector<16xi32>
        %add3A_462 = arith.addi %shift_right_arithmetic3A_455, %mul3A_461 : vector<16xi32>
        %shift_right_arithmetic3A_463 = arith.constant 1 : i32
        %shift_right_arithmetic3A_464 = vector.broadcast %shift_right_arithmetic3A_463 : i32 to vector<16xi32>
        %shift_right_arithmetic3A_465 = arith.shrsi %get3A_452, %shift_right_arithmetic3A_464 : vector<16xi32>
        %and3A_466 = arith.constant 1 : i32
        %and3A_467 = vector.broadcast %and3A_466 : i32 to vector<16xi32>
        %and3A_468 = arith.andi %get3A_452, %and3A_467 : vector<16xi32>
        %mul3A_469 = arith.constant 5120 : i32
        %mul3A_470 = vector.broadcast %mul3A_469 : i32 to vector<16xi32>
        %mul3A_471 = arith.muli %and3A_468, %mul3A_470 : vector<16xi32>
        %add3A_472 = arith.addi %shift_right_arithmetic3A_465, %mul3A_471 : vector<16xi32>
        %gather3A_473 = tpu.vector_load_idx %arg9[%add3A_462] : memref<10240xi32, #tpu.memory_space<vmem>>[vector<16xi32>], vector<16xi32>,
        %gather3A_474 = tpu.vector_load_idx %arg9[%add3A_472] : memref<10240xi32, #tpu.memory_space<vmem>>[vector<16xi32>], vector<16xi32>,
        %mul3A_475 = arith.constant 128 : i32
        %mul3A_476 = vector.broadcast %mul3A_475 : i32 to vector<16xi32>
        %mul3A_477 = arith.muli %gather3A_473, %mul3A_476 : vector<16xi32>
        %add3A_478 = arith.addi %mul3A_477, %gather3A_474 : vector<16xi32>
        %gather3A_479 = tpu.vector_load_idx %arg10[%add3A_478] : memref<16384xi32, #tpu.memory_space<vmem>>[vector<16xi32>], vector<16xi32>,
        %shift_right_arithmetic3A_480 = arith.constant 1 : i32
        %shift_right_arithmetic3A_481 = vector.broadcast %shift_right_arithmetic3A_480 : i32 to vector<16xi32>
        %shift_right_arithmetic3A_482 = arith.shrsi %get3A_452, %shift_right_arithmetic3A_481 : vector<16xi32>
        %mul3A_483 = arith.constant 128 : i32
        %mul3A_484 = vector.broadcast %mul3A_483 : i32 to vector<16xi32>
        %mul3A_485 = arith.muli %shift_right_arithmetic3A_482, %mul3A_484 : vector<16xi32>
        %add3A_486 = arith.addi %mul3A_485, %gather3A_479 : vector<16xi32>
        %swap3A_487 = arith.index_cast %scan3A_51 : i32 to index
        %swap3A_488 = arith.constant 112 : index
        %swap3A_489 = tpu.vector_load %arg11[%swap3A_487, %swap3A_488] {strides = array<i32>} : memref<16x128xi32, #tpu.memory_space<vmem>>, vector<16xi32>,
        tpu.vector_store %arg11[%swap3A_487, %swap3A_488], %add3A_486 {strides = array<i32>} : memref<16x128xi32, #tpu.memory_space<vmem>>, vector<16xi32>,
        %and3A_490 = arith.constant 1 : i32
        %and3A_491 = vector.broadcast %and3A_490 : i32 to vector<16xi32>
        %and3A_492 = arith.andi %get3A_452, %and3A_491 : vector<16xi32>
        %mul3A_493 = arith.constant 16 : i32
        %mul3A_494 = vector.broadcast %mul3A_493 : i32 to vector<16xi32>
        %mul3A_495 = arith.muli %and3A_492, %mul3A_494 : vector<16xi32>
        %shift_left3A_496 = arith.constant 1 : i32
        %shift_left3A_497 = vector.broadcast %shift_left3A_496 : i32 to vector<16xi32>
        %shift_left3A_498 = arith.shli %shift_left3A_497, %mul3A_495 : vector<16xi32>
        %swap3A_499 = arith.index_cast %scan3A_51 : i32 to index
        %swap3A_500 = arith.constant 112 : index
        %swap3A_501 = tpu.vector_load %arg12[%swap3A_499, %swap3A_500] {strides = array<i32>} : memref<16x128xi32, #tpu.memory_space<vmem>>, vector<16xi32>,
        tpu.vector_store %arg12[%swap3A_499, %swap3A_500], %shift_left3A_498 {strides = array<i32>} : memref<16x128xi32, #tpu.memory_space<vmem>>, vector<16xi32>,
        %dma_start3A = arith.constant 0 : i32
        %dma_start3A_502 = tpu.memref_slice %arg12[%scan3A_51, %dma_start3A] : memref<16x128xi32, #tpu.memory_space<vmem>> -> memref<1x128xi32, #tpu.memory_space<vmem>>
        %dma_start3A_503 = tpu.memref_squeeze %dma_start3A_502 : memref<1x128xi32, #tpu.memory_space<vmem>> -> memref<128xi32, #tpu.memory_space<vmem>>
        %dma_start3A_504 = arith.constant 0 : i32
        %dma_start3A_505 = tpu.memref_slice %arg11[%scan3A_51, %dma_start3A_504] : memref<16x128xi32, #tpu.memory_space<vmem>> -> memref<1x128xi32, #tpu.memory_space<vmem>>
        %dma_start3A_506 = tpu.memref_squeeze %dma_start3A_505 : memref<1x128xi32, #tpu.memory_space<vmem>> -> memref<128xi32, #tpu.memory_space<vmem>>
        %dma_start3A_507 = arith.constant 0 : i32
        %dma_start3A_508 = tpu.memref_slice %arg14[%dma_start3A_507] : memref<655360xi32, #tpu.memory_space<vmem_shared>> -> memref<655360xi32, #tpu.memory_space<vmem_shared>>
        tpu.enqueue_indirect_dma source(%dma_start3A_503 : memref<128xi32, #tpu.memory_space<vmem>>) target(%dma_start3A_508 : memref<655360xi32, #tpu.memory_space<vmem_shared>>) offsets(%dma_start3A_506 : memref<128xi32, #tpu.memory_space<vmem>>) semaphore(%arg15 : memref<!tpu.dma_semaphore, #tpu.memory_space<semaphore_mem>>) {add = true}
      }
      %scan3A_44 = arith.constant 16 : i32
      %scan3A_45 = arith.constant 0 : i32
      %scan3A_46 = arith.constant 0 : i32
      %scan3A_47 = arith.constant 16 : i32
      %scan3A_48 = arith.addi %scan3A_46, %scan3A_47 : i32
      %scan3A_49 = arith.constant 1 : i32
      scf.for %scan3A_51 = %scan3A_46 to %scan3A_48 step %scan3A_49  : i32 {
        %dma_wait3A = arith.constant 0 : i32
        %dma_wait3A_52 = tpu.memref_slice %arg12[%scan3A_51, %dma_wait3A] : memref<16x128xi32, #tpu.memory_space<vmem>> -> memref<1x128xi32, #tpu.memory_space<vmem>>
        %dma_wait3A_53 = tpu.memref_squeeze %dma_wait3A_52 : memref<1x128xi32, #tpu.memory_space<vmem>> -> memref<128xi32, #tpu.memory_space<vmem>>
        %dma_wait3A_54 = arith.constant 0 : i32
        %dma_wait3A_55 = tpu.memref_slice %arg11[%scan3A_51, %dma_wait3A_54] : memref<16x128xi32, #tpu.memory_space<vmem>> -> memref<1x128xi32, #tpu.memory_space<vmem>>
        %dma_wait3A_56 = tpu.memref_squeeze %dma_wait3A_55 : memref<1x128xi32, #tpu.memory_space<vmem>> -> memref<128xi32, #tpu.memory_space<vmem>>
        %dma_wait3A_57 = arith.constant 0 : i32
        %dma_wait3A_58 = tpu.memref_slice %arg14[%dma_wait3A_57] : memref<655360xi32, #tpu.memory_space<vmem_shared>> -> memref<655360xi32, #tpu.memory_space<vmem_shared>>
        tpu.wait_indirect_dma semaphore(%arg15 : memref<!tpu.dma_semaphore, #tpu.memory_space<semaphore_mem>>) src(%dma_wait3A_53 : memref<128xi32, #tpu.memory_space<vmem>>) dst(%dma_wait3A_58 : memref<655360xi32, #tpu.memory_space<vmem_shared>>)
      }
      %scan3A_50 = arith.constant 16 : i32
    }
    %scan3A_26 = arith.constant 5 : i32
    %barrier3A_27 = arith.constant 0 : index
    tpu.barrier barrier_id(%barrier3A_27)
    %mul3A_28 = arith.constant 40960 : i32
    %mul3A_29 = arith.muli %arg1, %mul3A_28 : i32
    %mul3A_30 = arith.constant 655360 : i32
    %mul3A_31 = arith.muli %arg0, %mul3A_30 : i32
    %mul3A_32 = arith.constant 40960 : i32
    %mul3A_33 = arith.muli %arg1, %mul3A_32 : i32
    %add3A_34 = arith.addi %mul3A_31, %mul3A_33 : i32
    "tpu.region"() ({
      %run_scoped3A = tpu.sem_alloc : memref<!tpu.dma_semaphore, #tpu.memory_space<semaphore_mem>>
      %dma_start3A = tpu.memref_slice %arg6[%add3A_34] : memref<1310720xi32, #tpu.memory_space<hbm>> -> memref<40960xi32, #tpu.memory_space<hbm>>
      %dma_start3A_35 = tpu.memref_slice %arg14[%mul3A_29] : memref<655360xi32, #tpu.memory_space<vmem_shared>> -> memref<40960xi32, #tpu.memory_space<vmem_shared>>
      tpu.enqueue_dma source(%dma_start3A_35 : memref<40960xi32, #tpu.memory_space<vmem_shared>>) target(%dma_start3A : memref<40960xi32, #tpu.memory_space<hbm>>) target_semaphore(%run_scoped3A : memref<!tpu.dma_semaphore, #tpu.memory_space<semaphore_mem>>)
      %dma_wait3A = tpu.memref_slice %arg6[%add3A_34] : memref<1310720xi32, #tpu.memory_space<hbm>> -> memref<40960xi32, #tpu.memory_space<hbm>>
      %dma_wait3A_36 = tpu.memref_slice %arg14[%mul3A_29] : memref<655360xi32, #tpu.memory_space<vmem_shared>> -> memref<40960xi32, #tpu.memory_space<vmem_shared>>
      tpu.wait_dma2 semaphore(%run_scoped3A : memref<!tpu.dma_semaphore, #tpu.memory_space<semaphore_mem>>) src(%dma_wait3A_36 : memref<40960xi32, #tpu.memory_space<vmem_shared>>) dst(%dma_wait3A : memref<40960xi32, #tpu.memory_space<hbm>>)
      tpu.yield
    }) : () -> ()
    return
  }
}

#map = affine_map<(d0, d1) -> (0)>
module attributes {stable_mosaic.version = 14 : i64} {
  func.func @_sc_body(%arg0: i32, %arg1: i32, %arg2: memref<10240xi32, #tpu.memory_space<hbm>>, %arg3: memref<327680xi32, #tpu.memory_space<hbm>>, %arg4: memref<327680xi32, #tpu.memory_space<hbm>>, %arg5: memref<16384xi32, #tpu.memory_space<hbm>>, %arg6: memref<1310720xi32, #tpu.memory_space<hbm>>, %arg7: memref<2048xi32, #tpu.memory_space<vmem>>, %arg8: memref<2048xi32, #tpu.memory_space<vmem>>, %arg9: memref<10240xi32, #tpu.memory_space<vmem>>, %arg10: memref<16384xi32, #tpu.memory_space<vmem>>, %arg11: memref<16x128xi32, #tpu.memory_space<vmem>>, %arg12: memref<16x128xi32, #tpu.memory_space<vmem>>, %arg13: memref<2560xi32, #tpu.memory_space<vmem>>, %arg14: memref<655360xi32, #tpu.memory_space<vmem_shared>>, %arg15: memref<!tpu.dma_semaphore, #tpu.memory_space<semaphore_mem>>) attributes {dimension_semantics = [#tpu.dimension_semantics<core_parallel>, #tpu.dimension_semantics<subcore_parallel>], iteration_bounds = array<i64: 2, 16>, scalar_prefetch = 0 : i64, scratch_operands = 9 : i64, tpu.core_type = #tpu.core_type<sc_vector_subcore>, window_params = [{transform_indices = #map}, {transform_indices = #map}, {transform_indices = #map}, {transform_indices = #map}, {transform_indices = #map}]} {
    %broadcast_in_dim3A = arith.constant 0 : i32
    %broadcast_in_dim3A_0 = vector.broadcast %broadcast_in_dim3A : i32 to vector<16xi32>
    %scan3A = arith.constant 0 : i32
    %scan3A_1 = arith.constant 0 : i32
    %scan3A_2 = arith.constant 160 : i32
    %scan3A_3 = arith.addi %scan3A_1, %scan3A_2 : i32
    %scan3A_4 = arith.constant 1 : i32
    scf.for %scan3A_35 = %scan3A_1 to %scan3A_3 step %scan3A_4  : i32 {
      %mul3A_36 = arith.constant 16 : i32
      %mul3A_37 = arith.muli %scan3A_35, %mul3A_36 : i32
      %swap3A = arith.index_cast %mul3A_37 : i32 to index
      %swap3A_38 = tpu.vector_load %arg13[%swap3A] {strides = array<i32>} : memref<2560xi32, #tpu.memory_space<vmem>>, vector<16xi32>,
      tpu.vector_store %arg13[%swap3A], %broadcast_in_dim3A_0 {strides = array<i32>} : memref<2560xi32, #tpu.memory_space<vmem>>, vector<16xi32>,
    }
    %scan3A_5 = arith.constant 160 : i32
    %scan3A_6 = arith.constant 0 : i32
    %scan3A_7 = arith.constant 0 : i32
    %scan3A_8 = arith.constant 16 : i32
    %scan3A_9 = arith.addi %scan3A_7, %scan3A_8 : i32
    %scan3A_10 = arith.constant 1 : i32
    scf.for %scan3A_35 = %scan3A_7 to %scan3A_9 step %scan3A_10  : i32 {
      %mul3A_36 = arith.constant 16 : i32
      %mul3A_37 = arith.muli %arg1, %mul3A_36 : i32
      %add3A_38 = arith.addi %mul3A_37, %scan3A_35 : i32
      %mul3A_39 = arith.constant 2560 : i32
      %mul3A_40 = arith.muli %add3A_38, %mul3A_39 : i32
      %dma_start3A = tpu.memref_slice %arg14[%mul3A_40] : memref<655360xi32, #tpu.memory_space<vmem_shared>> -> memref<2560xi32, #tpu.memory_space<vmem_shared>>
      %dma_start3A_41 = tpu.memref_slice %arg14[%mul3A_40] : memref<655360xi32, #tpu.memory_space<vmem_shared>> -> memref<2560xi32, #tpu.memory_space<vmem_shared>>
      tpu.enqueue_dma source(%arg13 : memref<2560xi32, #tpu.memory_space<vmem>>) target(%dma_start3A_41 : memref<2560xi32, #tpu.memory_space<vmem_shared>>) target_semaphore(%arg15 : memref<!tpu.dma_semaphore, #tpu.memory_space<semaphore_mem>>)
    }
    %scan3A_11 = arith.constant 16 : i32
    %mul3A = arith.constant 163840 : i32
    %mul3A_12 = arith.muli %arg0, %mul3A : i32
    %mul3A_13 = arith.constant 10240 : i32
    %mul3A_14 = arith.muli %arg1, %mul3A_13 : i32
    %add3A = arith.addi %mul3A_12, %mul3A_14 : i32
    "tpu.region"() ({
      %run_scoped3A = tpu.sem_alloc : memref<!tpu.dma_semaphore, #tpu.memory_space<semaphore_mem>>
      tpu.enqueue_dma source(%arg2 : memref<10240xi32, #tpu.memory_space<hbm>>) target(%arg9 : memref<10240xi32, #tpu.memory_space<vmem>>) target_semaphore(%run_scoped3A : memref<!tpu.dma_semaphore, #tpu.memory_space<semaphore_mem>>)
      tpu.wait_dma2 semaphore(%run_scoped3A : memref<!tpu.dma_semaphore, #tpu.memory_space<semaphore_mem>>) src(%arg2 : memref<10240xi32, #tpu.memory_space<hbm>>) dst(%arg9 : memref<10240xi32, #tpu.memory_space<vmem>>)
      tpu.yield
    }) : () -> ()
    "tpu.region"() ({
      %run_scoped3A = tpu.sem_alloc : memref<!tpu.dma_semaphore, #tpu.memory_space<semaphore_mem>>
      tpu.enqueue_dma source(%arg5 : memref<16384xi32, #tpu.memory_space<hbm>>) target(%arg10 : memref<16384xi32, #tpu.memory_space<vmem>>) target_semaphore(%run_scoped3A : memref<!tpu.dma_semaphore, #tpu.memory_space<semaphore_mem>>)
      tpu.wait_dma2 semaphore(%run_scoped3A : memref<!tpu.dma_semaphore, #tpu.memory_space<semaphore_mem>>) src(%arg5 : memref<16384xi32, #tpu.memory_space<hbm>>) dst(%arg10 : memref<16384xi32, #tpu.memory_space<vmem>>)
      tpu.yield
    }) : () -> ()
    %scan3A_15 = arith.constant 0 : i32
    %scan3A_16 = arith.constant 0 : i32
    %scan3A_17 = arith.constant 16 : i32
    %scan3A_18 = arith.addi %scan3A_16, %scan3A_17 : i32
    %scan3A_19 = arith.constant 1 : i32
    scf.for %scan3A_35 = %scan3A_16 to %scan3A_18 step %scan3A_19  : i32 {
      %mul3A_36 = arith.constant 16 : i32
      %mul3A_37 = arith.muli %arg1, %mul3A_36 : i32
      %add3A_38 = arith.addi %mul3A_37, %scan3A_35 : i32
      %mul3A_39 = arith.constant 2560 : i32
      %mul3A_40 = arith.muli %add3A_38, %mul3A_39 : i32
      %dma_wait3A = tpu.memref_slice %arg14[%mul3A_40] : memref<655360xi32, #tpu.memory_space<vmem_shared>> -> memref<2560xi32, #tpu.memory_space<vmem_shared>>
      %dma_wait3A_41 = tpu.memref_slice %arg14[%mul3A_40] : memref<655360xi32, #tpu.memory_space<vmem_shared>> -> memref<2560xi32, #tpu.memory_space<vmem_shared>>
      tpu.wait_dma2 semaphore(%arg15 : memref<!tpu.dma_semaphore, #tpu.memory_space<semaphore_mem>>) src(%arg13 : memref<2560xi32, #tpu.memory_space<vmem>>) dst(%dma_wait3A_41 : memref<2560xi32, #tpu.memory_space<vmem_shared>>)
    }
    %scan3A_20 = arith.constant 16 : i32
    %barrier3A = arith.constant 0 : index
    tpu.barrier barrier_id(%barrier3A)
    %scan3A_21 = arith.constant 0 : i32
    %scan3A_22 = arith.constant 0 : i32
    %scan3A_23 = arith.constant 5 : i32
    %scan3A_24 = arith.addi %scan3A_22, %scan3A_23 : i32
    %scan3A_25 = arith.constant 1 : i32
    scf.for %scan3A_35 = %scan3A_22 to %scan3A_24 step %scan3A_25  : i32 {
      %mul3A_36 = arith.constant 2048 : i32
      %mul3A_37 = arith.muli %scan3A_35, %mul3A_36 : i32
      %add3A_38 = arith.addi %add3A, %mul3A_37 : i32
      "tpu.region"() ({
        %run_scoped3A = tpu.sem_alloc : memref<!tpu.dma_semaphore, #tpu.memory_space<semaphore_mem>>
        %dma_start3A = tpu.memref_slice %arg3[%add3A_38] : memref<327680xi32, #tpu.memory_space<hbm>> -> memref<2048xi32, #tpu.memory_space<hbm>>
        %dma_start3A_51 = tpu.memref_slice %arg3[%add3A_38] : memref<327680xi32, #tpu.memory_space<hbm>> -> memref<2048xi32, #tpu.memory_space<hbm>>
        tpu.enqueue_dma source(%dma_start3A_51 : memref<2048xi32, #tpu.memory_space<hbm>>) target(%arg7 : memref<2048xi32, #tpu.memory_space<vmem>>) target_semaphore(%run_scoped3A : memref<!tpu.dma_semaphore, #tpu.memory_space<semaphore_mem>>)
        %dma_wait3A = tpu.memref_slice %arg3[%add3A_38] : memref<327680xi32, #tpu.memory_space<hbm>> -> memref<2048xi32, #tpu.memory_space<hbm>>
        %dma_wait3A_52 = tpu.memref_slice %arg3[%add3A_38] : memref<327680xi32, #tpu.memory_space<hbm>> -> memref<2048xi32, #tpu.memory_space<hbm>>
        tpu.wait_dma2 semaphore(%run_scoped3A : memref<!tpu.dma_semaphore, #tpu.memory_space<semaphore_mem>>) src(%dma_wait3A_52 : memref<2048xi32, #tpu.memory_space<hbm>>) dst(%arg7 : memref<2048xi32, #tpu.memory_space<vmem>>)
        tpu.yield
      }) : () -> ()
      "tpu.region"() ({
        %run_scoped3A = tpu.sem_alloc : memref<!tpu.dma_semaphore, #tpu.memory_space<semaphore_mem>>
        %dma_start3A = tpu.memref_slice %arg4[%add3A_38] : memref<327680xi32, #tpu.memory_space<hbm>> -> memref<2048xi32, #tpu.memory_space<hbm>>
        %dma_start3A_51 = tpu.memref_slice %arg4[%add3A_38] : memref<327680xi32, #tpu.memory_space<hbm>> -> memref<2048xi32, #tpu.memory_space<hbm>>
        tpu.enqueue_dma source(%dma_start3A_51 : memref<2048xi32, #tpu.memory_space<hbm>>) target(%arg8 : memref<2048xi32, #tpu.memory_space<vmem>>) target_semaphore(%run_scoped3A : memref<!tpu.dma_semaphore, #tpu.memory_space<semaphore_mem>>)
        %dma_wait3A = tpu.memref_slice %arg4[%add3A_38] : memref<327680xi32, #tpu.memory_space<hbm>> -> memref<2048xi32, #tpu.memory_space<hbm>>
        %dma_wait3A_52 = tpu.memref_slice %arg4[%add3A_38] : memref<327680xi32, #tpu.memory_space<hbm>> -> memref<2048xi32, #tpu.memory_space<hbm>>
        tpu.wait_dma2 semaphore(%run_scoped3A : memref<!tpu.dma_semaphore, #tpu.memory_space<semaphore_mem>>) src(%dma_wait3A_52 : memref<2048xi32, #tpu.memory_space<hbm>>) dst(%arg8 : memref<2048xi32, #tpu.memory_space<vmem>>)
        tpu.yield
      }) : () -> ()
      %scan3A_39 = arith.constant 0 : i32
      %scan3A_40 = arith.constant 0 : i32
      %scan3A_41 = arith.constant 16 : i32
      %scan3A_42 = arith.addi %scan3A_40, %scan3A_41 : i32
      %scan3A_43 = arith.constant 1 : i32
      scf.for %scan3A_51 = %scan3A_40 to %scan3A_42 step %scan3A_43  : i32 {
        %mul3A_52 = arith.constant 128 : i32
        %mul3A_53 = arith.muli %scan3A_51, %mul3A_52 : i32
        %add3A_54 = arith.constant 0 : i32
        %add3A_55 = arith.addi %mul3A_53, %add3A_54 : i32
        %get3A = arith.index_cast %add3A_55 : i32 to index
        %get3A_56 = tpu.vector_load %arg7[%get3A] {strides = array<i32>} : memref<2048xi32, #tpu.memory_space<vmem>>, vector<16xi32>,
        %get3A_57 = arith.index_cast %add3A_55 : i32 to index
        %get3A_58 = tpu.vector_load %arg8[%get3A_57] {strides = array<i32>} : memref<2048xi32, #tpu.memory_space<vmem>>, vector<16xi32>,
        %shift_right_arithmetic3A = arith.constant 1 : i32
        %shift_right_arithmetic3A_59 = vector.broadcast %shift_right_arithmetic3A : i32 to vector<16xi32>
        %shift_right_arithmetic3A_60 = arith.shrsi %get3A_56, %shift_right_arithmetic3A_59 : vector<16xi32>
        %and3A = arith.constant 1 : i32
        %and3A_61 = vector.broadcast %and3A : i32 to vector<16xi32>
        %and3A_62 = arith.andi %get3A_56, %and3A_61 : vector<16xi32>
        %mul3A_63 = arith.constant 5120 : i32
        %mul3A_64 = vector.broadcast %mul3A_63 : i32 to vector<16xi32>
        %mul3A_65 = arith.muli %and3A_62, %mul3A_64 : vector<16xi32>
        %add3A_66 = arith.addi %shift_right_arithmetic3A_60, %mul3A_65 : vector<16xi32>
        %shift_right_arithmetic3A_67 = arith.constant 1 : i32
        %shift_right_arithmetic3A_68 = vector.broadcast %shift_right_arithmetic3A_67 : i32 to vector<16xi32>
        %shift_right_arithmetic3A_69 = arith.shrsi %get3A_58, %shift_right_arithmetic3A_68 : vector<16xi32>
        %and3A_70 = arith.constant 1 : i32
        %and3A_71 = vector.broadcast %and3A_70 : i32 to vector<16xi32>
        %and3A_72 = arith.andi %get3A_58, %and3A_71 : vector<16xi32>
        %mul3A_73 = arith.constant 5120 : i32
        %mul3A_74 = vector.broadcast %mul3A_73 : i32 to vector<16xi32>
        %mul3A_75 = arith.muli %and3A_72, %mul3A_74 : vector<16xi32>
        %add3A_76 = arith.addi %shift_right_arithmetic3A_69, %mul3A_75 : vector<16xi32>
        %gather3A = tpu.vector_load_idx %arg9[%add3A_66] : memref<10240xi32, #tpu.memory_space<vmem>>[vector<16xi32>], vector<16xi32>,
        %gather3A_77 = tpu.vector_load_idx %arg9[%add3A_76] : memref<10240xi32, #tpu.memory_space<vmem>>[vector<16xi32>], vector<16xi32>,
        %mul3A_78 = arith.constant 128 : i32
        %mul3A_79 = vector.broadcast %mul3A_78 : i32 to vector<16xi32>
        %mul3A_80 = arith.muli %gather3A, %mul3A_79 : vector<16xi32>
        %add3A_81 = arith.addi %mul3A_80, %gather3A_77 : vector<16xi32>
        %gather3A_82 = tpu.vector_load_idx %arg10[%add3A_81] : memref<16384xi32, #tpu.memory_space<vmem>>[vector<16xi32>], vector<16xi32>,
        %shift_right_arithmetic3A_83 = arith.constant 1 : i32
        %shift_right_arithmetic3A_84 = vector.broadcast %shift_right_arithmetic3A_83 : i32 to vector<16xi32>
        %shift_right_arithmetic3A_85 = arith.shrsi %get3A_58, %shift_right_arithmetic3A_84 : vector<16xi32>
        %mul3A_86 = arith.constant 128 : i32
        %mul3A_87 = vector.broadcast %mul3A_86 : i32 to vector<16xi32>
        %mul3A_88 = arith.muli %shift_right_arithmetic3A_85, %mul3A_87 : vector<16xi32>
        %add3A_89 = arith.addi %mul3A_88, %gather3A_82 : vector<16xi32>
        %swap3A = arith.index_cast %scan3A_51 : i32 to index
        %swap3A_90 = arith.constant 0 : index
        %swap3A_91 = tpu.vector_load %arg11[%swap3A, %swap3A_90] {strides = array<i32>} : memref<16x128xi32, #tpu.memory_space<vmem>>, vector<16xi32>,
        tpu.vector_store %arg11[%swap3A, %swap3A_90], %add3A_89 {strides = array<i32>} : memref<16x128xi32, #tpu.memory_space<vmem>>, vector<16xi32>,
        %and3A_92 = arith.constant 1 : i32
        %and3A_93 = vector.broadcast %and3A_92 : i32 to vector<16xi32>
        %and3A_94 = arith.andi %get3A_58, %and3A_93 : vector<16xi32>
        %mul3A_95 = arith.constant 16 : i32
        %mul3A_96 = vector.broadcast %mul3A_95 : i32 to vector<16xi32>
        %mul3A_97 = arith.muli %and3A_94, %mul3A_96 : vector<16xi32>
        %shift_left3A = arith.constant 1 : i32
        %shift_left3A_98 = vector.broadcast %shift_left3A : i32 to vector<16xi32>
        %shift_left3A_99 = arith.shli %shift_left3A_98, %mul3A_97 : vector<16xi32>
        %swap3A_100 = arith.index_cast %scan3A_51 : i32 to index
        %swap3A_101 = arith.constant 0 : index
        %swap3A_102 = tpu.vector_load %arg12[%swap3A_100, %swap3A_101] {strides = array<i32>} : memref<16x128xi32, #tpu.memory_space<vmem>>, vector<16xi32>,
        tpu.vector_store %arg12[%swap3A_100, %swap3A_101], %shift_left3A_99 {strides = array<i32>} : memref<16x128xi32, #tpu.memory_space<vmem>>, vector<16xi32>,
        %mul3A_103 = arith.constant 128 : i32
        %mul3A_104 = arith.muli %scan3A_51, %mul3A_103 : i32
        %add3A_105 = arith.constant 16 : i32
        %add3A_106 = arith.addi %mul3A_104, %add3A_105 : i32
        %get3A_107 = arith.index_cast %add3A_106 : i32 to index
        %get3A_108 = tpu.vector_load %arg7[%get3A_107] {strides = array<i32>} : memref<2048xi32, #tpu.memory_space<vmem>>, vector<16xi32>,
        %get3A_109 = arith.index_cast %add3A_106 : i32 to index
        %get3A_110 = tpu.vector_load %arg8[%get3A_109] {strides = array<i32>} : memref<2048xi32, #tpu.memory_space<vmem>>, vector<16xi32>,
        %shift_right_arithmetic3A_111 = arith.constant 1 : i32
        %shift_right_arithmetic3A_112 = vector.broadcast %shift_right_arithmetic3A_111 : i32 to vector<16xi32>
        %shift_right_arithmetic3A_113 = arith.shrsi %get3A_108, %shift_right_arithmetic3A_112 : vector<16xi32>
        %and3A_114 = arith.constant 1 : i32
        %and3A_115 = vector.broadcast %and3A_114 : i32 to vector<16xi32>
        %and3A_116 = arith.andi %get3A_108, %and3A_115 : vector<16xi32>
        %mul3A_117 = arith.constant 5120 : i32
        %mul3A_118 = vector.broadcast %mul3A_117 : i32 to vector<16xi32>
        %mul3A_119 = arith.muli %and3A_116, %mul3A_118 : vector<16xi32>
        %add3A_120 = arith.addi %shift_right_arithmetic3A_113, %mul3A_119 : vector<16xi32>
        %shift_right_arithmetic3A_121 = arith.constant 1 : i32
        %shift_right_arithmetic3A_122 = vector.broadcast %shift_right_arithmetic3A_121 : i32 to vector<16xi32>
        %shift_right_arithmetic3A_123 = arith.shrsi %get3A_110, %shift_right_arithmetic3A_122 : vector<16xi32>
        %and3A_124 = arith.constant 1 : i32
        %and3A_125 = vector.broadcast %and3A_124 : i32 to vector<16xi32>
        %and3A_126 = arith.andi %get3A_110, %and3A_125 : vector<16xi32>
        %mul3A_127 = arith.constant 5120 : i32
        %mul3A_128 = vector.broadcast %mul3A_127 : i32 to vector<16xi32>
        %mul3A_129 = arith.muli %and3A_126, %mul3A_128 : vector<16xi32>
        %add3A_130 = arith.addi %shift_right_arithmetic3A_123, %mul3A_129 : vector<16xi32>
        %gather3A_131 = tpu.vector_load_idx %arg9[%add3A_120] : memref<10240xi32, #tpu.memory_space<vmem>>[vector<16xi32>], vector<16xi32>,
        %gather3A_132 = tpu.vector_load_idx %arg9[%add3A_130] : memref<10240xi32, #tpu.memory_space<vmem>>[vector<16xi32>], vector<16xi32>,
        %mul3A_133 = arith.constant 128 : i32
        %mul3A_134 = vector.broadcast %mul3A_133 : i32 to vector<16xi32>
        %mul3A_135 = arith.muli %gather3A_131, %mul3A_134 : vector<16xi32>
        %add3A_136 = arith.addi %mul3A_135, %gather3A_132 : vector<16xi32>
        %gather3A_137 = tpu.vector_load_idx %arg10[%add3A_136] : memref<16384xi32, #tpu.memory_space<vmem>>[vector<16xi32>], vector<16xi32>,
        %shift_right_arithmetic3A_138 = arith.constant 1 : i32
        %shift_right_arithmetic3A_139 = vector.broadcast %shift_right_arithmetic3A_138 : i32 to vector<16xi32>
        %shift_right_arithmetic3A_140 = arith.shrsi %get3A_110, %shift_right_arithmetic3A_139 : vector<16xi32>
        %mul3A_141 = arith.constant 128 : i32
        %mul3A_142 = vector.broadcast %mul3A_141 : i32 to vector<16xi32>
        %mul3A_143 = arith.muli %shift_right_arithmetic3A_140, %mul3A_142 : vector<16xi32>
        %add3A_144 = arith.addi %mul3A_143, %gather3A_137 : vector<16xi32>
        %swap3A_145 = arith.index_cast %scan3A_51 : i32 to index
        %swap3A_146 = arith.constant 16 : index
        %swap3A_147 = tpu.vector_load %arg11[%swap3A_145, %swap3A_146] {strides = array<i32>} : memref<16x128xi32, #tpu.memory_space<vmem>>, vector<16xi32>,
        tpu.vector_store %arg11[%swap3A_145, %swap3A_146], %add3A_144 {strides = array<i32>} : memref<16x128xi32, #tpu.memory_space<vmem>>, vector<16xi32>,
        %and3A_148 = arith.constant 1 : i32
        %and3A_149 = vector.broadcast %and3A_148 : i32 to vector<16xi32>
        %and3A_150 = arith.andi %get3A_110, %and3A_149 : vector<16xi32>
        %mul3A_151 = arith.constant 16 : i32
        %mul3A_152 = vector.broadcast %mul3A_151 : i32 to vector<16xi32>
        %mul3A_153 = arith.muli %and3A_150, %mul3A_152 : vector<16xi32>
        %shift_left3A_154 = arith.constant 1 : i32
        %shift_left3A_155 = vector.broadcast %shift_left3A_154 : i32 to vector<16xi32>
        %shift_left3A_156 = arith.shli %shift_left3A_155, %mul3A_153 : vector<16xi32>
        %swap3A_157 = arith.index_cast %scan3A_51 : i32 to index
        %swap3A_158 = arith.constant 16 : index
        %swap3A_159 = tpu.vector_load %arg12[%swap3A_157, %swap3A_158] {strides = array<i32>} : memref<16x128xi32, #tpu.memory_space<vmem>>, vector<16xi32>,
        tpu.vector_store %arg12[%swap3A_157, %swap3A_158], %shift_left3A_156 {strides = array<i32>} : memref<16x128xi32, #tpu.memory_space<vmem>>, vector<16xi32>,
        %mul3A_160 = arith.constant 128 : i32
        %mul3A_161 = arith.muli %scan3A_51, %mul3A_160 : i32
        %add3A_162 = arith.constant 32 : i32
        %add3A_163 = arith.addi %mul3A_161, %add3A_162 : i32
        %get3A_164 = arith.index_cast %add3A_163 : i32 to index
        %get3A_165 = tpu.vector_load %arg7[%get3A_164] {strides = array<i32>} : memref<2048xi32, #tpu.memory_space<vmem>>, vector<16xi32>,
        %get3A_166 = arith.index_cast %add3A_163 : i32 to index
        %get3A_167 = tpu.vector_load %arg8[%get3A_166] {strides = array<i32>} : memref<2048xi32, #tpu.memory_space<vmem>>, vector<16xi32>,
        %shift_right_arithmetic3A_168 = arith.constant 1 : i32
        %shift_right_arithmetic3A_169 = vector.broadcast %shift_right_arithmetic3A_168 : i32 to vector<16xi32>
        %shift_right_arithmetic3A_170 = arith.shrsi %get3A_165, %shift_right_arithmetic3A_169 : vector<16xi32>
        %and3A_171 = arith.constant 1 : i32
        %and3A_172 = vector.broadcast %and3A_171 : i32 to vector<16xi32>
        %and3A_173 = arith.andi %get3A_165, %and3A_172 : vector<16xi32>
        %mul3A_174 = arith.constant 5120 : i32
        %mul3A_175 = vector.broadcast %mul3A_174 : i32 to vector<16xi32>
        %mul3A_176 = arith.muli %and3A_173, %mul3A_175 : vector<16xi32>
        %add3A_177 = arith.addi %shift_right_arithmetic3A_170, %mul3A_176 : vector<16xi32>
        %shift_right_arithmetic3A_178 = arith.constant 1 : i32
        %shift_right_arithmetic3A_179 = vector.broadcast %shift_right_arithmetic3A_178 : i32 to vector<16xi32>
        %shift_right_arithmetic3A_180 = arith.shrsi %get3A_167, %shift_right_arithmetic3A_179 : vector<16xi32>
        %and3A_181 = arith.constant 1 : i32
        %and3A_182 = vector.broadcast %and3A_181 : i32 to vector<16xi32>
        %and3A_183 = arith.andi %get3A_167, %and3A_182 : vector<16xi32>
        %mul3A_184 = arith.constant 5120 : i32
        %mul3A_185 = vector.broadcast %mul3A_184 : i32 to vector<16xi32>
        %mul3A_186 = arith.muli %and3A_183, %mul3A_185 : vector<16xi32>
        %add3A_187 = arith.addi %shift_right_arithmetic3A_180, %mul3A_186 : vector<16xi32>
        %gather3A_188 = tpu.vector_load_idx %arg9[%add3A_177] : memref<10240xi32, #tpu.memory_space<vmem>>[vector<16xi32>], vector<16xi32>,
        %gather3A_189 = tpu.vector_load_idx %arg9[%add3A_187] : memref<10240xi32, #tpu.memory_space<vmem>>[vector<16xi32>], vector<16xi32>,
        %mul3A_190 = arith.constant 128 : i32
        %mul3A_191 = vector.broadcast %mul3A_190 : i32 to vector<16xi32>
        %mul3A_192 = arith.muli %gather3A_188, %mul3A_191 : vector<16xi32>
        %add3A_193 = arith.addi %mul3A_192, %gather3A_189 : vector<16xi32>
        %gather3A_194 = tpu.vector_load_idx %arg10[%add3A_193] : memref<16384xi32, #tpu.memory_space<vmem>>[vector<16xi32>], vector<16xi32>,
        %shift_right_arithmetic3A_195 = arith.constant 1 : i32
        %shift_right_arithmetic3A_196 = vector.broadcast %shift_right_arithmetic3A_195 : i32 to vector<16xi32>
        %shift_right_arithmetic3A_197 = arith.shrsi %get3A_167, %shift_right_arithmetic3A_196 : vector<16xi32>
        %mul3A_198 = arith.constant 128 : i32
        %mul3A_199 = vector.broadcast %mul3A_198 : i32 to vector<16xi32>
        %mul3A_200 = arith.muli %shift_right_arithmetic3A_197, %mul3A_199 : vector<16xi32>
        %add3A_201 = arith.addi %mul3A_200, %gather3A_194 : vector<16xi32>
        %swap3A_202 = arith.index_cast %scan3A_51 : i32 to index
        %swap3A_203 = arith.constant 32 : index
        %swap3A_204 = tpu.vector_load %arg11[%swap3A_202, %swap3A_203] {strides = array<i32>} : memref<16x128xi32, #tpu.memory_space<vmem>>, vector<16xi32>,
        tpu.vector_store %arg11[%swap3A_202, %swap3A_203], %add3A_201 {strides = array<i32>} : memref<16x128xi32, #tpu.memory_space<vmem>>, vector<16xi32>,
        %and3A_205 = arith.constant 1 : i32
        %and3A_206 = vector.broadcast %and3A_205 : i32 to vector<16xi32>
        %and3A_207 = arith.andi %get3A_167, %and3A_206 : vector<16xi32>
        %mul3A_208 = arith.constant 16 : i32
        %mul3A_209 = vector.broadcast %mul3A_208 : i32 to vector<16xi32>
        %mul3A_210 = arith.muli %and3A_207, %mul3A_209 : vector<16xi32>
        %shift_left3A_211 = arith.constant 1 : i32
        %shift_left3A_212 = vector.broadcast %shift_left3A_211 : i32 to vector<16xi32>
        %shift_left3A_213 = arith.shli %shift_left3A_212, %mul3A_210 : vector<16xi32>
        %swap3A_214 = arith.index_cast %scan3A_51 : i32 to index
        %swap3A_215 = arith.constant 32 : index
        %swap3A_216 = tpu.vector_load %arg12[%swap3A_214, %swap3A_215] {strides = array<i32>} : memref<16x128xi32, #tpu.memory_space<vmem>>, vector<16xi32>,
        tpu.vector_store %arg12[%swap3A_214, %swap3A_215], %shift_left3A_213 {strides = array<i32>} : memref<16x128xi32, #tpu.memory_space<vmem>>, vector<16xi32>,
        %mul3A_217 = arith.constant 128 : i32
        %mul3A_218 = arith.muli %scan3A_51, %mul3A_217 : i32
        %add3A_219 = arith.constant 48 : i32
        %add3A_220 = arith.addi %mul3A_218, %add3A_219 : i32
        %get3A_221 = arith.index_cast %add3A_220 : i32 to index
        %get3A_222 = tpu.vector_load %arg7[%get3A_221] {strides = array<i32>} : memref<2048xi32, #tpu.memory_space<vmem>>, vector<16xi32>,
        %get3A_223 = arith.index_cast %add3A_220 : i32 to index
        %get3A_224 = tpu.vector_load %arg8[%get3A_223] {strides = array<i32>} : memref<2048xi32, #tpu.memory_space<vmem>>, vector<16xi32>,
        %shift_right_arithmetic3A_225 = arith.constant 1 : i32
        %shift_right_arithmetic3A_226 = vector.broadcast %shift_right_arithmetic3A_225 : i32 to vector<16xi32>
        %shift_right_arithmetic3A_227 = arith.shrsi %get3A_222, %shift_right_arithmetic3A_226 : vector<16xi32>
        %and3A_228 = arith.constant 1 : i32
        %and3A_229 = vector.broadcast %and3A_228 : i32 to vector<16xi32>
        %and3A_230 = arith.andi %get3A_222, %and3A_229 : vector<16xi32>
        %mul3A_231 = arith.constant 5120 : i32
        %mul3A_232 = vector.broadcast %mul3A_231 : i32 to vector<16xi32>
        %mul3A_233 = arith.muli %and3A_230, %mul3A_232 : vector<16xi32>
        %add3A_234 = arith.addi %shift_right_arithmetic3A_227, %mul3A_233 : vector<16xi32>
        %shift_right_arithmetic3A_235 = arith.constant 1 : i32
        %shift_right_arithmetic3A_236 = vector.broadcast %shift_right_arithmetic3A_235 : i32 to vector<16xi32>
        %shift_right_arithmetic3A_237 = arith.shrsi %get3A_224, %shift_right_arithmetic3A_236 : vector<16xi32>
        %and3A_238 = arith.constant 1 : i32
        %and3A_239 = vector.broadcast %and3A_238 : i32 to vector<16xi32>
        %and3A_240 = arith.andi %get3A_224, %and3A_239 : vector<16xi32>
        %mul3A_241 = arith.constant 5120 : i32
        %mul3A_242 = vector.broadcast %mul3A_241 : i32 to vector<16xi32>
        %mul3A_243 = arith.muli %and3A_240, %mul3A_242 : vector<16xi32>
        %add3A_244 = arith.addi %shift_right_arithmetic3A_237, %mul3A_243 : vector<16xi32>
        %gather3A_245 = tpu.vector_load_idx %arg9[%add3A_234] : memref<10240xi32, #tpu.memory_space<vmem>>[vector<16xi32>], vector<16xi32>,
        %gather3A_246 = tpu.vector_load_idx %arg9[%add3A_244] : memref<10240xi32, #tpu.memory_space<vmem>>[vector<16xi32>], vector<16xi32>,
        %mul3A_247 = arith.constant 128 : i32
        %mul3A_248 = vector.broadcast %mul3A_247 : i32 to vector<16xi32>
        %mul3A_249 = arith.muli %gather3A_245, %mul3A_248 : vector<16xi32>
        %add3A_250 = arith.addi %mul3A_249, %gather3A_246 : vector<16xi32>
        %gather3A_251 = tpu.vector_load_idx %arg10[%add3A_250] : memref<16384xi32, #tpu.memory_space<vmem>>[vector<16xi32>], vector<16xi32>,
        %shift_right_arithmetic3A_252 = arith.constant 1 : i32
        %shift_right_arithmetic3A_253 = vector.broadcast %shift_right_arithmetic3A_252 : i32 to vector<16xi32>
        %shift_right_arithmetic3A_254 = arith.shrsi %get3A_224, %shift_right_arithmetic3A_253 : vector<16xi32>
        %mul3A_255 = arith.constant 128 : i32
        %mul3A_256 = vector.broadcast %mul3A_255 : i32 to vector<16xi32>
        %mul3A_257 = arith.muli %shift_right_arithmetic3A_254, %mul3A_256 : vector<16xi32>
        %add3A_258 = arith.addi %mul3A_257, %gather3A_251 : vector<16xi32>
        %swap3A_259 = arith.index_cast %scan3A_51 : i32 to index
        %swap3A_260 = arith.constant 48 : index
        %swap3A_261 = tpu.vector_load %arg11[%swap3A_259, %swap3A_260] {strides = array<i32>} : memref<16x128xi32, #tpu.memory_space<vmem>>, vector<16xi32>,
        tpu.vector_store %arg11[%swap3A_259, %swap3A_260], %add3A_258 {strides = array<i32>} : memref<16x128xi32, #tpu.memory_space<vmem>>, vector<16xi32>,
        %and3A_262 = arith.constant 1 : i32
        %and3A_263 = vector.broadcast %and3A_262 : i32 to vector<16xi32>
        %and3A_264 = arith.andi %get3A_224, %and3A_263 : vector<16xi32>
        %mul3A_265 = arith.constant 16 : i32
        %mul3A_266 = vector.broadcast %mul3A_265 : i32 to vector<16xi32>
        %mul3A_267 = arith.muli %and3A_264, %mul3A_266 : vector<16xi32>
        %shift_left3A_268 = arith.constant 1 : i32
        %shift_left3A_269 = vector.broadcast %shift_left3A_268 : i32 to vector<16xi32>
        %shift_left3A_270 = arith.shli %shift_left3A_269, %mul3A_267 : vector<16xi32>
        %swap3A_271 = arith.index_cast %scan3A_51 : i32 to index
        %swap3A_272 = arith.constant 48 : index
        %swap3A_273 = tpu.vector_load %arg12[%swap3A_271, %swap3A_272] {strides = array<i32>} : memref<16x128xi32, #tpu.memory_space<vmem>>, vector<16xi32>,
        tpu.vector_store %arg12[%swap3A_271, %swap3A_272], %shift_left3A_270 {strides = array<i32>} : memref<16x128xi32, #tpu.memory_space<vmem>>, vector<16xi32>,
        %mul3A_274 = arith.constant 128 : i32
        %mul3A_275 = arith.muli %scan3A_51, %mul3A_274 : i32
        %add3A_276 = arith.constant 64 : i32
        %add3A_277 = arith.addi %mul3A_275, %add3A_276 : i32
        %get3A_278 = arith.index_cast %add3A_277 : i32 to index
        %get3A_279 = tpu.vector_load %arg7[%get3A_278] {strides = array<i32>} : memref<2048xi32, #tpu.memory_space<vmem>>, vector<16xi32>,
        %get3A_280 = arith.index_cast %add3A_277 : i32 to index
        %get3A_281 = tpu.vector_load %arg8[%get3A_280] {strides = array<i32>} : memref<2048xi32, #tpu.memory_space<vmem>>, vector<16xi32>,
        %shift_right_arithmetic3A_282 = arith.constant 1 : i32
        %shift_right_arithmetic3A_283 = vector.broadcast %shift_right_arithmetic3A_282 : i32 to vector<16xi32>
        %shift_right_arithmetic3A_284 = arith.shrsi %get3A_279, %shift_right_arithmetic3A_283 : vector<16xi32>
        %and3A_285 = arith.constant 1 : i32
        %and3A_286 = vector.broadcast %and3A_285 : i32 to vector<16xi32>
        %and3A_287 = arith.andi %get3A_279, %and3A_286 : vector<16xi32>
        %mul3A_288 = arith.constant 5120 : i32
        %mul3A_289 = vector.broadcast %mul3A_288 : i32 to vector<16xi32>
        %mul3A_290 = arith.muli %and3A_287, %mul3A_289 : vector<16xi32>
        %add3A_291 = arith.addi %shift_right_arithmetic3A_284, %mul3A_290 : vector<16xi32>
        %shift_right_arithmetic3A_292 = arith.constant 1 : i32
        %shift_right_arithmetic3A_293 = vector.broadcast %shift_right_arithmetic3A_292 : i32 to vector<16xi32>
        %shift_right_arithmetic3A_294 = arith.shrsi %get3A_281, %shift_right_arithmetic3A_293 : vector<16xi32>
        %and3A_295 = arith.constant 1 : i32
        %and3A_296 = vector.broadcast %and3A_295 : i32 to vector<16xi32>
        %and3A_297 = arith.andi %get3A_281, %and3A_296 : vector<16xi32>
        %mul3A_298 = arith.constant 5120 : i32
        %mul3A_299 = vector.broadcast %mul3A_298 : i32 to vector<16xi32>
        %mul3A_300 = arith.muli %and3A_297, %mul3A_299 : vector<16xi32>
        %add3A_301 = arith.addi %shift_right_arithmetic3A_294, %mul3A_300 : vector<16xi32>
        %gather3A_302 = tpu.vector_load_idx %arg9[%add3A_291] : memref<10240xi32, #tpu.memory_space<vmem>>[vector<16xi32>], vector<16xi32>,
        %gather3A_303 = tpu.vector_load_idx %arg9[%add3A_301] : memref<10240xi32, #tpu.memory_space<vmem>>[vector<16xi32>], vector<16xi32>,
        %mul3A_304 = arith.constant 128 : i32
        %mul3A_305 = vector.broadcast %mul3A_304 : i32 to vector<16xi32>
        %mul3A_306 = arith.muli %gather3A_302, %mul3A_305 : vector<16xi32>
        %add3A_307 = arith.addi %mul3A_306, %gather3A_303 : vector<16xi32>
        %gather3A_308 = tpu.vector_load_idx %arg10[%add3A_307] : memref<16384xi32, #tpu.memory_space<vmem>>[vector<16xi32>], vector<16xi32>,
        %shift_right_arithmetic3A_309 = arith.constant 1 : i32
        %shift_right_arithmetic3A_310 = vector.broadcast %shift_right_arithmetic3A_309 : i32 to vector<16xi32>
        %shift_right_arithmetic3A_311 = arith.shrsi %get3A_281, %shift_right_arithmetic3A_310 : vector<16xi32>
        %mul3A_312 = arith.constant 128 : i32
        %mul3A_313 = vector.broadcast %mul3A_312 : i32 to vector<16xi32>
        %mul3A_314 = arith.muli %shift_right_arithmetic3A_311, %mul3A_313 : vector<16xi32>
        %add3A_315 = arith.addi %mul3A_314, %gather3A_308 : vector<16xi32>
        %swap3A_316 = arith.index_cast %scan3A_51 : i32 to index
        %swap3A_317 = arith.constant 64 : index
        %swap3A_318 = tpu.vector_load %arg11[%swap3A_316, %swap3A_317] {strides = array<i32>} : memref<16x128xi32, #tpu.memory_space<vmem>>, vector<16xi32>,
        tpu.vector_store %arg11[%swap3A_316, %swap3A_317], %add3A_315 {strides = array<i32>} : memref<16x128xi32, #tpu.memory_space<vmem>>, vector<16xi32>,
        %and3A_319 = arith.constant 1 : i32
        %and3A_320 = vector.broadcast %and3A_319 : i32 to vector<16xi32>
        %and3A_321 = arith.andi %get3A_281, %and3A_320 : vector<16xi32>
        %mul3A_322 = arith.constant 16 : i32
        %mul3A_323 = vector.broadcast %mul3A_322 : i32 to vector<16xi32>
        %mul3A_324 = arith.muli %and3A_321, %mul3A_323 : vector<16xi32>
        %shift_left3A_325 = arith.constant 1 : i32
        %shift_left3A_326 = vector.broadcast %shift_left3A_325 : i32 to vector<16xi32>
        %shift_left3A_327 = arith.shli %shift_left3A_326, %mul3A_324 : vector<16xi32>
        %swap3A_328 = arith.index_cast %scan3A_51 : i32 to index
        %swap3A_329 = arith.constant 64 : index
        %swap3A_330 = tpu.vector_load %arg12[%swap3A_328, %swap3A_329] {strides = array<i32>} : memref<16x128xi32, #tpu.memory_space<vmem>>, vector<16xi32>,
        tpu.vector_store %arg12[%swap3A_328, %swap3A_329], %shift_left3A_327 {strides = array<i32>} : memref<16x128xi32, #tpu.memory_space<vmem>>, vector<16xi32>,
        %mul3A_331 = arith.constant 128 : i32
        %mul3A_332 = arith.muli %scan3A_51, %mul3A_331 : i32
        %add3A_333 = arith.constant 80 : i32
        %add3A_334 = arith.addi %mul3A_332, %add3A_333 : i32
        %get3A_335 = arith.index_cast %add3A_334 : i32 to index
        %get3A_336 = tpu.vector_load %arg7[%get3A_335] {strides = array<i32>} : memref<2048xi32, #tpu.memory_space<vmem>>, vector<16xi32>,
        %get3A_337 = arith.index_cast %add3A_334 : i32 to index
        %get3A_338 = tpu.vector_load %arg8[%get3A_337] {strides = array<i32>} : memref<2048xi32, #tpu.memory_space<vmem>>, vector<16xi32>,
        %shift_right_arithmetic3A_339 = arith.constant 1 : i32
        %shift_right_arithmetic3A_340 = vector.broadcast %shift_right_arithmetic3A_339 : i32 to vector<16xi32>
        %shift_right_arithmetic3A_341 = arith.shrsi %get3A_336, %shift_right_arithmetic3A_340 : vector<16xi32>
        %and3A_342 = arith.constant 1 : i32
        %and3A_343 = vector.broadcast %and3A_342 : i32 to vector<16xi32>
        %and3A_344 = arith.andi %get3A_336, %and3A_343 : vector<16xi32>
        %mul3A_345 = arith.constant 5120 : i32
        %mul3A_346 = vector.broadcast %mul3A_345 : i32 to vector<16xi32>
        %mul3A_347 = arith.muli %and3A_344, %mul3A_346 : vector<16xi32>
        %add3A_348 = arith.addi %shift_right_arithmetic3A_341, %mul3A_347 : vector<16xi32>
        %shift_right_arithmetic3A_349 = arith.constant 1 : i32
        %shift_right_arithmetic3A_350 = vector.broadcast %shift_right_arithmetic3A_349 : i32 to vector<16xi32>
        %shift_right_arithmetic3A_351 = arith.shrsi %get3A_338, %shift_right_arithmetic3A_350 : vector<16xi32>
        %and3A_352 = arith.constant 1 : i32
        %and3A_353 = vector.broadcast %and3A_352 : i32 to vector<16xi32>
        %and3A_354 = arith.andi %get3A_338, %and3A_353 : vector<16xi32>
        %mul3A_355 = arith.constant 5120 : i32
        %mul3A_356 = vector.broadcast %mul3A_355 : i32 to vector<16xi32>
        %mul3A_357 = arith.muli %and3A_354, %mul3A_356 : vector<16xi32>
        %add3A_358 = arith.addi %shift_right_arithmetic3A_351, %mul3A_357 : vector<16xi32>
        %gather3A_359 = tpu.vector_load_idx %arg9[%add3A_348] : memref<10240xi32, #tpu.memory_space<vmem>>[vector<16xi32>], vector<16xi32>,
        %gather3A_360 = tpu.vector_load_idx %arg9[%add3A_358] : memref<10240xi32, #tpu.memory_space<vmem>>[vector<16xi32>], vector<16xi32>,
        %mul3A_361 = arith.constant 128 : i32
        %mul3A_362 = vector.broadcast %mul3A_361 : i32 to vector<16xi32>
        %mul3A_363 = arith.muli %gather3A_359, %mul3A_362 : vector<16xi32>
        %add3A_364 = arith.addi %mul3A_363, %gather3A_360 : vector<16xi32>
        %gather3A_365 = tpu.vector_load_idx %arg10[%add3A_364] : memref<16384xi32, #tpu.memory_space<vmem>>[vector<16xi32>], vector<16xi32>,
        %shift_right_arithmetic3A_366 = arith.constant 1 : i32
        %shift_right_arithmetic3A_367 = vector.broadcast %shift_right_arithmetic3A_366 : i32 to vector<16xi32>
        %shift_right_arithmetic3A_368 = arith.shrsi %get3A_338, %shift_right_arithmetic3A_367 : vector<16xi32>
        %mul3A_369 = arith.constant 128 : i32
        %mul3A_370 = vector.broadcast %mul3A_369 : i32 to vector<16xi32>
        %mul3A_371 = arith.muli %shift_right_arithmetic3A_368, %mul3A_370 : vector<16xi32>
        %add3A_372 = arith.addi %mul3A_371, %gather3A_365 : vector<16xi32>
        %swap3A_373 = arith.index_cast %scan3A_51 : i32 to index
        %swap3A_374 = arith.constant 80 : index
        %swap3A_375 = tpu.vector_load %arg11[%swap3A_373, %swap3A_374] {strides = array<i32>} : memref<16x128xi32, #tpu.memory_space<vmem>>, vector<16xi32>,
        tpu.vector_store %arg11[%swap3A_373, %swap3A_374], %add3A_372 {strides = array<i32>} : memref<16x128xi32, #tpu.memory_space<vmem>>, vector<16xi32>,
        %and3A_376 = arith.constant 1 : i32
        %and3A_377 = vector.broadcast %and3A_376 : i32 to vector<16xi32>
        %and3A_378 = arith.andi %get3A_338, %and3A_377 : vector<16xi32>
        %mul3A_379 = arith.constant 16 : i32
        %mul3A_380 = vector.broadcast %mul3A_379 : i32 to vector<16xi32>
        %mul3A_381 = arith.muli %and3A_378, %mul3A_380 : vector<16xi32>
        %shift_left3A_382 = arith.constant 1 : i32
        %shift_left3A_383 = vector.broadcast %shift_left3A_382 : i32 to vector<16xi32>
        %shift_left3A_384 = arith.shli %shift_left3A_383, %mul3A_381 : vector<16xi32>
        %swap3A_385 = arith.index_cast %scan3A_51 : i32 to index
        %swap3A_386 = arith.constant 80 : index
        %swap3A_387 = tpu.vector_load %arg12[%swap3A_385, %swap3A_386] {strides = array<i32>} : memref<16x128xi32, #tpu.memory_space<vmem>>, vector<16xi32>,
        tpu.vector_store %arg12[%swap3A_385, %swap3A_386], %shift_left3A_384 {strides = array<i32>} : memref<16x128xi32, #tpu.memory_space<vmem>>, vector<16xi32>,
        %mul3A_388 = arith.constant 128 : i32
        %mul3A_389 = arith.muli %scan3A_51, %mul3A_388 : i32
        %add3A_390 = arith.constant 96 : i32
        %add3A_391 = arith.addi %mul3A_389, %add3A_390 : i32
        %get3A_392 = arith.index_cast %add3A_391 : i32 to index
        %get3A_393 = tpu.vector_load %arg7[%get3A_392] {strides = array<i32>} : memref<2048xi32, #tpu.memory_space<vmem>>, vector<16xi32>,
        %get3A_394 = arith.index_cast %add3A_391 : i32 to index
        %get3A_395 = tpu.vector_load %arg8[%get3A_394] {strides = array<i32>} : memref<2048xi32, #tpu.memory_space<vmem>>, vector<16xi32>,
        %shift_right_arithmetic3A_396 = arith.constant 1 : i32
        %shift_right_arithmetic3A_397 = vector.broadcast %shift_right_arithmetic3A_396 : i32 to vector<16xi32>
        %shift_right_arithmetic3A_398 = arith.shrsi %get3A_393, %shift_right_arithmetic3A_397 : vector<16xi32>
        %and3A_399 = arith.constant 1 : i32
        %and3A_400 = vector.broadcast %and3A_399 : i32 to vector<16xi32>
        %and3A_401 = arith.andi %get3A_393, %and3A_400 : vector<16xi32>
        %mul3A_402 = arith.constant 5120 : i32
        %mul3A_403 = vector.broadcast %mul3A_402 : i32 to vector<16xi32>
        %mul3A_404 = arith.muli %and3A_401, %mul3A_403 : vector<16xi32>
        %add3A_405 = arith.addi %shift_right_arithmetic3A_398, %mul3A_404 : vector<16xi32>
        %shift_right_arithmetic3A_406 = arith.constant 1 : i32
        %shift_right_arithmetic3A_407 = vector.broadcast %shift_right_arithmetic3A_406 : i32 to vector<16xi32>
        %shift_right_arithmetic3A_408 = arith.shrsi %get3A_395, %shift_right_arithmetic3A_407 : vector<16xi32>
        %and3A_409 = arith.constant 1 : i32
        %and3A_410 = vector.broadcast %and3A_409 : i32 to vector<16xi32>
        %and3A_411 = arith.andi %get3A_395, %and3A_410 : vector<16xi32>
        %mul3A_412 = arith.constant 5120 : i32
        %mul3A_413 = vector.broadcast %mul3A_412 : i32 to vector<16xi32>
        %mul3A_414 = arith.muli %and3A_411, %mul3A_413 : vector<16xi32>
        %add3A_415 = arith.addi %shift_right_arithmetic3A_408, %mul3A_414 : vector<16xi32>
        %gather3A_416 = tpu.vector_load_idx %arg9[%add3A_405] : memref<10240xi32, #tpu.memory_space<vmem>>[vector<16xi32>], vector<16xi32>,
        %gather3A_417 = tpu.vector_load_idx %arg9[%add3A_415] : memref<10240xi32, #tpu.memory_space<vmem>>[vector<16xi32>], vector<16xi32>,
        %mul3A_418 = arith.constant 128 : i32
        %mul3A_419 = vector.broadcast %mul3A_418 : i32 to vector<16xi32>
        %mul3A_420 = arith.muli %gather3A_416, %mul3A_419 : vector<16xi32>
        %add3A_421 = arith.addi %mul3A_420, %gather3A_417 : vector<16xi32>
        %gather3A_422 = tpu.vector_load_idx %arg10[%add3A_421] : memref<16384xi32, #tpu.memory_space<vmem>>[vector<16xi32>], vector<16xi32>,
        %shift_right_arithmetic3A_423 = arith.constant 1 : i32
        %shift_right_arithmetic3A_424 = vector.broadcast %shift_right_arithmetic3A_423 : i32 to vector<16xi32>
        %shift_right_arithmetic3A_425 = arith.shrsi %get3A_395, %shift_right_arithmetic3A_424 : vector<16xi32>
        %mul3A_426 = arith.constant 128 : i32
        %mul3A_427 = vector.broadcast %mul3A_426 : i32 to vector<16xi32>
        %mul3A_428 = arith.muli %shift_right_arithmetic3A_425, %mul3A_427 : vector<16xi32>
        %add3A_429 = arith.addi %mul3A_428, %gather3A_422 : vector<16xi32>
        %swap3A_430 = arith.index_cast %scan3A_51 : i32 to index
        %swap3A_431 = arith.constant 96 : index
        %swap3A_432 = tpu.vector_load %arg11[%swap3A_430, %swap3A_431] {strides = array<i32>} : memref<16x128xi32, #tpu.memory_space<vmem>>, vector<16xi32>,
        tpu.vector_store %arg11[%swap3A_430, %swap3A_431], %add3A_429 {strides = array<i32>} : memref<16x128xi32, #tpu.memory_space<vmem>>, vector<16xi32>,
        %and3A_433 = arith.constant 1 : i32
        %and3A_434 = vector.broadcast %and3A_433 : i32 to vector<16xi32>
        %and3A_435 = arith.andi %get3A_395, %and3A_434 : vector<16xi32>
        %mul3A_436 = arith.constant 16 : i32
        %mul3A_437 = vector.broadcast %mul3A_436 : i32 to vector<16xi32>
        %mul3A_438 = arith.muli %and3A_435, %mul3A_437 : vector<16xi32>
        %shift_left3A_439 = arith.constant 1 : i32
        %shift_left3A_440 = vector.broadcast %shift_left3A_439 : i32 to vector<16xi32>
        %shift_left3A_441 = arith.shli %shift_left3A_440, %mul3A_438 : vector<16xi32>
        %swap3A_442 = arith.index_cast %scan3A_51 : i32 to index
        %swap3A_443 = arith.constant 96 : index
        %swap3A_444 = tpu.vector_load %arg12[%swap3A_442, %swap3A_443] {strides = array<i32>} : memref<16x128xi32, #tpu.memory_space<vmem>>, vector<16xi32>,
        tpu.vector_store %arg12[%swap3A_442, %swap3A_443], %shift_left3A_441 {strides = array<i32>} : memref<16x128xi32, #tpu.memory_space<vmem>>, vector<16xi32>,
        %mul3A_445 = arith.constant 128 : i32
        %mul3A_446 = arith.muli %scan3A_51, %mul3A_445 : i32
        %add3A_447 = arith.constant 112 : i32
        %add3A_448 = arith.addi %mul3A_446, %add3A_447 : i32
        %get3A_449 = arith.index_cast %add3A_448 : i32 to index
        %get3A_450 = tpu.vector_load %arg7[%get3A_449] {strides = array<i32>} : memref<2048xi32, #tpu.memory_space<vmem>>, vector<16xi32>,
        %get3A_451 = arith.index_cast %add3A_448 : i32 to index
        %get3A_452 = tpu.vector_load %arg8[%get3A_451] {strides = array<i32>} : memref<2048xi32, #tpu.memory_space<vmem>>, vector<16xi32>,
        %shift_right_arithmetic3A_453 = arith.constant 1 : i32
        %shift_right_arithmetic3A_454 = vector.broadcast %shift_right_arithmetic3A_453 : i32 to vector<16xi32>
        %shift_right_arithmetic3A_455 = arith.shrsi %get3A_450, %shift_right_arithmetic3A_454 : vector<16xi32>
        %and3A_456 = arith.constant 1 : i32
        %and3A_457 = vector.broadcast %and3A_456 : i32 to vector<16xi32>
        %and3A_458 = arith.andi %get3A_450, %and3A_457 : vector<16xi32>
        %mul3A_459 = arith.constant 5120 : i32
        %mul3A_460 = vector.broadcast %mul3A_459 : i32 to vector<16xi32>
        %mul3A_461 = arith.muli %and3A_458, %mul3A_460 : vector<16xi32>
        %add3A_462 = arith.addi %shift_right_arithmetic3A_455, %mul3A_461 : vector<16xi32>
        %shift_right_arithmetic3A_463 = arith.constant 1 : i32
        %shift_right_arithmetic3A_464 = vector.broadcast %shift_right_arithmetic3A_463 : i32 to vector<16xi32>
        %shift_right_arithmetic3A_465 = arith.shrsi %get3A_452, %shift_right_arithmetic3A_464 : vector<16xi32>
        %and3A_466 = arith.constant 1 : i32
        %and3A_467 = vector.broadcast %and3A_466 : i32 to vector<16xi32>
        %and3A_468 = arith.andi %get3A_452, %and3A_467 : vector<16xi32>
        %mul3A_469 = arith.constant 5120 : i32
        %mul3A_470 = vector.broadcast %mul3A_469 : i32 to vector<16xi32>
        %mul3A_471 = arith.muli %and3A_468, %mul3A_470 : vector<16xi32>
        %add3A_472 = arith.addi %shift_right_arithmetic3A_465, %mul3A_471 : vector<16xi32>
        %gather3A_473 = tpu.vector_load_idx %arg9[%add3A_462] : memref<10240xi32, #tpu.memory_space<vmem>>[vector<16xi32>], vector<16xi32>,
        %gather3A_474 = tpu.vector_load_idx %arg9[%add3A_472] : memref<10240xi32, #tpu.memory_space<vmem>>[vector<16xi32>], vector<16xi32>,
        %mul3A_475 = arith.constant 128 : i32
        %mul3A_476 = vector.broadcast %mul3A_475 : i32 to vector<16xi32>
        %mul3A_477 = arith.muli %gather3A_473, %mul3A_476 : vector<16xi32>
        %add3A_478 = arith.addi %mul3A_477, %gather3A_474 : vector<16xi32>
        %gather3A_479 = tpu.vector_load_idx %arg10[%add3A_478] : memref<16384xi32, #tpu.memory_space<vmem>>[vector<16xi32>], vector<16xi32>,
        %shift_right_arithmetic3A_480 = arith.constant 1 : i32
        %shift_right_arithmetic3A_481 = vector.broadcast %shift_right_arithmetic3A_480 : i32 to vector<16xi32>
        %shift_right_arithmetic3A_482 = arith.shrsi %get3A_452, %shift_right_arithmetic3A_481 : vector<16xi32>
        %mul3A_483 = arith.constant 128 : i32
        %mul3A_484 = vector.broadcast %mul3A_483 : i32 to vector<16xi32>
        %mul3A_485 = arith.muli %shift_right_arithmetic3A_482, %mul3A_484 : vector<16xi32>
        %add3A_486 = arith.addi %mul3A_485, %gather3A_479 : vector<16xi32>
        %swap3A_487 = arith.index_cast %scan3A_51 : i32 to index
        %swap3A_488 = arith.constant 112 : index
        %swap3A_489 = tpu.vector_load %arg11[%swap3A_487, %swap3A_488] {strides = array<i32>} : memref<16x128xi32, #tpu.memory_space<vmem>>, vector<16xi32>,
        tpu.vector_store %arg11[%swap3A_487, %swap3A_488], %add3A_486 {strides = array<i32>} : memref<16x128xi32, #tpu.memory_space<vmem>>, vector<16xi32>,
        %and3A_490 = arith.constant 1 : i32
        %and3A_491 = vector.broadcast %and3A_490 : i32 to vector<16xi32>
        %and3A_492 = arith.andi %get3A_452, %and3A_491 : vector<16xi32>
        %mul3A_493 = arith.constant 16 : i32
        %mul3A_494 = vector.broadcast %mul3A_493 : i32 to vector<16xi32>
        %mul3A_495 = arith.muli %and3A_492, %mul3A_494 : vector<16xi32>
        %shift_left3A_496 = arith.constant 1 : i32
        %shift_left3A_497 = vector.broadcast %shift_left3A_496 : i32 to vector<16xi32>
        %shift_left3A_498 = arith.shli %shift_left3A_497, %mul3A_495 : vector<16xi32>
        %swap3A_499 = arith.index_cast %scan3A_51 : i32 to index
        %swap3A_500 = arith.constant 112 : index
        %swap3A_501 = tpu.vector_load %arg12[%swap3A_499, %swap3A_500] {strides = array<i32>} : memref<16x128xi32, #tpu.memory_space<vmem>>, vector<16xi32>,
        tpu.vector_store %arg12[%swap3A_499, %swap3A_500], %shift_left3A_498 {strides = array<i32>} : memref<16x128xi32, #tpu.memory_space<vmem>>, vector<16xi32>,
        %dma_start3A = arith.constant 0 : i32
        %dma_start3A_502 = tpu.memref_slice %arg12[%scan3A_51, %dma_start3A] : memref<16x128xi32, #tpu.memory_space<vmem>> -> memref<1x128xi32, #tpu.memory_space<vmem>>
        %dma_start3A_503 = tpu.memref_squeeze %dma_start3A_502 : memref<1x128xi32, #tpu.memory_space<vmem>> -> memref<128xi32, #tpu.memory_space<vmem>>
        %dma_start3A_504 = arith.constant 0 : i32
        %dma_start3A_505 = tpu.memref_slice %arg11[%scan3A_51, %dma_start3A_504] : memref<16x128xi32, #tpu.memory_space<vmem>> -> memref<1x128xi32, #tpu.memory_space<vmem>>
        %dma_start3A_506 = tpu.memref_squeeze %dma_start3A_505 : memref<1x128xi32, #tpu.memory_space<vmem>> -> memref<128xi32, #tpu.memory_space<vmem>>
        %dma_start3A_507 = arith.constant 0 : i32
        %dma_start3A_508 = tpu.memref_slice %arg14[%dma_start3A_507] : memref<655360xi32, #tpu.memory_space<vmem_shared>> -> memref<655360xi32, #tpu.memory_space<vmem_shared>>
        tpu.enqueue_indirect_dma source(%dma_start3A_503 : memref<128xi32, #tpu.memory_space<vmem>>) target(%dma_start3A_508 : memref<655360xi32, #tpu.memory_space<vmem_shared>>) offsets(%dma_start3A_506 : memref<128xi32, #tpu.memory_space<vmem>>) semaphore(%arg15 : memref<!tpu.dma_semaphore, #tpu.memory_space<semaphore_mem>>) {add = true}
      }
      %scan3A_44 = arith.constant 16 : i32
      %scan3A_45 = arith.constant 0 : i32
      %scan3A_46 = arith.constant 0 : i32
      %scan3A_47 = arith.constant 16 : i32
      %scan3A_48 = arith.addi %scan3A_46, %scan3A_47 : i32
      %scan3A_49 = arith.constant 1 : i32
      scf.for %scan3A_51 = %scan3A_46 to %scan3A_48 step %scan3A_49  : i32 {
        %dma_wait3A = arith.constant 0 : i32
        %dma_wait3A_52 = tpu.memref_slice %arg12[%scan3A_51, %dma_wait3A] : memref<16x128xi32, #tpu.memory_space<vmem>> -> memref<1x128xi32, #tpu.memory_space<vmem>>
        %dma_wait3A_53 = tpu.memref_squeeze %dma_wait3A_52 : memref<1x128xi32, #tpu.memory_space<vmem>> -> memref<128xi32, #tpu.memory_space<vmem>>
        %dma_wait3A_54 = arith.constant 0 : i32
        %dma_wait3A_55 = tpu.memref_slice %arg11[%scan3A_51, %dma_wait3A_54] : memref<16x128xi32, #tpu.memory_space<vmem>> -> memref<1x128xi32, #tpu.memory_space<vmem>>
        %dma_wait3A_56 = tpu.memref_squeeze %dma_wait3A_55 : memref<1x128xi32, #tpu.memory_space<vmem>> -> memref<128xi32, #tpu.memory_space<vmem>>
        %dma_wait3A_57 = arith.constant 0 : i32
        %dma_wait3A_58 = tpu.memref_slice %arg14[%dma_wait3A_57] : memref<655360xi32, #tpu.memory_space<vmem_shared>> -> memref<655360xi32, #tpu.memory_space<vmem_shared>>
        tpu.wait_indirect_dma semaphore(%arg15 : memref<!tpu.dma_semaphore, #tpu.memory_space<semaphore_mem>>) src(%dma_wait3A_53 : memref<128xi32, #tpu.memory_space<vmem>>) dst(%dma_wait3A_58 : memref<655360xi32, #tpu.memory_space<vmem_shared>>)
      }
      %scan3A_50 = arith.constant 16 : i32
    }
    %scan3A_26 = arith.constant 5 : i32
    %barrier3A_27 = arith.constant 0 : index
    tpu.barrier barrier_id(%barrier3A_27)
    %mul3A_28 = arith.constant 40960 : i32
    %mul3A_29 = arith.muli %arg1, %mul3A_28 : i32
    %mul3A_30 = arith.constant 655360 : i32
    %mul3A_31 = arith.muli %arg0, %mul3A_30 : i32
    %mul3A_32 = arith.constant 40960 : i32
    %mul3A_33 = arith.muli %arg1, %mul3A_32 : i32
    %add3A_34 = arith.addi %mul3A_31, %mul3A_33 : i32
    "tpu.region"() ({
      %run_scoped3A = tpu.sem_alloc : memref<!tpu.dma_semaphore, #tpu.memory_space<semaphore_mem>>
      %dma_start3A = tpu.memref_slice %arg6[%add3A_34] : memref<1310720xi32, #tpu.memory_space<hbm>> -> memref<40960xi32, #tpu.memory_space<hbm>>
      %dma_start3A_35 = tpu.memref_slice %arg14[%mul3A_29] : memref<655360xi32, #tpu.memory_space<vmem_shared>> -> memref<40960xi32, #tpu.memory_space<vmem_shared>>
      tpu.enqueue_dma source(%dma_start3A_35 : memref<40960xi32, #tpu.memory_space<vmem_shared>>) target(%dma_start3A : memref<40960xi32, #tpu.memory_space<hbm>>) target_semaphore(%run_scoped3A : memref<!tpu.dma_semaphore, #tpu.memory_space<semaphore_mem>>)
      %dma_wait3A = tpu.memref_slice %arg6[%add3A_34] : memref<1310720xi32, #tpu.memory_space<hbm>> -> memref<40960xi32, #tpu.memory_space<hbm>>
      %dma_wait3A_36 = tpu.memref_slice %arg14[%mul3A_29] : memref<655360xi32, #tpu.memory_space<vmem_shared>> -> memref<40960xi32, #tpu.memory_space<vmem_shared>>
      tpu.wait_dma2 semaphore(%run_scoped3A : memref<!tpu.dma_semaphore, #tpu.memory_space<semaphore_mem>>) src(%dma_wait3A_36 : memref<40960xi32, #tpu.memory_space<vmem_shared>>) dst(%dma_wait3A : memref<40960xi32, #tpu.memory_space<hbm>>)
      tpu.yield
    }) : () -> ()
    return
  }
}

#map = affine_map<(d0, d1) -> (0)>
module attributes {stable_mosaic.version = 14 : i64} {
  func.func @_sc_body(%arg0: i32, %arg1: i32, %arg2: memref<10240xi32, #tpu.memory_space<hbm>>, %arg3: memref<327680xi32, #tpu.memory_space<hbm>>, %arg4: memref<327680xi32, #tpu.memory_space<hbm>>, %arg5: memref<16384xi32, #tpu.memory_space<hbm>>, %arg6: memref<1310720xi32, #tpu.memory_space<hbm>>, %arg7: memref<2048xi32, #tpu.memory_space<vmem>>, %arg8: memref<2048xi32, #tpu.memory_space<vmem>>, %arg9: memref<10240xi32, #tpu.memory_space<vmem>>, %arg10: memref<16384xi32, #tpu.memory_space<vmem>>, %arg11: memref<16x128xi32, #tpu.memory_space<vmem>>, %arg12: memref<16x128xi32, #tpu.memory_space<vmem>>, %arg13: memref<2560xi32, #tpu.memory_space<vmem>>, %arg14: memref<655360xi32, #tpu.memory_space<vmem_shared>>, %arg15: memref<!tpu.dma_semaphore, #tpu.memory_space<semaphore_mem>>) attributes {dimension_semantics = [#tpu.dimension_semantics<core_parallel>, #tpu.dimension_semantics<subcore_parallel>], iteration_bounds = array<i64: 2, 16>, scalar_prefetch = 0 : i64, scratch_operands = 9 : i64, tpu.core_type = #tpu.core_type<sc_vector_subcore>, window_params = [{transform_indices = #map}, {transform_indices = #map}, {transform_indices = #map}, {transform_indices = #map}, {transform_indices = #map}]} {
    %broadcast_in_dim3A = arith.constant 0 : i32
    %broadcast_in_dim3A_0 = vector.broadcast %broadcast_in_dim3A : i32 to vector<16xi32>
    %scan3A = arith.constant 0 : i32
    %scan3A_1 = arith.constant 0 : i32
    %scan3A_2 = arith.constant 160 : i32
    %scan3A_3 = arith.addi %scan3A_1, %scan3A_2 : i32
    %scan3A_4 = arith.constant 1 : i32
    scf.for %scan3A_35 = %scan3A_1 to %scan3A_3 step %scan3A_4  : i32 {
      %mul3A_36 = arith.constant 16 : i32
      %mul3A_37 = arith.muli %scan3A_35, %mul3A_36 : i32
      %swap3A = arith.index_cast %mul3A_37 : i32 to index
      %swap3A_38 = tpu.vector_load %arg13[%swap3A] {strides = array<i32>} : memref<2560xi32, #tpu.memory_space<vmem>>, vector<16xi32>,
      tpu.vector_store %arg13[%swap3A], %broadcast_in_dim3A_0 {strides = array<i32>} : memref<2560xi32, #tpu.memory_space<vmem>>, vector<16xi32>,
    }
    %scan3A_5 = arith.constant 160 : i32
    %scan3A_6 = arith.constant 0 : i32
    %scan3A_7 = arith.constant 0 : i32
    %scan3A_8 = arith.constant 16 : i32
    %scan3A_9 = arith.addi %scan3A_7, %scan3A_8 : i32
    %scan3A_10 = arith.constant 1 : i32
    scf.for %scan3A_35 = %scan3A_7 to %scan3A_9 step %scan3A_10  : i32 {
      %mul3A_36 = arith.constant 16 : i32
      %mul3A_37 = arith.muli %arg1, %mul3A_36 : i32
      %add3A_38 = arith.addi %mul3A_37, %scan3A_35 : i32
      %mul3A_39 = arith.constant 2560 : i32
      %mul3A_40 = arith.muli %add3A_38, %mul3A_39 : i32
      %dma_start3A = tpu.memref_slice %arg14[%mul3A_40] : memref<655360xi32, #tpu.memory_space<vmem_shared>> -> memref<2560xi32, #tpu.memory_space<vmem_shared>>
      %dma_start3A_41 = tpu.memref_slice %arg14[%mul3A_40] : memref<655360xi32, #tpu.memory_space<vmem_shared>> -> memref<2560xi32, #tpu.memory_space<vmem_shared>>
      tpu.enqueue_dma source(%arg13 : memref<2560xi32, #tpu.memory_space<vmem>>) target(%dma_start3A_41 : memref<2560xi32, #tpu.memory_space<vmem_shared>>) target_semaphore(%arg15 : memref<!tpu.dma_semaphore, #tpu.memory_space<semaphore_mem>>)
    }
    %scan3A_11 = arith.constant 16 : i32
    %mul3A = arith.constant 163840 : i32
    %mul3A_12 = arith.muli %arg0, %mul3A : i32
    %mul3A_13 = arith.constant 10240 : i32
    %mul3A_14 = arith.muli %arg1, %mul3A_13 : i32
    %add3A = arith.addi %mul3A_12, %mul3A_14 : i32
    "tpu.region"() ({
      %run_scoped3A = tpu.sem_alloc : memref<!tpu.dma_semaphore, #tpu.memory_space<semaphore_mem>>
      tpu.enqueue_dma source(%arg2 : memref<10240xi32, #tpu.memory_space<hbm>>) target(%arg9 : memref<10240xi32, #tpu.memory_space<vmem>>) target_semaphore(%run_scoped3A : memref<!tpu.dma_semaphore, #tpu.memory_space<semaphore_mem>>)
      tpu.wait_dma2 semaphore(%run_scoped3A : memref<!tpu.dma_semaphore, #tpu.memory_space<semaphore_mem>>) src(%arg2 : memref<10240xi32, #tpu.memory_space<hbm>>) dst(%arg9 : memref<10240xi32, #tpu.memory_space<vmem>>)
      tpu.yield
    }) : () -> ()
    "tpu.region"() ({
      %run_scoped3A = tpu.sem_alloc : memref<!tpu.dma_semaphore, #tpu.memory_space<semaphore_mem>>
      tpu.enqueue_dma source(%arg5 : memref<16384xi32, #tpu.memory_space<hbm>>) target(%arg10 : memref<16384xi32, #tpu.memory_space<vmem>>) target_semaphore(%run_scoped3A : memref<!tpu.dma_semaphore, #tpu.memory_space<semaphore_mem>>)
      tpu.wait_dma2 semaphore(%run_scoped3A : memref<!tpu.dma_semaphore, #tpu.memory_space<semaphore_mem>>) src(%arg5 : memref<16384xi32, #tpu.memory_space<hbm>>) dst(%arg10 : memref<16384xi32, #tpu.memory_space<vmem>>)
      tpu.yield
    }) : () -> ()
    %scan3A_15 = arith.constant 0 : i32
    %scan3A_16 = arith.constant 0 : i32
    %scan3A_17 = arith.constant 16 : i32
    %scan3A_18 = arith.addi %scan3A_16, %scan3A_17 : i32
    %scan3A_19 = arith.constant 1 : i32
    scf.for %scan3A_35 = %scan3A_16 to %scan3A_18 step %scan3A_19  : i32 {
      %mul3A_36 = arith.constant 16 : i32
      %mul3A_37 = arith.muli %arg1, %mul3A_36 : i32
      %add3A_38 = arith.addi %mul3A_37, %scan3A_35 : i32
      %mul3A_39 = arith.constant 2560 : i32
      %mul3A_40 = arith.muli %add3A_38, %mul3A_39 : i32
      %dma_wait3A = tpu.memref_slice %arg14[%mul3A_40] : memref<655360xi32, #tpu.memory_space<vmem_shared>> -> memref<2560xi32, #tpu.memory_space<vmem_shared>>
      %dma_wait3A_41 = tpu.memref_slice %arg14[%mul3A_40] : memref<655360xi32, #tpu.memory_space<vmem_shared>> -> memref<2560xi32, #tpu.memory_space<vmem_shared>>
      tpu.wait_dma2 semaphore(%arg15 : memref<!tpu.dma_semaphore, #tpu.memory_space<semaphore_mem>>) src(%arg13 : memref<2560xi32, #tpu.memory_space<vmem>>) dst(%dma_wait3A_41 : memref<2560xi32, #tpu.memory_space<vmem_shared>>)
    }
    %scan3A_20 = arith.constant 16 : i32
    %barrier3A = arith.constant 0 : index
    tpu.barrier barrier_id(%barrier3A)
    %scan3A_21 = arith.constant 0 : i32
    %scan3A_22 = arith.constant 0 : i32
    %scan3A_23 = arith.constant 5 : i32
    %scan3A_24 = arith.addi %scan3A_22, %scan3A_23 : i32
    %scan3A_25 = arith.constant 1 : i32
    scf.for %scan3A_35 = %scan3A_22 to %scan3A_24 step %scan3A_25  : i32 {
      %mul3A_36 = arith.constant 2048 : i32
      %mul3A_37 = arith.muli %scan3A_35, %mul3A_36 : i32
      %add3A_38 = arith.addi %add3A, %mul3A_37 : i32
      "tpu.region"() ({
        %run_scoped3A = tpu.sem_alloc : memref<!tpu.dma_semaphore, #tpu.memory_space<semaphore_mem>>
        %dma_start3A = tpu.memref_slice %arg3[%add3A_38] : memref<327680xi32, #tpu.memory_space<hbm>> -> memref<2048xi32, #tpu.memory_space<hbm>>
        %dma_start3A_51 = tpu.memref_slice %arg3[%add3A_38] : memref<327680xi32, #tpu.memory_space<hbm>> -> memref<2048xi32, #tpu.memory_space<hbm>>
        tpu.enqueue_dma source(%dma_start3A_51 : memref<2048xi32, #tpu.memory_space<hbm>>) target(%arg7 : memref<2048xi32, #tpu.memory_space<vmem>>) target_semaphore(%run_scoped3A : memref<!tpu.dma_semaphore, #tpu.memory_space<semaphore_mem>>)
        %dma_wait3A = tpu.memref_slice %arg3[%add3A_38] : memref<327680xi32, #tpu.memory_space<hbm>> -> memref<2048xi32, #tpu.memory_space<hbm>>
        %dma_wait3A_52 = tpu.memref_slice %arg3[%add3A_38] : memref<327680xi32, #tpu.memory_space<hbm>> -> memref<2048xi32, #tpu.memory_space<hbm>>
        tpu.wait_dma2 semaphore(%run_scoped3A : memref<!tpu.dma_semaphore, #tpu.memory_space<semaphore_mem>>) src(%dma_wait3A_52 : memref<2048xi32, #tpu.memory_space<hbm>>) dst(%arg7 : memref<2048xi32, #tpu.memory_space<vmem>>)
        tpu.yield
      }) : () -> ()
      "tpu.region"() ({
        %run_scoped3A = tpu.sem_alloc : memref<!tpu.dma_semaphore, #tpu.memory_space<semaphore_mem>>
        %dma_start3A = tpu.memref_slice %arg4[%add3A_38] : memref<327680xi32, #tpu.memory_space<hbm>> -> memref<2048xi32, #tpu.memory_space<hbm>>
        %dma_start3A_51 = tpu.memref_slice %arg4[%add3A_38] : memref<327680xi32, #tpu.memory_space<hbm>> -> memref<2048xi32, #tpu.memory_space<hbm>>
        tpu.enqueue_dma source(%dma_start3A_51 : memref<2048xi32, #tpu.memory_space<hbm>>) target(%arg8 : memref<2048xi32, #tpu.memory_space<vmem>>) target_semaphore(%run_scoped3A : memref<!tpu.dma_semaphore, #tpu.memory_space<semaphore_mem>>)
        %dma_wait3A = tpu.memref_slice %arg4[%add3A_38] : memref<327680xi32, #tpu.memory_space<hbm>> -> memref<2048xi32, #tpu.memory_space<hbm>>
        %dma_wait3A_52 = tpu.memref_slice %arg4[%add3A_38] : memref<327680xi32, #tpu.memory_space<hbm>> -> memref<2048xi32, #tpu.memory_space<hbm>>
        tpu.wait_dma2 semaphore(%run_scoped3A : memref<!tpu.dma_semaphore, #tpu.memory_space<semaphore_mem>>) src(%dma_wait3A_52 : memref<2048xi32, #tpu.memory_space<hbm>>) dst(%arg8 : memref<2048xi32, #tpu.memory_space<vmem>>)
        tpu.yield
      }) : () -> ()
      %scan3A_39 = arith.constant 0 : i32
      %scan3A_40 = arith.constant 0 : i32
      %scan3A_41 = arith.constant 16 : i32
      %scan3A_42 = arith.addi %scan3A_40, %scan3A_41 : i32
      %scan3A_43 = arith.constant 1 : i32
      scf.for %scan3A_51 = %scan3A_40 to %scan3A_42 step %scan3A_43  : i32 {
        %mul3A_52 = arith.constant 128 : i32
        %mul3A_53 = arith.muli %scan3A_51, %mul3A_52 : i32
        %add3A_54 = arith.constant 0 : i32
        %add3A_55 = arith.addi %mul3A_53, %add3A_54 : i32
        %get3A = arith.index_cast %add3A_55 : i32 to index
        %get3A_56 = tpu.vector_load %arg7[%get3A] {strides = array<i32>} : memref<2048xi32, #tpu.memory_space<vmem>>, vector<16xi32>,
        %get3A_57 = arith.index_cast %add3A_55 : i32 to index
        %get3A_58 = tpu.vector_load %arg8[%get3A_57] {strides = array<i32>} : memref<2048xi32, #tpu.memory_space<vmem>>, vector<16xi32>,
        %shift_right_arithmetic3A = arith.constant 1 : i32
        %shift_right_arithmetic3A_59 = vector.broadcast %shift_right_arithmetic3A : i32 to vector<16xi32>
        %shift_right_arithmetic3A_60 = arith.shrsi %get3A_56, %shift_right_arithmetic3A_59 : vector<16xi32>
        %and3A = arith.constant 1 : i32
        %and3A_61 = vector.broadcast %and3A : i32 to vector<16xi32>
        %and3A_62 = arith.andi %get3A_56, %and3A_61 : vector<16xi32>
        %mul3A_63 = arith.constant 5120 : i32
        %mul3A_64 = vector.broadcast %mul3A_63 : i32 to vector<16xi32>
        %mul3A_65 = arith.muli %and3A_62, %mul3A_64 : vector<16xi32>
        %add3A_66 = arith.addi %shift_right_arithmetic3A_60, %mul3A_65 : vector<16xi32>
        %shift_right_arithmetic3A_67 = arith.constant 1 : i32
        %shift_right_arithmetic3A_68 = vector.broadcast %shift_right_arithmetic3A_67 : i32 to vector<16xi32>
        %shift_right_arithmetic3A_69 = arith.shrsi %get3A_58, %shift_right_arithmetic3A_68 : vector<16xi32>
        %and3A_70 = arith.constant 1 : i32
        %and3A_71 = vector.broadcast %and3A_70 : i32 to vector<16xi32>
        %and3A_72 = arith.andi %get3A_58, %and3A_71 : vector<16xi32>
        %mul3A_73 = arith.constant 5120 : i32
        %mul3A_74 = vector.broadcast %mul3A_73 : i32 to vector<16xi32>
        %mul3A_75 = arith.muli %and3A_72, %mul3A_74 : vector<16xi32>
        %add3A_76 = arith.addi %shift_right_arithmetic3A_69, %mul3A_75 : vector<16xi32>
        %gather3A = tpu.vector_load_idx %arg9[%add3A_66] : memref<10240xi32, #tpu.memory_space<vmem>>[vector<16xi32>], vector<16xi32>,
        %gather3A_77 = tpu.vector_load_idx %arg9[%add3A_76] : memref<10240xi32, #tpu.memory_space<vmem>>[vector<16xi32>], vector<16xi32>,
        %mul3A_78 = arith.constant 128 : i32
        %mul3A_79 = vector.broadcast %mul3A_78 : i32 to vector<16xi32>
        %mul3A_80 = arith.muli %gather3A, %mul3A_79 : vector<16xi32>
        %add3A_81 = arith.addi %mul3A_80, %gather3A_77 : vector<16xi32>
        %gather3A_82 = tpu.vector_load_idx %arg10[%add3A_81] : memref<16384xi32, #tpu.memory_space<vmem>>[vector<16xi32>], vector<16xi32>,
        %shift_right_arithmetic3A_83 = arith.constant 1 : i32
        %shift_right_arithmetic3A_84 = vector.broadcast %shift_right_arithmetic3A_83 : i32 to vector<16xi32>
        %shift_right_arithmetic3A_85 = arith.shrsi %get3A_58, %shift_right_arithmetic3A_84 : vector<16xi32>
        %mul3A_86 = arith.constant 128 : i32
        %mul3A_87 = vector.broadcast %mul3A_86 : i32 to vector<16xi32>
        %mul3A_88 = arith.muli %shift_right_arithmetic3A_85, %mul3A_87 : vector<16xi32>
        %add3A_89 = arith.addi %mul3A_88, %gather3A_82 : vector<16xi32>
        %swap3A = arith.index_cast %scan3A_51 : i32 to index
        %swap3A_90 = arith.constant 0 : index
        %swap3A_91 = tpu.vector_load %arg11[%swap3A, %swap3A_90] {strides = array<i32>} : memref<16x128xi32, #tpu.memory_space<vmem>>, vector<16xi32>,
        tpu.vector_store %arg11[%swap3A, %swap3A_90], %add3A_89 {strides = array<i32>} : memref<16x128xi32, #tpu.memory_space<vmem>>, vector<16xi32>,
        %and3A_92 = arith.constant 1 : i32
        %and3A_93 = vector.broadcast %and3A_92 : i32 to vector<16xi32>
        %and3A_94 = arith.andi %get3A_58, %and3A_93 : vector<16xi32>
        %mul3A_95 = arith.constant 16 : i32
        %mul3A_96 = vector.broadcast %mul3A_95 : i32 to vector<16xi32>
        %mul3A_97 = arith.muli %and3A_94, %mul3A_96 : vector<16xi32>
        %shift_left3A = arith.constant 1 : i32
        %shift_left3A_98 = vector.broadcast %shift_left3A : i32 to vector<16xi32>
        %shift_left3A_99 = arith.shli %shift_left3A_98, %mul3A_97 : vector<16xi32>
        %swap3A_100 = arith.index_cast %scan3A_51 : i32 to index
        %swap3A_101 = arith.constant 0 : index
        %swap3A_102 = tpu.vector_load %arg12[%swap3A_100, %swap3A_101] {strides = array<i32>} : memref<16x128xi32, #tpu.memory_space<vmem>>, vector<16xi32>,
        tpu.vector_store %arg12[%swap3A_100, %swap3A_101], %shift_left3A_99 {strides = array<i32>} : memref<16x128xi32, #tpu.memory_space<vmem>>, vector<16xi32>,
        %mul3A_103 = arith.constant 128 : i32
        %mul3A_104 = arith.muli %scan3A_51, %mul3A_103 : i32
        %add3A_105 = arith.constant 16 : i32
        %add3A_106 = arith.addi %mul3A_104, %add3A_105 : i32
        %get3A_107 = arith.index_cast %add3A_106 : i32 to index
        %get3A_108 = tpu.vector_load %arg7[%get3A_107] {strides = array<i32>} : memref<2048xi32, #tpu.memory_space<vmem>>, vector<16xi32>,
        %get3A_109 = arith.index_cast %add3A_106 : i32 to index
        %get3A_110 = tpu.vector_load %arg8[%get3A_109] {strides = array<i32>} : memref<2048xi32, #tpu.memory_space<vmem>>, vector<16xi32>,
        %shift_right_arithmetic3A_111 = arith.constant 1 : i32
        %shift_right_arithmetic3A_112 = vector.broadcast %shift_right_arithmetic3A_111 : i32 to vector<16xi32>
        %shift_right_arithmetic3A_113 = arith.shrsi %get3A_108, %shift_right_arithmetic3A_112 : vector<16xi32>
        %and3A_114 = arith.constant 1 : i32
        %and3A_115 = vector.broadcast %and3A_114 : i32 to vector<16xi32>
        %and3A_116 = arith.andi %get3A_108, %and3A_115 : vector<16xi32>
        %mul3A_117 = arith.constant 5120 : i32
        %mul3A_118 = vector.broadcast %mul3A_117 : i32 to vector<16xi32>
        %mul3A_119 = arith.muli %and3A_116, %mul3A_118 : vector<16xi32>
        %add3A_120 = arith.addi %shift_right_arithmetic3A_113, %mul3A_119 : vector<16xi32>
        %shift_right_arithmetic3A_121 = arith.constant 1 : i32
        %shift_right_arithmetic3A_122 = vector.broadcast %shift_right_arithmetic3A_121 : i32 to vector<16xi32>
        %shift_right_arithmetic3A_123 = arith.shrsi %get3A_110, %shift_right_arithmetic3A_122 : vector<16xi32>
        %and3A_124 = arith.constant 1 : i32
        %and3A_125 = vector.broadcast %and3A_124 : i32 to vector<16xi32>
        %and3A_126 = arith.andi %get3A_110, %and3A_125 : vector<16xi32>
        %mul3A_127 = arith.constant 5120 : i32
        %mul3A_128 = vector.broadcast %mul3A_127 : i32 to vector<16xi32>
        %mul3A_129 = arith.muli %and3A_126, %mul3A_128 : vector<16xi32>
        %add3A_130 = arith.addi %shift_right_arithmetic3A_123, %mul3A_129 : vector<16xi32>
        %gather3A_131 = tpu.vector_load_idx %arg9[%add3A_120] : memref<10240xi32, #tpu.memory_space<vmem>>[vector<16xi32>], vector<16xi32>,
        %gather3A_132 = tpu.vector_load_idx %arg9[%add3A_130] : memref<10240xi32, #tpu.memory_space<vmem>>[vector<16xi32>], vector<16xi32>,
        %mul3A_133 = arith.constant 128 : i32
        %mul3A_134 = vector.broadcast %mul3A_133 : i32 to vector<16xi32>
        %mul3A_135 = arith.muli %gather3A_131, %mul3A_134 : vector<16xi32>
        %add3A_136 = arith.addi %mul3A_135, %gather3A_132 : vector<16xi32>
        %gather3A_137 = tpu.vector_load_idx %arg10[%add3A_136] : memref<16384xi32, #tpu.memory_space<vmem>>[vector<16xi32>], vector<16xi32>,
        %shift_right_arithmetic3A_138 = arith.constant 1 : i32
        %shift_right_arithmetic3A_139 = vector.broadcast %shift_right_arithmetic3A_138 : i32 to vector<16xi32>
        %shift_right_arithmetic3A_140 = arith.shrsi %get3A_110, %shift_right_arithmetic3A_139 : vector<16xi32>
        %mul3A_141 = arith.constant 128 : i32
        %mul3A_142 = vector.broadcast %mul3A_141 : i32 to vector<16xi32>
        %mul3A_143 = arith.muli %shift_right_arithmetic3A_140, %mul3A_142 : vector<16xi32>
        %add3A_144 = arith.addi %mul3A_143, %gather3A_137 : vector<16xi32>
        %swap3A_145 = arith.index_cast %scan3A_51 : i32 to index
        %swap3A_146 = arith.constant 16 : index
        %swap3A_147 = tpu.vector_load %arg11[%swap3A_145, %swap3A_146] {strides = array<i32>} : memref<16x128xi32, #tpu.memory_space<vmem>>, vector<16xi32>,
        tpu.vector_store %arg11[%swap3A_145, %swap3A_146], %add3A_144 {strides = array<i32>} : memref<16x128xi32, #tpu.memory_space<vmem>>, vector<16xi32>,
        %and3A_148 = arith.constant 1 : i32
        %and3A_149 = vector.broadcast %and3A_148 : i32 to vector<16xi32>
        %and3A_150 = arith.andi %get3A_110, %and3A_149 : vector<16xi32>
        %mul3A_151 = arith.constant 16 : i32
        %mul3A_152 = vector.broadcast %mul3A_151 : i32 to vector<16xi32>
        %mul3A_153 = arith.muli %and3A_150, %mul3A_152 : vector<16xi32>
        %shift_left3A_154 = arith.constant 1 : i32
        %shift_left3A_155 = vector.broadcast %shift_left3A_154 : i32 to vector<16xi32>
        %shift_left3A_156 = arith.shli %shift_left3A_155, %mul3A_153 : vector<16xi32>
        %swap3A_157 = arith.index_cast %scan3A_51 : i32 to index
        %swap3A_158 = arith.constant 16 : index
        %swap3A_159 = tpu.vector_load %arg12[%swap3A_157, %swap3A_158] {strides = array<i32>} : memref<16x128xi32, #tpu.memory_space<vmem>>, vector<16xi32>,
        tpu.vector_store %arg12[%swap3A_157, %swap3A_158], %shift_left3A_156 {strides = array<i32>} : memref<16x128xi32, #tpu.memory_space<vmem>>, vector<16xi32>,
        %mul3A_160 = arith.constant 128 : i32
        %mul3A_161 = arith.muli %scan3A_51, %mul3A_160 : i32
        %add3A_162 = arith.constant 32 : i32
        %add3A_163 = arith.addi %mul3A_161, %add3A_162 : i32
        %get3A_164 = arith.index_cast %add3A_163 : i32 to index
        %get3A_165 = tpu.vector_load %arg7[%get3A_164] {strides = array<i32>} : memref<2048xi32, #tpu.memory_space<vmem>>, vector<16xi32>,
        %get3A_166 = arith.index_cast %add3A_163 : i32 to index
        %get3A_167 = tpu.vector_load %arg8[%get3A_166] {strides = array<i32>} : memref<2048xi32, #tpu.memory_space<vmem>>, vector<16xi32>,
        %shift_right_arithmetic3A_168 = arith.constant 1 : i32
        %shift_right_arithmetic3A_169 = vector.broadcast %shift_right_arithmetic3A_168 : i32 to vector<16xi32>
        %shift_right_arithmetic3A_170 = arith.shrsi %get3A_165, %shift_right_arithmetic3A_169 : vector<16xi32>
        %and3A_171 = arith.constant 1 : i32
        %and3A_172 = vector.broadcast %and3A_171 : i32 to vector<16xi32>
        %and3A_173 = arith.andi %get3A_165, %and3A_172 : vector<16xi32>
        %mul3A_174 = arith.constant 5120 : i32
        %mul3A_175 = vector.broadcast %mul3A_174 : i32 to vector<16xi32>
        %mul3A_176 = arith.muli %and3A_173, %mul3A_175 : vector<16xi32>
        %add3A_177 = arith.addi %shift_right_arithmetic3A_170, %mul3A_176 : vector<16xi32>
        %shift_right_arithmetic3A_178 = arith.constant 1 : i32
        %shift_right_arithmetic3A_179 = vector.broadcast %shift_right_arithmetic3A_178 : i32 to vector<16xi32>
        %shift_right_arithmetic3A_180 = arith.shrsi %get3A_167, %shift_right_arithmetic3A_179 : vector<16xi32>
        %and3A_181 = arith.constant 1 : i32
        %and3A_182 = vector.broadcast %and3A_181 : i32 to vector<16xi32>
        %and3A_183 = arith.andi %get3A_167, %and3A_182 : vector<16xi32>
        %mul3A_184 = arith.constant 5120 : i32
        %mul3A_185 = vector.broadcast %mul3A_184 : i32 to vector<16xi32>
        %mul3A_186 = arith.muli %and3A_183, %mul3A_185 : vector<16xi32>
        %add3A_187 = arith.addi %shift_right_arithmetic3A_180, %mul3A_186 : vector<16xi32>
        %gather3A_188 = tpu.vector_load_idx %arg9[%add3A_177] : memref<10240xi32, #tpu.memory_space<vmem>>[vector<16xi32>], vector<16xi32>,
        %gather3A_189 = tpu.vector_load_idx %arg9[%add3A_187] : memref<10240xi32, #tpu.memory_space<vmem>>[vector<16xi32>], vector<16xi32>,
        %mul3A_190 = arith.constant 128 : i32
        %mul3A_191 = vector.broadcast %mul3A_190 : i32 to vector<16xi32>
        %mul3A_192 = arith.muli %gather3A_188, %mul3A_191 : vector<16xi32>
        %add3A_193 = arith.addi %mul3A_192, %gather3A_189 : vector<16xi32>
        %gather3A_194 = tpu.vector_load_idx %arg10[%add3A_193] : memref<16384xi32, #tpu.memory_space<vmem>>[vector<16xi32>], vector<16xi32>,
        %shift_right_arithmetic3A_195 = arith.constant 1 : i32
        %shift_right_arithmetic3A_196 = vector.broadcast %shift_right_arithmetic3A_195 : i32 to vector<16xi32>
        %shift_right_arithmetic3A_197 = arith.shrsi %get3A_167, %shift_right_arithmetic3A_196 : vector<16xi32>
        %mul3A_198 = arith.constant 128 : i32
        %mul3A_199 = vector.broadcast %mul3A_198 : i32 to vector<16xi32>
        %mul3A_200 = arith.muli %shift_right_arithmetic3A_197, %mul3A_199 : vector<16xi32>
        %add3A_201 = arith.addi %mul3A_200, %gather3A_194 : vector<16xi32>
        %swap3A_202 = arith.index_cast %scan3A_51 : i32 to index
        %swap3A_203 = arith.constant 32 : index
        %swap3A_204 = tpu.vector_load %arg11[%swap3A_202, %swap3A_203] {strides = array<i32>} : memref<16x128xi32, #tpu.memory_space<vmem>>, vector<16xi32>,
        tpu.vector_store %arg11[%swap3A_202, %swap3A_203], %add3A_201 {strides = array<i32>} : memref<16x128xi32, #tpu.memory_space<vmem>>, vector<16xi32>,
        %and3A_205 = arith.constant 1 : i32
        %and3A_206 = vector.broadcast %and3A_205 : i32 to vector<16xi32>
        %and3A_207 = arith.andi %get3A_167, %and3A_206 : vector<16xi32>
        %mul3A_208 = arith.constant 16 : i32
        %mul3A_209 = vector.broadcast %mul3A_208 : i32 to vector<16xi32>
        %mul3A_210 = arith.muli %and3A_207, %mul3A_209 : vector<16xi32>
        %shift_left3A_211 = arith.constant 1 : i32
        %shift_left3A_212 = vector.broadcast %shift_left3A_211 : i32 to vector<16xi32>
        %shift_left3A_213 = arith.shli %shift_left3A_212, %mul3A_210 : vector<16xi32>
        %swap3A_214 = arith.index_cast %scan3A_51 : i32 to index
        %swap3A_215 = arith.constant 32 : index
        %swap3A_216 = tpu.vector_load %arg12[%swap3A_214, %swap3A_215] {strides = array<i32>} : memref<16x128xi32, #tpu.memory_space<vmem>>, vector<16xi32>,
        tpu.vector_store %arg12[%swap3A_214, %swap3A_215], %shift_left3A_213 {strides = array<i32>} : memref<16x128xi32, #tpu.memory_space<vmem>>, vector<16xi32>,
        %mul3A_217 = arith.constant 128 : i32
        %mul3A_218 = arith.muli %scan3A_51, %mul3A_217 : i32
        %add3A_219 = arith.constant 48 : i32
        %add3A_220 = arith.addi %mul3A_218, %add3A_219 : i32
        %get3A_221 = arith.index_cast %add3A_220 : i32 to index
        %get3A_222 = tpu.vector_load %arg7[%get3A_221] {strides = array<i32>} : memref<2048xi32, #tpu.memory_space<vmem>>, vector<16xi32>,
        %get3A_223 = arith.index_cast %add3A_220 : i32 to index
        %get3A_224 = tpu.vector_load %arg8[%get3A_223] {strides = array<i32>} : memref<2048xi32, #tpu.memory_space<vmem>>, vector<16xi32>,
        %shift_right_arithmetic3A_225 = arith.constant 1 : i32
        %shift_right_arithmetic3A_226 = vector.broadcast %shift_right_arithmetic3A_225 : i32 to vector<16xi32>
        %shift_right_arithmetic3A_227 = arith.shrsi %get3A_222, %shift_right_arithmetic3A_226 : vector<16xi32>
        %and3A_228 = arith.constant 1 : i32
        %and3A_229 = vector.broadcast %and3A_228 : i32 to vector<16xi32>
        %and3A_230 = arith.andi %get3A_222, %and3A_229 : vector<16xi32>
        %mul3A_231 = arith.constant 5120 : i32
        %mul3A_232 = vector.broadcast %mul3A_231 : i32 to vector<16xi32>
        %mul3A_233 = arith.muli %and3A_230, %mul3A_232 : vector<16xi32>
        %add3A_234 = arith.addi %shift_right_arithmetic3A_227, %mul3A_233 : vector<16xi32>
        %shift_right_arithmetic3A_235 = arith.constant 1 : i32
        %shift_right_arithmetic3A_236 = vector.broadcast %shift_right_arithmetic3A_235 : i32 to vector<16xi32>
        %shift_right_arithmetic3A_237 = arith.shrsi %get3A_224, %shift_right_arithmetic3A_236 : vector<16xi32>
        %and3A_238 = arith.constant 1 : i32
        %and3A_239 = vector.broadcast %and3A_238 : i32 to vector<16xi32>
        %and3A_240 = arith.andi %get3A_224, %and3A_239 : vector<16xi32>
        %mul3A_241 = arith.constant 5120 : i32
        %mul3A_242 = vector.broadcast %mul3A_241 : i32 to vector<16xi32>
        %mul3A_243 = arith.muli %and3A_240, %mul3A_242 : vector<16xi32>
        %add3A_244 = arith.addi %shift_right_arithmetic3A_237, %mul3A_243 : vector<16xi32>
        %gather3A_245 = tpu.vector_load_idx %arg9[%add3A_234] : memref<10240xi32, #tpu.memory_space<vmem>>[vector<16xi32>], vector<16xi32>,
        %gather3A_246 = tpu.vector_load_idx %arg9[%add3A_244] : memref<10240xi32, #tpu.memory_space<vmem>>[vector<16xi32>], vector<16xi32>,
        %mul3A_247 = arith.constant 128 : i32
        %mul3A_248 = vector.broadcast %mul3A_247 : i32 to vector<16xi32>
        %mul3A_249 = arith.muli %gather3A_245, %mul3A_248 : vector<16xi32>
        %add3A_250 = arith.addi %mul3A_249, %gather3A_246 : vector<16xi32>
        %gather3A_251 = tpu.vector_load_idx %arg10[%add3A_250] : memref<16384xi32, #tpu.memory_space<vmem>>[vector<16xi32>], vector<16xi32>,
        %shift_right_arithmetic3A_252 = arith.constant 1 : i32
        %shift_right_arithmetic3A_253 = vector.broadcast %shift_right_arithmetic3A_252 : i32 to vector<16xi32>
        %shift_right_arithmetic3A_254 = arith.shrsi %get3A_224, %shift_right_arithmetic3A_253 : vector<16xi32>
        %mul3A_255 = arith.constant 128 : i32
        %mul3A_256 = vector.broadcast %mul3A_255 : i32 to vector<16xi32>
        %mul3A_257 = arith.muli %shift_right_arithmetic3A_254, %mul3A_256 : vector<16xi32>
        %add3A_258 = arith.addi %mul3A_257, %gather3A_251 : vector<16xi32>
        %swap3A_259 = arith.index_cast %scan3A_51 : i32 to index
        %swap3A_260 = arith.constant 48 : index
        %swap3A_261 = tpu.vector_load %arg11[%swap3A_259, %swap3A_260] {strides = array<i32>} : memref<16x128xi32, #tpu.memory_space<vmem>>, vector<16xi32>,
        tpu.vector_store %arg11[%swap3A_259, %swap3A_260], %add3A_258 {strides = array<i32>} : memref<16x128xi32, #tpu.memory_space<vmem>>, vector<16xi32>,
        %and3A_262 = arith.constant 1 : i32
        %and3A_263 = vector.broadcast %and3A_262 : i32 to vector<16xi32>
        %and3A_264 = arith.andi %get3A_224, %and3A_263 : vector<16xi32>
        %mul3A_265 = arith.constant 16 : i32
        %mul3A_266 = vector.broadcast %mul3A_265 : i32 to vector<16xi32>
        %mul3A_267 = arith.muli %and3A_264, %mul3A_266 : vector<16xi32>
        %shift_left3A_268 = arith.constant 1 : i32
        %shift_left3A_269 = vector.broadcast %shift_left3A_268 : i32 to vector<16xi32>
        %shift_left3A_270 = arith.shli %shift_left3A_269, %mul3A_267 : vector<16xi32>
        %swap3A_271 = arith.index_cast %scan3A_51 : i32 to index
        %swap3A_272 = arith.constant 48 : index
        %swap3A_273 = tpu.vector_load %arg12[%swap3A_271, %swap3A_272] {strides = array<i32>} : memref<16x128xi32, #tpu.memory_space<vmem>>, vector<16xi32>,
        tpu.vector_store %arg12[%swap3A_271, %swap3A_272], %shift_left3A_270 {strides = array<i32>} : memref<16x128xi32, #tpu.memory_space<vmem>>, vector<16xi32>,
        %mul3A_274 = arith.constant 128 : i32
        %mul3A_275 = arith.muli %scan3A_51, %mul3A_274 : i32
        %add3A_276 = arith.constant 64 : i32
        %add3A_277 = arith.addi %mul3A_275, %add3A_276 : i32
        %get3A_278 = arith.index_cast %add3A_277 : i32 to index
        %get3A_279 = tpu.vector_load %arg7[%get3A_278] {strides = array<i32>} : memref<2048xi32, #tpu.memory_space<vmem>>, vector<16xi32>,
        %get3A_280 = arith.index_cast %add3A_277 : i32 to index
        %get3A_281 = tpu.vector_load %arg8[%get3A_280] {strides = array<i32>} : memref<2048xi32, #tpu.memory_space<vmem>>, vector<16xi32>,
        %shift_right_arithmetic3A_282 = arith.constant 1 : i32
        %shift_right_arithmetic3A_283 = vector.broadcast %shift_right_arithmetic3A_282 : i32 to vector<16xi32>
        %shift_right_arithmetic3A_284 = arith.shrsi %get3A_279, %shift_right_arithmetic3A_283 : vector<16xi32>
        %and3A_285 = arith.constant 1 : i32
        %and3A_286 = vector.broadcast %and3A_285 : i32 to vector<16xi32>
        %and3A_287 = arith.andi %get3A_279, %and3A_286 : vector<16xi32>
        %mul3A_288 = arith.constant 5120 : i32
        %mul3A_289 = vector.broadcast %mul3A_288 : i32 to vector<16xi32>
        %mul3A_290 = arith.muli %and3A_287, %mul3A_289 : vector<16xi32>
        %add3A_291 = arith.addi %shift_right_arithmetic3A_284, %mul3A_290 : vector<16xi32>
        %shift_right_arithmetic3A_292 = arith.constant 1 : i32
        %shift_right_arithmetic3A_293 = vector.broadcast %shift_right_arithmetic3A_292 : i32 to vector<16xi32>
        %shift_right_arithmetic3A_294 = arith.shrsi %get3A_281, %shift_right_arithmetic3A_293 : vector<16xi32>
        %and3A_295 = arith.constant 1 : i32
        %and3A_296 = vector.broadcast %and3A_295 : i32 to vector<16xi32>
        %and3A_297 = arith.andi %get3A_281, %and3A_296 : vector<16xi32>
        %mul3A_298 = arith.constant 5120 : i32
        %mul3A_299 = vector.broadcast %mul3A_298 : i32 to vector<16xi32>
        %mul3A_300 = arith.muli %and3A_297, %mul3A_299 : vector<16xi32>
        %add3A_301 = arith.addi %shift_right_arithmetic3A_294, %mul3A_300 : vector<16xi32>
        %gather3A_302 = tpu.vector_load_idx %arg9[%add3A_291] : memref<10240xi32, #tpu.memory_space<vmem>>[vector<16xi32>], vector<16xi32>,
        %gather3A_303 = tpu.vector_load_idx %arg9[%add3A_301] : memref<10240xi32, #tpu.memory_space<vmem>>[vector<16xi32>], vector<16xi32>,
        %mul3A_304 = arith.constant 128 : i32
        %mul3A_305 = vector.broadcast %mul3A_304 : i32 to vector<16xi32>
        %mul3A_306 = arith.muli %gather3A_302, %mul3A_305 : vector<16xi32>
        %add3A_307 = arith.addi %mul3A_306, %gather3A_303 : vector<16xi32>
        %gather3A_308 = tpu.vector_load_idx %arg10[%add3A_307] : memref<16384xi32, #tpu.memory_space<vmem>>[vector<16xi32>], vector<16xi32>,
        %shift_right_arithmetic3A_309 = arith.constant 1 : i32
        %shift_right_arithmetic3A_310 = vector.broadcast %shift_right_arithmetic3A_309 : i32 to vector<16xi32>
        %shift_right_arithmetic3A_311 = arith.shrsi %get3A_281, %shift_right_arithmetic3A_310 : vector<16xi32>
        %mul3A_312 = arith.constant 128 : i32
        %mul3A_313 = vector.broadcast %mul3A_312 : i32 to vector<16xi32>
        %mul3A_314 = arith.muli %shift_right_arithmetic3A_311, %mul3A_313 : vector<16xi32>
        %add3A_315 = arith.addi %mul3A_314, %gather3A_308 : vector<16xi32>
        %swap3A_316 = arith.index_cast %scan3A_51 : i32 to index
        %swap3A_317 = arith.constant 64 : index
        %swap3A_318 = tpu.vector_load %arg11[%swap3A_316, %swap3A_317] {strides = array<i32>} : memref<16x128xi32, #tpu.memory_space<vmem>>, vector<16xi32>,
        tpu.vector_store %arg11[%swap3A_316, %swap3A_317], %add3A_315 {strides = array<i32>} : memref<16x128xi32, #tpu.memory_space<vmem>>, vector<16xi32>,
        %and3A_319 = arith.constant 1 : i32
        %and3A_320 = vector.broadcast %and3A_319 : i32 to vector<16xi32>
        %and3A_321 = arith.andi %get3A_281, %and3A_320 : vector<16xi32>
        %mul3A_322 = arith.constant 16 : i32
        %mul3A_323 = vector.broadcast %mul3A_322 : i32 to vector<16xi32>
        %mul3A_324 = arith.muli %and3A_321, %mul3A_323 : vector<16xi32>
        %shift_left3A_325 = arith.constant 1 : i32
        %shift_left3A_326 = vector.broadcast %shift_left3A_325 : i32 to vector<16xi32>
        %shift_left3A_327 = arith.shli %shift_left3A_326, %mul3A_324 : vector<16xi32>
        %swap3A_328 = arith.index_cast %scan3A_51 : i32 to index
        %swap3A_329 = arith.constant 64 : index
        %swap3A_330 = tpu.vector_load %arg12[%swap3A_328, %swap3A_329] {strides = array<i32>} : memref<16x128xi32, #tpu.memory_space<vmem>>, vector<16xi32>,
        tpu.vector_store %arg12[%swap3A_328, %swap3A_329], %shift_left3A_327 {strides = array<i32>} : memref<16x128xi32, #tpu.memory_space<vmem>>, vector<16xi32>,
        %mul3A_331 = arith.constant 128 : i32
        %mul3A_332 = arith.muli %scan3A_51, %mul3A_331 : i32
        %add3A_333 = arith.constant 80 : i32
        %add3A_334 = arith.addi %mul3A_332, %add3A_333 : i32
        %get3A_335 = arith.index_cast %add3A_334 : i32 to index
        %get3A_336 = tpu.vector_load %arg7[%get3A_335] {strides = array<i32>} : memref<2048xi32, #tpu.memory_space<vmem>>, vector<16xi32>,
        %get3A_337 = arith.index_cast %add3A_334 : i32 to index
        %get3A_338 = tpu.vector_load %arg8[%get3A_337] {strides = array<i32>} : memref<2048xi32, #tpu.memory_space<vmem>>, vector<16xi32>,
        %shift_right_arithmetic3A_339 = arith.constant 1 : i32
        %shift_right_arithmetic3A_340 = vector.broadcast %shift_right_arithmetic3A_339 : i32 to vector<16xi32>
        %shift_right_arithmetic3A_341 = arith.shrsi %get3A_336, %shift_right_arithmetic3A_340 : vector<16xi32>
        %and3A_342 = arith.constant 1 : i32
        %and3A_343 = vector.broadcast %and3A_342 : i32 to vector<16xi32>
        %and3A_344 = arith.andi %get3A_336, %and3A_343 : vector<16xi32>
        %mul3A_345 = arith.constant 5120 : i32
        %mul3A_346 = vector.broadcast %mul3A_345 : i32 to vector<16xi32>
        %mul3A_347 = arith.muli %and3A_344, %mul3A_346 : vector<16xi32>
        %add3A_348 = arith.addi %shift_right_arithmetic3A_341, %mul3A_347 : vector<16xi32>
        %shift_right_arithmetic3A_349 = arith.constant 1 : i32
        %shift_right_arithmetic3A_350 = vector.broadcast %shift_right_arithmetic3A_349 : i32 to vector<16xi32>
        %shift_right_arithmetic3A_351 = arith.shrsi %get3A_338, %shift_right_arithmetic3A_350 : vector<16xi32>
        %and3A_352 = arith.constant 1 : i32
        %and3A_353 = vector.broadcast %and3A_352 : i32 to vector<16xi32>
        %and3A_354 = arith.andi %get3A_338, %and3A_353 : vector<16xi32>
        %mul3A_355 = arith.constant 5120 : i32
        %mul3A_356 = vector.broadcast %mul3A_355 : i32 to vector<16xi32>
        %mul3A_357 = arith.muli %and3A_354, %mul3A_356 : vector<16xi32>
        %add3A_358 = arith.addi %shift_right_arithmetic3A_351, %mul3A_357 : vector<16xi32>
        %gather3A_359 = tpu.vector_load_idx %arg9[%add3A_348] : memref<10240xi32, #tpu.memory_space<vmem>>[vector<16xi32>], vector<16xi32>,
        %gather3A_360 = tpu.vector_load_idx %arg9[%add3A_358] : memref<10240xi32, #tpu.memory_space<vmem>>[vector<16xi32>], vector<16xi32>,
        %mul3A_361 = arith.constant 128 : i32
        %mul3A_362 = vector.broadcast %mul3A_361 : i32 to vector<16xi32>
        %mul3A_363 = arith.muli %gather3A_359, %mul3A_362 : vector<16xi32>
        %add3A_364 = arith.addi %mul3A_363, %gather3A_360 : vector<16xi32>
        %gather3A_365 = tpu.vector_load_idx %arg10[%add3A_364] : memref<16384xi32, #tpu.memory_space<vmem>>[vector<16xi32>], vector<16xi32>,
        %shift_right_arithmetic3A_366 = arith.constant 1 : i32
        %shift_right_arithmetic3A_367 = vector.broadcast %shift_right_arithmetic3A_366 : i32 to vector<16xi32>
        %shift_right_arithmetic3A_368 = arith.shrsi %get3A_338, %shift_right_arithmetic3A_367 : vector<16xi32>
        %mul3A_369 = arith.constant 128 : i32
        %mul3A_370 = vector.broadcast %mul3A_369 : i32 to vector<16xi32>
        %mul3A_371 = arith.muli %shift_right_arithmetic3A_368, %mul3A_370 : vector<16xi32>
        %add3A_372 = arith.addi %mul3A_371, %gather3A_365 : vector<16xi32>
        %swap3A_373 = arith.index_cast %scan3A_51 : i32 to index
        %swap3A_374 = arith.constant 80 : index
        %swap3A_375 = tpu.vector_load %arg11[%swap3A_373, %swap3A_374] {strides = array<i32>} : memref<16x128xi32, #tpu.memory_space<vmem>>, vector<16xi32>,
        tpu.vector_store %arg11[%swap3A_373, %swap3A_374], %add3A_372 {strides = array<i32>} : memref<16x128xi32, #tpu.memory_space<vmem>>, vector<16xi32>,
        %and3A_376 = arith.constant 1 : i32
        %and3A_377 = vector.broadcast %and3A_376 : i32 to vector<16xi32>
        %and3A_378 = arith.andi %get3A_338, %and3A_377 : vector<16xi32>
        %mul3A_379 = arith.constant 16 : i32
        %mul3A_380 = vector.broadcast %mul3A_379 : i32 to vector<16xi32>
        %mul3A_381 = arith.muli %and3A_378, %mul3A_380 : vector<16xi32>
        %shift_left3A_382 = arith.constant 1 : i32
        %shift_left3A_383 = vector.broadcast %shift_left3A_382 : i32 to vector<16xi32>
        %shift_left3A_384 = arith.shli %shift_left3A_383, %mul3A_381 : vector<16xi32>
        %swap3A_385 = arith.index_cast %scan3A_51 : i32 to index
        %swap3A_386 = arith.constant 80 : index
        %swap3A_387 = tpu.vector_load %arg12[%swap3A_385, %swap3A_386] {strides = array<i32>} : memref<16x128xi32, #tpu.memory_space<vmem>>, vector<16xi32>,
        tpu.vector_store %arg12[%swap3A_385, %swap3A_386], %shift_left3A_384 {strides = array<i32>} : memref<16x128xi32, #tpu.memory_space<vmem>>, vector<16xi32>,
        %mul3A_388 = arith.constant 128 : i32
        %mul3A_389 = arith.muli %scan3A_51, %mul3A_388 : i32
        %add3A_390 = arith.constant 96 : i32
        %add3A_391 = arith.addi %mul3A_389, %add3A_390 : i32
        %get3A_392 = arith.index_cast %add3A_391 : i32 to index
        %get3A_393 = tpu.vector_load %arg7[%get3A_392] {strides = array<i32>} : memref<2048xi32, #tpu.memory_space<vmem>>, vector<16xi32>,
        %get3A_394 = arith.index_cast %add3A_391 : i32 to index
        %get3A_395 = tpu.vector_load %arg8[%get3A_394] {strides = array<i32>} : memref<2048xi32, #tpu.memory_space<vmem>>, vector<16xi32>,
        %shift_right_arithmetic3A_396 = arith.constant 1 : i32
        %shift_right_arithmetic3A_397 = vector.broadcast %shift_right_arithmetic3A_396 : i32 to vector<16xi32>
        %shift_right_arithmetic3A_398 = arith.shrsi %get3A_393, %shift_right_arithmetic3A_397 : vector<16xi32>
        %and3A_399 = arith.constant 1 : i32
        %and3A_400 = vector.broadcast %and3A_399 : i32 to vector<16xi32>
        %and3A_401 = arith.andi %get3A_393, %and3A_400 : vector<16xi32>
        %mul3A_402 = arith.constant 5120 : i32
        %mul3A_403 = vector.broadcast %mul3A_402 : i32 to vector<16xi32>
        %mul3A_404 = arith.muli %and3A_401, %mul3A_403 : vector<16xi32>
        %add3A_405 = arith.addi %shift_right_arithmetic3A_398, %mul3A_404 : vector<16xi32>
        %shift_right_arithmetic3A_406 = arith.constant 1 : i32
        %shift_right_arithmetic3A_407 = vector.broadcast %shift_right_arithmetic3A_406 : i32 to vector<16xi32>
        %shift_right_arithmetic3A_408 = arith.shrsi %get3A_395, %shift_right_arithmetic3A_407 : vector<16xi32>
        %and3A_409 = arith.constant 1 : i32
        %and3A_410 = vector.broadcast %and3A_409 : i32 to vector<16xi32>
        %and3A_411 = arith.andi %get3A_395, %and3A_410 : vector<16xi32>
        %mul3A_412 = arith.constant 5120 : i32
        %mul3A_413 = vector.broadcast %mul3A_412 : i32 to vector<16xi32>
        %mul3A_414 = arith.muli %and3A_411, %mul3A_413 : vector<16xi32>
        %add3A_415 = arith.addi %shift_right_arithmetic3A_408, %mul3A_414 : vector<16xi32>
        %gather3A_416 = tpu.vector_load_idx %arg9[%add3A_405] : memref<10240xi32, #tpu.memory_space<vmem>>[vector<16xi32>], vector<16xi32>,
        %gather3A_417 = tpu.vector_load_idx %arg9[%add3A_415] : memref<10240xi32, #tpu.memory_space<vmem>>[vector<16xi32>], vector<16xi32>,
        %mul3A_418 = arith.constant 128 : i32
        %mul3A_419 = vector.broadcast %mul3A_418 : i32 to vector<16xi32>
        %mul3A_420 = arith.muli %gather3A_416, %mul3A_419 : vector<16xi32>
        %add3A_421 = arith.addi %mul3A_420, %gather3A_417 : vector<16xi32>
        %gather3A_422 = tpu.vector_load_idx %arg10[%add3A_421] : memref<16384xi32, #tpu.memory_space<vmem>>[vector<16xi32>], vector<16xi32>,
        %shift_right_arithmetic3A_423 = arith.constant 1 : i32
        %shift_right_arithmetic3A_424 = vector.broadcast %shift_right_arithmetic3A_423 : i32 to vector<16xi32>
        %shift_right_arithmetic3A_425 = arith.shrsi %get3A_395, %shift_right_arithmetic3A_424 : vector<16xi32>
        %mul3A_426 = arith.constant 128 : i32
        %mul3A_427 = vector.broadcast %mul3A_426 : i32 to vector<16xi32>
        %mul3A_428 = arith.muli %shift_right_arithmetic3A_425, %mul3A_427 : vector<16xi32>
        %add3A_429 = arith.addi %mul3A_428, %gather3A_422 : vector<16xi32>
        %swap3A_430 = arith.index_cast %scan3A_51 : i32 to index
        %swap3A_431 = arith.constant 96 : index
        %swap3A_432 = tpu.vector_load %arg11[%swap3A_430, %swap3A_431] {strides = array<i32>} : memref<16x128xi32, #tpu.memory_space<vmem>>, vector<16xi32>,
        tpu.vector_store %arg11[%swap3A_430, %swap3A_431], %add3A_429 {strides = array<i32>} : memref<16x128xi32, #tpu.memory_space<vmem>>, vector<16xi32>,
        %and3A_433 = arith.constant 1 : i32
        %and3A_434 = vector.broadcast %and3A_433 : i32 to vector<16xi32>
        %and3A_435 = arith.andi %get3A_395, %and3A_434 : vector<16xi32>
        %mul3A_436 = arith.constant 16 : i32
        %mul3A_437 = vector.broadcast %mul3A_436 : i32 to vector<16xi32>
        %mul3A_438 = arith.muli %and3A_435, %mul3A_437 : vector<16xi32>
        %shift_left3A_439 = arith.constant 1 : i32
        %shift_left3A_440 = vector.broadcast %shift_left3A_439 : i32 to vector<16xi32>
        %shift_left3A_441 = arith.shli %shift_left3A_440, %mul3A_438 : vector<16xi32>
        %swap3A_442 = arith.index_cast %scan3A_51 : i32 to index
        %swap3A_443 = arith.constant 96 : index
        %swap3A_444 = tpu.vector_load %arg12[%swap3A_442, %swap3A_443] {strides = array<i32>} : memref<16x128xi32, #tpu.memory_space<vmem>>, vector<16xi32>,
        tpu.vector_store %arg12[%swap3A_442, %swap3A_443], %shift_left3A_441 {strides = array<i32>} : memref<16x128xi32, #tpu.memory_space<vmem>>, vector<16xi32>,
        %mul3A_445 = arith.constant 128 : i32
        %mul3A_446 = arith.muli %scan3A_51, %mul3A_445 : i32
        %add3A_447 = arith.constant 112 : i32
        %add3A_448 = arith.addi %mul3A_446, %add3A_447 : i32
        %get3A_449 = arith.index_cast %add3A_448 : i32 to index
        %get3A_450 = tpu.vector_load %arg7[%get3A_449] {strides = array<i32>} : memref<2048xi32, #tpu.memory_space<vmem>>, vector<16xi32>,
        %get3A_451 = arith.index_cast %add3A_448 : i32 to index
        %get3A_452 = tpu.vector_load %arg8[%get3A_451] {strides = array<i32>} : memref<2048xi32, #tpu.memory_space<vmem>>, vector<16xi32>,
        %shift_right_arithmetic3A_453 = arith.constant 1 : i32
        %shift_right_arithmetic3A_454 = vector.broadcast %shift_right_arithmetic3A_453 : i32 to vector<16xi32>
        %shift_right_arithmetic3A_455 = arith.shrsi %get3A_450, %shift_right_arithmetic3A_454 : vector<16xi32>
        %and3A_456 = arith.constant 1 : i32
        %and3A_457 = vector.broadcast %and3A_456 : i32 to vector<16xi32>
        %and3A_458 = arith.andi %get3A_450, %and3A_457 : vector<16xi32>
        %mul3A_459 = arith.constant 5120 : i32
        %mul3A_460 = vector.broadcast %mul3A_459 : i32 to vector<16xi32>
        %mul3A_461 = arith.muli %and3A_458, %mul3A_460 : vector<16xi32>
        %add3A_462 = arith.addi %shift_right_arithmetic3A_455, %mul3A_461 : vector<16xi32>
        %shift_right_arithmetic3A_463 = arith.constant 1 : i32
        %shift_right_arithmetic3A_464 = vector.broadcast %shift_right_arithmetic3A_463 : i32 to vector<16xi32>
        %shift_right_arithmetic3A_465 = arith.shrsi %get3A_452, %shift_right_arithmetic3A_464 : vector<16xi32>
        %and3A_466 = arith.constant 1 : i32
        %and3A_467 = vector.broadcast %and3A_466 : i32 to vector<16xi32>
        %and3A_468 = arith.andi %get3A_452, %and3A_467 : vector<16xi32>
        %mul3A_469 = arith.constant 5120 : i32
        %mul3A_470 = vector.broadcast %mul3A_469 : i32 to vector<16xi32>
        %mul3A_471 = arith.muli %and3A_468, %mul3A_470 : vector<16xi32>
        %add3A_472 = arith.addi %shift_right_arithmetic3A_465, %mul3A_471 : vector<16xi32>
        %gather3A_473 = tpu.vector_load_idx %arg9[%add3A_462] : memref<10240xi32, #tpu.memory_space<vmem>>[vector<16xi32>], vector<16xi32>,
        %gather3A_474 = tpu.vector_load_idx %arg9[%add3A_472] : memref<10240xi32, #tpu.memory_space<vmem>>[vector<16xi32>], vector<16xi32>,
        %mul3A_475 = arith.constant 128 : i32
        %mul3A_476 = vector.broadcast %mul3A_475 : i32 to vector<16xi32>
        %mul3A_477 = arith.muli %gather3A_473, %mul3A_476 : vector<16xi32>
        %add3A_478 = arith.addi %mul3A_477, %gather3A_474 : vector<16xi32>
        %gather3A_479 = tpu.vector_load_idx %arg10[%add3A_478] : memref<16384xi32, #tpu.memory_space<vmem>>[vector<16xi32>], vector<16xi32>,
        %shift_right_arithmetic3A_480 = arith.constant 1 : i32
        %shift_right_arithmetic3A_481 = vector.broadcast %shift_right_arithmetic3A_480 : i32 to vector<16xi32>
        %shift_right_arithmetic3A_482 = arith.shrsi %get3A_452, %shift_right_arithmetic3A_481 : vector<16xi32>
        %mul3A_483 = arith.constant 128 : i32
        %mul3A_484 = vector.broadcast %mul3A_483 : i32 to vector<16xi32>
        %mul3A_485 = arith.muli %shift_right_arithmetic3A_482, %mul3A_484 : vector<16xi32>
        %add3A_486 = arith.addi %mul3A_485, %gather3A_479 : vector<16xi32>
        %swap3A_487 = arith.index_cast %scan3A_51 : i32 to index
        %swap3A_488 = arith.constant 112 : index
        %swap3A_489 = tpu.vector_load %arg11[%swap3A_487, %swap3A_488] {strides = array<i32>} : memref<16x128xi32, #tpu.memory_space<vmem>>, vector<16xi32>,
        tpu.vector_store %arg11[%swap3A_487, %swap3A_488], %add3A_486 {strides = array<i32>} : memref<16x128xi32, #tpu.memory_space<vmem>>, vector<16xi32>,
        %and3A_490 = arith.constant 1 : i32
        %and3A_491 = vector.broadcast %and3A_490 : i32 to vector<16xi32>
        %and3A_492 = arith.andi %get3A_452, %and3A_491 : vector<16xi32>
        %mul3A_493 = arith.constant 16 : i32
        %mul3A_494 = vector.broadcast %mul3A_493 : i32 to vector<16xi32>
        %mul3A_495 = arith.muli %and3A_492, %mul3A_494 : vector<16xi32>
        %shift_left3A_496 = arith.constant 1 : i32
        %shift_left3A_497 = vector.broadcast %shift_left3A_496 : i32 to vector<16xi32>
        %shift_left3A_498 = arith.shli %shift_left3A_497, %mul3A_495 : vector<16xi32>
        %swap3A_499 = arith.index_cast %scan3A_51 : i32 to index
        %swap3A_500 = arith.constant 112 : index
        %swap3A_501 = tpu.vector_load %arg12[%swap3A_499, %swap3A_500] {strides = array<i32>} : memref<16x128xi32, #tpu.memory_space<vmem>>, vector<16xi32>,
        tpu.vector_store %arg12[%swap3A_499, %swap3A_500], %shift_left3A_498 {strides = array<i32>} : memref<16x128xi32, #tpu.memory_space<vmem>>, vector<16xi32>,
        %dma_start3A = arith.constant 0 : i32
        %dma_start3A_502 = tpu.memref_slice %arg12[%scan3A_51, %dma_start3A] : memref<16x128xi32, #tpu.memory_space<vmem>> -> memref<1x128xi32, #tpu.memory_space<vmem>>
        %dma_start3A_503 = tpu.memref_squeeze %dma_start3A_502 : memref<1x128xi32, #tpu.memory_space<vmem>> -> memref<128xi32, #tpu.memory_space<vmem>>
        %dma_start3A_504 = arith.constant 0 : i32
        %dma_start3A_505 = tpu.memref_slice %arg11[%scan3A_51, %dma_start3A_504] : memref<16x128xi32, #tpu.memory_space<vmem>> -> memref<1x128xi32, #tpu.memory_space<vmem>>
        %dma_start3A_506 = tpu.memref_squeeze %dma_start3A_505 : memref<1x128xi32, #tpu.memory_space<vmem>> -> memref<128xi32, #tpu.memory_space<vmem>>
        %dma_start3A_507 = arith.constant 0 : i32
        %dma_start3A_508 = tpu.memref_slice %arg14[%dma_start3A_507] : memref<655360xi32, #tpu.memory_space<vmem_shared>> -> memref<655360xi32, #tpu.memory_space<vmem_shared>>
        tpu.enqueue_indirect_dma source(%dma_start3A_503 : memref<128xi32, #tpu.memory_space<vmem>>) target(%dma_start3A_508 : memref<655360xi32, #tpu.memory_space<vmem_shared>>) offsets(%dma_start3A_506 : memref<128xi32, #tpu.memory_space<vmem>>) semaphore(%arg15 : memref<!tpu.dma_semaphore, #tpu.memory_space<semaphore_mem>>) {add = true}
      }
      %scan3A_44 = arith.constant 16 : i32
      %scan3A_45 = arith.constant 0 : i32
      %scan3A_46 = arith.constant 0 : i32
      %scan3A_47 = arith.constant 16 : i32
      %scan3A_48 = arith.addi %scan3A_46, %scan3A_47 : i32
      %scan3A_49 = arith.constant 1 : i32
      scf.for %scan3A_51 = %scan3A_46 to %scan3A_48 step %scan3A_49  : i32 {
        %dma_wait3A = arith.constant 0 : i32
        %dma_wait3A_52 = tpu.memref_slice %arg12[%scan3A_51, %dma_wait3A] : memref<16x128xi32, #tpu.memory_space<vmem>> -> memref<1x128xi32, #tpu.memory_space<vmem>>
        %dma_wait3A_53 = tpu.memref_squeeze %dma_wait3A_52 : memref<1x128xi32, #tpu.memory_space<vmem>> -> memref<128xi32, #tpu.memory_space<vmem>>
        %dma_wait3A_54 = arith.constant 0 : i32
        %dma_wait3A_55 = tpu.memref_slice %arg11[%scan3A_51, %dma_wait3A_54] : memref<16x128xi32, #tpu.memory_space<vmem>> -> memref<1x128xi32, #tpu.memory_space<vmem>>
        %dma_wait3A_56 = tpu.memref_squeeze %dma_wait3A_55 : memref<1x128xi32, #tpu.memory_space<vmem>> -> memref<128xi32, #tpu.memory_space<vmem>>
        %dma_wait3A_57 = arith.constant 0 : i32
        %dma_wait3A_58 = tpu.memref_slice %arg14[%dma_wait3A_57] : memref<655360xi32, #tpu.memory_space<vmem_shared>> -> memref<655360xi32, #tpu.memory_space<vmem_shared>>
        tpu.wait_indirect_dma semaphore(%arg15 : memref<!tpu.dma_semaphore, #tpu.memory_space<semaphore_mem>>) src(%dma_wait3A_53 : memref<128xi32, #tpu.memory_space<vmem>>) dst(%dma_wait3A_58 : memref<655360xi32, #tpu.memory_space<vmem_shared>>)
      }
      %scan3A_50 = arith.constant 16 : i32
    }
    %scan3A_26 = arith.constant 5 : i32
    %barrier3A_27 = arith.constant 0 : index
    tpu.barrier barrier_id(%barrier3A_27)
    %mul3A_28 = arith.constant 40960 : i32
    %mul3A_29 = arith.muli %arg1, %mul3A_28 : i32
    %mul3A_30 = arith.constant 655360 : i32
    %mul3A_31 = arith.muli %arg0, %mul3A_30 : i32
    %mul3A_32 = arith.constant 40960 : i32
    %mul3A_33 = arith.muli %arg1, %mul3A_32 : i32
    %add3A_34 = arith.addi %mul3A_31, %mul3A_33 : i32
    "tpu.region"() ({
      %run_scoped3A = tpu.sem_alloc : memref<!tpu.dma_semaphore, #tpu.memory_space<semaphore_mem>>
      %dma_start3A = tpu.memref_slice %arg6[%add3A_34] : memref<1310720xi32, #tpu.memory_space<hbm>> -> memref<40960xi32, #tpu.memory_space<hbm>>
      %dma_start3A_35 = tpu.memref_slice %arg14[%mul3A_29] : memref<655360xi32, #tpu.memory_space<vmem_shared>> -> memref<40960xi32, #tpu.memory_space<vmem_shared>>
      tpu.enqueue_dma source(%dma_start3A_35 : memref<40960xi32, #tpu.memory_space<vmem_shared>>) target(%dma_start3A : memref<40960xi32, #tpu.memory_space<hbm>>) target_semaphore(%run_scoped3A : memref<!tpu.dma_semaphore, #tpu.memory_space<semaphore_mem>>)
      %dma_wait3A = tpu.memref_slice %arg6[%add3A_34] : memref<1310720xi32, #tpu.memory_space<hbm>> -> memref<40960xi32, #tpu.memory_space<hbm>>
      %dma_wait3A_36 = tpu.memref_slice %arg14[%mul3A_29] : memref<655360xi32, #tpu.memory_space<vmem_shared>> -> memref<40960xi32, #tpu.memory_space<vmem_shared>>
      tpu.wait_dma2 semaphore(%run_scoped3A : memref<!tpu.dma_semaphore, #tpu.memory_space<semaphore_mem>>) src(%dma_wait3A_36 : memref<40960xi32, #tpu.memory_space<vmem_shared>>) dst(%dma_wait3A : memref<40960xi32, #tpu.memory_space<hbm>>)
      tpu.yield
    }) : () -> ()
    return
  }
}

#map = affine_map<(d0, d1) -> (0)>
module attributes {stable_mosaic.version = 14 : i64} {
  func.func @_sc_body(%arg0: i32, %arg1: i32, %arg2: memref<10240xi32, #tpu.memory_space<hbm>>, %arg3: memref<327680xi32, #tpu.memory_space<hbm>>, %arg4: memref<327680xi32, #tpu.memory_space<hbm>>, %arg5: memref<16384xi32, #tpu.memory_space<hbm>>, %arg6: memref<1310720xi32, #tpu.memory_space<hbm>>, %arg7: memref<2048xi32, #tpu.memory_space<vmem>>, %arg8: memref<2048xi32, #tpu.memory_space<vmem>>, %arg9: memref<10240xi32, #tpu.memory_space<vmem>>, %arg10: memref<16384xi32, #tpu.memory_space<vmem>>, %arg11: memref<16x128xi32, #tpu.memory_space<vmem>>, %arg12: memref<16x128xi32, #tpu.memory_space<vmem>>, %arg13: memref<2560xi32, #tpu.memory_space<vmem>>, %arg14: memref<655360xi32, #tpu.memory_space<vmem_shared>>, %arg15: memref<!tpu.dma_semaphore, #tpu.memory_space<semaphore_mem>>) attributes {dimension_semantics = [#tpu.dimension_semantics<core_parallel>, #tpu.dimension_semantics<subcore_parallel>], iteration_bounds = array<i64: 2, 16>, scalar_prefetch = 0 : i64, scratch_operands = 9 : i64, tpu.core_type = #tpu.core_type<sc_vector_subcore>, window_params = [{transform_indices = #map}, {transform_indices = #map}, {transform_indices = #map}, {transform_indices = #map}, {transform_indices = #map}]} {
    %broadcast_in_dim3A = arith.constant 0 : i32
    %broadcast_in_dim3A_0 = vector.broadcast %broadcast_in_dim3A : i32 to vector<16xi32>
    %scan3A = arith.constant 0 : i32
    %scan3A_1 = arith.constant 0 : i32
    %scan3A_2 = arith.constant 160 : i32
    %scan3A_3 = arith.addi %scan3A_1, %scan3A_2 : i32
    %scan3A_4 = arith.constant 1 : i32
    scf.for %scan3A_35 = %scan3A_1 to %scan3A_3 step %scan3A_4  : i32 {
      %mul3A_36 = arith.constant 16 : i32
      %mul3A_37 = arith.muli %scan3A_35, %mul3A_36 : i32
      %swap3A = arith.index_cast %mul3A_37 : i32 to index
      %swap3A_38 = tpu.vector_load %arg13[%swap3A] {strides = array<i32>} : memref<2560xi32, #tpu.memory_space<vmem>>, vector<16xi32>,
      tpu.vector_store %arg13[%swap3A], %broadcast_in_dim3A_0 {strides = array<i32>} : memref<2560xi32, #tpu.memory_space<vmem>>, vector<16xi32>,
    }
    %scan3A_5 = arith.constant 160 : i32
    %scan3A_6 = arith.constant 0 : i32
    %scan3A_7 = arith.constant 0 : i32
    %scan3A_8 = arith.constant 16 : i32
    %scan3A_9 = arith.addi %scan3A_7, %scan3A_8 : i32
    %scan3A_10 = arith.constant 1 : i32
    scf.for %scan3A_35 = %scan3A_7 to %scan3A_9 step %scan3A_10  : i32 {
      %mul3A_36 = arith.constant 16 : i32
      %mul3A_37 = arith.muli %arg1, %mul3A_36 : i32
      %add3A_38 = arith.addi %mul3A_37, %scan3A_35 : i32
      %mul3A_39 = arith.constant 2560 : i32
      %mul3A_40 = arith.muli %add3A_38, %mul3A_39 : i32
      %dma_start3A = tpu.memref_slice %arg14[%mul3A_40] : memref<655360xi32, #tpu.memory_space<vmem_shared>> -> memref<2560xi32, #tpu.memory_space<vmem_shared>>
      %dma_start3A_41 = tpu.memref_slice %arg14[%mul3A_40] : memref<655360xi32, #tpu.memory_space<vmem_shared>> -> memref<2560xi32, #tpu.memory_space<vmem_shared>>
      tpu.enqueue_dma source(%arg13 : memref<2560xi32, #tpu.memory_space<vmem>>) target(%dma_start3A_41 : memref<2560xi32, #tpu.memory_space<vmem_shared>>) target_semaphore(%arg15 : memref<!tpu.dma_semaphore, #tpu.memory_space<semaphore_mem>>)
    }
    %scan3A_11 = arith.constant 16 : i32
    %mul3A = arith.constant 163840 : i32
    %mul3A_12 = arith.muli %arg0, %mul3A : i32
    %mul3A_13 = arith.constant 10240 : i32
    %mul3A_14 = arith.muli %arg1, %mul3A_13 : i32
    %add3A = arith.addi %mul3A_12, %mul3A_14 : i32
    "tpu.region"() ({
      %run_scoped3A = tpu.sem_alloc : memref<!tpu.dma_semaphore, #tpu.memory_space<semaphore_mem>>
      tpu.enqueue_dma source(%arg2 : memref<10240xi32, #tpu.memory_space<hbm>>) target(%arg9 : memref<10240xi32, #tpu.memory_space<vmem>>) target_semaphore(%run_scoped3A : memref<!tpu.dma_semaphore, #tpu.memory_space<semaphore_mem>>)
      tpu.wait_dma2 semaphore(%run_scoped3A : memref<!tpu.dma_semaphore, #tpu.memory_space<semaphore_mem>>) src(%arg2 : memref<10240xi32, #tpu.memory_space<hbm>>) dst(%arg9 : memref<10240xi32, #tpu.memory_space<vmem>>)
      tpu.yield
    }) : () -> ()
    "tpu.region"() ({
      %run_scoped3A = tpu.sem_alloc : memref<!tpu.dma_semaphore, #tpu.memory_space<semaphore_mem>>
      tpu.enqueue_dma source(%arg5 : memref<16384xi32, #tpu.memory_space<hbm>>) target(%arg10 : memref<16384xi32, #tpu.memory_space<vmem>>) target_semaphore(%run_scoped3A : memref<!tpu.dma_semaphore, #tpu.memory_space<semaphore_mem>>)
      tpu.wait_dma2 semaphore(%run_scoped3A : memref<!tpu.dma_semaphore, #tpu.memory_space<semaphore_mem>>) src(%arg5 : memref<16384xi32, #tpu.memory_space<hbm>>) dst(%arg10 : memref<16384xi32, #tpu.memory_space<vmem>>)
      tpu.yield
    }) : () -> ()
    %scan3A_15 = arith.constant 0 : i32
    %scan3A_16 = arith.constant 0 : i32
    %scan3A_17 = arith.constant 16 : i32
    %scan3A_18 = arith.addi %scan3A_16, %scan3A_17 : i32
    %scan3A_19 = arith.constant 1 : i32
    scf.for %scan3A_35 = %scan3A_16 to %scan3A_18 step %scan3A_19  : i32 {
      %mul3A_36 = arith.constant 16 : i32
      %mul3A_37 = arith.muli %arg1, %mul3A_36 : i32
      %add3A_38 = arith.addi %mul3A_37, %scan3A_35 : i32
      %mul3A_39 = arith.constant 2560 : i32
      %mul3A_40 = arith.muli %add3A_38, %mul3A_39 : i32
      %dma_wait3A = tpu.memref_slice %arg14[%mul3A_40] : memref<655360xi32, #tpu.memory_space<vmem_shared>> -> memref<2560xi32, #tpu.memory_space<vmem_shared>>
      %dma_wait3A_41 = tpu.memref_slice %arg14[%mul3A_40] : memref<655360xi32, #tpu.memory_space<vmem_shared>> -> memref<2560xi32, #tpu.memory_space<vmem_shared>>
      tpu.wait_dma2 semaphore(%arg15 : memref<!tpu.dma_semaphore, #tpu.memory_space<semaphore_mem>>) src(%arg13 : memref<2560xi32, #tpu.memory_space<vmem>>) dst(%dma_wait3A_41 : memref<2560xi32, #tpu.memory_space<vmem_shared>>)
    }
    %scan3A_20 = arith.constant 16 : i32
    %barrier3A = arith.constant 0 : index
    tpu.barrier barrier_id(%barrier3A)
    %scan3A_21 = arith.constant 0 : i32
    %scan3A_22 = arith.constant 0 : i32
    %scan3A_23 = arith.constant 5 : i32
    %scan3A_24 = arith.addi %scan3A_22, %scan3A_23 : i32
    %scan3A_25 = arith.constant 1 : i32
    scf.for %scan3A_35 = %scan3A_22 to %scan3A_24 step %scan3A_25  : i32 {
      %mul3A_36 = arith.constant 2048 : i32
      %mul3A_37 = arith.muli %scan3A_35, %mul3A_36 : i32
      %add3A_38 = arith.addi %add3A, %mul3A_37 : i32
      "tpu.region"() ({
        %run_scoped3A = tpu.sem_alloc : memref<!tpu.dma_semaphore, #tpu.memory_space<semaphore_mem>>
        %dma_start3A = tpu.memref_slice %arg3[%add3A_38] : memref<327680xi32, #tpu.memory_space<hbm>> -> memref<2048xi32, #tpu.memory_space<hbm>>
        %dma_start3A_51 = tpu.memref_slice %arg3[%add3A_38] : memref<327680xi32, #tpu.memory_space<hbm>> -> memref<2048xi32, #tpu.memory_space<hbm>>
        tpu.enqueue_dma source(%dma_start3A_51 : memref<2048xi32, #tpu.memory_space<hbm>>) target(%arg7 : memref<2048xi32, #tpu.memory_space<vmem>>) target_semaphore(%run_scoped3A : memref<!tpu.dma_semaphore, #tpu.memory_space<semaphore_mem>>)
        %dma_wait3A = tpu.memref_slice %arg3[%add3A_38] : memref<327680xi32, #tpu.memory_space<hbm>> -> memref<2048xi32, #tpu.memory_space<hbm>>
        %dma_wait3A_52 = tpu.memref_slice %arg3[%add3A_38] : memref<327680xi32, #tpu.memory_space<hbm>> -> memref<2048xi32, #tpu.memory_space<hbm>>
        tpu.wait_dma2 semaphore(%run_scoped3A : memref<!tpu.dma_semaphore, #tpu.memory_space<semaphore_mem>>) src(%dma_wait3A_52 : memref<2048xi32, #tpu.memory_space<hbm>>) dst(%arg7 : memref<2048xi32, #tpu.memory_space<vmem>>)
        tpu.yield
      }) : () -> ()
      "tpu.region"() ({
        %run_scoped3A = tpu.sem_alloc : memref<!tpu.dma_semaphore, #tpu.memory_space<semaphore_mem>>
        %dma_start3A = tpu.memref_slice %arg4[%add3A_38] : memref<327680xi32, #tpu.memory_space<hbm>> -> memref<2048xi32, #tpu.memory_space<hbm>>
        %dma_start3A_51 = tpu.memref_slice %arg4[%add3A_38] : memref<327680xi32, #tpu.memory_space<hbm>> -> memref<2048xi32, #tpu.memory_space<hbm>>
        tpu.enqueue_dma source(%dma_start3A_51 : memref<2048xi32, #tpu.memory_space<hbm>>) target(%arg8 : memref<2048xi32, #tpu.memory_space<vmem>>) target_semaphore(%run_scoped3A : memref<!tpu.dma_semaphore, #tpu.memory_space<semaphore_mem>>)
        %dma_wait3A = tpu.memref_slice %arg4[%add3A_38] : memref<327680xi32, #tpu.memory_space<hbm>> -> memref<2048xi32, #tpu.memory_space<hbm>>
        %dma_wait3A_52 = tpu.memref_slice %arg4[%add3A_38] : memref<327680xi32, #tpu.memory_space<hbm>> -> memref<2048xi32, #tpu.memory_space<hbm>>
        tpu.wait_dma2 semaphore(%run_scoped3A : memref<!tpu.dma_semaphore, #tpu.memory_space<semaphore_mem>>) src(%dma_wait3A_52 : memref<2048xi32, #tpu.memory_space<hbm>>) dst(%arg8 : memref<2048xi32, #tpu.memory_space<vmem>>)
        tpu.yield
      }) : () -> ()
      %scan3A_39 = arith.constant 0 : i32
      %scan3A_40 = arith.constant 0 : i32
      %scan3A_41 = arith.constant 16 : i32
      %scan3A_42 = arith.addi %scan3A_40, %scan3A_41 : i32
      %scan3A_43 = arith.constant 1 : i32
      scf.for %scan3A_51 = %scan3A_40 to %scan3A_42 step %scan3A_43  : i32 {
        %mul3A_52 = arith.constant 128 : i32
        %mul3A_53 = arith.muli %scan3A_51, %mul3A_52 : i32
        %add3A_54 = arith.constant 0 : i32
        %add3A_55 = arith.addi %mul3A_53, %add3A_54 : i32
        %get3A = arith.index_cast %add3A_55 : i32 to index
        %get3A_56 = tpu.vector_load %arg7[%get3A] {strides = array<i32>} : memref<2048xi32, #tpu.memory_space<vmem>>, vector<16xi32>,
        %get3A_57 = arith.index_cast %add3A_55 : i32 to index
        %get3A_58 = tpu.vector_load %arg8[%get3A_57] {strides = array<i32>} : memref<2048xi32, #tpu.memory_space<vmem>>, vector<16xi32>,
        %shift_right_arithmetic3A = arith.constant 1 : i32
        %shift_right_arithmetic3A_59 = vector.broadcast %shift_right_arithmetic3A : i32 to vector<16xi32>
        %shift_right_arithmetic3A_60 = arith.shrsi %get3A_56, %shift_right_arithmetic3A_59 : vector<16xi32>
        %and3A = arith.constant 1 : i32
        %and3A_61 = vector.broadcast %and3A : i32 to vector<16xi32>
        %and3A_62 = arith.andi %get3A_56, %and3A_61 : vector<16xi32>
        %mul3A_63 = arith.constant 5120 : i32
        %mul3A_64 = vector.broadcast %mul3A_63 : i32 to vector<16xi32>
        %mul3A_65 = arith.muli %and3A_62, %mul3A_64 : vector<16xi32>
        %add3A_66 = arith.addi %shift_right_arithmetic3A_60, %mul3A_65 : vector<16xi32>
        %shift_right_arithmetic3A_67 = arith.constant 1 : i32
        %shift_right_arithmetic3A_68 = vector.broadcast %shift_right_arithmetic3A_67 : i32 to vector<16xi32>
        %shift_right_arithmetic3A_69 = arith.shrsi %get3A_58, %shift_right_arithmetic3A_68 : vector<16xi32>
        %and3A_70 = arith.constant 1 : i32
        %and3A_71 = vector.broadcast %and3A_70 : i32 to vector<16xi32>
        %and3A_72 = arith.andi %get3A_58, %and3A_71 : vector<16xi32>
        %mul3A_73 = arith.constant 5120 : i32
        %mul3A_74 = vector.broadcast %mul3A_73 : i32 to vector<16xi32>
        %mul3A_75 = arith.muli %and3A_72, %mul3A_74 : vector<16xi32>
        %add3A_76 = arith.addi %shift_right_arithmetic3A_69, %mul3A_75 : vector<16xi32>
        %gather3A = tpu.vector_load_idx %arg9[%add3A_66] : memref<10240xi32, #tpu.memory_space<vmem>>[vector<16xi32>], vector<16xi32>,
        %gather3A_77 = tpu.vector_load_idx %arg9[%add3A_76] : memref<10240xi32, #tpu.memory_space<vmem>>[vector<16xi32>], vector<16xi32>,
        %mul3A_78 = arith.constant 128 : i32
        %mul3A_79 = vector.broadcast %mul3A_78 : i32 to vector<16xi32>
        %mul3A_80 = arith.muli %gather3A, %mul3A_79 : vector<16xi32>
        %add3A_81 = arith.addi %mul3A_80, %gather3A_77 : vector<16xi32>
        %gather3A_82 = tpu.vector_load_idx %arg10[%add3A_81] : memref<16384xi32, #tpu.memory_space<vmem>>[vector<16xi32>], vector<16xi32>,
        %shift_right_arithmetic3A_83 = arith.constant 1 : i32
        %shift_right_arithmetic3A_84 = vector.broadcast %shift_right_arithmetic3A_83 : i32 to vector<16xi32>
        %shift_right_arithmetic3A_85 = arith.shrsi %get3A_58, %shift_right_arithmetic3A_84 : vector<16xi32>
        %mul3A_86 = arith.constant 128 : i32
        %mul3A_87 = vector.broadcast %mul3A_86 : i32 to vector<16xi32>
        %mul3A_88 = arith.muli %shift_right_arithmetic3A_85, %mul3A_87 : vector<16xi32>
        %add3A_89 = arith.addi %mul3A_88, %gather3A_82 : vector<16xi32>
        %swap3A = arith.index_cast %scan3A_51 : i32 to index
        %swap3A_90 = arith.constant 0 : index
        %swap3A_91 = tpu.vector_load %arg11[%swap3A, %swap3A_90] {strides = array<i32>} : memref<16x128xi32, #tpu.memory_space<vmem>>, vector<16xi32>,
        tpu.vector_store %arg11[%swap3A, %swap3A_90], %add3A_89 {strides = array<i32>} : memref<16x128xi32, #tpu.memory_space<vmem>>, vector<16xi32>,
        %and3A_92 = arith.constant 1 : i32
        %and3A_93 = vector.broadcast %and3A_92 : i32 to vector<16xi32>
        %and3A_94 = arith.andi %get3A_58, %and3A_93 : vector<16xi32>
        %mul3A_95 = arith.constant 16 : i32
        %mul3A_96 = vector.broadcast %mul3A_95 : i32 to vector<16xi32>
        %mul3A_97 = arith.muli %and3A_94, %mul3A_96 : vector<16xi32>
        %shift_left3A = arith.constant 1 : i32
        %shift_left3A_98 = vector.broadcast %shift_left3A : i32 to vector<16xi32>
        %shift_left3A_99 = arith.shli %shift_left3A_98, %mul3A_97 : vector<16xi32>
        %swap3A_100 = arith.index_cast %scan3A_51 : i32 to index
        %swap3A_101 = arith.constant 0 : index
        %swap3A_102 = tpu.vector_load %arg12[%swap3A_100, %swap3A_101] {strides = array<i32>} : memref<16x128xi32, #tpu.memory_space<vmem>>, vector<16xi32>,
        tpu.vector_store %arg12[%swap3A_100, %swap3A_101], %shift_left3A_99 {strides = array<i32>} : memref<16x128xi32, #tpu.memory_space<vmem>>, vector<16xi32>,
        %mul3A_103 = arith.constant 128 : i32
        %mul3A_104 = arith.muli %scan3A_51, %mul3A_103 : i32
        %add3A_105 = arith.constant 16 : i32
        %add3A_106 = arith.addi %mul3A_104, %add3A_105 : i32
        %get3A_107 = arith.index_cast %add3A_106 : i32 to index
        %get3A_108 = tpu.vector_load %arg7[%get3A_107] {strides = array<i32>} : memref<2048xi32, #tpu.memory_space<vmem>>, vector<16xi32>,
        %get3A_109 = arith.index_cast %add3A_106 : i32 to index
        %get3A_110 = tpu.vector_load %arg8[%get3A_109] {strides = array<i32>} : memref<2048xi32, #tpu.memory_space<vmem>>, vector<16xi32>,
        %shift_right_arithmetic3A_111 = arith.constant 1 : i32
        %shift_right_arithmetic3A_112 = vector.broadcast %shift_right_arithmetic3A_111 : i32 to vector<16xi32>
        %shift_right_arithmetic3A_113 = arith.shrsi %get3A_108, %shift_right_arithmetic3A_112 : vector<16xi32>
        %and3A_114 = arith.constant 1 : i32
        %and3A_115 = vector.broadcast %and3A_114 : i32 to vector<16xi32>
        %and3A_116 = arith.andi %get3A_108, %and3A_115 : vector<16xi32>
        %mul3A_117 = arith.constant 5120 : i32
        %mul3A_118 = vector.broadcast %mul3A_117 : i32 to vector<16xi32>
        %mul3A_119 = arith.muli %and3A_116, %mul3A_118 : vector<16xi32>
        %add3A_120 = arith.addi %shift_right_arithmetic3A_113, %mul3A_119 : vector<16xi32>
        %shift_right_arithmetic3A_121 = arith.constant 1 : i32
        %shift_right_arithmetic3A_122 = vector.broadcast %shift_right_arithmetic3A_121 : i32 to vector<16xi32>
        %shift_right_arithmetic3A_123 = arith.shrsi %get3A_110, %shift_right_arithmetic3A_122 : vector<16xi32>
        %and3A_124 = arith.constant 1 : i32
        %and3A_125 = vector.broadcast %and3A_124 : i32 to vector<16xi32>
        %and3A_126 = arith.andi %get3A_110, %and3A_125 : vector<16xi32>
        %mul3A_127 = arith.constant 5120 : i32
        %mul3A_128 = vector.broadcast %mul3A_127 : i32 to vector<16xi32>
        %mul3A_129 = arith.muli %and3A_126, %mul3A_128 : vector<16xi32>
        %add3A_130 = arith.addi %shift_right_arithmetic3A_123, %mul3A_129 : vector<16xi32>
        %gather3A_131 = tpu.vector_load_idx %arg9[%add3A_120] : memref<10240xi32, #tpu.memory_space<vmem>>[vector<16xi32>], vector<16xi32>,
        %gather3A_132 = tpu.vector_load_idx %arg9[%add3A_130] : memref<10240xi32, #tpu.memory_space<vmem>>[vector<16xi32>], vector<16xi32>,
        %mul3A_133 = arith.constant 128 : i32
        %mul3A_134 = vector.broadcast %mul3A_133 : i32 to vector<16xi32>
        %mul3A_135 = arith.muli %gather3A_131, %mul3A_134 : vector<16xi32>
        %add3A_136 = arith.addi %mul3A_135, %gather3A_132 : vector<16xi32>
        %gather3A_137 = tpu.vector_load_idx %arg10[%add3A_136] : memref<16384xi32, #tpu.memory_space<vmem>>[vector<16xi32>], vector<16xi32>,
        %shift_right_arithmetic3A_138 = arith.constant 1 : i32
        %shift_right_arithmetic3A_139 = vector.broadcast %shift_right_arithmetic3A_138 : i32 to vector<16xi32>
        %shift_right_arithmetic3A_140 = arith.shrsi %get3A_110, %shift_right_arithmetic3A_139 : vector<16xi32>
        %mul3A_141 = arith.constant 128 : i32
        %mul3A_142 = vector.broadcast %mul3A_141 : i32 to vector<16xi32>
        %mul3A_143 = arith.muli %shift_right_arithmetic3A_140, %mul3A_142 : vector<16xi32>
        %add3A_144 = arith.addi %mul3A_143, %gather3A_137 : vector<16xi32>
        %swap3A_145 = arith.index_cast %scan3A_51 : i32 to index
        %swap3A_146 = arith.constant 16 : index
        %swap3A_147 = tpu.vector_load %arg11[%swap3A_145, %swap3A_146] {strides = array<i32>} : memref<16x128xi32, #tpu.memory_space<vmem>>, vector<16xi32>,
        tpu.vector_store %arg11[%swap3A_145, %swap3A_146], %add3A_144 {strides = array<i32>} : memref<16x128xi32, #tpu.memory_space<vmem>>, vector<16xi32>,
        %and3A_148 = arith.constant 1 : i32
        %and3A_149 = vector.broadcast %and3A_148 : i32 to vector<16xi32>
        %and3A_150 = arith.andi %get3A_110, %and3A_149 : vector<16xi32>
        %mul3A_151 = arith.constant 16 : i32
        %mul3A_152 = vector.broadcast %mul3A_151 : i32 to vector<16xi32>
        %mul3A_153 = arith.muli %and3A_150, %mul3A_152 : vector<16xi32>
        %shift_left3A_154 = arith.constant 1 : i32
        %shift_left3A_155 = vector.broadcast %shift_left3A_154 : i32 to vector<16xi32>
        %shift_left3A_156 = arith.shli %shift_left3A_155, %mul3A_153 : vector<16xi32>
        %swap3A_157 = arith.index_cast %scan3A_51 : i32 to index
        %swap3A_158 = arith.constant 16 : index
        %swap3A_159 = tpu.vector_load %arg12[%swap3A_157, %swap3A_158] {strides = array<i32>} : memref<16x128xi32, #tpu.memory_space<vmem>>, vector<16xi32>,
        tpu.vector_store %arg12[%swap3A_157, %swap3A_158], %shift_left3A_156 {strides = array<i32>} : memref<16x128xi32, #tpu.memory_space<vmem>>, vector<16xi32>,
        %mul3A_160 = arith.constant 128 : i32
        %mul3A_161 = arith.muli %scan3A_51, %mul3A_160 : i32
        %add3A_162 = arith.constant 32 : i32
        %add3A_163 = arith.addi %mul3A_161, %add3A_162 : i32
        %get3A_164 = arith.index_cast %add3A_163 : i32 to index
        %get3A_165 = tpu.vector_load %arg7[%get3A_164] {strides = array<i32>} : memref<2048xi32, #tpu.memory_space<vmem>>, vector<16xi32>,
        %get3A_166 = arith.index_cast %add3A_163 : i32 to index
        %get3A_167 = tpu.vector_load %arg8[%get3A_166] {strides = array<i32>} : memref<2048xi32, #tpu.memory_space<vmem>>, vector<16xi32>,
        %shift_right_arithmetic3A_168 = arith.constant 1 : i32
        %shift_right_arithmetic3A_169 = vector.broadcast %shift_right_arithmetic3A_168 : i32 to vector<16xi32>
        %shift_right_arithmetic3A_170 = arith.shrsi %get3A_165, %shift_right_arithmetic3A_169 : vector<16xi32>
        %and3A_171 = arith.constant 1 : i32
        %and3A_172 = vector.broadcast %and3A_171 : i32 to vector<16xi32>
        %and3A_173 = arith.andi %get3A_165, %and3A_172 : vector<16xi32>
        %mul3A_174 = arith.constant 5120 : i32
        %mul3A_175 = vector.broadcast %mul3A_174 : i32 to vector<16xi32>
        %mul3A_176 = arith.muli %and3A_173, %mul3A_175 : vector<16xi32>
        %add3A_177 = arith.addi %shift_right_arithmetic3A_170, %mul3A_176 : vector<16xi32>
        %shift_right_arithmetic3A_178 = arith.constant 1 : i32
        %shift_right_arithmetic3A_179 = vector.broadcast %shift_right_arithmetic3A_178 : i32 to vector<16xi32>
        %shift_right_arithmetic3A_180 = arith.shrsi %get3A_167, %shift_right_arithmetic3A_179 : vector<16xi32>
        %and3A_181 = arith.constant 1 : i32
        %and3A_182 = vector.broadcast %and3A_181 : i32 to vector<16xi32>
        %and3A_183 = arith.andi %get3A_167, %and3A_182 : vector<16xi32>
        %mul3A_184 = arith.constant 5120 : i32
        %mul3A_185 = vector.broadcast %mul3A_184 : i32 to vector<16xi32>
        %mul3A_186 = arith.muli %and3A_183, %mul3A_185 : vector<16xi32>
        %add3A_187 = arith.addi %shift_right_arithmetic3A_180, %mul3A_186 : vector<16xi32>
        %gather3A_188 = tpu.vector_load_idx %arg9[%add3A_177] : memref<10240xi32, #tpu.memory_space<vmem>>[vector<16xi32>], vector<16xi32>,
        %gather3A_189 = tpu.vector_load_idx %arg9[%add3A_187] : memref<10240xi32, #tpu.memory_space<vmem>>[vector<16xi32>], vector<16xi32>,
        %mul3A_190 = arith.constant 128 : i32
        %mul3A_191 = vector.broadcast %mul3A_190 : i32 to vector<16xi32>
        %mul3A_192 = arith.muli %gather3A_188, %mul3A_191 : vector<16xi32>
        %add3A_193 = arith.addi %mul3A_192, %gather3A_189 : vector<16xi32>
        %gather3A_194 = tpu.vector_load_idx %arg10[%add3A_193] : memref<16384xi32, #tpu.memory_space<vmem>>[vector<16xi32>], vector<16xi32>,
        %shift_right_arithmetic3A_195 = arith.constant 1 : i32
        %shift_right_arithmetic3A_196 = vector.broadcast %shift_right_arithmetic3A_195 : i32 to vector<16xi32>
        %shift_right_arithmetic3A_197 = arith.shrsi %get3A_167, %shift_right_arithmetic3A_196 : vector<16xi32>
        %mul3A_198 = arith.constant 128 : i32
        %mul3A_199 = vector.broadcast %mul3A_198 : i32 to vector<16xi32>
        %mul3A_200 = arith.muli %shift_right_arithmetic3A_197, %mul3A_199 : vector<16xi32>
        %add3A_201 = arith.addi %mul3A_200, %gather3A_194 : vector<16xi32>
        %swap3A_202 = arith.index_cast %scan3A_51 : i32 to index
        %swap3A_203 = arith.constant 32 : index
        %swap3A_204 = tpu.vector_load %arg11[%swap3A_202, %swap3A_203] {strides = array<i32>} : memref<16x128xi32, #tpu.memory_space<vmem>>, vector<16xi32>,
        tpu.vector_store %arg11[%swap3A_202, %swap3A_203], %add3A_201 {strides = array<i32>} : memref<16x128xi32, #tpu.memory_space<vmem>>, vector<16xi32>,
        %and3A_205 = arith.constant 1 : i32
        %and3A_206 = vector.broadcast %and3A_205 : i32 to vector<16xi32>
        %and3A_207 = arith.andi %get3A_167, %and3A_206 : vector<16xi32>
        %mul3A_208 = arith.constant 16 : i32
        %mul3A_209 = vector.broadcast %mul3A_208 : i32 to vector<16xi32>
        %mul3A_210 = arith.muli %and3A_207, %mul3A_209 : vector<16xi32>
        %shift_left3A_211 = arith.constant 1 : i32
        %shift_left3A_212 = vector.broadcast %shift_left3A_211 : i32 to vector<16xi32>
        %shift_left3A_213 = arith.shli %shift_left3A_212, %mul3A_210 : vector<16xi32>
        %swap3A_214 = arith.index_cast %scan3A_51 : i32 to index
        %swap3A_215 = arith.constant 32 : index
        %swap3A_216 = tpu.vector_load %arg12[%swap3A_214, %swap3A_215] {strides = array<i32>} : memref<16x128xi32, #tpu.memory_space<vmem>>, vector<16xi32>,
        tpu.vector_store %arg12[%swap3A_214, %swap3A_215], %shift_left3A_213 {strides = array<i32>} : memref<16x128xi32, #tpu.memory_space<vmem>>, vector<16xi32>,
        %mul3A_217 = arith.constant 128 : i32
        %mul3A_218 = arith.muli %scan3A_51, %mul3A_217 : i32
        %add3A_219 = arith.constant 48 : i32
        %add3A_220 = arith.addi %mul3A_218, %add3A_219 : i32
        %get3A_221 = arith.index_cast %add3A_220 : i32 to index
        %get3A_222 = tpu.vector_load %arg7[%get3A_221] {strides = array<i32>} : memref<2048xi32, #tpu.memory_space<vmem>>, vector<16xi32>,
        %get3A_223 = arith.index_cast %add3A_220 : i32 to index
        %get3A_224 = tpu.vector_load %arg8[%get3A_223] {strides = array<i32>} : memref<2048xi32, #tpu.memory_space<vmem>>, vector<16xi32>,
        %shift_right_arithmetic3A_225 = arith.constant 1 : i32
        %shift_right_arithmetic3A_226 = vector.broadcast %shift_right_arithmetic3A_225 : i32 to vector<16xi32>
        %shift_right_arithmetic3A_227 = arith.shrsi %get3A_222, %shift_right_arithmetic3A_226 : vector<16xi32>
        %and3A_228 = arith.constant 1 : i32
        %and3A_229 = vector.broadcast %and3A_228 : i32 to vector<16xi32>
        %and3A_230 = arith.andi %get3A_222, %and3A_229 : vector<16xi32>
        %mul3A_231 = arith.constant 5120 : i32
        %mul3A_232 = vector.broadcast %mul3A_231 : i32 to vector<16xi32>
        %mul3A_233 = arith.muli %and3A_230, %mul3A_232 : vector<16xi32>
        %add3A_234 = arith.addi %shift_right_arithmetic3A_227, %mul3A_233 : vector<16xi32>
        %shift_right_arithmetic3A_235 = arith.constant 1 : i32
        %shift_right_arithmetic3A_236 = vector.broadcast %shift_right_arithmetic3A_235 : i32 to vector<16xi32>
        %shift_right_arithmetic3A_237 = arith.shrsi %get3A_224, %shift_right_arithmetic3A_236 : vector<16xi32>
        %and3A_238 = arith.constant 1 : i32
        %and3A_239 = vector.broadcast %and3A_238 : i32 to vector<16xi32>
        %and3A_240 = arith.andi %get3A_224, %and3A_239 : vector<16xi32>
        %mul3A_241 = arith.constant 5120 : i32
        %mul3A_242 = vector.broadcast %mul3A_241 : i32 to vector<16xi32>
        %mul3A_243 = arith.muli %and3A_240, %mul3A_242 : vector<16xi32>
        %add3A_244 = arith.addi %shift_right_arithmetic3A_237, %mul3A_243 : vector<16xi32>
        %gather3A_245 = tpu.vector_load_idx %arg9[%add3A_234] : memref<10240xi32, #tpu.memory_space<vmem>>[vector<16xi32>], vector<16xi32>,
        %gather3A_246 = tpu.vector_load_idx %arg9[%add3A_244] : memref<10240xi32, #tpu.memory_space<vmem>>[vector<16xi32>], vector<16xi32>,
        %mul3A_247 = arith.constant 128 : i32
        %mul3A_248 = vector.broadcast %mul3A_247 : i32 to vector<16xi32>
        %mul3A_249 = arith.muli %gather3A_245, %mul3A_248 : vector<16xi32>
        %add3A_250 = arith.addi %mul3A_249, %gather3A_246 : vector<16xi32>
        %gather3A_251 = tpu.vector_load_idx %arg10[%add3A_250] : memref<16384xi32, #tpu.memory_space<vmem>>[vector<16xi32>], vector<16xi32>,
        %shift_right_arithmetic3A_252 = arith.constant 1 : i32
        %shift_right_arithmetic3A_253 = vector.broadcast %shift_right_arithmetic3A_252 : i32 to vector<16xi32>
        %shift_right_arithmetic3A_254 = arith.shrsi %get3A_224, %shift_right_arithmetic3A_253 : vector<16xi32>
        %mul3A_255 = arith.constant 128 : i32
        %mul3A_256 = vector.broadcast %mul3A_255 : i32 to vector<16xi32>
        %mul3A_257 = arith.muli %shift_right_arithmetic3A_254, %mul3A_256 : vector<16xi32>
        %add3A_258 = arith.addi %mul3A_257, %gather3A_251 : vector<16xi32>
        %swap3A_259 = arith.index_cast %scan3A_51 : i32 to index
        %swap3A_260 = arith.constant 48 : index
        %swap3A_261 = tpu.vector_load %arg11[%swap3A_259, %swap3A_260] {strides = array<i32>} : memref<16x128xi32, #tpu.memory_space<vmem>>, vector<16xi32>,
        tpu.vector_store %arg11[%swap3A_259, %swap3A_260], %add3A_258 {strides = array<i32>} : memref<16x128xi32, #tpu.memory_space<vmem>>, vector<16xi32>,
        %and3A_262 = arith.constant 1 : i32
        %and3A_263 = vector.broadcast %and3A_262 : i32 to vector<16xi32>
        %and3A_264 = arith.andi %get3A_224, %and3A_263 : vector<16xi32>
        %mul3A_265 = arith.constant 16 : i32
        %mul3A_266 = vector.broadcast %mul3A_265 : i32 to vector<16xi32>
        %mul3A_267 = arith.muli %and3A_264, %mul3A_266 : vector<16xi32>
        %shift_left3A_268 = arith.constant 1 : i32
        %shift_left3A_269 = vector.broadcast %shift_left3A_268 : i32 to vector<16xi32>
        %shift_left3A_270 = arith.shli %shift_left3A_269, %mul3A_267 : vector<16xi32>
        %swap3A_271 = arith.index_cast %scan3A_51 : i32 to index
        %swap3A_272 = arith.constant 48 : index
        %swap3A_273 = tpu.vector_load %arg12[%swap3A_271, %swap3A_272] {strides = array<i32>} : memref<16x128xi32, #tpu.memory_space<vmem>>, vector<16xi32>,
        tpu.vector_store %arg12[%swap3A_271, %swap3A_272], %shift_left3A_270 {strides = array<i32>} : memref<16x128xi32, #tpu.memory_space<vmem>>, vector<16xi32>,
        %mul3A_274 = arith.constant 128 : i32
        %mul3A_275 = arith.muli %scan3A_51, %mul3A_274 : i32
        %add3A_276 = arith.constant 64 : i32
        %add3A_277 = arith.addi %mul3A_275, %add3A_276 : i32
        %get3A_278 = arith.index_cast %add3A_277 : i32 to index
        %get3A_279 = tpu.vector_load %arg7[%get3A_278] {strides = array<i32>} : memref<2048xi32, #tpu.memory_space<vmem>>, vector<16xi32>,
        %get3A_280 = arith.index_cast %add3A_277 : i32 to index
        %get3A_281 = tpu.vector_load %arg8[%get3A_280] {strides = array<i32>} : memref<2048xi32, #tpu.memory_space<vmem>>, vector<16xi32>,
        %shift_right_arithmetic3A_282 = arith.constant 1 : i32
        %shift_right_arithmetic3A_283 = vector.broadcast %shift_right_arithmetic3A_282 : i32 to vector<16xi32>
        %shift_right_arithmetic3A_284 = arith.shrsi %get3A_279, %shift_right_arithmetic3A_283 : vector<16xi32>
        %and3A_285 = arith.constant 1 : i32
        %and3A_286 = vector.broadcast %and3A_285 : i32 to vector<16xi32>
        %and3A_287 = arith.andi %get3A_279, %and3A_286 : vector<16xi32>
        %mul3A_288 = arith.constant 5120 : i32
        %mul3A_289 = vector.broadcast %mul3A_288 : i32 to vector<16xi32>
        %mul3A_290 = arith.muli %and3A_287, %mul3A_289 : vector<16xi32>
        %add3A_291 = arith.addi %shift_right_arithmetic3A_284, %mul3A_290 : vector<16xi32>
        %shift_right_arithmetic3A_292 = arith.constant 1 : i32
        %shift_right_arithmetic3A_293 = vector.broadcast %shift_right_arithmetic3A_292 : i32 to vector<16xi32>
        %shift_right_arithmetic3A_294 = arith.shrsi %get3A_281, %shift_right_arithmetic3A_293 : vector<16xi32>
        %and3A_295 = arith.constant 1 : i32
        %and3A_296 = vector.broadcast %and3A_295 : i32 to vector<16xi32>
        %and3A_297 = arith.andi %get3A_281, %and3A_296 : vector<16xi32>
        %mul3A_298 = arith.constant 5120 : i32
        %mul3A_299 = vector.broadcast %mul3A_298 : i32 to vector<16xi32>
        %mul3A_300 = arith.muli %and3A_297, %mul3A_299 : vector<16xi32>
        %add3A_301 = arith.addi %shift_right_arithmetic3A_294, %mul3A_300 : vector<16xi32>
        %gather3A_302 = tpu.vector_load_idx %arg9[%add3A_291] : memref<10240xi32, #tpu.memory_space<vmem>>[vector<16xi32>], vector<16xi32>,
        %gather3A_303 = tpu.vector_load_idx %arg9[%add3A_301] : memref<10240xi32, #tpu.memory_space<vmem>>[vector<16xi32>], vector<16xi32>,
        %mul3A_304 = arith.constant 128 : i32
        %mul3A_305 = vector.broadcast %mul3A_304 : i32 to vector<16xi32>
        %mul3A_306 = arith.muli %gather3A_302, %mul3A_305 : vector<16xi32>
        %add3A_307 = arith.addi %mul3A_306, %gather3A_303 : vector<16xi32>
        %gather3A_308 = tpu.vector_load_idx %arg10[%add3A_307] : memref<16384xi32, #tpu.memory_space<vmem>>[vector<16xi32>], vector<16xi32>,
        %shift_right_arithmetic3A_309 = arith.constant 1 : i32
        %shift_right_arithmetic3A_310 = vector.broadcast %shift_right_arithmetic3A_309 : i32 to vector<16xi32>
        %shift_right_arithmetic3A_311 = arith.shrsi %get3A_281, %shift_right_arithmetic3A_310 : vector<16xi32>
        %mul3A_312 = arith.constant 128 : i32
        %mul3A_313 = vector.broadcast %mul3A_312 : i32 to vector<16xi32>
        %mul3A_314 = arith.muli %shift_right_arithmetic3A_311, %mul3A_313 : vector<16xi32>
        %add3A_315 = arith.addi %mul3A_314, %gather3A_308 : vector<16xi32>
        %swap3A_316 = arith.index_cast %scan3A_51 : i32 to index
        %swap3A_317 = arith.constant 64 : index
        %swap3A_318 = tpu.vector_load %arg11[%swap3A_316, %swap3A_317] {strides = array<i32>} : memref<16x128xi32, #tpu.memory_space<vmem>>, vector<16xi32>,
        tpu.vector_store %arg11[%swap3A_316, %swap3A_317], %add3A_315 {strides = array<i32>} : memref<16x128xi32, #tpu.memory_space<vmem>>, vector<16xi32>,
        %and3A_319 = arith.constant 1 : i32
        %and3A_320 = vector.broadcast %and3A_319 : i32 to vector<16xi32>
        %and3A_321 = arith.andi %get3A_281, %and3A_320 : vector<16xi32>
        %mul3A_322 = arith.constant 16 : i32
        %mul3A_323 = vector.broadcast %mul3A_322 : i32 to vector<16xi32>
        %mul3A_324 = arith.muli %and3A_321, %mul3A_323 : vector<16xi32>
        %shift_left3A_325 = arith.constant 1 : i32
        %shift_left3A_326 = vector.broadcast %shift_left3A_325 : i32 to vector<16xi32>
        %shift_left3A_327 = arith.shli %shift_left3A_326, %mul3A_324 : vector<16xi32>
        %swap3A_328 = arith.index_cast %scan3A_51 : i32 to index
        %swap3A_329 = arith.constant 64 : index
        %swap3A_330 = tpu.vector_load %arg12[%swap3A_328, %swap3A_329] {strides = array<i32>} : memref<16x128xi32, #tpu.memory_space<vmem>>, vector<16xi32>,
        tpu.vector_store %arg12[%swap3A_328, %swap3A_329], %shift_left3A_327 {strides = array<i32>} : memref<16x128xi32, #tpu.memory_space<vmem>>, vector<16xi32>,
        %mul3A_331 = arith.constant 128 : i32
        %mul3A_332 = arith.muli %scan3A_51, %mul3A_331 : i32
        %add3A_333 = arith.constant 80 : i32
        %add3A_334 = arith.addi %mul3A_332, %add3A_333 : i32
        %get3A_335 = arith.index_cast %add3A_334 : i32 to index
        %get3A_336 = tpu.vector_load %arg7[%get3A_335] {strides = array<i32>} : memref<2048xi32, #tpu.memory_space<vmem>>, vector<16xi32>,
        %get3A_337 = arith.index_cast %add3A_334 : i32 to index
        %get3A_338 = tpu.vector_load %arg8[%get3A_337] {strides = array<i32>} : memref<2048xi32, #tpu.memory_space<vmem>>, vector<16xi32>,
        %shift_right_arithmetic3A_339 = arith.constant 1 : i32
        %shift_right_arithmetic3A_340 = vector.broadcast %shift_right_arithmetic3A_339 : i32 to vector<16xi32>
        %shift_right_arithmetic3A_341 = arith.shrsi %get3A_336, %shift_right_arithmetic3A_340 : vector<16xi32>
        %and3A_342 = arith.constant 1 : i32
        %and3A_343 = vector.broadcast %and3A_342 : i32 to vector<16xi32>
        %and3A_344 = arith.andi %get3A_336, %and3A_343 : vector<16xi32>
        %mul3A_345 = arith.constant 5120 : i32
        %mul3A_346 = vector.broadcast %mul3A_345 : i32 to vector<16xi32>
        %mul3A_347 = arith.muli %and3A_344, %mul3A_346 : vector<16xi32>
        %add3A_348 = arith.addi %shift_right_arithmetic3A_341, %mul3A_347 : vector<16xi32>
        %shift_right_arithmetic3A_349 = arith.constant 1 : i32
        %shift_right_arithmetic3A_350 = vector.broadcast %shift_right_arithmetic3A_349 : i32 to vector<16xi32>
        %shift_right_arithmetic3A_351 = arith.shrsi %get3A_338, %shift_right_arithmetic3A_350 : vector<16xi32>
        %and3A_352 = arith.constant 1 : i32
        %and3A_353 = vector.broadcast %and3A_352 : i32 to vector<16xi32>
        %and3A_354 = arith.andi %get3A_338, %and3A_353 : vector<16xi32>
        %mul3A_355 = arith.constant 5120 : i32
        %mul3A_356 = vector.broadcast %mul3A_355 : i32 to vector<16xi32>
        %mul3A_357 = arith.muli %and3A_354, %mul3A_356 : vector<16xi32>
        %add3A_358 = arith.addi %shift_right_arithmetic3A_351, %mul3A_357 : vector<16xi32>
        %gather3A_359 = tpu.vector_load_idx %arg9[%add3A_348] : memref<10240xi32, #tpu.memory_space<vmem>>[vector<16xi32>], vector<16xi32>,
        %gather3A_360 = tpu.vector_load_idx %arg9[%add3A_358] : memref<10240xi32, #tpu.memory_space<vmem>>[vector<16xi32>], vector<16xi32>,
        %mul3A_361 = arith.constant 128 : i32
        %mul3A_362 = vector.broadcast %mul3A_361 : i32 to vector<16xi32>
        %mul3A_363 = arith.muli %gather3A_359, %mul3A_362 : vector<16xi32>
        %add3A_364 = arith.addi %mul3A_363, %gather3A_360 : vector<16xi32>
        %gather3A_365 = tpu.vector_load_idx %arg10[%add3A_364] : memref<16384xi32, #tpu.memory_space<vmem>>[vector<16xi32>], vector<16xi32>,
        %shift_right_arithmetic3A_366 = arith.constant 1 : i32
        %shift_right_arithmetic3A_367 = vector.broadcast %shift_right_arithmetic3A_366 : i32 to vector<16xi32>
        %shift_right_arithmetic3A_368 = arith.shrsi %get3A_338, %shift_right_arithmetic3A_367 : vector<16xi32>
        %mul3A_369 = arith.constant 128 : i32
        %mul3A_370 = vector.broadcast %mul3A_369 : i32 to vector<16xi32>
        %mul3A_371 = arith.muli %shift_right_arithmetic3A_368, %mul3A_370 : vector<16xi32>
        %add3A_372 = arith.addi %mul3A_371, %gather3A_365 : vector<16xi32>
        %swap3A_373 = arith.index_cast %scan3A_51 : i32 to index
        %swap3A_374 = arith.constant 80 : index
        %swap3A_375 = tpu.vector_load %arg11[%swap3A_373, %swap3A_374] {strides = array<i32>} : memref<16x128xi32, #tpu.memory_space<vmem>>, vector<16xi32>,
        tpu.vector_store %arg11[%swap3A_373, %swap3A_374], %add3A_372 {strides = array<i32>} : memref<16x128xi32, #tpu.memory_space<vmem>>, vector<16xi32>,
        %and3A_376 = arith.constant 1 : i32
        %and3A_377 = vector.broadcast %and3A_376 : i32 to vector<16xi32>
        %and3A_378 = arith.andi %get3A_338, %and3A_377 : vector<16xi32>
        %mul3A_379 = arith.constant 16 : i32
        %mul3A_380 = vector.broadcast %mul3A_379 : i32 to vector<16xi32>
        %mul3A_381 = arith.muli %and3A_378, %mul3A_380 : vector<16xi32>
        %shift_left3A_382 = arith.constant 1 : i32
        %shift_left3A_383 = vector.broadcast %shift_left3A_382 : i32 to vector<16xi32>
        %shift_left3A_384 = arith.shli %shift_left3A_383, %mul3A_381 : vector<16xi32>
        %swap3A_385 = arith.index_cast %scan3A_51 : i32 to index
        %swap3A_386 = arith.constant 80 : index
        %swap3A_387 = tpu.vector_load %arg12[%swap3A_385, %swap3A_386] {strides = array<i32>} : memref<16x128xi32, #tpu.memory_space<vmem>>, vector<16xi32>,
        tpu.vector_store %arg12[%swap3A_385, %swap3A_386], %shift_left3A_384 {strides = array<i32>} : memref<16x128xi32, #tpu.memory_space<vmem>>, vector<16xi32>,
        %mul3A_388 = arith.constant 128 : i32
        %mul3A_389 = arith.muli %scan3A_51, %mul3A_388 : i32
        %add3A_390 = arith.constant 96 : i32
        %add3A_391 = arith.addi %mul3A_389, %add3A_390 : i32
        %get3A_392 = arith.index_cast %add3A_391 : i32 to index
        %get3A_393 = tpu.vector_load %arg7[%get3A_392] {strides = array<i32>} : memref<2048xi32, #tpu.memory_space<vmem>>, vector<16xi32>,
        %get3A_394 = arith.index_cast %add3A_391 : i32 to index
        %get3A_395 = tpu.vector_load %arg8[%get3A_394] {strides = array<i32>} : memref<2048xi32, #tpu.memory_space<vmem>>, vector<16xi32>,
        %shift_right_arithmetic3A_396 = arith.constant 1 : i32
        %shift_right_arithmetic3A_397 = vector.broadcast %shift_right_arithmetic3A_396 : i32 to vector<16xi32>
        %shift_right_arithmetic3A_398 = arith.shrsi %get3A_393, %shift_right_arithmetic3A_397 : vector<16xi32>
        %and3A_399 = arith.constant 1 : i32
        %and3A_400 = vector.broadcast %and3A_399 : i32 to vector<16xi32>
        %and3A_401 = arith.andi %get3A_393, %and3A_400 : vector<16xi32>
        %mul3A_402 = arith.constant 5120 : i32
        %mul3A_403 = vector.broadcast %mul3A_402 : i32 to vector<16xi32>
        %mul3A_404 = arith.muli %and3A_401, %mul3A_403 : vector<16xi32>
        %add3A_405 = arith.addi %shift_right_arithmetic3A_398, %mul3A_404 : vector<16xi32>
        %shift_right_arithmetic3A_406 = arith.constant 1 : i32
        %shift_right_arithmetic3A_407 = vector.broadcast %shift_right_arithmetic3A_406 : i32 to vector<16xi32>
        %shift_right_arithmetic3A_408 = arith.shrsi %get3A_395, %shift_right_arithmetic3A_407 : vector<16xi32>
        %and3A_409 = arith.constant 1 : i32
        %and3A_410 = vector.broadcast %and3A_409 : i32 to vector<16xi32>
        %and3A_411 = arith.andi %get3A_395, %and3A_410 : vector<16xi32>
        %mul3A_412 = arith.constant 5120 : i32
        %mul3A_413 = vector.broadcast %mul3A_412 : i32 to vector<16xi32>
        %mul3A_414 = arith.muli %and3A_411, %mul3A_413 : vector<16xi32>
        %add3A_415 = arith.addi %shift_right_arithmetic3A_408, %mul3A_414 : vector<16xi32>
        %gather3A_416 = tpu.vector_load_idx %arg9[%add3A_405] : memref<10240xi32, #tpu.memory_space<vmem>>[vector<16xi32>], vector<16xi32>,
        %gather3A_417 = tpu.vector_load_idx %arg9[%add3A_415] : memref<10240xi32, #tpu.memory_space<vmem>>[vector<16xi32>], vector<16xi32>,
        %mul3A_418 = arith.constant 128 : i32
        %mul3A_419 = vector.broadcast %mul3A_418 : i32 to vector<16xi32>
        %mul3A_420 = arith.muli %gather3A_416, %mul3A_419 : vector<16xi32>
        %add3A_421 = arith.addi %mul3A_420, %gather3A_417 : vector<16xi32>
        %gather3A_422 = tpu.vector_load_idx %arg10[%add3A_421] : memref<16384xi32, #tpu.memory_space<vmem>>[vector<16xi32>], vector<16xi32>,
        %shift_right_arithmetic3A_423 = arith.constant 1 : i32
        %shift_right_arithmetic3A_424 = vector.broadcast %shift_right_arithmetic3A_423 : i32 to vector<16xi32>
        %shift_right_arithmetic3A_425 = arith.shrsi %get3A_395, %shift_right_arithmetic3A_424 : vector<16xi32>
        %mul3A_426 = arith.constant 128 : i32
        %mul3A_427 = vector.broadcast %mul3A_426 : i32 to vector<16xi32>
        %mul3A_428 = arith.muli %shift_right_arithmetic3A_425, %mul3A_427 : vector<16xi32>
        %add3A_429 = arith.addi %mul3A_428, %gather3A_422 : vector<16xi32>
        %swap3A_430 = arith.index_cast %scan3A_51 : i32 to index
        %swap3A_431 = arith.constant 96 : index
        %swap3A_432 = tpu.vector_load %arg11[%swap3A_430, %swap3A_431] {strides = array<i32>} : memref<16x128xi32, #tpu.memory_space<vmem>>, vector<16xi32>,
        tpu.vector_store %arg11[%swap3A_430, %swap3A_431], %add3A_429 {strides = array<i32>} : memref<16x128xi32, #tpu.memory_space<vmem>>, vector<16xi32>,
        %and3A_433 = arith.constant 1 : i32
        %and3A_434 = vector.broadcast %and3A_433 : i32 to vector<16xi32>
        %and3A_435 = arith.andi %get3A_395, %and3A_434 : vector<16xi32>
        %mul3A_436 = arith.constant 16 : i32
        %mul3A_437 = vector.broadcast %mul3A_436 : i32 to vector<16xi32>
        %mul3A_438 = arith.muli %and3A_435, %mul3A_437 : vector<16xi32>
        %shift_left3A_439 = arith.constant 1 : i32
        %shift_left3A_440 = vector.broadcast %shift_left3A_439 : i32 to vector<16xi32>
        %shift_left3A_441 = arith.shli %shift_left3A_440, %mul3A_438 : vector<16xi32>
        %swap3A_442 = arith.index_cast %scan3A_51 : i32 to index
        %swap3A_443 = arith.constant 96 : index
        %swap3A_444 = tpu.vector_load %arg12[%swap3A_442, %swap3A_443] {strides = array<i32>} : memref<16x128xi32, #tpu.memory_space<vmem>>, vector<16xi32>,
        tpu.vector_store %arg12[%swap3A_442, %swap3A_443], %shift_left3A_441 {strides = array<i32>} : memref<16x128xi32, #tpu.memory_space<vmem>>, vector<16xi32>,
        %mul3A_445 = arith.constant 128 : i32
        %mul3A_446 = arith.muli %scan3A_51, %mul3A_445 : i32
        %add3A_447 = arith.constant 112 : i32
        %add3A_448 = arith.addi %mul3A_446, %add3A_447 : i32
        %get3A_449 = arith.index_cast %add3A_448 : i32 to index
        %get3A_450 = tpu.vector_load %arg7[%get3A_449] {strides = array<i32>} : memref<2048xi32, #tpu.memory_space<vmem>>, vector<16xi32>,
        %get3A_451 = arith.index_cast %add3A_448 : i32 to index
        %get3A_452 = tpu.vector_load %arg8[%get3A_451] {strides = array<i32>} : memref<2048xi32, #tpu.memory_space<vmem>>, vector<16xi32>,
        %shift_right_arithmetic3A_453 = arith.constant 1 : i32
        %shift_right_arithmetic3A_454 = vector.broadcast %shift_right_arithmetic3A_453 : i32 to vector<16xi32>
        %shift_right_arithmetic3A_455 = arith.shrsi %get3A_450, %shift_right_arithmetic3A_454 : vector<16xi32>
        %and3A_456 = arith.constant 1 : i32
        %and3A_457 = vector.broadcast %and3A_456 : i32 to vector<16xi32>
        %and3A_458 = arith.andi %get3A_450, %and3A_457 : vector<16xi32>
        %mul3A_459 = arith.constant 5120 : i32
        %mul3A_460 = vector.broadcast %mul3A_459 : i32 to vector<16xi32>
        %mul3A_461 = arith.muli %and3A_458, %mul3A_460 : vector<16xi32>
        %add3A_462 = arith.addi %shift_right_arithmetic3A_455, %mul3A_461 : vector<16xi32>
        %shift_right_arithmetic3A_463 = arith.constant 1 : i32
        %shift_right_arithmetic3A_464 = vector.broadcast %shift_right_arithmetic3A_463 : i32 to vector<16xi32>
        %shift_right_arithmetic3A_465 = arith.shrsi %get3A_452, %shift_right_arithmetic3A_464 : vector<16xi32>
        %and3A_466 = arith.constant 1 : i32
        %and3A_467 = vector.broadcast %and3A_466 : i32 to vector<16xi32>
        %and3A_468 = arith.andi %get3A_452, %and3A_467 : vector<16xi32>
        %mul3A_469 = arith.constant 5120 : i32
        %mul3A_470 = vector.broadcast %mul3A_469 : i32 to vector<16xi32>
        %mul3A_471 = arith.muli %and3A_468, %mul3A_470 : vector<16xi32>
        %add3A_472 = arith.addi %shift_right_arithmetic3A_465, %mul3A_471 : vector<16xi32>
        %gather3A_473 = tpu.vector_load_idx %arg9[%add3A_462] : memref<10240xi32, #tpu.memory_space<vmem>>[vector<16xi32>], vector<16xi32>,
        %gather3A_474 = tpu.vector_load_idx %arg9[%add3A_472] : memref<10240xi32, #tpu.memory_space<vmem>>[vector<16xi32>], vector<16xi32>,
        %mul3A_475 = arith.constant 128 : i32
        %mul3A_476 = vector.broadcast %mul3A_475 : i32 to vector<16xi32>
        %mul3A_477 = arith.muli %gather3A_473, %mul3A_476 : vector<16xi32>
        %add3A_478 = arith.addi %mul3A_477, %gather3A_474 : vector<16xi32>
        %gather3A_479 = tpu.vector_load_idx %arg10[%add3A_478] : memref<16384xi32, #tpu.memory_space<vmem>>[vector<16xi32>], vector<16xi32>,
        %shift_right_arithmetic3A_480 = arith.constant 1 : i32
        %shift_right_arithmetic3A_481 = vector.broadcast %shift_right_arithmetic3A_480 : i32 to vector<16xi32>
        %shift_right_arithmetic3A_482 = arith.shrsi %get3A_452, %shift_right_arithmetic3A_481 : vector<16xi32>
        %mul3A_483 = arith.constant 128 : i32
        %mul3A_484 = vector.broadcast %mul3A_483 : i32 to vector<16xi32>
        %mul3A_485 = arith.muli %shift_right_arithmetic3A_482, %mul3A_484 : vector<16xi32>
        %add3A_486 = arith.addi %mul3A_485, %gather3A_479 : vector<16xi32>
        %swap3A_487 = arith.index_cast %scan3A_51 : i32 to index
        %swap3A_488 = arith.constant 112 : index
        %swap3A_489 = tpu.vector_load %arg11[%swap3A_487, %swap3A_488] {strides = array<i32>} : memref<16x128xi32, #tpu.memory_space<vmem>>, vector<16xi32>,
        tpu.vector_store %arg11[%swap3A_487, %swap3A_488], %add3A_486 {strides = array<i32>} : memref<16x128xi32, #tpu.memory_space<vmem>>, vector<16xi32>,
        %and3A_490 = arith.constant 1 : i32
        %and3A_491 = vector.broadcast %and3A_490 : i32 to vector<16xi32>
        %and3A_492 = arith.andi %get3A_452, %and3A_491 : vector<16xi32>
        %mul3A_493 = arith.constant 16 : i32
        %mul3A_494 = vector.broadcast %mul3A_493 : i32 to vector<16xi32>
        %mul3A_495 = arith.muli %and3A_492, %mul3A_494 : vector<16xi32>
        %shift_left3A_496 = arith.constant 1 : i32
        %shift_left3A_497 = vector.broadcast %shift_left3A_496 : i32 to vector<16xi32>
        %shift_left3A_498 = arith.shli %shift_left3A_497, %mul3A_495 : vector<16xi32>
        %swap3A_499 = arith.index_cast %scan3A_51 : i32 to index
        %swap3A_500 = arith.constant 112 : index
        %swap3A_501 = tpu.vector_load %arg12[%swap3A_499, %swap3A_500] {strides = array<i32>} : memref<16x128xi32, #tpu.memory_space<vmem>>, vector<16xi32>,
        tpu.vector_store %arg12[%swap3A_499, %swap3A_500], %shift_left3A_498 {strides = array<i32>} : memref<16x128xi32, #tpu.memory_space<vmem>>, vector<16xi32>,
        %dma_start3A = arith.constant 0 : i32
        %dma_start3A_502 = tpu.memref_slice %arg12[%scan3A_51, %dma_start3A] : memref<16x128xi32, #tpu.memory_space<vmem>> -> memref<1x128xi32, #tpu.memory_space<vmem>>
        %dma_start3A_503 = tpu.memref_squeeze %dma_start3A_502 : memref<1x128xi32, #tpu.memory_space<vmem>> -> memref<128xi32, #tpu.memory_space<vmem>>
        %dma_start3A_504 = arith.constant 0 : i32
        %dma_start3A_505 = tpu.memref_slice %arg11[%scan3A_51, %dma_start3A_504] : memref<16x128xi32, #tpu.memory_space<vmem>> -> memref<1x128xi32, #tpu.memory_space<vmem>>
        %dma_start3A_506 = tpu.memref_squeeze %dma_start3A_505 : memref<1x128xi32, #tpu.memory_space<vmem>> -> memref<128xi32, #tpu.memory_space<vmem>>
        %dma_start3A_507 = arith.constant 0 : i32
        %dma_start3A_508 = tpu.memref_slice %arg14[%dma_start3A_507] : memref<655360xi32, #tpu.memory_space<vmem_shared>> -> memref<655360xi32, #tpu.memory_space<vmem_shared>>
        tpu.enqueue_indirect_dma source(%dma_start3A_503 : memref<128xi32, #tpu.memory_space<vmem>>) target(%dma_start3A_508 : memref<655360xi32, #tpu.memory_space<vmem_shared>>) offsets(%dma_start3A_506 : memref<128xi32, #tpu.memory_space<vmem>>) semaphore(%arg15 : memref<!tpu.dma_semaphore, #tpu.memory_space<semaphore_mem>>) {add = true}
      }
      %scan3A_44 = arith.constant 16 : i32
      %scan3A_45 = arith.constant 0 : i32
      %scan3A_46 = arith.constant 0 : i32
      %scan3A_47 = arith.constant 16 : i32
      %scan3A_48 = arith.addi %scan3A_46, %scan3A_47 : i32
      %scan3A_49 = arith.constant 1 : i32
      scf.for %scan3A_51 = %scan3A_46 to %scan3A_48 step %scan3A_49  : i32 {
        %dma_wait3A = arith.constant 0 : i32
        %dma_wait3A_52 = tpu.memref_slice %arg12[%scan3A_51, %dma_wait3A] : memref<16x128xi32, #tpu.memory_space<vmem>> -> memref<1x128xi32, #tpu.memory_space<vmem>>
        %dma_wait3A_53 = tpu.memref_squeeze %dma_wait3A_52 : memref<1x128xi32, #tpu.memory_space<vmem>> -> memref<128xi32, #tpu.memory_space<vmem>>
        %dma_wait3A_54 = arith.constant 0 : i32
        %dma_wait3A_55 = tpu.memref_slice %arg11[%scan3A_51, %dma_wait3A_54] : memref<16x128xi32, #tpu.memory_space<vmem>> -> memref<1x128xi32, #tpu.memory_space<vmem>>
        %dma_wait3A_56 = tpu.memref_squeeze %dma_wait3A_55 : memref<1x128xi32, #tpu.memory_space<vmem>> -> memref<128xi32, #tpu.memory_space<vmem>>
        %dma_wait3A_57 = arith.constant 0 : i32
        %dma_wait3A_58 = tpu.memref_slice %arg14[%dma_wait3A_57] : memref<655360xi32, #tpu.memory_space<vmem_shared>> -> memref<655360xi32, #tpu.memory_space<vmem_shared>>
        tpu.wait_indirect_dma semaphore(%arg15 : memref<!tpu.dma_semaphore, #tpu.memory_space<semaphore_mem>>) src(%dma_wait3A_53 : memref<128xi32, #tpu.memory_space<vmem>>) dst(%dma_wait3A_58 : memref<655360xi32, #tpu.memory_space<vmem_shared>>)
      }
      %scan3A_50 = arith.constant 16 : i32
    }
    %scan3A_26 = arith.constant 5 : i32
    %barrier3A_27 = arith.constant 0 : index
    tpu.barrier barrier_id(%barrier3A_27)
    %mul3A_28 = arith.constant 40960 : i32
    %mul3A_29 = arith.muli %arg1, %mul3A_28 : i32
    %mul3A_30 = arith.constant 655360 : i32
    %mul3A_31 = arith.muli %arg0, %mul3A_30 : i32
    %mul3A_32 = arith.constant 40960 : i32
    %mul3A_33 = arith.muli %arg1, %mul3A_32 : i32
    %add3A_34 = arith.addi %mul3A_31, %mul3A_33 : i32
    "tpu.region"() ({
      %run_scoped3A = tpu.sem_alloc : memref<!tpu.dma_semaphore, #tpu.memory_space<semaphore_mem>>
      %dma_start3A = tpu.memref_slice %arg6[%add3A_34] : memref<1310720xi32, #tpu.memory_space<hbm>> -> memref<40960xi32, #tpu.memory_space<hbm>>
      %dma_start3A_35 = tpu.memref_slice %arg14[%mul3A_29] : memref<655360xi32, #tpu.memory_space<vmem_shared>> -> memref<40960xi32, #tpu.memory_space<vmem_shared>>
      tpu.enqueue_dma source(%dma_start3A_35 : memref<40960xi32, #tpu.memory_space<vmem_shared>>) target(%dma_start3A : memref<40960xi32, #tpu.memory_space<hbm>>) target_semaphore(%run_scoped3A : memref<!tpu.dma_semaphore, #tpu.memory_space<semaphore_mem>>)
      %dma_wait3A = tpu.memref_slice %arg6[%add3A_34] : memref<1310720xi32, #tpu.memory_space<hbm>> -> memref<40960xi32, #tpu.memory_space<hbm>>
      %dma_wait3A_36 = tpu.memref_slice %arg14[%mul3A_29] : memref<655360xi32, #tpu.memory_space<vmem_shared>> -> memref<40960xi32, #tpu.memory_space<vmem_shared>>
      tpu.wait_dma2 semaphore(%run_scoped3A : memref<!tpu.dma_semaphore, #tpu.memory_space<semaphore_mem>>) src(%dma_wait3A_36 : memref<40960xi32, #tpu.memory_space<vmem_shared>>) dst(%dma_wait3A : memref<40960xi32, #tpu.memory_space<hbm>>)
      tpu.yield
    }) : () -> ()
    return
  }
}

module attributes {stable_mosaic.version = 14 : i64} {
  func.func @_table_body(%arg0: i32, %arg1: memref<256x128xf32, #tpu.memory_space<vmem>>, %arg2: memref<1x128xf32, #tpu.memory_space<vmem>>, %arg3: memref<1024xi32, #tpu.memory_space<vmem>>) attributes {dimension_semantics = [#tpu.dimension_semantics<arbitrary>], iteration_bounds = array<i64: 16>, scalar_prefetch = 0 : i64, scratch_operands = 0 : i64, tpu.core_type = #tpu.core_type<tc>, window_params = [{pipeline_mode = #tpu.pipeline_mode<synchronous>, transform_indices = @transform_0, window_bounds = array<i64: 256, 128>}, {pipeline_mode = #tpu.pipeline_mode<synchronous>, transform_indices = @transform_1, window_bounds = array<i64: 1, 128>}, {transform_indices = @transform_2, window_bounds = array<i64: 1024>}]} {
    %mul3A = arith.constant 1024 : i32
    %mul3A_0 = arith.muli %arg0, %mul3A : i32
    %iota3A = tpu.iota {dimensions = array<i32: 0>} : vector<1024x256xi32>
    %add3A = vector.broadcast %mul3A_0 : i32 to vector<1024x256xi32>
    %add3A_1 = arith.addi %add3A, %iota3A : vector<1024x256xi32>
    %iota3A_2 = tpu.iota {dimensions = array<i32: 1>} : vector<1024x256xi32>
    %jit3A = arith.constant 128 : i32
    %div3A = vector.broadcast %jit3A : i32 to vector<1024x256xi32>
    %div3A_3 = arith.divsi %add3A_1, %div3A : vector<1024x256xi32>
    %sign3A = arith.constant 0 : i32
    %sign3A_4 = vector.broadcast %sign3A : i32 to vector<1024x256xi32>
    %sign3A_5 = arith.cmpi sgt, %add3A_1, %sign3A_4 : vector<1024x256xi32>
    %sign3A_6 = arith.extui %sign3A_5 : vector<1024x256xi1> to vector<1024x256xi32>
    %sign3A_7 = arith.constant 0 : i32
    %sign3A_8 = vector.broadcast %sign3A_7 : i32 to vector<1024x256xi32>
    %sign3A_9 = arith.cmpi slt, %add3A_1, %sign3A_8 : vector<1024x256xi32>
    %sign3A_10 = arith.extui %sign3A_9 : vector<1024x256xi1> to vector<1024x256xi32>
    %sign3A_11 = arith.subi %sign3A_6, %sign3A_10 : vector<1024x256xi32>
    %sign3A_12 = arith.constant 0 : i32
    %sign3A_13 = arith.cmpi sgt, %jit3A, %sign3A_12 : i32
    %sign3A_14 = arith.extui %sign3A_13 : i1 to i32
    %sign3A_15 = arith.constant 0 : i32
    %sign3A_16 = arith.cmpi slt, %jit3A, %sign3A_15 : i32
    %sign3A_17 = arith.extui %sign3A_16 : i1 to i32
    %sign3A_18 = arith.subi %sign3A_14, %sign3A_17 : i32
    %ne3A = vector.broadcast %sign3A_18 : i32 to vector<1024x256xi32>
    %ne3A_19 = arith.cmpi ne, %sign3A_11, %ne3A : vector<1024x256xi32>
    %rem3A = vector.broadcast %jit3A : i32 to vector<1024x256xi32>
    %rem3A_20 = arith.remsi %add3A_1, %rem3A : vector<1024x256xi32>
    %ne3A_21 = arith.constant 0 : i32
    %ne3A_22 = vector.broadcast %ne3A_21 : i32 to vector<1024x256xi32>
    %ne3A_23 = arith.cmpi ne, %rem3A_20, %ne3A_22 : vector<1024x256xi32>
    %and3A = arith.andi %ne3A_19, %ne3A_23 : vector<1024x256xi1>
    %sub3A = arith.constant 1 : i32
    %sub3A_24 = vector.broadcast %sub3A : i32 to vector<1024x256xi32>
    %sub3A_25 = arith.subi %div3A_3, %sub3A_24 : vector<1024x256xi32>
    %select_n3A = arith.select %and3A, %sub3A_25, %div3A_3 : vector<1024x256xi1>, vector<1024x256xi32>
    %jit3A_26 = arith.constant 128 : i32
    %eq3A = arith.constant 0 : i32
    %eq3A_27 = arith.cmpi eq, %jit3A_26, %eq3A : i32
    %jit3A_28 = arith.constant 1 : i32
    %select_n3A_29 = arith.select %eq3A_27, %jit3A_28, %jit3A_26 : i32
    %rem3A_30 = vector.broadcast %select_n3A_29 : i32 to vector<1024x256xi32>
    %rem3A_31 = arith.remsi %add3A_1, %rem3A_30 : vector<1024x256xi32>
    %ne3A_32 = arith.constant 0 : i32
    %ne3A_33 = vector.broadcast %ne3A_32 : i32 to vector<1024x256xi32>
    %ne3A_34 = arith.cmpi ne, %rem3A_31, %ne3A_33 : vector<1024x256xi32>
    %lt3A = arith.constant 0 : i32
    %lt3A_35 = vector.broadcast %lt3A : i32 to vector<1024x256xi32>
    %lt3A_36 = arith.cmpi slt, %rem3A_31, %lt3A_35 : vector<1024x256xi32>
    %lt3A_37 = arith.constant 0 : i32
    %lt3A_38 = arith.cmpi slt, %select_n3A_29, %lt3A_37 : i32
    %ne3A_39 = vector.broadcast %lt3A_38 : i1 to vector<1024x256xi1>
    %ne3A_40 = vector.broadcast %ne3A_39 : vector<1024x256xi1> to vector<1024x256xi1>
    %ne3A_41 = arith.xori %lt3A_36, %ne3A_40 : vector<1024x256xi1>
    %and3A_42 = arith.andi %ne3A_41, %ne3A_34 : vector<1024x256xi1>
    %add3A_43 = vector.broadcast %select_n3A_29 : i32 to vector<1024x256xi32>
    %add3A_44 = arith.addi %rem3A_31, %add3A_43 : vector<1024x256xi32>
    %select_n3A_45 = arith.select %and3A_42, %add3A_44, %rem3A_31 : vector<1024x256xi1>, vector<1024x256xi32>
    %eq3A_46 = arith.cmpi eq, %iota3A_2, %select_n3A : vector<1024x256xi32>
    %add3A_47 = arith.constant 128 : i32
    %add3A_48 = vector.broadcast %add3A_47 : i32 to vector<1024x256xi32>
    %add3A_49 = arith.addi %select_n3A_45, %add3A_48 : vector<1024x256xi32>
    %eq3A_50 = arith.cmpi eq, %iota3A_2, %add3A_49 : vector<1024x256xi32>
    %or3A = arith.ori %eq3A_46, %eq3A_50 : vector<1024x256xi1>
    %convert_element_type3A = arith.extui %or3A : vector<1024x256xi1> to vector<1024x256xi32>
    %convert_element_type3A_51 = arith.sitofp %convert_element_type3A : vector<1024x256xi32> to vector<1024x256xf32>
    %get3A = arith.constant 0 : index
    %get3A_52 = arith.constant 0 : index
    %get3A_53 = vector.load %arg1[%get3A, %get3A_52] : memref<256x128xf32, #tpu.memory_space<vmem>>, vector<256x128xf32>
    %dot_general3A = arith.constant dense<0.000000e+00> : vector<1024x128xf32>
    %dot_general3A_54 = tpu.matmul %convert_element_type3A_51, %get3A_53, %dot_general3A {dimension_numbers = #tpu.dot_dimension_numbers<[1], [0], [0], [1], [0, 0, 1, 1], [], []>, transpose_lhs_hint = false} : vector<1024x256xf32>, vector<256x128xf32>, vector<1024x128xf32> -> vector<1024x128xf32>
    %get3A_55 = arith.constant 0 : index
    %get3A_56 = arith.constant 0 : index
    %get3A_57 = vector.load %arg2[%get3A_55, %get3A_56] : memref<1x128xf32, #tpu.memory_space<vmem>>, vector<1x128xf32>
    %add3A_58 = vector.broadcast %get3A_57 : vector<1x128xf32> to vector<1024x128xf32>
    %add3A_59 = arith.addf %dot_general3A_54, %add3A_58 : vector<1024x128xf32>
    %mul3A_60 = arith.constant 0.999994993 : f32
    %mul3A_61 = vector.broadcast %mul3A_60 : f32 to vector<1024x128xf32>
    %mul3A_62 = arith.mulf %add3A_59, %mul3A_61 : vector<1024x128xf32>
    %reduce_max3A = arith.constant dense<0xFF800000> : vector<1024xf32>
    %reduce_max3A_63 = vector.multi_reduction <maximumf>, %mul3A_62, %reduce_max3A [1] : vector<1024x128xf32> to vector<1024xf32>
    %broadcast_in_dim3A = vector.shape_cast %reduce_max3A_63 : vector<1024xf32> to vector<1024x1xf32>
    %sub3A_64 = vector.broadcast %broadcast_in_dim3A : vector<1024x1xf32> to vector<1024x128xf32>
    %sub3A_65 = arith.subf %mul3A_62, %sub3A_64 : vector<1024x128xf32>
    %exp3A = math.exp %sub3A_65 : vector<1024x128xf32>
    %reduce_sum3A = arith.constant dense<0.000000e+00> : vector<1024xf32>
    %reduce_sum3A_66 = vector.multi_reduction <add>, %exp3A, %reduce_sum3A [1] : vector<1024x128xf32> to vector<1024xf32>
    %broadcast_in_dim3A_67 = vector.shape_cast %reduce_sum3A_66 : vector<1024xf32> to vector<1024x1xf32>
    %div3A_68 = vector.broadcast %broadcast_in_dim3A_67 : vector<1024x1xf32> to vector<1024x128xf32>
    %div3A_69 = arith.divf %exp3A, %div3A_68 : vector<1024x128xf32>
    %reduce_max3A_70 = arith.constant dense<0xFF800000> : vector<1024xf32>
    %reduce_max3A_71 = vector.multi_reduction <maximumf>, %div3A_69, %reduce_max3A_70 [1] : vector<1024x128xf32> to vector<1024xf32>
    %broadcast_in_dim3A_72 = vector.shape_cast %reduce_max3A_71 : vector<1024xf32> to vector<1024x1xf32>
    %iota3A_73 = tpu.iota {dimensions = array<i32: 1>} : vector<1024x128xi32>
    %eq3A_74 = vector.broadcast %broadcast_in_dim3A_72 : vector<1024x1xf32> to vector<1024x128xf32>
    %eq3A_75 = arith.cmpf oeq, %div3A_69, %eq3A_74 : vector<1024x128xf32>
    %jit3A_76 = arith.constant 128 : i32
    %broadcast_in_dim3A_77 = vector.broadcast %jit3A_76 : i32 to vector<1024x128xi32>
    %select_n3A_78 = arith.select %eq3A_75, %iota3A_73, %broadcast_in_dim3A_77 : vector<1024x128xi1>, vector<1024x128xi32>
    %reduce_min3A = arith.constant dense<2147483647> : vector<1024xi32>
    %reduce_min3A_79 = vector.multi_reduction <minsi>, %select_n3A_78, %reduce_min3A [1] : vector<1024x128xi32> to vector<1024xi32>
    %swap3A = arith.constant 0 : index
    %swap3A_80 = vector.load %arg3[%swap3A] : memref<1024xi32, #tpu.memory_space<vmem>>, vector<1024xi32>
    tpu.vector_store %arg3[%swap3A], %reduce_min3A_79 {strides = array<i32>} : memref<1024xi32, #tpu.memory_space<vmem>>, vector<1024xi32>,
    return
  }
  func.func @transform_0(%arg0: i32) -> (i32, i32) {
    %c0_i32 = arith.constant 0 : i32
    %c0_i32_0 = arith.constant 0 : i32
    %c0_i32_1 = arith.constant 0 : i32
    return %c0_i32, %c0_i32_0 : i32, i32
  }
  func.func @transform_1(%arg0: i32) -> (i32, i32) {
    %c0_i32 = arith.constant 0 : i32
    %c0_i32_0 = arith.constant 0 : i32
    %c0_i32_1 = arith.constant 0 : i32
    return %c0_i32, %c0_i32_0 : i32, i32
  }
  func.func @transform_2(%arg0: i32) -> i32 {
    %c0_i32 = arith.constant 0 : i32
    return %arg0 : i32
  }
}

module attributes {stable_mosaic.version = 14 : i64} {
  func.func @_input_body(%arg0: i32, %arg1: memref<1024x128xf32, #tpu.memory_space<vmem>>, %arg2: memref<128x128xf32, #tpu.memory_space<vmem>>, %arg3: memref<1x128xf32, #tpu.memory_space<vmem>>, %arg4: memref<1024xi32, #tpu.memory_space<vmem>>) attributes {dimension_semantics = [#tpu.dimension_semantics<arbitrary>], iteration_bounds = array<i64: 10>, scalar_prefetch = 0 : i64, scratch_operands = 0 : i64, tpu.core_type = #tpu.core_type<tc>, window_params = [{transform_indices = @transform_0, window_bounds = array<i64: 1024, 128>}, {pipeline_mode = #tpu.pipeline_mode<synchronous>, transform_indices = @transform_1, window_bounds = array<i64: 128, 128>}, {pipeline_mode = #tpu.pipeline_mode<synchronous>, transform_indices = @transform_2, window_bounds = array<i64: 1, 128>}, {transform_indices = @transform_3, window_bounds = array<i64: 1024>}]} {
    %get3A = arith.constant 0 : index
    %get3A_0 = arith.constant 0 : index
    %get3A_1 = vector.load %arg1[%get3A, %get3A_0] : memref<1024x128xf32, #tpu.memory_space<vmem>>, vector<1024x128xf32>
    %get3A_2 = arith.constant 0 : index
    %get3A_3 = arith.constant 0 : index
    %get3A_4 = vector.load %arg2[%get3A_2, %get3A_3] : memref<128x128xf32, #tpu.memory_space<vmem>>, vector<128x128xf32>
    %dot_general3A = arith.constant dense<0.000000e+00> : vector<1024x128xf32>
    %dot_general3A_5 = tpu.matmul %get3A_1, %get3A_4, %dot_general3A {dimension_numbers = #tpu.dot_dimension_numbers<[1], [0], [0], [1], [0, 0, 1, 1], [], []>, transpose_lhs_hint = false} : vector<1024x128xf32>, vector<128x128xf32>, vector<1024x128xf32> -> vector<1024x128xf32>
    %get3A_6 = arith.constant 0 : index
    %get3A_7 = arith.constant 0 : index
    %get3A_8 = vector.load %arg3[%get3A_6, %get3A_7] : memref<1x128xf32, #tpu.memory_space<vmem>>, vector<1x128xf32>
    %add3A = vector.broadcast %get3A_8 : vector<1x128xf32> to vector<1024x128xf32>
    %add3A_9 = arith.addf %dot_general3A_5, %add3A : vector<1024x128xf32>
    %reduce_max3A = arith.constant dense<0xFF800000> : vector<1024xf32>
    %reduce_max3A_10 = vector.multi_reduction <maximumf>, %add3A_9, %reduce_max3A [1] : vector<1024x128xf32> to vector<1024xf32>
    %broadcast_in_dim3A = vector.shape_cast %reduce_max3A_10 : vector<1024xf32> to vector<1024x1xf32>
    %sub3A = vector.broadcast %broadcast_in_dim3A : vector<1024x1xf32> to vector<1024x128xf32>
    %sub3A_11 = arith.subf %add3A_9, %sub3A : vector<1024x128xf32>
    %exp3A = math.exp %sub3A_11 : vector<1024x128xf32>
    %reduce_sum3A = arith.constant dense<0.000000e+00> : vector<1024xf32>
    %reduce_sum3A_12 = vector.multi_reduction <add>, %exp3A, %reduce_sum3A [1] : vector<1024x128xf32> to vector<1024xf32>
    %broadcast_in_dim3A_13 = vector.shape_cast %reduce_sum3A_12 : vector<1024xf32> to vector<1024x1xf32>
    %div3A = vector.broadcast %broadcast_in_dim3A_13 : vector<1024x1xf32> to vector<1024x128xf32>
    %div3A_14 = arith.divf %exp3A, %div3A : vector<1024x128xf32>
    %reduce_max3A_15 = arith.constant dense<0xFF800000> : vector<1024xf32>
    %reduce_max3A_16 = vector.multi_reduction <maximumf>, %div3A_14, %reduce_max3A_15 [1] : vector<1024x128xf32> to vector<1024xf32>
    %broadcast_in_dim3A_17 = vector.shape_cast %reduce_max3A_16 : vector<1024xf32> to vector<1024x1xf32>
    %iota3A = tpu.iota {dimensions = array<i32: 1>} : vector<1024x128xi32>
    %eq3A = vector.broadcast %broadcast_in_dim3A_17 : vector<1024x1xf32> to vector<1024x128xf32>
    %eq3A_18 = arith.cmpf oeq, %div3A_14, %eq3A : vector<1024x128xf32>
    %jit3A = arith.constant 128 : i32
    %broadcast_in_dim3A_19 = vector.broadcast %jit3A : i32 to vector<1024x128xi32>
    %select_n3A = arith.select %eq3A_18, %iota3A, %broadcast_in_dim3A_19 : vector<1024x128xi1>, vector<1024x128xi32>
    %reduce_min3A = arith.constant dense<2147483647> : vector<1024xi32>
    %reduce_min3A_20 = vector.multi_reduction <minsi>, %select_n3A, %reduce_min3A [1] : vector<1024x128xi32> to vector<1024xi32>
    %swap3A = arith.constant 0 : index
    %swap3A_21 = vector.load %arg4[%swap3A] : memref<1024xi32, #tpu.memory_space<vmem>>, vector<1024xi32>
    tpu.vector_store %arg4[%swap3A], %reduce_min3A_20 {strides = array<i32>} : memref<1024xi32, #tpu.memory_space<vmem>>, vector<1024xi32>,
    return
  }
  func.func @transform_0(%arg0: i32) -> (i32, i32) {
    %c0_i32 = arith.constant 0 : i32
    %c0_i32_0 = arith.constant 0 : i32
    return %arg0, %c0_i32 : i32, i32
  }
  func.func @transform_1(%arg0: i32) -> (i32, i32) {
    %c0_i32 = arith.constant 0 : i32
    %c0_i32_0 = arith.constant 0 : i32
    %c0_i32_1 = arith.constant 0 : i32
    return %c0_i32, %c0_i32_0 : i32, i32
  }
  func.func @transform_2(%arg0: i32) -> (i32, i32) {
    %c0_i32 = arith.constant 0 : i32
    %c0_i32_0 = arith.constant 0 : i32
    %c0_i32_1 = arith.constant 0 : i32
    return %c0_i32, %c0_i32_0 : i32, i32
  }
  func.func @transform_3(%arg0: i32) -> i32 {
    %c0_i32 = arith.constant 0 : i32
    return %arg0 : i32
  }
}

module attributes {stable_mosaic.version = 14 : i64} {
  func.func @_update_body(%arg0: i32, %arg1: memref<1x1024x128xi32, #tpu.memory_space<vmem>>, %arg2: memref<1x1024x128xi32, #tpu.memory_space<vmem>>, %arg3: memref<1024xi32, #tpu.memory_space<vmem>>, %arg4: memref<128x128xf32, #tpu.memory_space<vmem>>, %arg5: memref<1x128xf32, #tpu.memory_space<vmem>>, %arg6: memref<1x1xf32, #tpu.memory_space<vmem>>, %arg7: memref<1024xi32, #tpu.memory_space<vmem>>) attributes {dimension_semantics = [#tpu.dimension_semantics<arbitrary>], iteration_bounds = array<i64: 10>, scalar_prefetch = 0 : i64, scratch_operands = 0 : i64, tpu.core_type = #tpu.core_type<tc>, window_params = [{transform_indices = @transform_0, window_bounds = array<i64: 1, 1024, 128>}, {transform_indices = @transform_1, window_bounds = array<i64: 1, 1024, 128>}, {transform_indices = @transform_2, window_bounds = array<i64: 1024>}, {pipeline_mode = #tpu.pipeline_mode<synchronous>, transform_indices = @transform_3, window_bounds = array<i64: 128, 128>}, {pipeline_mode = #tpu.pipeline_mode<synchronous>, transform_indices = @transform_4, window_bounds = array<i64: 1, 128>}, {pipeline_mode = #tpu.pipeline_mode<synchronous>, transform_indices = @transform_5, window_bounds = array<i64: 1, 1>}, {transform_indices = @transform_6, window_bounds = array<i64: 1024>}]} {
    %get3A = arith.constant 0 : index
    %get3A_0 = arith.constant 0 : index
    %get3A_1 = arith.constant 0 : index
    %get3A_2 = vector.load %arg1[%get3A, %get3A_0, %get3A_1] : memref<1x1024x128xi32, #tpu.memory_space<vmem>>, vector<1x1024x128xi32>
    %get3A_3 = vector.shape_cast %get3A_2 : vector<1x1024x128xi32> to vector<1024x128xi32>
    %get3A_4 = arith.constant 0 : index
    %get3A_5 = arith.constant 0 : index
    %get3A_6 = arith.constant 0 : index
    %get3A_7 = vector.load %arg2[%get3A_4, %get3A_5, %get3A_6] : memref<1x1024x128xi32, #tpu.memory_space<vmem>>, vector<1x1024x128xi32>
    %get3A_8 = vector.shape_cast %get3A_7 : vector<1x1024x128xi32> to vector<1024x128xi32>
    %add3A = arith.addi %get3A_3, %get3A_8 : vector<1024x128xi32>
    %and3A = arith.constant 65535 : i32
    %and3A_9 = vector.broadcast %and3A : i32 to vector<1024x128xi32>
    %and3A_10 = arith.andi %add3A, %and3A_9 : vector<1024x128xi32>
    %shift_right_logical3A = arith.constant 16 : i32
    %shift_right_logical3A_11 = vector.broadcast %shift_right_logical3A : i32 to vector<1024x128xi32>
    %shift_right_logical3A_12 = arith.shrui %add3A, %shift_right_logical3A_11 : vector<1024x128xi32>
    %lt3A = arith.constant 5 : i32
    %lt3A_13 = arith.cmpi slt, %arg0, %lt3A : i32
    %select_n3A = arith.select %lt3A_13, %and3A_10, %shift_right_logical3A_12 : vector<1024x128xi32>
    %convert_element_type3A = arith.sitofp %select_n3A : vector<1024x128xi32> to vector<1024x128xf32>
    %min3A = arith.constant 1.000000e+01 : f32
    %min3A_14 = vector.broadcast %min3A : f32 to vector<1024x128xf32>
    %min3A_15 = arith.minimumf %convert_element_type3A, %min3A_14 : vector<1024x128xf32>
    %iota3A = tpu.iota {dimensions = array<i32: 1>} : vector<1024x128xi32>
    %get3A_16 = arith.constant 0 : index
    %get3A_17 = vector.load %arg3[%get3A_16] : memref<1024xi32, #tpu.memory_space<vmem>>, vector<1024xi32>
    %broadcast_in_dim3A = vector.shape_cast %get3A_17 : vector<1024xi32> to vector<1024x1xi32>
    %eq3A = vector.broadcast %broadcast_in_dim3A : vector<1024x1xi32> to vector<1024x128xi32>
    %eq3A_18 = arith.cmpi eq, %iota3A, %eq3A : vector<1024x128xi32>
    %get3A_19 = arith.constant 0 : index
    %get3A_20 = arith.constant 0 : index
    %get3A_21 = vector.load %arg6[%get3A_19, %get3A_20] : memref<1x1xf32, #tpu.memory_space<vmem>>, vector<1x1xf32>
    %get3A_22 = vector.extract %get3A_21[0, 0] : f32 from vector<1x1xf32>
    %add3A_23 = arith.constant 1.000000e+00 : f32
    %add3A_24 = arith.addf %add3A_23, %get3A_22 : f32
    %jit3A = arith.constant 0.000000e+00 : f32
    %broadcast_in_dim3A_25 = vector.broadcast %add3A_24 : f32 to vector<1024x128xf32>
    %broadcast_in_dim3A_26 = vector.broadcast %jit3A : f32 to vector<1024x128xf32>
    %select_n3A_27 = arith.select %eq3A_18, %broadcast_in_dim3A_25, %broadcast_in_dim3A_26 : vector<1024x128xi1>, vector<1024x128xf32>
    %add3A_28 = arith.addf %min3A_15, %select_n3A_27 : vector<1024x128xf32>
    %get3A_29 = arith.constant 0 : index
    %get3A_30 = arith.constant 0 : index
    %get3A_31 = vector.load %arg4[%get3A_29, %get3A_30] : memref<128x128xf32, #tpu.memory_space<vmem>>, vector<128x128xf32>
    %dot_general3A = arith.constant dense<0.000000e+00> : vector<1024x128xf32>
    %dot_general3A_32 = tpu.matmul %add3A_28, %get3A_31, %dot_general3A {dimension_numbers = #tpu.dot_dimension_numbers<[1], [0], [0], [1], [0, 0, 1, 1], [], []>, transpose_lhs_hint = false} : vector<1024x128xf32>, vector<128x128xf32>, vector<1024x128xf32> -> vector<1024x128xf32>
    %get3A_33 = arith.constant 0 : index
    %get3A_34 = arith.constant 0 : index
    %get3A_35 = vector.load %arg5[%get3A_33, %get3A_34] : memref<1x128xf32, #tpu.memory_space<vmem>>, vector<1x128xf32>
    %add3A_36 = vector.broadcast %get3A_35 : vector<1x128xf32> to vector<1024x128xf32>
    %add3A_37 = arith.addf %dot_general3A_32, %add3A_36 : vector<1024x128xf32>
    %mul3A = arith.constant 0.999994993 : f32
    %mul3A_38 = vector.broadcast %mul3A : f32 to vector<1024x128xf32>
    %mul3A_39 = arith.mulf %add3A_37, %mul3A_38 : vector<1024x128xf32>
    %reduce_max3A = arith.constant dense<0xFF800000> : vector<1024xf32>
    %reduce_max3A_40 = vector.multi_reduction <maximumf>, %mul3A_39, %reduce_max3A [1] : vector<1024x128xf32> to vector<1024xf32>
    %broadcast_in_dim3A_41 = vector.shape_cast %reduce_max3A_40 : vector<1024xf32> to vector<1024x1xf32>
    %sub3A = vector.broadcast %broadcast_in_dim3A_41 : vector<1024x1xf32> to vector<1024x128xf32>
    %sub3A_42 = arith.subf %mul3A_39, %sub3A : vector<1024x128xf32>
    %exp3A = math.exp %sub3A_42 : vector<1024x128xf32>
    %reduce_sum3A = arith.constant dense<0.000000e+00> : vector<1024xf32>
    %reduce_sum3A_43 = vector.multi_reduction <add>, %exp3A, %reduce_sum3A [1] : vector<1024x128xf32> to vector<1024xf32>
    %broadcast_in_dim3A_44 = vector.shape_cast %reduce_sum3A_43 : vector<1024xf32> to vector<1024x1xf32>
    %div3A = vector.broadcast %broadcast_in_dim3A_44 : vector<1024x1xf32> to vector<1024x128xf32>
    %div3A_45 = arith.divf %exp3A, %div3A : vector<1024x128xf32>
    %reduce_max3A_46 = arith.constant dense<0xFF800000> : vector<1024xf32>
    %reduce_max3A_47 = vector.multi_reduction <maximumf>, %div3A_45, %reduce_max3A_46 [1] : vector<1024x128xf32> to vector<1024xf32>
    %broadcast_in_dim3A_48 = vector.shape_cast %reduce_max3A_47 : vector<1024xf32> to vector<1024x1xf32>
    %iota3A_49 = tpu.iota {dimensions = array<i32: 1>} : vector<1024x128xi32>
    %eq3A_50 = vector.broadcast %broadcast_in_dim3A_48 : vector<1024x1xf32> to vector<1024x128xf32>
    %eq3A_51 = arith.cmpf oeq, %div3A_45, %eq3A_50 : vector<1024x128xf32>
    %jit3A_52 = arith.constant 128 : i32
    %broadcast_in_dim3A_53 = vector.broadcast %jit3A_52 : i32 to vector<1024x128xi32>
    %select_n3A_54 = arith.select %eq3A_51, %iota3A_49, %broadcast_in_dim3A_53 : vector<1024x128xi1>, vector<1024x128xi32>
    %reduce_min3A = arith.constant dense<2147483647> : vector<1024xi32>
    %reduce_min3A_55 = vector.multi_reduction <minsi>, %select_n3A_54, %reduce_min3A [1] : vector<1024x128xi32> to vector<1024xi32>
    %swap3A = arith.constant 0 : index
    %swap3A_56 = vector.load %arg7[%swap3A] : memref<1024xi32, #tpu.memory_space<vmem>>, vector<1024xi32>
    tpu.vector_store %arg7[%swap3A], %reduce_min3A_55 {strides = array<i32>} : memref<1024xi32, #tpu.memory_space<vmem>>, vector<1024xi32>,
    return
  }
  func.func @transform_0(%arg0: i32) -> (i32, i32, i32) {
    %jit3A = arith.constant 5 : i32
    %eq3A = arith.constant 0 : i32
    %eq3A_0 = arith.cmpi eq, %jit3A, %eq3A : i32
    %jit3A_1 = arith.constant 1 : i32
    %select_n3A = arith.select %eq3A_0, %jit3A_1, %jit3A : i32
    %rem3A = arith.remsi %arg0, %select_n3A : i32
    %ne3A = arith.constant 0 : i32
    %ne3A_2 = arith.cmpi ne, %rem3A, %ne3A : i32
    %lt3A = arith.constant 0 : i32
    %lt3A_3 = arith.cmpi slt, %rem3A, %lt3A : i32
    %lt3A_4 = arith.constant 0 : i32
    %lt3A_5 = arith.cmpi slt, %select_n3A, %lt3A_4 : i32
    %ne3A_6 = arith.xori %lt3A_3, %lt3A_5 : i1
    %and3A = arith.andi %ne3A_6, %ne3A_2 : i1
    %add3A = arith.addi %rem3A, %select_n3A : i32
    %select_n3A_7 = arith.select %and3A, %add3A, %rem3A : i32
    %c0_i32 = arith.constant 0 : i32
    %c0_i32_8 = arith.constant 0 : i32
    %c0_i32_9 = arith.constant 0 : i32
    return %c0_i32, %select_n3A_7, %c0_i32_8 : i32, i32, i32
  }
  func.func @transform_1(%arg0: i32) -> (i32, i32, i32) {
    %jit3A = arith.constant 5 : i32
    %eq3A = arith.constant 0 : i32
    %eq3A_0 = arith.cmpi eq, %jit3A, %eq3A : i32
    %jit3A_1 = arith.constant 1 : i32
    %select_n3A = arith.select %eq3A_0, %jit3A_1, %jit3A : i32
    %rem3A = arith.remsi %arg0, %select_n3A : i32
    %ne3A = arith.constant 0 : i32
    %ne3A_2 = arith.cmpi ne, %rem3A, %ne3A : i32
    %lt3A = arith.constant 0 : i32
    %lt3A_3 = arith.cmpi slt, %rem3A, %lt3A : i32
    %lt3A_4 = arith.constant 0 : i32
    %lt3A_5 = arith.cmpi slt, %select_n3A, %lt3A_4 : i32
    %ne3A_6 = arith.xori %lt3A_3, %lt3A_5 : i1
    %and3A = arith.andi %ne3A_6, %ne3A_2 : i1
    %add3A = arith.addi %rem3A, %select_n3A : i32
    %select_n3A_7 = arith.select %and3A, %add3A, %rem3A : i32
    %c1_i32 = arith.constant 1 : i32
    %c0_i32 = arith.constant 0 : i32
    %c0_i32_8 = arith.constant 0 : i32
    return %c1_i32, %select_n3A_7, %c0_i32 : i32, i32, i32
  }
  func.func @transform_2(%arg0: i32) -> i32 {
    %c0_i32 = arith.constant 0 : i32
    return %arg0 : i32
  }
  func.func @transform_3(%arg0: i32) -> (i32, i32) {
    %c0_i32 = arith.constant 0 : i32
    %c0_i32_0 = arith.constant 0 : i32
    %c0_i32_1 = arith.constant 0 : i32
    return %c0_i32, %c0_i32_0 : i32, i32
  }
  func.func @transform_4(%arg0: i32) -> (i32, i32) {
    %c0_i32 = arith.constant 0 : i32
    %c0_i32_0 = arith.constant 0 : i32
    %c0_i32_1 = arith.constant 0 : i32
    return %c0_i32, %c0_i32_0 : i32, i32
  }
  func.func @transform_5(%arg0: i32) -> (i32, i32) {
    %c0_i32 = arith.constant 0 : i32
    %c0_i32_0 = arith.constant 0 : i32
    %c0_i32_1 = arith.constant 0 : i32
    return %c0_i32, %c0_i32_0 : i32, i32
  }
  func.func @transform_6(%arg0: i32) -> i32 {
    %c0_i32 = arith.constant 0 : i32
    return %arg0 : i32
  }
}

module attributes {stable_mosaic.version = 14 : i64} {
  func.func @_final_body(%arg0: i32, %arg1: memref<1x512x128xi32, #tpu.memory_space<vmem>>, %arg2: memref<1x512x128xi32, #tpu.memory_space<vmem>>, %arg3: memref<512xi32, #tpu.memory_space<vmem>>, %arg4: memref<512xi32, #tpu.memory_space<vmem>>, %arg5: memref<128x128xf32, #tpu.memory_space<vmem>>, %arg6: memref<1x128xf32, #tpu.memory_space<vmem>>, %arg7: memref<1x1xf32, #tpu.memory_space<vmem>>, %arg8: memref<128x40xf32, #tpu.memory_space<vmem>>, %arg9: memref<1x40xf32, #tpu.memory_space<vmem>>, %arg10: memref<1024x40xf32, #tpu.memory_space<vmem>>) attributes {dimension_semantics = [#tpu.dimension_semantics<arbitrary>], iteration_bounds = array<i64: 10>, scalar_prefetch = 0 : i64, scratch_operands = 0 : i64, tpu.core_type = #tpu.core_type<tc>, window_params = [{transform_indices = @transform_0, window_bounds = array<i64: 1, 512, 128>}, {transform_indices = @transform_1, window_bounds = array<i64: 1, 512, 128>}, {transform_indices = @transform_2, window_bounds = array<i64: 512>}, {transform_indices = @transform_3, window_bounds = array<i64: 512>}, {pipeline_mode = #tpu.pipeline_mode<synchronous>, transform_indices = @transform_4, window_bounds = array<i64: 128, 128>}, {pipeline_mode = #tpu.pipeline_mode<synchronous>, transform_indices = @transform_5, window_bounds = array<i64: 1, 128>}, {pipeline_mode = #tpu.pipeline_mode<synchronous>, transform_indices = @transform_6, window_bounds = array<i64: 1, 1>}, {pipeline_mode = #tpu.pipeline_mode<synchronous>, transform_indices = @transform_7, window_bounds = array<i64: 128, 40>}, {pipeline_mode = #tpu.pipeline_mode<synchronous>, transform_indices = @transform_8, window_bounds = array<i64: 1, 40>}, {transform_indices = @transform_9, window_bounds = array<i64: 1024, 40>}]} {
    %get3A = arith.constant 0 : index
    %get3A_0 = arith.constant 0 : index
    %get3A_1 = arith.constant 0 : index
    %get3A_2 = vector.load %arg1[%get3A, %get3A_0, %get3A_1] : memref<1x512x128xi32, #tpu.memory_space<vmem>>, vector<1x512x128xi32>
    %get3A_3 = vector.shape_cast %get3A_2 : vector<1x512x128xi32> to vector<512x128xi32>
    %get3A_4 = arith.constant 0 : index
    %get3A_5 = arith.constant 0 : index
    %get3A_6 = arith.constant 0 : index
    %get3A_7 = vector.load %arg2[%get3A_4, %get3A_5, %get3A_6] : memref<1x512x128xi32, #tpu.memory_space<vmem>>, vector<1x512x128xi32>
    %get3A_8 = vector.shape_cast %get3A_7 : vector<1x512x128xi32> to vector<512x128xi32>
    %add3A = arith.addi %get3A_3, %get3A_8 : vector<512x128xi32>
    %and3A = arith.constant 65535 : i32
    %and3A_9 = vector.broadcast %and3A : i32 to vector<512x128xi32>
    %and3A_10 = arith.andi %add3A, %and3A_9 : vector<512x128xi32>
    %get3A_11 = arith.constant 0 : index
    %get3A_12 = vector.load %arg3[%get3A_11] : memref<512xi32, #tpu.memory_space<vmem>>, vector<512xi32>
    %convert_element_type3A = arith.sitofp %and3A_10 : vector<512x128xi32> to vector<512x128xf32>
    %min3A = arith.constant 1.000000e+01 : f32
    %min3A_13 = vector.broadcast %min3A : f32 to vector<512x128xf32>
    %min3A_14 = arith.minimumf %convert_element_type3A, %min3A_13 : vector<512x128xf32>
    %iota3A = tpu.iota {dimensions = array<i32: 1>} : vector<512x128xi32>
    %broadcast_in_dim3A = vector.shape_cast %get3A_12 : vector<512xi32> to vector<512x1xi32>
    %eq3A = vector.broadcast %broadcast_in_dim3A : vector<512x1xi32> to vector<512x128xi32>
    %eq3A_15 = arith.cmpi eq, %iota3A, %eq3A : vector<512x128xi32>
    %get3A_16 = arith.constant 0 : index
    %get3A_17 = arith.constant 0 : index
    %get3A_18 = vector.load %arg7[%get3A_16, %get3A_17] : memref<1x1xf32, #tpu.memory_space<vmem>>, vector<1x1xf32>
    %get3A_19 = vector.extract %get3A_18[0, 0] : f32 from vector<1x1xf32>
    %add3A_20 = arith.constant 1.000000e+00 : f32
    %add3A_21 = arith.addf %add3A_20, %get3A_19 : f32
    %jit3A = arith.constant 0.000000e+00 : f32
    %broadcast_in_dim3A_22 = vector.broadcast %add3A_21 : f32 to vector<512x128xf32>
    %broadcast_in_dim3A_23 = vector.broadcast %jit3A : f32 to vector<512x128xf32>
    %select_n3A = arith.select %eq3A_15, %broadcast_in_dim3A_22, %broadcast_in_dim3A_23 : vector<512x128xi1>, vector<512x128xf32>
    %add3A_24 = arith.addf %min3A_14, %select_n3A : vector<512x128xf32>
    %get3A_25 = arith.constant 0 : index
    %get3A_26 = arith.constant 0 : index
    %get3A_27 = vector.load %arg5[%get3A_25, %get3A_26] : memref<128x128xf32, #tpu.memory_space<vmem>>, vector<128x128xf32>
    %dot_general3A = arith.constant dense<0.000000e+00> : vector<512x128xf32>
    %dot_general3A_28 = tpu.matmul %add3A_24, %get3A_27, %dot_general3A {dimension_numbers = #tpu.dot_dimension_numbers<[1], [0], [0], [1], [0, 0, 1, 1], [], []>, transpose_lhs_hint = false} : vector<512x128xf32>, vector<128x128xf32>, vector<512x128xf32> -> vector<512x128xf32>
    %get3A_29 = arith.constant 0 : index
    %get3A_30 = arith.constant 0 : index
    %get3A_31 = vector.load %arg6[%get3A_29, %get3A_30] : memref<1x128xf32, #tpu.memory_space<vmem>>, vector<1x128xf32>
    %add3A_32 = vector.broadcast %get3A_31 : vector<1x128xf32> to vector<512x128xf32>
    %add3A_33 = arith.addf %dot_general3A_28, %add3A_32 : vector<512x128xf32>
    %mul3A = arith.constant 0.999994993 : f32
    %mul3A_34 = vector.broadcast %mul3A : f32 to vector<512x128xf32>
    %mul3A_35 = arith.mulf %add3A_33, %mul3A_34 : vector<512x128xf32>
    %reduce_max3A = arith.constant dense<0xFF800000> : vector<512xf32>
    %reduce_max3A_36 = vector.multi_reduction <maximumf>, %mul3A_35, %reduce_max3A [1] : vector<512x128xf32> to vector<512xf32>
    %broadcast_in_dim3A_37 = vector.shape_cast %reduce_max3A_36 : vector<512xf32> to vector<512x1xf32>
    %sub3A = vector.broadcast %broadcast_in_dim3A_37 : vector<512x1xf32> to vector<512x128xf32>
    %sub3A_38 = arith.subf %mul3A_35, %sub3A : vector<512x128xf32>
    %exp3A = math.exp %sub3A_38 : vector<512x128xf32>
    %reduce_sum3A = arith.constant dense<0.000000e+00> : vector<512xf32>
    %reduce_sum3A_39 = vector.multi_reduction <add>, %exp3A, %reduce_sum3A [1] : vector<512x128xf32> to vector<512xf32>
    %broadcast_in_dim3A_40 = vector.shape_cast %reduce_sum3A_39 : vector<512xf32> to vector<512x1xf32>
    %div3A = vector.broadcast %broadcast_in_dim3A_40 : vector<512x1xf32> to vector<512x128xf32>
    %div3A_41 = arith.divf %exp3A, %div3A : vector<512x128xf32>
    %reduce_max3A_42 = arith.constant dense<0xFF800000> : vector<512xf32>
    %reduce_max3A_43 = vector.multi_reduction <maximumf>, %div3A_41, %reduce_max3A_42 [1] : vector<512x128xf32> to vector<512xf32>
    %broadcast_in_dim3A_44 = vector.shape_cast %reduce_max3A_43 : vector<512xf32> to vector<512x1xf32>
    %iota3A_45 = tpu.iota {dimensions = array<i32: 1>} : vector<512x128xi32>
    %eq3A_46 = vector.broadcast %broadcast_in_dim3A_44 : vector<512x1xf32> to vector<512x128xf32>
    %eq3A_47 = arith.cmpf oeq, %div3A_41, %eq3A_46 : vector<512x128xf32>
    %jit3A_48 = arith.constant 128 : i32
    %broadcast_in_dim3A_49 = vector.broadcast %jit3A_48 : i32 to vector<512x128xi32>
    %select_n3A_50 = arith.select %eq3A_47, %iota3A_45, %broadcast_in_dim3A_49 : vector<512x128xi1>, vector<512x128xi32>
    %reduce_min3A = arith.constant dense<2147483647> : vector<512xi32>
    %reduce_min3A_51 = vector.multi_reduction <minsi>, %select_n3A_50, %reduce_min3A [1] : vector<512x128xi32> to vector<512xi32>
    %broadcast_in_dim3A_52 = vector.shape_cast %reduce_min3A_51 : vector<512xi32> to vector<512x1xi32>
    %eq3A_53 = vector.broadcast %broadcast_in_dim3A_52 : vector<512x1xi32> to vector<512x128xi32>
    %eq3A_54 = arith.cmpi eq, %iota3A, %eq3A_53 : vector<512x128xi32>
    %jit3A_55 = arith.constant 1.000000e+00 : f32
    %jit3A_56 = arith.constant 0.000000e+00 : f32
    %broadcast_in_dim3A_57 = vector.broadcast %jit3A_55 : f32 to vector<512x128xf32>
    %broadcast_in_dim3A_58 = vector.broadcast %jit3A_56 : f32 to vector<512x128xf32>
    %select_n3A_59 = arith.select %eq3A_54, %broadcast_in_dim3A_57, %broadcast_in_dim3A_58 : vector<512x128xi1>, vector<512x128xf32>
    %get3A_60 = arith.constant 0 : index
    %get3A_61 = arith.constant 0 : index
    %get3A_62 = vector.load %arg8[%get3A_60, %get3A_61] : memref<128x40xf32, #tpu.memory_space<vmem>>, vector<128x40xf32>
    %dot_general3A_63 = arith.constant dense<0.000000e+00> : vector<512x40xf32>
    %dot_general3A_64 = tpu.matmul %select_n3A_59, %get3A_62, %dot_general3A_63 {dimension_numbers = #tpu.dot_dimension_numbers<[1], [0], [0], [1], [0, 0, 1, 1], [], []>, precision = #tpu.contract_precision<fp32>, transpose_lhs_hint = false} : vector<512x128xf32>, vector<128x40xf32>, vector<512x40xf32> -> vector<512x40xf32>
    %get3A_65 = arith.constant 0 : index
    %get3A_66 = arith.constant 0 : index
    %get3A_67 = vector.load %arg9[%get3A_65, %get3A_66] : memref<1x40xf32, #tpu.memory_space<vmem>>, vector<1x40xf32>
    %add3A_68 = vector.broadcast %get3A_67 : vector<1x40xf32> to vector<512x40xf32>
    %add3A_69 = arith.addf %dot_general3A_64, %add3A_68 : vector<512x40xf32>
    %shift_right_logical3A = arith.constant 16 : i32
    %shift_right_logical3A_70 = vector.broadcast %shift_right_logical3A : i32 to vector<512x128xi32>
    %shift_right_logical3A_71 = arith.shrui %add3A, %shift_right_logical3A_70 : vector<512x128xi32>
    %get3A_72 = arith.constant 0 : index
    %get3A_73 = vector.load %arg4[%get3A_72] : memref<512xi32, #tpu.memory_space<vmem>>, vector<512xi32>
    %convert_element_type3A_74 = arith.sitofp %shift_right_logical3A_71 : vector<512x128xi32> to vector<512x128xf32>
    %min3A_75 = arith.constant 1.000000e+01 : f32
    %min3A_76 = vector.broadcast %min3A_75 : f32 to vector<512x128xf32>
    %min3A_77 = arith.minimumf %convert_element_type3A_74, %min3A_76 : vector<512x128xf32>
    %iota3A_78 = tpu.iota {dimensions = array<i32: 1>} : vector<512x128xi32>
    %broadcast_in_dim3A_79 = vector.shape_cast %get3A_73 : vector<512xi32> to vector<512x1xi32>
    %eq3A_80 = vector.broadcast %broadcast_in_dim3A_79 : vector<512x1xi32> to vector<512x128xi32>
    %eq3A_81 = arith.cmpi eq, %iota3A_78, %eq3A_80 : vector<512x128xi32>
    %get3A_82 = arith.constant 0 : index
    %get3A_83 = arith.constant 0 : index
    %get3A_84 = vector.load %arg7[%get3A_82, %get3A_83] : memref<1x1xf32, #tpu.memory_space<vmem>>, vector<1x1xf32>
    %get3A_85 = vector.extract %get3A_84[0, 0] : f32 from vector<1x1xf32>
    %add3A_86 = arith.constant 1.000000e+00 : f32
    %add3A_87 = arith.addf %add3A_86, %get3A_85 : f32
    %jit3A_88 = arith.constant 0.000000e+00 : f32
    %broadcast_in_dim3A_89 = vector.broadcast %add3A_87 : f32 to vector<512x128xf32>
    %broadcast_in_dim3A_90 = vector.broadcast %jit3A_88 : f32 to vector<512x128xf32>
    %select_n3A_91 = arith.select %eq3A_81, %broadcast_in_dim3A_89, %broadcast_in_dim3A_90 : vector<512x128xi1>, vector<512x128xf32>
    %add3A_92 = arith.addf %min3A_77, %select_n3A_91 : vector<512x128xf32>
    %get3A_93 = arith.constant 0 : index
    %get3A_94 = arith.constant 0 : index
    %get3A_95 = vector.load %arg5[%get3A_93, %get3A_94] : memref<128x128xf32, #tpu.memory_space<vmem>>, vector<128x128xf32>
    %dot_general3A_96 = arith.constant dense<0.000000e+00> : vector<512x128xf32>
    %dot_general3A_97 = tpu.matmul %add3A_92, %get3A_95, %dot_general3A_96 {dimension_numbers = #tpu.dot_dimension_numbers<[1], [0], [0], [1], [0, 0, 1, 1], [], []>, transpose_lhs_hint = false} : vector<512x128xf32>, vector<128x128xf32>, vector<512x128xf32> -> vector<512x128xf32>
    %get3A_98 = arith.constant 0 : index
    %get3A_99 = arith.constant 0 : index
    %get3A_100 = vector.load %arg6[%get3A_98, %get3A_99] : memref<1x128xf32, #tpu.memory_space<vmem>>, vector<1x128xf32>
    %add3A_101 = vector.broadcast %get3A_100 : vector<1x128xf32> to vector<512x128xf32>
    %add3A_102 = arith.addf %dot_general3A_97, %add3A_101 : vector<512x128xf32>
    %mul3A_103 = arith.constant 0.999994993 : f32
    %mul3A_104 = vector.broadcast %mul3A_103 : f32 to vector<512x128xf32>
    %mul3A_105 = arith.mulf %add3A_102, %mul3A_104 : vector<512x128xf32>
    %reduce_max3A_106 = arith.constant dense<0xFF800000> : vector<512xf32>
    %reduce_max3A_107 = vector.multi_reduction <maximumf>, %mul3A_105, %reduce_max3A_106 [1] : vector<512x128xf32> to vector<512xf32>
    %broadcast_in_dim3A_108 = vector.shape_cast %reduce_max3A_107 : vector<512xf32> to vector<512x1xf32>
    %sub3A_109 = vector.broadcast %broadcast_in_dim3A_108 : vector<512x1xf32> to vector<512x128xf32>
    %sub3A_110 = arith.subf %mul3A_105, %sub3A_109 : vector<512x128xf32>
    %exp3A_111 = math.exp %sub3A_110 : vector<512x128xf32>
    %reduce_sum3A_112 = arith.constant dense<0.000000e+00> : vector<512xf32>
    %reduce_sum3A_113 = vector.multi_reduction <add>, %exp3A_111, %reduce_sum3A_112 [1] : vector<512x128xf32> to vector<512xf32>
    %broadcast_in_dim3A_114 = vector.shape_cast %reduce_sum3A_113 : vector<512xf32> to vector<512x1xf32>
    %div3A_115 = vector.broadcast %broadcast_in_dim3A_114 : vector<512x1xf32> to vector<512x128xf32>
    %div3A_116 = arith.divf %exp3A_111, %div3A_115 : vector<512x128xf32>
    %reduce_max3A_117 = arith.constant dense<0xFF800000> : vector<512xf32>
    %reduce_max3A_118 = vector.multi_reduction <maximumf>, %div3A_116, %reduce_max3A_117 [1] : vector<512x128xf32> to vector<512xf32>
    %broadcast_in_dim3A_119 = vector.shape_cast %reduce_max3A_118 : vector<512xf32> to vector<512x1xf32>
    %iota3A_120 = tpu.iota {dimensions = array<i32: 1>} : vector<512x128xi32>
    %eq3A_121 = vector.broadcast %broadcast_in_dim3A_119 : vector<512x1xf32> to vector<512x128xf32>
    %eq3A_122 = arith.cmpf oeq, %div3A_116, %eq3A_121 : vector<512x128xf32>
    %jit3A_123 = arith.constant 128 : i32
    %broadcast_in_dim3A_124 = vector.broadcast %jit3A_123 : i32 to vector<512x128xi32>
    %select_n3A_125 = arith.select %eq3A_122, %iota3A_120, %broadcast_in_dim3A_124 : vector<512x128xi1>, vector<512x128xi32>
    %reduce_min3A_126 = arith.constant dense<2147483647> : vector<512xi32>
    %reduce_min3A_127 = vector.multi_reduction <minsi>, %select_n3A_125, %reduce_min3A_126 [1] : vector<512x128xi32> to vector<512xi32>
    %broadcast_in_dim3A_128 = vector.shape_cast %reduce_min3A_127 : vector<512xi32> to vector<512x1xi32>
    %eq3A_129 = vector.broadcast %broadcast_in_dim3A_128 : vector<512x1xi32> to vector<512x128xi32>
    %eq3A_130 = arith.cmpi eq, %iota3A_78, %eq3A_129 : vector<512x128xi32>
    %jit3A_131 = arith.constant 1.000000e+00 : f32
    %jit3A_132 = arith.constant 0.000000e+00 : f32
    %broadcast_in_dim3A_133 = vector.broadcast %jit3A_131 : f32 to vector<512x128xf32>
    %broadcast_in_dim3A_134 = vector.broadcast %jit3A_132 : f32 to vector<512x128xf32>
    %select_n3A_135 = arith.select %eq3A_130, %broadcast_in_dim3A_133, %broadcast_in_dim3A_134 : vector<512x128xi1>, vector<512x128xf32>
    %get3A_136 = arith.constant 0 : index
    %get3A_137 = arith.constant 0 : index
    %get3A_138 = vector.load %arg8[%get3A_136, %get3A_137] : memref<128x40xf32, #tpu.memory_space<vmem>>, vector<128x40xf32>
    %dot_general3A_139 = arith.constant dense<0.000000e+00> : vector<512x40xf32>
    %dot_general3A_140 = tpu.matmul %select_n3A_135, %get3A_138, %dot_general3A_139 {dimension_numbers = #tpu.dot_dimension_numbers<[1], [0], [0], [1], [0, 0, 1, 1], [], []>, precision = #tpu.contract_precision<fp32>, transpose_lhs_hint = false} : vector<512x128xf32>, vector<128x40xf32>, vector<512x40xf32> -> vector<512x40xf32>
    %get3A_141 = arith.constant 0 : index
    %get3A_142 = arith.constant 0 : index
    %get3A_143 = vector.load %arg9[%get3A_141, %get3A_142] : memref<1x40xf32, #tpu.memory_space<vmem>>, vector<1x40xf32>
    %add3A_144 = vector.broadcast %get3A_143 : vector<1x40xf32> to vector<512x40xf32>
    %add3A_145 = arith.addf %dot_general3A_140, %add3A_144 : vector<512x40xf32>
    %stack3A = vector.shape_cast %add3A_69 : vector<512x40xf32> to vector<512x1x40xf32>
    %stack3A_146 = vector.shape_cast %add3A_145 : vector<512x40xf32> to vector<512x1x40xf32>
    %stack3A_147 = tpu.concatenate %stack3A, %stack3A_146 in 1 : vector<512x1x40xf32>, vector<512x1x40xf32> -> vector<512x2x40xf32>
    %reshape3A = vector.shape_cast %stack3A_147 : vector<512x2x40xf32> to vector<1024x40xf32>
    %swap3A = arith.constant 0 : index
    %swap3A_148 = arith.constant 0 : index
    %swap3A_149 = vector.load %arg10[%swap3A, %swap3A_148] : memref<1024x40xf32, #tpu.memory_space<vmem>>, vector<1024x40xf32>
    tpu.vector_store %arg10[%swap3A, %swap3A_148], %reshape3A {strides = array<i32>} : memref<1024x40xf32, #tpu.memory_space<vmem>>, vector<1024x40xf32>,
    return
  }
  func.func @transform_0(%arg0: i32) -> (i32, i32, i32) {
    %c0_i32 = arith.constant 0 : i32
    %c0_i32_0 = arith.constant 0 : i32
    %c0_i32_1 = arith.constant 0 : i32
    return %c0_i32, %arg0, %c0_i32_0 : i32, i32, i32
  }
  func.func @transform_1(%arg0: i32) -> (i32, i32, i32) {
    %c1_i32 = arith.constant 1 : i32
    %c0_i32 = arith.constant 0 : i32
    %c0_i32_0 = arith.constant 0 : i32
    return %c1_i32, %arg0, %c0_i32 : i32, i32, i32
  }
  func.func @transform_2(%arg0: i32) -> i32 {
    %c0_i32 = arith.constant 0 : i32
    return %arg0 : i32
  }
  func.func @transform_3(%arg0: i32) -> i32 {
    %add3A = arith.constant 10 : i32
    %add3A_0 = arith.addi %add3A, %arg0 : i32
    %c0_i32 = arith.constant 0 : i32
    return %add3A_0 : i32
  }
  func.func @transform_4(%arg0: i32) -> (i32, i32) {
    %c0_i32 = arith.constant 0 : i32
    %c0_i32_0 = arith.constant 0 : i32
    %c0_i32_1 = arith.constant 0 : i32
    return %c0_i32, %c0_i32_0 : i32, i32
  }
  func.func @transform_5(%arg0: i32) -> (i32, i32) {
    %c0_i32 = arith.constant 0 : i32
    %c0_i32_0 = arith.constant 0 : i32
    %c0_i32_1 = arith.constant 0 : i32
    return %c0_i32, %c0_i32_0 : i32, i32
  }
  func.func @transform_6(%arg0: i32) -> (i32, i32) {
    %c0_i32 = arith.constant 0 : i32
    %c0_i32_0 = arith.constant 0 : i32
    %c0_i32_1 = arith.constant 0 : i32
    return %c0_i32, %c0_i32_0 : i32, i32
  }
  func.func @transform_7(%arg0: i32) -> (i32, i32) {
    %c0_i32 = arith.constant 0 : i32
    %c0_i32_0 = arith.constant 0 : i32
    %c0_i32_1 = arith.constant 0 : i32
    return %c0_i32, %c0_i32_0 : i32, i32
  }
  func.func @transform_8(%arg0: i32) -> (i32, i32) {
    %c0_i32 = arith.constant 0 : i32
    %c0_i32_0 = arith.constant 0 : i32
    %c0_i32_1 = arith.constant 0 : i32
    return %c0_i32, %c0_i32_0 : i32, i32
  }
  func.func @transform_9(%arg0: i32) -> (i32, i32) {
    %c0_i32 = arith.constant 0 : i32
    %c0_i32_0 = arith.constant 0 : i32
    return %arg0, %c0_i32 : i32, i32
  }
}

</mosaic_0001>

<sc_bundles>
// kernel: gather_offload_async_start
scs
__scs_entry_jumppad:
0x0: {  	(pc) =	sbr.rel $0x88, $3  }
0x1: {  	(tag) =	ssettag $0x0;
	lr =	simm.s32 $0x1  }
0x2: {  	[smem:$0x3F96] =	sst lr;
	_ =	strace $0xD0000000  }
0x3: {  	_ = 	snop  }
0x4: {  	_ = 	snop  }
0x5: {  	_ = 	snop  }
0x6: {  	_ = 	snop  }
0x7: {  	_ = 	snop  }
__scs_overlays_trampoline_lowered:
0x8: {  	[smem:$0x3FA5] =	sst s0  }
0x9: {  	[smem:$0x3FA6] =	sst s1  }
0xa: {  	[smem:$0x3FA7] =	sst s2  }
0xb: {  	[smem:$0x3FA8] =	sst s3  }
0xc: {  	[smem:$0x3FA9] =	sst s4  }
0xd: {  	[smem:$0x3FAA] =	sst s5  }
0xe: {  	[smem:$0x3FAB] =	sst s6  }
0xf: {  	[smem:$0x3FAC] =	sst s7  }
0x10: {  	[smem:$0x3FAD] =	sst s8  }
0x11: {  	[smem:$0x3FAE] =	sst s9;
	s0 =	simm.s32 @!p0 $0x0  }
0x12: {  	s1 =	sld [smem:$0x3F94];
	s0 =	simm.s32 @p0 $0x1  }
0x13: {  	[smem:$0x3FAF] =	sst s0;
	s0 =	simm.s32 @!p1 $0x0  }
0x14: {  	s2 =	sld [smem:$0x3F93];
	s0 =	simm.s32 @p1 $0x1  }
0x15: {  	[smem:$0x3FB0] =	sst s0;
	s0 =	simm.s32 @!p2 $0x0  }
0x16: {  	s3 =	sld [smem:$0x3FDB];
	s0 =	simm.s32 @p2 $0x1  }
0x17: {  	s4 =	simm.s32 $0x1BF5;
	[smem:$0x3FB2] =	sst s0  }
0x18: {  	s0 =	sld [smem:$0x3F95];
	_ =	swait.ge [sflag:s4], $0x0  }
0x19: {  	s7 =	sld [smem:$0x3F96]  }
0x1a: {  	s8 =	sadd.s32 $0xFFFFE003, lr  }
0x1b: {  	s9 =	sadd.s32 $0xFFFFFEF7, lr;
	s5 =	simm.s32 $0xFFFFFFFF;
	p2 =	slt.u32 s8, $0xFFFFF086  }
0x1c: {  	p1 =	slt.u32 s9, $0xF7A;
	s5 =	simm.s32 @!p2 $0x0  }
0x1d: {  	s5 =	simm.s32 @p1 $0x1;
	p0 =	seq.s32 s7, s2  }
0x1e: {  	s7 =	smul.u32 @!p0 $0xF7A, s2;
	p2 =	seq.s32 @!p0 s5, $0x0  }
0x1f: {  	s9 =	smul.u32 $0xF7A, s1;
	s8 =	simm.s32 @!p0 $0x1BF5;
	p2 =	por !p2, p0  }
0x20: {  	[sflag:s8] =	ssyncset.s32 @!p0 $0xFFFFF086;
	s6 =	sadd.s32 @!p0 s3, s7;
	s7 =	simm.s32 @!p0 $0x108  }
0x21: {  	s3 =	sadd.s32 s3, s9;
	s6 =	sadd.s32 @!p0 $0x88, s6;
	s7 =	simm.s32 @p2 $0x1082  }
0x22: {  	[simem:s7], [sflag:s8] =	dma.local @!p0 [hbm:s6], $0xF7A  }
0x23: {  	s9 =	sor.u32 $0xD0000000, s2;
	s6 =	simm.s32 $0x108;
	_ =	swait.ge @!p0 [sflag:s8], $0x0  }
0x24: {  	s3 =	sadd.s32 $0x88, s3;
	s6 =	simm.s32 @!p1 $0x1082;
	[sflag:s4] =	ssyncset.s32 $0xFFFFF086  }
0x25: {  	[simem:s6], [sflag:s4] =	dma.local [hbm:s3], $0xF7A  }
0x26: {  	[smem:$0x3F96] =	sst s1;
	(tag) =	ssettag s2;
	_ =	strace s9  }
0x27: {  	s1 =	sld [smem:$0x3FA6]  }
0x28: {  	s2 =	sld [smem:$0x3FA7]  }
0x29: {  	s4 =	sld [smem:$0x3FA9]  }
0x2a: {  	p0 =	seq.s32 s5, $0x0;
	s5 =	sld [smem:$0x3FAA]  }
0x2b: {  	s6 =	sld [smem:$0x3FAB]  }
0x2c: {  	s7 =	sld [smem:$0x3FAC]  }
0x2d: {  	s3 =	simm.s32 $0x108;
	s8 =	sld [smem:$0x3FAD]  }
0x2e: {  	s3 =	simm.s32 @!p0 $0x1082;
	s9 =	sld [smem:$0x3FAE]  }
0x2f: {  	lr =	sadd.s32 s0, s3;
	s0 =	sld [smem:$0x3FA5]  }
0x30: {  	s3 =	sld [smem:$0x3FA8]  }
0x31: {  	[smem:$0x3FB1] =	sst s10  }
0x32: {  	s10 =	sld [smem:$0x3FAF];
	_ =	sdelay $0x3  }
0x33: {  	p0 =	seq.s32 s10, $0x1;
	s10 =	sld [smem:$0x3FB1];
	_ =	sdelay $0x3  }
0x34: {  	[smem:$0x3FB1] =	sst s10  }
0x35: {  	s10 =	sld [smem:$0x3FB0];
	_ =	sdelay $0x3  }
0x36: {  	p1 =	seq.s32 s10, $0x1;
	s10 =	sld [smem:$0x3FB1];
	_ =	sdelay $0x3  }
0x37: {  	[smem:$0x3FB1] =	sst s10  }
0x38: {  	s10 =	sld [smem:$0x3FB2]  }
0x39: {  	_ = 	snop;
	(pc) =	sbr.ind lr, $3  }
0x3a: {  	_ = 	snop  }
0x3b: {  	_ = 	snop  }
0x3c: {  	p2 =	seq.s32 s10, $0x1;
	s10 =	sld [smem:$0x3FB1]  }
0x3d: {  	_ =	shalt  }
0x3e: {  	_ =	shalt  }
0x3f: {  	_ =	shalt  }
0x40: {  	_ =	shalt  }
0x41: {  	_ =	shalt  }
0x42: {  	_ =	shalt  }
0x43: {  	_ =	shalt  }
0x44: {  	_ =	shalt  }
0x45: {  	_ =	shalt  }
0x46: {  	_ =	shalt  }
0x47: {  	_ =	shalt  }
0x48: {  	_ =	shalt  }
0x49: {  	_ =	shalt  }
0x4a: {  	_ =	shalt  }
0x4b: {  	_ =	shalt  }
0x4c: {  	_ =	shalt  }
0x4d: {  	_ =	shalt  }
0x4e: {  	_ =	shalt  }
0x4f: {  	_ =	shalt  }
0x50: {  	_ =	shalt  }
0x51: {  	_ =	shalt  }
0x52: {  	_ =	shalt  }
0x53: {  	_ =	shalt  }
0x54: {  	_ =	shalt  }
0x55: {  	_ =	shalt  }
0x56: {  	_ =	shalt  }
0x57: {  	_ =	shalt  }
0x58: {  	_ =	shalt  }
0x59: {  	_ =	shalt  }
0x5a: {  	_ =	shalt  }
0x5b: {  	_ =	shalt  }
0x5c: {  	_ =	shalt  }
0x5d: {  	_ =	shalt  }
0x5e: {  	_ =	shalt  }
0x5f: {  	_ =	shalt  }
0x60: {  	_ =	shalt  }
0x61: {  	_ =	shalt  }
0x62: {  	_ =	shalt  }
0x63: {  	_ =	shalt  }
0x64: {  	_ =	shalt  }
0x65: {  	_ =	shalt  }
0x66: {  	_ =	shalt  }
0x67: {  	_ =	shalt  }
0x68: {  	_ =	shalt  }
0x69: {  	_ =	shalt  }
0x6a: {  	_ =	shalt  }
0x6b: {  	_ =	shalt  }
0x6c: {  	_ =	shalt  }
0x6d: {  	_ =	shalt  }
0x6e: {  	_ =	shalt  }
0x6f: {  	_ =	shalt  }
0x70: {  	_ =	shalt  }
0x71: {  	_ =	shalt  }
0x72: {  	_ =	shalt  }
0x73: {  	_ =	shalt  }
0x74: {  	_ =	shalt  }
0x75: {  	_ =	shalt  }
0x76: {  	_ =	shalt  }
0x77: {  	_ =	shalt  }
0x78: {  	_ =	shalt  }
0x79: {  	_ =	shalt  }
0x7a: {  	_ =	shalt  }
0x7b: {  	_ =	shalt  }
0x7c: {  	_ =	shalt  }
0x7d: {  	_ =	shalt  }
0x7e: {  	_ =	shalt  }
0x7f: {  	_ =	shalt  }
0x80: {  	_ =	shalt  }
0x81: {  	_ =	shalt  }
0x82: {  	_ =	shalt  }
0x83: {  	_ =	shalt  }
0x84: {  	_ =	shalt  }
0x85: {  	_ =	shalt  }
0x86: {  	_ =	shalt  }
0x87: {  	_ =	shalt  }
.Lfunc_end0:
.L_simem_size_0:
called_computation_lowered:
.L_overlay_start_0:
0x88: {  	s2 =	sld [smem:$0x3FD9]  }
0x89: {  	s3 =	sld [smem:$0x3FFE];
	_ =	sdelay $0x1  }
0x8a: {  	s1 =	srdreg.scid  }
0x8b: {  	s0 =	sand.u32 $0x1, s1  }
0x8c: {  	s16 =	sshll.u32 s0, $0xA;
	s2 =	sadd.s32 s3, s2  }
0x8d: {  	s2 =	sadd.s32 s2, s16  }
0x8e: {  	[smem:$0x3FBD] =	sst s2  }
0x8f: {  	_ = 	snop  }
0x90: {  	(tm) =	ssettm $0x1  }
0x91: {  	s17 =	sld [smem:$0x3FFB];
	_ =	sdelay $0x3  }
0x92: {  	_ =	strace s17  }
0x93: {  	s2 =	sld [smem:$0x3FFC];
	_ =	sdelay $0x3  }
0x94: {  	_ =	strace s2  }
0x95: {  	s2 =	sld [smem:$0x3FFD];
	_ =	sdelay $0x3  }
0x96: {  	_ =	strace s2  }
0x97: {  	_ =	strace $0x8FFFFFFF  }
0x98: {  	s18 =	sld [smem:$0x3FDB];
	_ =	sdelay $0x1  }
0x99: {  	s19 =	simm.s32 $_scs_section_size  }
0x9a: {  	s4 =	simm.s32 $_size__tile_overlayer_lowered;
	s5 =	simm.s32 $_tile_overlayer_lowered  }
0x9b: {  	s22 =	simm.s32 $0x1BFF;
	s21 =	sshll.u32 s5, $0x1;
	s2 =	sadd.s32 s19, s18  }
0x9c: {  	s6 =	simm.s32 $0x0;
	s20 =	sshll.u32 s4, $0x1;
	s4 =	sadd.s32 s21, s2  }
0x9d: {  	[timem:s6], [sflag:s22] =	dma.local [hbm:s4], s20  }
0x9e: {  	_ =	swait.ge [sflag:s22], s20  }
0x9f: {  	s3 =	ssub.s32 $0x0, s20;
	[sflag:s22] =	ssyncset.done $0x0  }
0xa0: {  	[sflag:s22] =	ssyncadd.s32 s3;
	_ =	sdelay $0x1  }
0xa1: {  	s23 =	simm.s32 $0x1B8B  }
0xa2: {  	_ =	swait.ge [sflag:s23], $0x1  }
0xa3: {  	[sflag:s23] =	ssyncset.done $0x0  }
0xa4: {  	s25 =	simm.s32 $0x1B8E;
	s24 =	sld [smem:$0x3FFE];
	[sflag:s23] =	ssyncadd.s32 $0xFFFFFFFF  }
0xa5: {  	s26 =	simm.s32 $execute0_lowered;
	[smem:$0x3FD2] =	sst s25  }
0xa6: {  	s4 =	sshll.u32 s26, $0x1;
	_ =	strace $0x80000046;
	[dreg:$0x1] =	wrdreg $0xFFFFFFFF  }
0xa7: {  	s28 =	simm.s32 $_size_execute0_lowered;
	s2 =	sadd.s32 s2, s4;
	[dreg:$0x0] =	wrdreg $0x0  }
0xa8: {  	s4 =	sshll.u32 s28, $0x1;
	[dreg:$0x2] =	wrdreg s2  }
0xa9: {  	[dreg:$0x3] =	wrdreg s4  }
0xaa: {  	[dreg:$0x4] =	wrdreg $0xC0  }
0xab: {  	_ =	task [dreg:s6], $0x5FFFF  }
0xac: {  	[dreg:$0x1] =	wrdreg $0xFFFFFFFF  }
0xad: {  	[dreg:$0x0] =	wrdreg $0x60  }
0xae: {  	[dreg:$0x2] =	wrdreg s24  }
0xaf: {  	[dreg:$0x3] =	wrdreg $0x9  }
0xb0: {  	_ =	task.clear_ibuf [dreg:s6], $0x4FFFF;
	_ =	strace $0x90000046  }
0xb1: {  	s29 =	simm.s32 $0x9;
	_ =	strace $0x80000048  }
0xb2: {  	_ =	swait.ge [sflag:s29], $0x1  }
0xb3: {  	[sflag:s29] =	ssyncadd.s32 $0xFFFFFFFF  }
0xb4: {  	_ =	strace $0x90000048  }
0xb5: {  	_ =	sfence  }
0xb6: {  	s30 =	sld [smem:$0x0];
	_ =	sdelay $0x2  }
0xb7: {  	s31 =	sshll.u32 s1, $0xD;
	s1 =	sshrl.u32 s1, $0x2  }
0xb8: {  	s3 =	sand.u32 $0x4000, s31;
	s1 =	sadd.s32 s1, s30  }
0xb9: {  	s0 =	sor.u32 s3, s0;
	s1 =	sshll.u32 s1, $0x11  }
0xba: {  	s0 =	sor.u32 s1, s0  }
0xbb: {  	s0 =	sadd.s32 $0x8F2B, s0  }
0xbc: {  	[sflag:s0] =	ssyncadd.remote.s32 $0x1  }
0xbd: {  	_ =	sfence.sel $0xFFFF  }
0xbe: {  	[dreg:$0x0] =	wrdreg $0xFFFFFFFF;
	(pc) =	sbr.abs _section_cstart, $3  }
0xbf: {  	[dreg:$0x1] =	wrdreg $0xFFFFFFFF  }
0xc0: {  	_ =	task.clear_ibuf [dreg:s6], $0x2FFFF;
	_ =	strace $0x9FFFFFFF  }
0xc1: {  	(tm) =	ssettm $0x7FFFFFFF  }
tec
execute0_lowered:
.L_overlay_start_1:
0x0: {  	(tag) =	ssettag $0x1  }
0x1: {  	s0 =	srdreg.scid  }
0x2: {  	s1 =	sshll.u32 s0, $0x4  }
0x3: {  	s0 =	stileid.u32;
	s1 =	sand.u32 $0x10, s1  }
0x4: {  	s1 =	sor.u32 s0, s1  }
0x5: {  	s9 =	rddreg [dreg:$0x0];
	s6 =	simm.s32 $0x1;
	s2 =	smin.u32 s1, $0x8  }
0x6: {  	p0 =	slt.u32 s1, $0x8;
	s2 =	sadd.s32 s1, s2;
	s1 =	simm.s32 $0x200  }
0x7: {  	s7 =	simm.s32 $0x2;
	s2 =	sshll.u32 s2, $0x8;
	s1 =	simm.s32 @!p0 $0x100  }
0x8: {  	s10 =	simm.s32 $0x3;
	s13 =	simm.s32 $0x0;
	s3 =	sadd.s32 s1, s2  }
0x9: {  	s12 =	simm.s32 $0x0;
	s4 =	sadd.s32 $0x4000, s9;
	s3 =	smin.u32 s3, $0x2800  }
.Ltmp0:
0xa: {  	s5 =	sadd.s32 $0x3A00, s9;
	s8 =	ssub.s32 s3, s2;
	(pc) =	sbr.rel .LBB2_1-.Ltmp0, $4  }
0xb: {  	s1 =	rddreg [dreg:$0x1];
	_ =	strace $0x80000047;
	p0 =	sgt.s32 s8, $0x0  }
0xc: {  	s9 =	sadd.s32 $0x2C000, s9;
	[sflag:s6] =	ssyncpa.u1 $0x0;
	s8 =	simm.s32 @!p0 $0x0  }
0xd: {  	s11 =	smov.u32 s2;
	[sflag:s7] =	ssyncpa.u1 $0x0;
	s8 =	sshrl.u32 s8, $0x8  }
0xe: {  	vm0 =	vmmov $0xff;
	vm1 =	vcmask $0x3F20;
	[sflag:s10] =	ssyncpa.u1 $0x0;
	p0 =	por $0x0, $0x0;
	s10 =	sadd.s32 $0x1, s8  }
.LBB2_6:
0xf: {  	[hbm:s17] =	stream.linear.scatter [tilespmem:s14], [sflag:$0x3], $0x400, $0x38;
	[tilespmem:$0x10200] =	vst v63  }
.LBB2_7:
0x10: {  	s13 =	sadd.s32 $0x100, s11  }
0x11: {  	s15 =	smov.u32 s2;
	p2 =	slt.s32 s13, s3  }
0x12: {  	s15 =	smov.u32 @p2 s13;
	p2 =	sne.s32 s12, s10  }
.Ltmp1:
0x13: {  	p1 =	slt.u32 s12, $0x2;
	(pc) =	sbr.rel @!p2 .LBB2_8-.Ltmp1, $4  }
0x14: {  	s14 =	simm.s32 @!p1 $0x3  }
0x15: {  	s16 =	sadd.s32 $0x1, s12;
	_ =	swait.ge @!p1 [sflag:s14], $0x8000  }
0x16: {  	p0 =	por !p0, !p0;
	s13 =	smov.u32 s11;
	[sflag:s14] =	ssyncset.done @!p1 $0x0  }
0x17: {  	s12 =	smov.u32 s16;
	s11 =	smov.u32 s15;
	[sflag:s14] =	ssyncadd.s32 @!p1 $0xFFFF8000  }
.LBB2_1:
0x18: {  	p1 =	sge.u32 s12, s8  }
0x19: {  	s14 =	sxor.u32 @!p1 $0xFFFFFFFF, s12  }
0x1a: {  	s31 =	sadd.s32 $0xFFFFFFFF, s12;
	s15 =	sshrl.u32 @!p1 s11, $0x3;
	s14 =	sshll.u32 @!p1 s14, $0x8  }
0x1b: {  	s16 =	sand.u32 @!p1 $0x7, s11;
	s15 =	sadd.s32 @!p1 s5, s15;
	s14 =	sand.u32 @!p1 $0x100, s14  }
0x1c: {  	[tilespmem:s14], [sflag:$0x2] =	stream.linear.gather @!p1 [hbm4b:s15+s16], $0x100, $0x38;
	[tilespmem:$0x10200] =	vst v63  }
0x1d: {  	p1 =	sge.u32 s31, s8  }
.Ltmp2:
0x1e: {  	_ = 	snop;
	(pc) =	sbr.rel @p1 .LBB2_7-.Ltmp2, $1  }
0x1f: {  	_ =	sdelay $0x3  }
0x20: {  	s14 =	simm.s32 $0x1  }
0x21: {  	_ =	swait.ge [sflag:s7], $0x100;
	s14 =	simm.s32 @!p0 $0x0  }
0x22: {  	[sflag:s7] =	ssyncset.done $0x0;
	s16 =	sshll.u32 s14, $0x8  }
0x23: {  	[sflag:s7] =	ssyncadd.s32 $0xFFFFFF00;
	s15 =	sadd.s32 $0x0, s16  }
0x24: {  	v0 =	vld.msk [tilespmem:s15+$0x0 ss:$0x1], $0xffff;
	_ =	sdelay $0x4  }
0x25: {  	vm2 =	vgt.s32 v0, $0x0  }
0x26: {  	v0 =	vnsel vm2, $0x0, v0  }
0x27: {  	v0 =	vmin.u32 v0, $0x27FF  }
0x28: {  	v0 =	vshll.u32 v0, $0x4;
	_ =	sdelay $0x2  }
0x29: {  	s14 =	sshll.u32 s14, $0xF  }
0x2a: {  	s14 =	sor.u32 $0x200, s14  }
0x2b: {  	[tilespmem:s14], [sflag:$0x1] =	stream.indirect_vreg.gather [hbm:s4], $0x80, v0, vm0, $0x38;
	[tilespmem:$0x10200] =	vst v63  }
0x2c: {  	s17 =	sadd.s32 $0x10, s16;
	s15 =	sadd.s32 $0x400, s14  }
0x2d: {  	[tilespmem:s15], [sflag:$0x1] =	stream.indirect_vreg.gather [hbm:s4], $0x80, v0, vm1, $0x38;
	[tilespmem:$0x10200] =	vst v63  }
0x2e: {  	s18 =	simm.s32 $0x80;
	v0 =	vld.msk [tilespmem:s17+$0x0 ss:$0x1], $0xffff;
	s17 =	smov.u32 s14  }
.LBB2_3:
0x2f: {  	p1 =	sne.s32 s18, $0x3C0;
	_ =	sdelay $0x4  }
0x30: {  	vm2 =	vgt.s32 v0, $0x0  }
0x31: {  	v0 =	vnsel vm2, $0x0, v0  }
0x32: {  	v0 =	vmin.u32 v0, $0x27FF  }
0x33: {  	v0 =	vshll.u32 v0, $0x4;
	_ =	sdelay $0x3  }
.Ltmp3:
0x34: {  	s19 =	sshra.s32 s18, $0x2;
	s17 =	sadd.s32 $0x800, s17;
	(pc) =	sbr.rel @p1 .LBB2_3-.Ltmp3, $4  }
0x35: {  	[tilespmem:s17], [sflag:$0x1] =	stream.indirect_vreg.gather [hbm:s4], $0x80, v0, vm0, $0x38;
	[tilespmem:$0x10200] =	vst v63  }
0x36: {  	s19 =	sadd.s32 s19, s16;
	s20 =	sadd.s32 $0x400, s17  }
0x37: {  	[tilespmem:s20], [sflag:$0x1] =	stream.indirect_vreg.gather [hbm:s4], $0x80, v0, vm1, $0x38;
	[tilespmem:$0x10200] =	vst v63  }
0x38: {  	s18 =	sadd.s32 $0x40, s18;
	v0 =	vld.msk [tilespmem:s19+$0x0 ss:$0x1], $0xffff  }
0x39: {  	_ =	sdelay $0x3  }
0x3a: {  	vm2 =	vgt.s32 v0, $0x0  }
0x3b: {  	v0 =	vnsel vm2, $0x0, v0  }
0x3c: {  	v0 =	vmin.u32 v0, $0x27FF  }
0x3d: {  	v0 =	vshll.u32 v0, $0x4;
	_ =	sdelay $0x3  }
0x3e: {  	s16 =	sadd.s32 $0x800, s17  }
0x3f: {  	[tilespmem:s16], [sflag:$0x1] =	stream.indirect_vreg.gather [hbm:s4], $0x80, v0, vm0, $0x38;
	[tilespmem:$0x10200] =	vst v63  }
0x40: {  	s16 =	sadd.s32 $0x400, s16  }
0x41: {  	[tilespmem:s16], [sflag:$0x1] =	stream.indirect_vreg.gather [hbm:s4], $0x80, v0, vm1, $0x38;
	[tilespmem:$0x10200] =	vst v63  }
0x42: {  	s13 =	sshll.u32 s13, $0x4;
	_ =	swait.ge [sflag:s6], $0x8000  }
0x43: {  	s13 =	sadd.s32 s13, s9;
	[sflag:s6] =	ssyncset.done $0x0  }
0x44: {  	s17 =	sadd.s32 $0x0, s13;
	s16 =	simm.s32 $0x80;
	[sflag:s6] =	ssyncadd.s32 $0xFFFF8000  }
.LBB2_5:
0x45: {  	[hbm:s17] =	stream.linear.scatter [tilespmem:s14], [sflag:$0x3], $0x400, $0x38;
	[tilespmem:$0x10200] =	vst v63  }
0x46: {  	s17 =	smov.u32 s16;
	s14 =	smov.u32 s15;
	p1 =	sne.s32 s16, $0xF80  }
.Ltmp4:
0x47: {  	s16 =	sadd.s32 $0x80, s16;
	(pc) =	sbr.rel @p1 .LBB2_5-.Ltmp4, $2  }
0x48: {  	_ =	sdelay $0x2  }
0x49: {  	s15 =	sadd.s32 $0x400, s15;
	s17 =	sadd.s32 s17, s13  }
.Ltmp5:
0x4a: {  	_ = 	snop;
	(pc) =	sbr.rel .LBB2_6-.Ltmp5, $1  }
0x4b: {  	_ =	sdelay $0x3  }
.LBB2_8:
0x4c: {  	_ =	sfence.sel $0x180000  }
0x4d: {  	s2 =	simm.s32 $0x2;
	[bflag:$0x0] =	sbarrier.arrive $0xFFFF  }
0x4e: {  	s30 =	simm.s32 $0x3;
	[sflag:s2] =	ssyncpa.u1 $0x1  }
0x4f: {  	s31 =	simm.s32 $0x1;
	[sflag:s30] =	ssyncpa.u1 $0x1  }
0x50: {  	[sflag:s31] =	ssyncpa.u1 $0x1  }
0x51: {  	p0 =	sne.s32 s0, $0x0;
	_ =	strace $0x90000047  }
0x52: {  	s0 =	sadd.s32 @!p0 $0x100000, s1;
	[bflag:$0x2] =	sbarrier.arrive $0xFFFF  }
0x53: {  	[sflag:s0] =	ssyncadd.tile.s32 @!p0 $0x1;
	_ =	shalt  }
.Lfunc_end2:
_tile_overlayer_lowered:
.L_overlay_start_2:
0x54: {  	(tag) =	ssettag $0x2  }
0x55: {  	s0 =	rddreg [dreg:$0x0];
	s2 =	stileid.u32  }
0x56: {  	s1 =	rddreg [dreg:$0x1];
	p0 =	sne.s32 s2, $0x0  }
0x57: {  	s3 =	rddreg [dreg:$0x2];
	[bflag:$0x3] =	sbarrier.arrive $0xFFFF;
	s2 =	simm.s32 @!p0 $0x1C01  }
0x58: {  	[timem:s3], [sflag:s2] =	dma.local @!p0 [hbm:s0], s1  }
0x59: {  	s0 =	simm.s32 @!p0 $0x1  }
0x5a: {  	_ =	swait.ge @!p0 [sflag:s0], s1  }
0x5b: {  	s1 =	ssub.s32 @!p0 $0x0, s1;
	[sflag:s0] =	ssyncset.done @!p0 $0x0  }
0x5c: {  	[sflag:s0] =	ssyncadd.s32 @!p0 s1  }
0x5d: {  	[bflag:$0x3] =	sbarrier.arrive $0xFFFF  }
0x5e: {  	_ =	shalt  }

// kernel: kernel.12.cloned.1.call-start
scs
__scs_entry_jumppad:
0x0: {  	(pc) =	sbr.rel $0x88, $3  }
0x1: {  	(tag) =	ssettag $0x0;
	lr =	simm.s32 $0x1  }
0x2: {  	[smem:$0x3F96] =	sst lr;
	_ =	strace $0xD0000000  }
0x3: {  	_ = 	snop  }
0x4: {  	_ = 	snop  }
0x5: {  	_ = 	snop  }
0x6: {  	_ = 	snop  }
0x7: {  	_ = 	snop  }
__scs_overlays_trampoline_lowered:
0x8: {  	[smem:$0x3FA5] =	sst s0  }
0x9: {  	[smem:$0x3FA6] =	sst s1  }
0xa: {  	[smem:$0x3FA7] =	sst s2  }
0xb: {  	[smem:$0x3FA8] =	sst s3  }
0xc: {  	[smem:$0x3FA9] =	sst s4  }
0xd: {  	[smem:$0x3FAA] =	sst s5  }
0xe: {  	[smem:$0x3FAB] =	sst s6  }
0xf: {  	[smem:$0x3FAC] =	sst s7  }
0x10: {  	[smem:$0x3FAD] =	sst s8  }
0x11: {  	[smem:$0x3FAE] =	sst s9;
	s0 =	simm.s32 @!p0 $0x0  }
0x12: {  	s1 =	sld [smem:$0x3F94];
	s0 =	simm.s32 @p0 $0x1  }
0x13: {  	[smem:$0x3FAF] =	sst s0;
	s0 =	simm.s32 @!p1 $0x0  }
0x14: {  	s2 =	sld [smem:$0x3F93];
	s0 =	simm.s32 @p1 $0x1  }
0x15: {  	[smem:$0x3FB0] =	sst s0;
	s0 =	simm.s32 @!p2 $0x0  }
0x16: {  	s3 =	sld [smem:$0x3FDB];
	s0 =	simm.s32 @p2 $0x1  }
0x17: {  	s4 =	simm.s32 $0x1BF5;
	[smem:$0x3FB2] =	sst s0  }
0x18: {  	s0 =	sld [smem:$0x3F95];
	_ =	swait.ge [sflag:s4], $0x0  }
0x19: {  	s7 =	sld [smem:$0x3F96]  }
0x1a: {  	s8 =	sadd.s32 $0xFFFFE003, lr  }
0x1b: {  	s9 =	sadd.s32 $0xFFFFFEF7, lr;
	s5 =	simm.s32 $0xFFFFFFFF;
	p2 =	slt.u32 s8, $0xFFFFF086  }
0x1c: {  	p1 =	slt.u32 s9, $0xF7A;
	s5 =	simm.s32 @!p2 $0x0  }
0x1d: {  	s5 =	simm.s32 @p1 $0x1;
	p0 =	seq.s32 s7, s2  }
0x1e: {  	s7 =	smul.u32 @!p0 $0xF7A, s2;
	p2 =	seq.s32 @!p0 s5, $0x0  }
0x1f: {  	s9 =	smul.u32 $0xF7A, s1;
	s8 =	simm.s32 @!p0 $0x1BF5;
	p2 =	por !p2, p0  }
0x20: {  	[sflag:s8] =	ssyncset.s32 @!p0 $0xFFFFF086;
	s6 =	sadd.s32 @!p0 s3, s7;
	s7 =	simm.s32 @!p0 $0x108  }
0x21: {  	s3 =	sadd.s32 s3, s9;
	s6 =	sadd.s32 @!p0 $0x88, s6;
	s7 =	simm.s32 @p2 $0x1082  }
0x22: {  	[simem:s7], [sflag:s8] =	dma.local @!p0 [hbm:s6], $0xF7A  }
0x23: {  	s9 =	sor.u32 $0xD0000000, s2;
	s6 =	simm.s32 $0x108;
	_ =	swait.ge @!p0 [sflag:s8], $0x0  }
0x24: {  	s3 =	sadd.s32 $0x88, s3;
	s6 =	simm.s32 @!p1 $0x1082;
	[sflag:s4] =	ssyncset.s32 $0xFFFFF086  }
0x25: {  	[simem:s6], [sflag:s4] =	dma.local [hbm:s3], $0xF7A  }
0x26: {  	[smem:$0x3F96] =	sst s1;
	(tag) =	ssettag s2;
	_ =	strace s9  }
0x27: {  	s1 =	sld [smem:$0x3FA6]  }
0x28: {  	s2 =	sld [smem:$0x3FA7]  }
0x29: {  	s4 =	sld [smem:$0x3FA9]  }
0x2a: {  	p0 =	seq.s32 s5, $0x0;
	s5 =	sld [smem:$0x3FAA]  }
0x2b: {  	s6 =	sld [smem:$0x3FAB]  }
0x2c: {  	s7 =	sld [smem:$0x3FAC]  }
0x2d: {  	s3 =	simm.s32 $0x108;
	s8 =	sld [smem:$0x3FAD]  }
0x2e: {  	s3 =	simm.s32 @!p0 $0x1082;
	s9 =	sld [smem:$0x3FAE]  }
0x2f: {  	lr =	sadd.s32 s0, s3;
	s0 =	sld [smem:$0x3FA5]  }
0x30: {  	s3 =	sld [smem:$0x3FA8]  }
0x31: {  	[smem:$0x3FB1] =	sst s10  }
0x32: {  	s10 =	sld [smem:$0x3FAF];
	_ =	sdelay $0x3  }
0x33: {  	p0 =	seq.s32 s10, $0x1;
	s10 =	sld [smem:$0x3FB1];
	_ =	sdelay $0x3  }
0x34: {  	[smem:$0x3FB1] =	sst s10  }
0x35: {  	s10 =	sld [smem:$0x3FB0];
	_ =	sdelay $0x3  }
0x36: {  	p1 =	seq.s32 s10, $0x1;
	s10 =	sld [smem:$0x3FB1];
	_ =	sdelay $0x3  }
0x37: {  	[smem:$0x3FB1] =	sst s10  }
0x38: {  	s10 =	sld [smem:$0x3FB2]  }
0x39: {  	_ = 	snop;
	(pc) =	sbr.ind lr, $3  }
0x3a: {  	_ = 	snop  }
0x3b: {  	_ = 	snop  }
0x3c: {  	p2 =	seq.s32 s10, $0x1;
	s10 =	sld [smem:$0x3FB1]  }
0x3d: {  	_ =	shalt  }
0x3e: {  	_ =	shalt  }
0x3f: {  	_ =	shalt  }
0x40: {  	_ =	shalt  }
0x41: {  	_ =	shalt  }
0x42: {  	_ =	shalt  }
0x43: {  	_ =	shalt  }
0x44: {  	_ =	shalt  }
0x45: {  	_ =	shalt  }
0x46: {  	_ =	shalt  }
0x47: {  	_ =	shalt  }
0x48: {  	_ =	shalt  }
0x49: {  	_ =	shalt  }
0x4a: {  	_ =	shalt  }
0x4b: {  	_ =	shalt  }
0x4c: {  	_ =	shalt  }
0x4d: {  	_ =	shalt  }
0x4e: {  	_ =	shalt  }
0x4f: {  	_ =	shalt  }
0x50: {  	_ =	shalt  }
0x51: {  	_ =	shalt  }
0x52: {  	_ =	shalt  }
0x53: {  	_ =	shalt  }
0x54: {  	_ =	shalt  }
0x55: {  	_ =	shalt  }
0x56: {  	_ =	shalt  }
0x57: {  	_ =	shalt  }
0x58: {  	_ =	shalt  }
0x59: {  	_ =	shalt  }
0x5a: {  	_ =	shalt  }
0x5b: {  	_ =	shalt  }
0x5c: {  	_ =	shalt  }
0x5d: {  	_ =	shalt  }
0x5e: {  	_ =	shalt  }
0x5f: {  	_ =	shalt  }
0x60: {  	_ =	shalt  }
0x61: {  	_ =	shalt  }
0x62: {  	_ =	shalt  }
0x63: {  	_ =	shalt  }
0x64: {  	_ =	shalt  }
0x65: {  	_ =	shalt  }
0x66: {  	_ =	shalt  }
0x67: {  	_ =	shalt  }
0x68: {  	_ =	shalt  }
0x69: {  	_ =	shalt  }
0x6a: {  	_ =	shalt  }
0x6b: {  	_ =	shalt  }
0x6c: {  	_ =	shalt  }
0x6d: {  	_ =	shalt  }
0x6e: {  	_ =	shalt  }
0x6f: {  	_ =	shalt  }
0x70: {  	_ =	shalt  }
0x71: {  	_ =	shalt  }
0x72: {  	_ =	shalt  }
0x73: {  	_ =	shalt  }
0x74: {  	_ =	shalt  }
0x75: {  	_ =	shalt  }
0x76: {  	_ =	shalt  }
0x77: {  	_ =	shalt  }
0x78: {  	_ =	shalt  }
0x79: {  	_ =	shalt  }
0x7a: {  	_ =	shalt  }
0x7b: {  	_ =	shalt  }
0x7c: {  	_ =	shalt  }
0x7d: {  	_ =	shalt  }
0x7e: {  	_ =	shalt  }
0x7f: {  	_ =	shalt  }
0x80: {  	_ =	shalt  }
0x81: {  	_ =	shalt  }
0x82: {  	_ =	shalt  }
0x83: {  	_ =	shalt  }
0x84: {  	_ =	shalt  }
0x85: {  	_ =	shalt  }
0x86: {  	_ =	shalt  }
0x87: {  	_ =	shalt  }
.Lfunc_end0:
.L_simem_size_0:
called_computation.1_lowered:
.L_overlay_start_0:
0x88: {  	s2 =	sld [smem:$0x3FD9]  }
0x89: {  	s3 =	sld [smem:$0x3FFE];
	_ =	sdelay $0x1  }
0x8a: {  	s1 =	srdreg.scid  }
0x8b: {  	s0 =	sand.u32 $0x1, s1  }
0x8c: {  	s17 =	sshll.u32 s0, $0xA;
	s2 =	sadd.s32 s3, s2  }
0x8d: {  	s2 =	sadd.s32 s2, s17  }
0x8e: {  	[smem:$0x3FBD] =	sst s2  }
0x8f: {  	_ = 	snop  }
0x90: {  	s2 =	sld [smem:$0x3FD0];
	(tm) =	ssettm $0x1  }
0x91: {  	s18 =	sld [smem:$0x3FFB];
	_ =	sdelay $0x3  }
0x92: {  	_ =	strace s18  }
0x93: {  	s3 =	sld [smem:$0x3FFC];
	_ =	sdelay $0x3  }
0x94: {  	_ =	strace s3  }
0x95: {  	s3 =	sld [smem:$0x3FFD];
	_ =	sdelay $0x3  }
0x96: {  	_ =	strace s3  }
0x97: {  	_ =	strace $0x8FFFFFFF  }
0x98: {  	s19 =	sld [smem:$0x3FDB];
	_ =	sdelay $0x1  }
0x99: {  	s4 =	simm.s32 $_scs_section_size  }
0x9a: {  	s5 =	simm.s32 $_size__tile_overlayer_lowered;
	s6 =	simm.s32 $_tile_overlayer_lowered  }
0x9b: {  	s22 =	simm.s32 $0x1BFF;
	s21 =	sshll.u32 s6, $0x1;
	s3 =	sadd.s32 s4, s19  }
0x9c: {  	s7 =	simm.s32 $0x0;
	s20 =	sshll.u32 s5, $0x1;
	s5 =	sadd.s32 s21, s3  }
0x9d: {  	[timem:s7], [sflag:s22] =	dma.local [hbm:s5], s20  }
0x9e: {  	_ =	swait.ge [sflag:s22], s20  }
0x9f: {  	s4 =	ssub.s32 $0x0, s20;
	[sflag:s22] =	ssyncset.done $0x0  }
0xa0: {  	[sflag:s22] =	ssyncadd.s32 s4;
	_ =	sdelay $0x1  }
0xa1: {  	s23 =	simm.s32 $0x1B8B  }
0xa2: {  	_ =	swait.ge [sflag:s23], $0x1  }
0xa3: {  	[sflag:s23] =	ssyncset.done $0x0  }
0xa4: {  	s25 =	simm.s32 $0x1B8E;
	s24 =	sld [smem:$0x3FFE];
	[sflag:s23] =	ssyncadd.s32 $0xFFFFFFFF  }
0xa5: {  	s26 =	simm.s32 $execute0_lowered;
	[smem:$0x3FD2] =	sst s25  }
0xa6: {  	s5 =	sshll.u32 s26, $0x1;
	_ =	strace $0x80000049;
	[dreg:$0x1] =	wrdreg $0xFFFFFFFF  }
0xa7: {  	s28 =	simm.s32 $_size_execute0_lowered;
	s3 =	sadd.s32 s3, s5;
	[dreg:$0x0] =	wrdreg $0x0  }
0xa8: {  	s5 =	sshll.u32 s28, $0x1;
	[dreg:$0x2] =	wrdreg s3  }
0xa9: {  	[dreg:$0x3] =	wrdreg s5  }
0xaa: {  	[dreg:$0x4] =	wrdreg $0xC0  }
0xab: {  	_ =	task [dreg:s7], $0x5FFFF  }
0xac: {  	[dreg:$0x1] =	wrdreg $0xFFFFFFFF  }
0xad: {  	[dreg:$0x0] =	wrdreg $0x60  }
0xae: {  	[dreg:$0x2] =	wrdreg s24  }
0xaf: {  	[dreg:$0x3] =	wrdreg s2  }
0xb0: {  	[dreg:$0x4] =	wrdreg $0x92000  }
0xb1: {  	[dreg:$0x5] =	wrdreg $0x9  }
0xb2: {  	_ =	task.clear_ibuf [dreg:s7], $0x6FFFF;
	_ =	strace $0x90000049  }
0xb3: {  	s29 =	simm.s32 $0x9;
	_ =	strace $0x8000004B  }
0xb4: {  	_ =	swait.ge [sflag:s29], $0x1  }
0xb5: {  	[sflag:s29] =	ssyncadd.s32 $0xFFFFFFFF  }
0xb6: {  	_ =	strace $0x9000004B  }
0xb7: {  	_ =	sfence  }
0xb8: {  	s30 =	sld [smem:$0x0];
	_ =	sdelay $0x2  }
0xb9: {  	s31 =	sshll.u32 s1, $0xD;
	s1 =	sshrl.u32 s1, $0x2  }
0xba: {  	s3 =	sand.u32 $0x4000, s31;
	s1 =	sadd.s32 s1, s30  }
0xbb: {  	s0 =	sor.u32 s3, s0;
	s1 =	sshll.u32 s1, $0x11  }
0xbc: {  	s0 =	sor.u32 s1, s0  }
0xbd: {  	s0 =	sadd.s32 $0x8F2B, s0  }
0xbe: {  	[sflag:s0] =	ssyncadd.remote.s32 $0x1  }
0xbf: {  	_ =	sfence.sel $0xFFFF  }
0xc0: {  	[dreg:$0x0] =	wrdreg $0xFFFFFFFF;
	(pc) =	sbr.abs _section_cstart, $3  }
0xc1: {  	[dreg:$0x1] =	wrdreg $0xFFFFFFFF  }
0xc2: {  	_ =	task.clear_ibuf [dreg:s7], $0x2FFFF;
	_ =	strace $0x9FFFFFFF  }
0xc3: {  	(tm) =	ssettm $0x7FFFFFFF  }
tec
execute0_lowered:
.L_overlay_start_1:
0x0: {  	(tag) =	ssettag $0x1  }
0x1: {  	s0 =	rddreg [dreg:$0x0]  }
0x2: {  	s1 =	rddreg [dreg:$0x1]  }
0x3: {  	s2 =	rddreg [dreg:$0x2]  }
0x4: {  	s3 =	srdreg.scid;
	s4 =	simm.s32 $0x0;
	s10 =	stileid.u32  }
0x5: {  	s29 =	simm.s32 $0x8800;
	s30 =	simm.s32 $0x1000;
	s7 =	smul.u32 $0xA000, s10  }
0x6: {  	s31 =	simm.s32 $0x2;
	s3 =	sand.u32 $0x1, s3;
	s9 =	smul.u32 $0x2800, s10  }
0x7: {  	[smem:$0x7FF] =	sst s4;
	s6 =	sadd.s32 $0x3A00, s0;
	s10 =	smul.u32 $0x28000, s10  }
0x8: {  	s11 =	sadd.s32 $0x5E000, s0;
	s5 =	smul.u32 $0xA0000, s3;
	_ =	strace $0x8000004A  }
0x9: {  	[dreg:$0x4] =	wrdreg s6;
	s8 =	smul.u32 $0x28000, s3;
	s3 =	ssub.s32 $0x2, s3  }
0xa: {  	s6 =	sadd.s32 $0x54000, s0;
	[dreg:$0x5] =	wrdreg s11;
	s13 =	sshrl.u32 s3, $0x1  }
0xb: {  	s14 =	sshrl.u32 s10, $0x2;
	s15 =	sadd.s32 s7, s2;
	s5 =	sadd.s32 s7, s5  }
0xc: {  	s3 =	ssub.s32 s3, s13;
	s8 =	sadd.s32 s9, s8;
	s10 =	sadd.s32 s14, s2  }
0xd: {  	s7 =	simm.s32 $0x80;
	s5 =	sshrl.u32 s5, $0x3;
	s3 =	smax.u32 s3, $0x1  }
0xe: {  	s23 =	sadd.s32 $0xA00, s10;
	s24 =	sadd.s32 $0x1400, s10;
	s25 =	sadd.s32 $0x1E00, s10  }
0xf: {  	s26 =	sadd.s32 $0x2800, s10;
	s16 =	sadd.s32 $0x3200, s10;
	[dreg:$0x7] =	wrdreg s3  }
0x10: {  	s17 =	sadd.s32 $0x3C00, s10;
	s18 =	sadd.s32 $0x4600, s10;
	[dreg:$0x8] =	wrdreg s23  }
0x11: {  	s19 =	sadd.s32 $0x5000, s10;
	s20 =	sadd.s32 $0x5A00, s10;
	[dreg:$0x9] =	wrdreg s24  }
0x12: {  	s21 =	sadd.s32 $0x6400, s10;
	s22 =	sadd.s32 $0x6E00, s10;
	[dreg:$0xa] =	wrdreg s25  }
0x13: {  	s28 =	sadd.s32 $0x9600, s10;
	s0 =	sadd.s32 s5, s0;
	[dreg:$0xb] =	wrdreg s26  }
0x14: {  	s23 =	sadd.s32 $0x7800, s10;
	s24 =	sadd.s32 $0x8200, s10;
	s25 =	sshrl.u32 s15, $0x3  }
0x15: {  	s26 =	sadd.s32 $0x8C00, s10;
	s3 =	simm.s32 $0x1;
	s0 =	sadd.s32 $0x4000, s0  }
0x16: {  	v0 =	vimm.s32 $0x0;
	v1 =	vimm.s32 $0x1;
	s5 =	simm.s32 $0x800;
	[dreg:$0x6] =	wrdreg s0;
	s0 =	simm.s32 $0x3800  }
.LBB2_1:
0x17: {  	s9 =	simm.s32 $0x40;
	s11 =	simm.s32 $0x0  }
.LBB2_2:
0x18: {  	p0 =	sne.s32 s9, $0x27C0;
	[tilespmem:s11+$0x8800] =	vst v0;
	s11 =	smov.u32 s9;
	s9 =	sadd.s32 $0x40, s9  }
.Ltmp0:
0x19: {  	(pc) =	sbr.rel @p0 .LBB2_2-.Ltmp0, $2  }
0x1a: {  	_ =	sdelay $0x2  }
0x1b: {  	s11 =	sshra.s32 s11, $0x2  }
0x1c: {  	[tilespmem:s11+$0x8800] =	vst v0  }
0x1d: {  	[spmem:s10] =	stream.linear.scatter [tilespmem:s29], [sflag:$0x1], $0xA00, $0x38;
	[tilespmem:$0x13200] =	vst v63  }
0x1e: {  	s9 =	rddreg [dreg:$0x8]  }
0x1f: {  	[spmem:s9] =	stream.linear.scatter [tilespmem:s29], [sflag:$0x1], $0xA00, $0x38;
	[tilespmem:$0x13200] =	vst v63  }
0x20: {  	s11 =	rddreg [dreg:$0x9]  }
0x21: {  	[spmem:s11] =	stream.linear.scatter [tilespmem:s29], [sflag:$0x1], $0xA00, $0x38;
	[tilespmem:$0x13200] =	vst v63  }
0x22: {  	s12 =	rddreg [dreg:$0xa]  }
0x23: {  	[spmem:s12] =	stream.linear.scatter [tilespmem:s29], [sflag:$0x1], $0xA00, $0x38;
	[tilespmem:$0x13200] =	vst v63  }
0x24: {  	s13 =	rddreg [dreg:$0xb]  }
0x25: {  	[spmem:s13] =	stream.linear.scatter [tilespmem:s29], [sflag:$0x1], $0xA00, $0x38;
	[tilespmem:$0x13200] =	vst v63  }
0x26: {  	_ = 	snop  }
0x27: {  	[spmem:s16] =	stream.linear.scatter [tilespmem:s29], [sflag:$0x1], $0xA00, $0x38;
	[tilespmem:$0x13200] =	vst v63  }
0x28: {  	_ = 	snop  }
0x29: {  	[spmem:s17] =	stream.linear.scatter [tilespmem:s29], [sflag:$0x1], $0xA00, $0x38;
	[tilespmem:$0x13200] =	vst v63  }
0x2a: {  	_ = 	snop  }
0x2b: {  	[spmem:s18] =	stream.linear.scatter [tilespmem:s29], [sflag:$0x1], $0xA00, $0x38;
	[tilespmem:$0x13200] =	vst v63  }
0x2c: {  	_ = 	snop  }
0x2d: {  	[spmem:s19] =	stream.linear.scatter [tilespmem:s29], [sflag:$0x1], $0xA00, $0x38;
	[tilespmem:$0x13200] =	vst v63  }
0x2e: {  	_ = 	snop  }
0x2f: {  	[spmem:s20] =	stream.linear.scatter [tilespmem:s29], [sflag:$0x1], $0xA00, $0x38;
	[tilespmem:$0x13200] =	vst v63  }
0x30: {  	_ = 	snop  }
0x31: {  	[spmem:s21] =	stream.linear.scatter [tilespmem:s29], [sflag:$0x1], $0xA00, $0x38;
	[tilespmem:$0x13200] =	vst v63  }
0x32: {  	_ = 	snop  }
0x33: {  	[spmem:s22] =	stream.linear.scatter [tilespmem:s29], [sflag:$0x1], $0xA00, $0x38;
	[tilespmem:$0x13200] =	vst v63  }
0x34: {  	_ = 	snop  }
0x35: {  	[spmem:s23] =	stream.linear.scatter [tilespmem:s29], [sflag:$0x1], $0xA00, $0x38;
	[tilespmem:$0x13200] =	vst v63  }
0x36: {  	_ = 	snop  }
0x37: {  	[spmem:s24] =	stream.linear.scatter [tilespmem:s29], [sflag:$0x1], $0xA00, $0x38;
	[tilespmem:$0x13200] =	vst v63  }
0x38: {  	_ = 	snop  }
0x39: {  	[spmem:s26] =	stream.linear.scatter [tilespmem:s29], [sflag:$0x1], $0xA00, $0x38;
	[tilespmem:$0x13200] =	vst v63  }
0x3a: {  	_ = 	snop  }
0x3b: {  	[spmem:s28] =	stream.linear.scatter [tilespmem:s29], [sflag:$0x1], $0xA00, $0x38;
	[tilespmem:$0x13200] =	vst v63  }
0x3c: {  	s14 =	rddreg [dreg:$0x4];
	s9 =	simm.s32 $0x0  }
0x3d: {  	[tilespmem:s30], [sflag:$0x2] =	stream.linear.gather [hbm4b:s14+s9], $0x2800, $0x38;
	[tilespmem:$0x13200] =	vst v63  }
0x3e: {  	_ =	swait.ge [sflag:s31], $0x2800  }
0x3f: {  	[sflag:s31] =	ssyncset.done $0x0  }
0x40: {  	s15 =	rddreg [dreg:$0x5];
	[sflag:s31] =	ssyncadd.s32 $0xFFFFD800  }
0x41: {  	[tilespmem:s0], [sflag:$0x2] =	stream.linear.gather [hbm4b:s15+s9], $0x4000, $0x38;
	[tilespmem:$0x13200] =	vst v63  }
0x42: {  	_ =	swait.ge [sflag:s31], $0x4000  }
0x43: {  	[sflag:s31] =	ssyncset.done $0x0  }
0x44: {  	[sflag:s31] =	ssyncadd.s32 $0xFFFFC000  }
0x45: {  	_ =	swait.ge [sflag:s3], $0xA00  }
0x46: {  	[sflag:s3] =	ssyncset.done $0x0  }
0x47: {  	[sflag:s3] =	ssyncadd.s32 $0xFFFFF600  }
0x48: {  	_ =	swait.ge [sflag:s3], $0xA00  }
0x49: {  	[sflag:s3] =	ssyncset.done $0x0  }
0x4a: {  	[sflag:s3] =	ssyncadd.s32 $0xFFFFF600  }
0x4b: {  	_ =	swait.ge [sflag:s3], $0xA00  }
0x4c: {  	[sflag:s3] =	ssyncset.done $0x0  }
0x4d: {  	[sflag:s3] =	ssyncadd.s32 $0xFFFFF600  }
0x4e: {  	_ =	swait.ge [sflag:s3], $0xA00  }
0x4f: {  	[sflag:s3] =	ssyncset.done $0x0  }
0x50: {  	[sflag:s3] =	ssyncadd.s32 $0xFFFFF600  }
0x51: {  	_ =	swait.ge [sflag:s3], $0xA00  }
0x52: {  	[sflag:s3] =	ssyncset.done $0x0  }
0x53: {  	[sflag:s3] =	ssyncadd.s32 $0xFFFFF600  }
0x54: {  	_ =	swait.ge [sflag:s3], $0xA00  }
0x55: {  	[sflag:s3] =	ssyncset.done $0x0  }
0x56: {  	[sflag:s3] =	ssyncadd.s32 $0xFFFFF600  }
0x57: {  	_ =	swait.ge [sflag:s3], $0xA00  }
0x58: {  	[sflag:s3] =	ssyncset.done $0x0  }
0x59: {  	[sflag:s3] =	ssyncadd.s32 $0xFFFFF600  }
0x5a: {  	_ =	swait.ge [sflag:s3], $0xA00  }
0x5b: {  	[sflag:s3] =	ssyncset.done $0x0  }
0x5c: {  	[sflag:s3] =	ssyncadd.s32 $0xFFFFF600  }
0x5d: {  	_ =	swait.ge [sflag:s3], $0xA00  }
0x5e: {  	[sflag:s3] =	ssyncset.done $0x0  }
0x5f: {  	[sflag:s3] =	ssyncadd.s32 $0xFFFFF600  }
0x60: {  	_ =	swait.ge [sflag:s3], $0xA00  }
0x61: {  	[sflag:s3] =	ssyncset.done $0x0  }
0x62: {  	[sflag:s3] =	ssyncadd.s32 $0xFFFFF600  }
0x63: {  	_ =	swait.ge [sflag:s3], $0xA00  }
0x64: {  	[sflag:s3] =	ssyncset.done $0x0  }
0x65: {  	[sflag:s3] =	ssyncadd.s32 $0xFFFFF600  }
0x66: {  	_ =	swait.ge [sflag:s3], $0xA00  }
0x67: {  	[sflag:s3] =	ssyncset.done $0x0  }
0x68: {  	[sflag:s3] =	ssyncadd.s32 $0xFFFFF600  }
0x69: {  	_ =	swait.ge [sflag:s3], $0xA00  }
0x6a: {  	[sflag:s3] =	ssyncset.done $0x0  }
0x6b: {  	[sflag:s3] =	ssyncadd.s32 $0xFFFFF600  }
0x6c: {  	_ =	swait.ge [sflag:s3], $0xA00  }
0x6d: {  	[sflag:s3] =	ssyncset.done $0x0  }
0x6e: {  	[sflag:s3] =	ssyncadd.s32 $0xFFFFF600  }
0x6f: {  	_ =	swait.ge [sflag:s3], $0xA00  }
0x70: {  	[sflag:s3] =	ssyncset.done $0x0  }
0x71: {  	[sflag:s3] =	ssyncadd.s32 $0xFFFFF600  }
0x72: {  	_ =	swait.ge [sflag:s3], $0xA00  }
0x73: {  	[sflag:s3] =	ssyncset.done $0x0  }
0x74: {  	[sflag:s3] =	ssyncadd.s32 $0xFFFFF600  }
0x75: {  	s11 =	simm.s32 $0x0;
	[bflag:$0x0] =	sbarrier.arrive $0xFFFF  }
.LBB2_4:
0x76: {  	s12 =	sshll.u32 s11, $0xB  }
0x77: {  	s12 =	sadd.s32 s12, s8  }
0x78: {  	s12 =	sshrl.u32 s12, $0x3  }
0x79: {  	s13 =	sadd.s32 s1, s12  }
0x7a: {  	[tilespmem:s9], [sflag:$0x2] =	stream.linear.gather [hbm4b:s13+s9], $0x800, $0x38;
	[tilespmem:$0x13200] =	vst v63  }
0x7b: {  	_ =	swait.ge [sflag:s31], $0x800  }
0x7c: {  	[sflag:s31] =	ssyncset.done $0x0  }
0x7d: {  	s12 =	sadd.s32 s6, s12;
	[sflag:s31] =	ssyncadd.s32 $0xFFFFF800  }
0x7e: {  	[tilespmem:s5], [sflag:$0x2] =	stream.linear.gather [hbm4b:s12+s9], $0x800, $0x38;
	[tilespmem:$0x13200] =	vst v63  }
0x7f: {  	_ =	swait.ge [sflag:s31], $0x800  }
0x80: {  	[sflag:s31] =	ssyncset.done $0x0  }
0x81: {  	s12 =	simm.s32 $0x0;
	[sflag:s31] =	ssyncadd.s32 $0xFFFFF800  }
.LBB2_5:
0x82: {  	s13 =	sshra.s32 s12, $0x2  }
0x83: {  	v2 =	vld [tilespmem:s13+$0x0]  }
0x84: {  	v3 =	vld [tilespmem:s13+$0x800];
	_ =	sdelay $0x3  }
0x85: {  	v4 =	vand.u32 $0x1, v2  }
0x86: {  	v16 =	vand.u32 $0x1, v3;
	vm0 =	veq.s32 v4, $0x1  }
0x87: {  	v2 =	vshra.s32 v2, $0x1;
	v6 =	vmul.u32 $0x1400, v16;
	v5 =	vsel vm0, $0x1400, v0  }
0x88: {  	v3 =	vshra.s32 v3, $0x1;
	v2 =	vadd.s32 v2, v5  }
0x89: {  	v17 =	vadd.s32 v3, v6;
	_ =	sdelay $0x3  }
0x8a: {  	v2 =	vld.idx.msk [tilespmem:v2+s30+$0x0], $0xffff  }
0x8b: {  	v5 =	vld.idx.msk [tilespmem:v17+s30+$0x0], $0xffff;
	_ =	sdelay $0x3  }
0x8c: {  	v2 =	vshll.u32 v2, $0x7  }
0x8d: {  	v18 =	vld [tilespmem:s13+$0x10];
	v2 =	vadd.s32 v2, v5  }
0x8e: {  	v19 =	vld [tilespmem:s13+$0x810];
	_ =	sdelay $0x3  }
0x8f: {  	v7 =	vand.u32 $0x1, v18;
	v2 =	vld.idx.msk [tilespmem:v2+s0+$0x0], $0xffff  }
0x90: {  	v20 =	vand.u32 $0x1, v19;
	vm9 =	veq.s32 v7, $0x1  }
0x91: {  	v9 =	vmul.u32 $0x1400, v20;
	v8 =	vsel vm9, $0x1400, v0;
	v5 =	vshra.s32 v18, $0x1  }
0x92: {  	v6 =	vshra.s32 v19, $0x1;
	v5 =	vadd.s32 v5, v8  }
0x93: {  	v3 =	vshll.u32 v3, $0x7;
	v21 =	vadd.s32 v6, v9  }
0x94: {  	v2 =	vadd.s32 v3, v2;
	v3 =	vshll.u32 v16, $0x4  }
0x95: {  	[tilespmem:s13+$0x7800] =	vst v2;
	v2 =	vshll.u32 v1, v3  }
0x96: {  	[tilespmem:s13+$0x8000] =	vst v2  }
0x97: {  	v2 =	vld.idx.msk [tilespmem:v5+s30+$0x0], $0xffff  }
0x98: {  	v3 =	vld.idx.msk [tilespmem:v21+s30+$0x0], $0xffff;
	_ =	sdelay $0x3  }
0x99: {  	v2 =	vshll.u32 v2, $0x7  }
0x9a: {  	v2 =	vadd.s32 v2, v3;
	v3 =	vld [tilespmem:s13+$0x20]  }
0x9b: {  	v22 =	vld [tilespmem:s13+$0x820];
	_ =	sdelay $0x3  }
0x9c: {  	v2 =	vld.idx.msk [tilespmem:v2+s0+$0x0], $0xffff;
	v23 =	vand.u32 $0x1, v3  }
0x9d: {  	v24 =	vand.u32 $0x1, v22;
	vm10 =	veq.s32 v23, $0x1  }
0x9e: {  	v26 =	vmul.u32 $0x1400, v24;
	v3 =	vshra.s32 v3, $0x1;
	v25 =	vsel vm10, $0x1400, v0  }
0x9f: {  	v4 =	vshra.s32 v22, $0x1;
	v3 =	vadd.s32 v3, v25  }
0xa0: {  	v27 =	vadd.s32 v4, v26;
	v6 =	vshll.u32 v6, $0x7  }
0xa1: {  	v28 =	vshll.u32 v20, $0x4;
	v2 =	vadd.s32 v6, v2  }
0xa2: {  	[tilespmem:s13+$0x7810] =	vst v2;
	v2 =	vshll.u32 v1, v28  }
0xa3: {  	[tilespmem:s13+$0x8010] =	vst v2  }
0xa4: {  	v2 =	vld.idx.msk [tilespmem:v3+s30+$0x0], $0xffff  }
0xa5: {  	v3 =	vld.idx.msk [tilespmem:v27+s30+$0x0], $0xffff;
	_ =	sdelay $0x3  }
0xa6: {  	v2 =	vshll.u32 v2, $0x7  }
0xa7: {  	v2 =	vadd.s32 v2, v3;
	v3 =	vld [tilespmem:s13+$0x30]  }
0xa8: {  	v29 =	vld [tilespmem:s13+$0x830];
	_ =	sdelay $0x3  }
0xa9: {  	v2 =	vld.idx.msk [tilespmem:v2+s0+$0x0], $0xffff;
	v30 =	vand.u32 $0x1, v3  }
0xaa: {  	v31 =	vand.u32 $0x1, v29;
	vm11 =	veq.s32 v30, $0x1  }
0xab: {  	v33 =	vmul.u32 $0x1400, v31;
	v3 =	vshra.s32 v3, $0x1;
	v32 =	vsel vm11, $0x1400, v0  }
0xac: {  	v6 =	vshra.s32 v29, $0x1;
	v3 =	vadd.s32 v3, v32  }
0xad: {  	v4 =	vshll.u32 v4, $0x7;
	v34 =	vadd.s32 v6, v33  }
0xae: {  	v35 =	vshll.u32 v24, $0x4;
	v2 =	vadd.s32 v4, v2  }
0xaf: {  	[tilespmem:s13+$0x7820] =	vst v2;
	v2 =	vshll.u32 v1, v35  }
0xb0: {  	[tilespmem:s13+$0x8020] =	vst v2  }
0xb1: {  	v2 =	vld.idx.msk [tilespmem:v3+s30+$0x0], $0xffff  }
0xb2: {  	v3 =	vld.idx.msk [tilespmem:v34+s30+$0x0], $0xffff;
	_ =	sdelay $0x3  }
0xb3: {  	v2 =	vshll.u32 v2, $0x7  }
0xb4: {  	v2 =	vadd.s32 v2, v3;
	v3 =	vld [tilespmem:s13+$0x40]  }
0xb5: {  	v36 =	vld [tilespmem:s13+$0x840];
	_ =	sdelay $0x3  }
0xb6: {  	v2 =	vld.idx.msk [tilespmem:v2+s0+$0x0], $0xffff;
	v37 =	vand.u32 $0x1, v3  }
0xb7: {  	v38 =	vand.u32 $0x1, v36;
	vm12 =	veq.s32 v37, $0x1  }
0xb8: {  	v40 =	vmul.u32 $0x1400, v38;
	v3 =	vshra.s32 v3, $0x1;
	v39 =	vsel vm12, $0x1400, v0  }
0xb9: {  	v4 =	vshra.s32 v36, $0x1;
	v3 =	vadd.s32 v3, v39  }
0xba: {  	v6 =	vshll.u32 v6, $0x7;
	v41 =	vadd.s32 v4, v40  }
0xbb: {  	v42 =	vshll.u32 v31, $0x4;
	v2 =	vadd.s32 v6, v2  }
0xbc: {  	[tilespmem:s13+$0x7830] =	vst v2;
	v2 =	vshll.u32 v1, v42  }
0xbd: {  	[tilespmem:s13+$0x8030] =	vst v2  }
0xbe: {  	v2 =	vld.idx.msk [tilespmem:v3+s30+$0x0], $0xffff  }
0xbf: {  	v3 =	vld.idx.msk [tilespmem:v41+s30+$0x0], $0xffff;
	_ =	sdelay $0x3  }
0xc0: {  	v2 =	vshll.u32 v2, $0x7  }
0xc1: {  	v2 =	vadd.s32 v2, v3;
	v3 =	vld [tilespmem:s13+$0x50]  }
0xc2: {  	v43 =	vld [tilespmem:s13+$0x850];
	_ =	sdelay $0x3  }
0xc3: {  	v2 =	vld.idx.msk [tilespmem:v2+s0+$0x0], $0xffff;
	v44 =	vand.u32 $0x1, v3  }
0xc4: {  	v45 =	vand.u32 $0x1, v43;
	vm13 =	veq.s32 v44, $0x1  }
0xc5: {  	v47 =	vmul.u32 $0x1400, v45;
	v3 =	vshra.s32 v3, $0x1;
	v46 =	vsel vm13, $0x1400, v0  }
0xc6: {  	v6 =	vshra.s32 v43, $0x1;
	v3 =	vadd.s32 v3, v46  }
0xc7: {  	v4 =	vshll.u32 v4, $0x7;
	v48 =	vadd.s32 v6, v47  }
0xc8: {  	v49 =	vshll.u32 v38, $0x4;
	v2 =	vadd.s32 v4, v2  }
0xc9: {  	[tilespmem:s13+$0x7840] =	vst v2;
	v2 =	vshll.u32 v1, v49  }
0xca: {  	[tilespmem:s13+$0x8040] =	vst v2  }
0xcb: {  	v2 =	vld.idx.msk [tilespmem:v3+s30+$0x0], $0xffff  }
0xcc: {  	v3 =	vld.idx.msk [tilespmem:v48+s30+$0x0], $0xffff;
	_ =	sdelay $0x3  }
0xcd: {  	v2 =	vshll.u32 v2, $0x7  }
0xce: {  	v2 =	vadd.s32 v2, v3;
	v3 =	vld [tilespmem:s13+$0x60]  }
0xcf: {  	v50 =	vld [tilespmem:s13+$0x860];
	_ =	sdelay $0x3  }
0xd0: {  	v2 =	vld.idx.msk [tilespmem:v2+s0+$0x0], $0xffff;
	v51 =	vand.u32 $0x1, v3  }
0xd1: {  	v52 =	vand.u32 $0x1, v50;
	vm14 =	veq.s32 v51, $0x1  }
0xd2: {  	v54 =	vmul.u32 $0x1400, v52;
	v3 =	vshra.s32 v3, $0x1;
	v53 =	vsel vm14, $0x1400, v0  }
0xd3: {  	v4 =	vshra.s32 v50, $0x1;
	v3 =	vadd.s32 v3, v53  }
0xd4: {  	v6 =	vshll.u32 v6, $0x7;
	v55 =	vadd.s32 v4, v54  }
0xd5: {  	v56 =	vshll.u32 v45, $0x4;
	v2 =	vadd.s32 v6, v2  }
0xd6: {  	[tilespmem:s13+$0x7850] =	vst v2;
	v2 =	vshll.u32 v1, v56  }
0xd7: {  	[tilespmem:s13+$0x8050] =	vst v2  }
0xd8: {  	v2 =	vld.idx.msk [tilespmem:v3+s30+$0x0], $0xffff  }
0xd9: {  	v3 =	vld.idx.msk [tilespmem:v55+s30+$0x0], $0xffff;
	_ =	sdelay $0x3  }
0xda: {  	v2 =	vshll.u32 v2, $0x7  }
0xdb: {  	v2 =	vadd.s32 v2, v3;
	v3 =	vld [tilespmem:s13+$0x70]  }
0xdc: {  	v57 =	vld [tilespmem:s13+$0x870];
	_ =	sdelay $0x3  }
0xdd: {  	v2 =	vld.idx.msk [tilespmem:v2+s0+$0x0], $0xffff;
	v58 =	vand.u32 $0x1, v3  }
0xde: {  	v59 =	vand.u32 $0x1, v57;
	vm15 =	veq.s32 v58, $0x1  }
0xdf: {  	v61 =	vmul.u32 $0x1400, v59;
	v3 =	vshra.s32 v3, $0x1;
	v60 =	vsel vm15, $0x1400, v0  }
0xe0: {  	v6 =	vshra.s32 v57, $0x1;
	v3 =	vadd.s32 v3, v60  }
0xe1: {  	v4 =	vshll.u32 v4, $0x7;
	v62 =	vadd.s32 v6, v61  }
0xe2: {  	v63 =	vshll.u32 v52, $0x4;
	v2 =	vadd.s32 v4, v2  }
0xe3: {  	[tilespmem:s13+$0x7860] =	vst v2;
	v2 =	vshll.u32 v1, v63  }
0xe4: {  	[tilespmem:s13+$0x8060] =	vst v2  }
0xe5: {  	v2 =	vld.idx.msk [tilespmem:v3+s30+$0x0], $0xffff  }
0xe6: {  	v3 =	vld.idx.msk [tilespmem:v62+s30+$0x0], $0xffff;
	_ =	sdelay $0x3  }
0xe7: {  	v2 =	vshll.u32 v2, $0x7  }
0xe8: {  	v2 =	vadd.s32 v2, v3;
	_ =	sdelay $0x4  }
0xe9: {  	v2 =	vld.idx.msk [tilespmem:v2+s0+$0x0], $0xffff;
	_ =	sdelay $0x2  }
0xea: {  	p0 =	sne.s32 s12, $0x1E00  }
.Ltmp1:
0xeb: {  	v3 =	vshll.u32 v6, $0x7;
	(pc) =	sbr.rel @p0 .LBB2_5-.Ltmp1, $4  }
0xec: {  	v2 =	vadd.s32 v3, v2;
	v3 =	vshll.u32 v59, $0x4  }
0xed: {  	[tilespmem:s13+$0x7870] =	vst v2;
	v2 =	vshll.u32 v1, v3  }
0xee: {  	s12 =	sadd.s32 $0x200, s12;
	s14 =	sadd.s32 $0x7800, s13;
	s15 =	sadd.s32 $0x8000, s13;
	[tilespmem:s13+$0x8070] =	vst v2  }
0xef: {  	[spmem:s2] =	stream.indirect.scatter.add.s32 [tilespmem:s15], [sflag:$0x1], $0x1, s14, s7, $0xb8;
	[tilespmem:$0x13200] =	vst v63  }
0xf0: {  	_ =	swait.ge [sflag:s3], $0x80  }
0xf1: {  	[sflag:s3] =	ssyncset.done $0x0  }
0xf2: {  	[sflag:s3] =	ssyncadd.s32 $0xFFFFFF80  }
0xf3: {  	_ =	swait.ge [sflag:s3], $0x80  }
0xf4: {  	[sflag:s3] =	ssyncset.done $0x0  }
0xf5: {  	[sflag:s3] =	ssyncadd.s32 $0xFFFFFF80  }
0xf6: {  	_ =	swait.ge [sflag:s3], $0x80  }
0xf7: {  	[sflag:s3] =	ssyncset.done $0x0  }
0xf8: {  	[sflag:s3] =	ssyncadd.s32 $0xFFFFFF80  }
0xf9: {  	_ =	swait.ge [sflag:s3], $0x80  }
0xfa: {  	[sflag:s3] =	ssyncset.done $0x0  }
0xfb: {  	[sflag:s3] =	ssyncadd.s32 $0xFFFFFF80  }
0xfc: {  	_ =	swait.ge [sflag:s3], $0x80  }
0xfd: {  	[sflag:s3] =	ssyncset.done $0x0  }
0xfe: {  	[sflag:s3] =	ssyncadd.s32 $0xFFFFFF80  }
0xff: {  	_ =	swait.ge [sflag:s3], $0x80  }
0x100: {  	[sflag:s3] =	ssyncset.done $0x0  }
0x101: {  	[sflag:s3] =	ssyncadd.s32 $0xFFFFFF80  }
0x102: {  	_ =	swait.ge [sflag:s3], $0x80  }
0x103: {  	[sflag:s3] =	ssyncset.done $0x0  }
0x104: {  	[sflag:s3] =	ssyncadd.s32 $0xFFFFFF80  }
0x105: {  	_ =	swait.ge [sflag:s3], $0x80  }
0x106: {  	[sflag:s3] =	ssyncset.done $0x0  }
0x107: {  	[sflag:s3] =	ssyncadd.s32 $0xFFFFFF80  }
0x108: {  	_ =	swait.ge [sflag:s3], $0x80  }
0x109: {  	[sflag:s3] =	ssyncset.done $0x0  }
0x10a: {  	[sflag:s3] =	ssyncadd.s32 $0xFFFFFF80  }
0x10b: {  	_ =	swait.ge [sflag:s3], $0x80  }
0x10c: {  	[sflag:s3] =	ssyncset.done $0x0  }
0x10d: {  	[sflag:s3] =	ssyncadd.s32 $0xFFFFFF80  }
0x10e: {  	_ =	swait.ge [sflag:s3], $0x80  }
0x10f: {  	[sflag:s3] =	ssyncset.done $0x0  }
0x110: {  	[sflag:s3] =	ssyncadd.s32 $0xFFFFFF80  }
0x111: {  	_ =	swait.ge [sflag:s3], $0x80  }
0x112: {  	[sflag:s3] =	ssyncset.done $0x0  }
0x113: {  	[sflag:s3] =	ssyncadd.s32 $0xFFFFFF80  }
0x114: {  	_ =	swait.ge [sflag:s3], $0x80  }
0x115: {  	[sflag:s3] =	ssyncset.done $0x0  }
0x116: {  	[sflag:s3] =	ssyncadd.s32 $0xFFFFFF80  }
0x117: {  	_ =	swait.ge [sflag:s3], $0x80  }
0x118: {  	[sflag:s3] =	ssyncset.done $0x0  }
0x119: {  	s11 =	sadd.s32 $0x1, s11;
	[sflag:s3] =	ssyncadd.s32 $0xFFFFFF80  }
0x11a: {  	p0 =	sne.s32 s11, $0x5;
	_ =	swait.ge [sflag:s3], $0x80  }
.Ltmp2:
0x11b: {  	[sflag:s3] =	ssyncset.done $0x0;
	(pc) =	sbr.rel @p0 .LBB2_4-.Ltmp2, $4  }
0x11c: {  	[sflag:s3] =	ssyncadd.s32 $0xFFFFFF80  }
0x11d: {  	_ =	swait.ge [sflag:s3], $0x80  }
0x11e: {  	[sflag:s3] =	ssyncset.done $0x0  }
0x11f: {  	[sflag:s3] =	ssyncadd.s32 $0xFFFFFF80  }
0x120: {  	s9 =	stileid.u32  }
0x121: {  	[bflag:$0x0] =	sbarrier.arrive $0xFFFF;
	s9 =	sshll.u32 s9, $0x6  }
0x122: {  	s11 =	rddreg [dreg:$0x6];
	s9 =	sor.u32 $0x1C02, s9  }
0x123: {  	[hbm:s11], [sflag:s9] =	dma.local [spmem:s25], $0x1400  }
0x124: {  	_ =	swait.ge [sflag:s31], $0x1400  }
0x125: {  	s4 =	sadd.s32 $0x1, s4;
	s15 =	rddreg [dreg:$0x7]  }
0x126: {  	p0 =	sne.s32 s4, s15  }
.Ltmp3:
0x127: {  	_ = 	snop;
	(pc) =	sbr.rel @p0 .LBB2_1-.Ltmp3, $3  }
0x128: {  	_ =	sdelay $0x1  }
0x129: {  	[sflag:s31] =	ssyncset.done $0x0  }
0x12a: {  	[sflag:s31] =	ssyncadd.s32 $0xFFFFEC00  }
0x12b: {  	_ =	sfence.sel $0x180000  }
0x12c: {  	[bflag:$0x0] =	sbarrier.arrive $0xFFFF  }
0x12d: {  	_ =	strace $0x9000004A  }
0x12e: {  	s0 =	stileid.u32;
	[bflag:$0x2] =	sbarrier.arrive $0xFFFF  }
0x12f: {  	p0 =	sne.s32 s0, $0x0;
	s0 =	rddreg [dreg:$0x3]  }
0x130: {  	s0 =	sadd.s32 @!p0 $0x100000, s0  }
0x131: {  	[sflag:s0] =	ssyncadd.tile.s32 @!p0 $0x1;
	_ =	shalt  }
.Lfunc_end2:
_tile_overlayer_lowered:
.L_overlay_start_2:
0x132: {  	(tag) =	ssettag $0x2  }
0x133: {  	s0 =	rddreg [dreg:$0x0];
	s2 =	stileid.u32  }
0x134: {  	s1 =	rddreg [dreg:$0x1];
	p0 =	sne.s32 s2, $0x0  }
0x135: {  	s3 =	rddreg [dreg:$0x2];
	[bflag:$0x3] =	sbarrier.arrive $0xFFFF;
	s2 =	simm.s32 @!p0 $0x1C02  }
0x136: {  	[timem:s3], [sflag:s2] =	dma.local @!p0 [hbm:s0], s1  }
0x137: {  	s0 =	simm.s32 @!p0 $0x2  }
0x138: {  	_ =	swait.ge @!p0 [sflag:s0], s1  }
0x139: {  	s1 =	ssub.s32 @!p0 $0x0, s1;
	[sflag:s0] =	ssyncset.done @!p0 $0x0  }
0x13a: {  	[sflag:s0] =	ssyncadd.s32 @!p0 s1  }
0x13b: {  	[bflag:$0x3] =	sbarrier.arrive $0xFFFF  }
0x13c: {  	_ =	shalt  }

// kernel: kernel.15.cloned.1.call-start
scs
__scs_entry_jumppad:
0x0: {  	(pc) =	sbr.rel $0x88, $3  }
0x1: {  	(tag) =	ssettag $0x0;
	lr =	simm.s32 $0x1  }
0x2: {  	[smem:$0x3F96] =	sst lr;
	_ =	strace $0xD0000000  }
0x3: {  	_ = 	snop  }
0x4: {  	_ = 	snop  }
0x5: {  	_ = 	snop  }
0x6: {  	_ = 	snop  }
0x7: {  	_ = 	snop  }
__scs_overlays_trampoline_lowered:
0x8: {  	[smem:$0x3FA5] =	sst s0  }
0x9: {  	[smem:$0x3FA6] =	sst s1  }
0xa: {  	[smem:$0x3FA7] =	sst s2  }
0xb: {  	[smem:$0x3FA8] =	sst s3  }
0xc: {  	[smem:$0x3FA9] =	sst s4  }
0xd: {  	[smem:$0x3FAA] =	sst s5  }
0xe: {  	[smem:$0x3FAB] =	sst s6  }
0xf: {  	[smem:$0x3FAC] =	sst s7  }
0x10: {  	[smem:$0x3FAD] =	sst s8  }
0x11: {  	[smem:$0x3FAE] =	sst s9;
	s0 =	simm.s32 @!p0 $0x0  }
0x12: {  	s1 =	sld [smem:$0x3F94];
	s0 =	simm.s32 @p0 $0x1  }
0x13: {  	[smem:$0x3FAF] =	sst s0;
	s0 =	simm.s32 @!p1 $0x0  }
0x14: {  	s2 =	sld [smem:$0x3F93];
	s0 =	simm.s32 @p1 $0x1  }
0x15: {  	[smem:$0x3FB0] =	sst s0;
	s0 =	simm.s32 @!p2 $0x0  }
0x16: {  	s3 =	sld [smem:$0x3FDB];
	s0 =	simm.s32 @p2 $0x1  }
0x17: {  	s4 =	simm.s32 $0x1BF5;
	[smem:$0x3FB2] =	sst s0  }
0x18: {  	s0 =	sld [smem:$0x3F95];
	_ =	swait.ge [sflag:s4], $0x0  }
0x19: {  	s7 =	sld [smem:$0x3F96]  }
0x1a: {  	s8 =	sadd.s32 $0xFFFFE003, lr  }
0x1b: {  	s9 =	sadd.s32 $0xFFFFFEF7, lr;
	s5 =	simm.s32 $0xFFFFFFFF;
	p2 =	slt.u32 s8, $0xFFFFF086  }
0x1c: {  	p1 =	slt.u32 s9, $0xF7A;
	s5 =	simm.s32 @!p2 $0x0  }
0x1d: {  	s5 =	simm.s32 @p1 $0x1;
	p0 =	seq.s32 s7, s2  }
0x1e: {  	s7 =	smul.u32 @!p0 $0xF7A, s2;
	p2 =	seq.s32 @!p0 s5, $0x0  }
0x1f: {  	s9 =	smul.u32 $0xF7A, s1;
	s8 =	simm.s32 @!p0 $0x1BF5;
	p2 =	por !p2, p0  }
0x20: {  	[sflag:s8] =	ssyncset.s32 @!p0 $0xFFFFF086;
	s6 =	sadd.s32 @!p0 s3, s7;
	s7 =	simm.s32 @!p0 $0x108  }
0x21: {  	s3 =	sadd.s32 s3, s9;
	s6 =	sadd.s32 @!p0 $0x88, s6;
	s7 =	simm.s32 @p2 $0x1082  }
0x22: {  	[simem:s7], [sflag:s8] =	dma.local @!p0 [hbm:s6], $0xF7A  }
0x23: {  	s9 =	sor.u32 $0xD0000000, s2;
	s6 =	simm.s32 $0x108;
	_ =	swait.ge @!p0 [sflag:s8], $0x0  }
0x24: {  	s3 =	sadd.s32 $0x88, s3;
	s6 =	simm.s32 @!p1 $0x1082;
	[sflag:s4] =	ssyncset.s32 $0xFFFFF086  }
0x25: {  	[simem:s6], [sflag:s4] =	dma.local [hbm:s3], $0xF7A  }
0x26: {  	[smem:$0x3F96] =	sst s1;
	(tag) =	ssettag s2;
	_ =	strace s9  }
0x27: {  	s1 =	sld [smem:$0x3FA6]  }
0x28: {  	s2 =	sld [smem:$0x3FA7]  }
0x29: {  	s4 =	sld [smem:$0x3FA9]  }
0x2a: {  	p0 =	seq.s32 s5, $0x0;
	s5 =	sld [smem:$0x3FAA]  }
0x2b: {  	s6 =	sld [smem:$0x3FAB]  }
0x2c: {  	s7 =	sld [smem:$0x3FAC]  }
0x2d: {  	s3 =	simm.s32 $0x108;
	s8 =	sld [smem:$0x3FAD]  }
0x2e: {  	s3 =	simm.s32 @!p0 $0x1082;
	s9 =	sld [smem:$0x3FAE]  }
0x2f: {  	lr =	sadd.s32 s0, s3;
	s0 =	sld [smem:$0x3FA5]  }
0x30: {  	s3 =	sld [smem:$0x3FA8]  }
0x31: {  	[smem:$0x3FB1] =	sst s10  }
0x32: {  	s10 =	sld [smem:$0x3FAF];
	_ =	sdelay $0x3  }
0x33: {  	p0 =	seq.s32 s10, $0x1;
	s10 =	sld [smem:$0x3FB1];
	_ =	sdelay $0x3  }
0x34: {  	[smem:$0x3FB1] =	sst s10  }
0x35: {  	s10 =	sld [smem:$0x3FB0];
	_ =	sdelay $0x3  }
0x36: {  	p1 =	seq.s32 s10, $0x1;
	s10 =	sld [smem:$0x3FB1];
	_ =	sdelay $0x3  }
0x37: {  	[smem:$0x3FB1] =	sst s10  }
0x38: {  	s10 =	sld [smem:$0x3FB2]  }
0x39: {  	_ = 	snop;
	(pc) =	sbr.ind lr, $3  }
0x3a: {  	_ = 	snop  }
0x3b: {  	_ = 	snop  }
0x3c: {  	p2 =	seq.s32 s10, $0x1;
	s10 =	sld [smem:$0x3FB1]  }
0x3d: {  	_ =	shalt  }
0x3e: {  	_ =	shalt  }
0x3f: {  	_ =	shalt  }
0x40: {  	_ =	shalt  }
0x41: {  	_ =	shalt  }
0x42: {  	_ =	shalt  }
0x43: {  	_ =	shalt  }
0x44: {  	_ =	shalt  }
0x45: {  	_ =	shalt  }
0x46: {  	_ =	shalt  }
0x47: {  	_ =	shalt  }
0x48: {  	_ =	shalt  }
0x49: {  	_ =	shalt  }
0x4a: {  	_ =	shalt  }
0x4b: {  	_ =	shalt  }
0x4c: {  	_ =	shalt  }
0x4d: {  	_ =	shalt  }
0x4e: {  	_ =	shalt  }
0x4f: {  	_ =	shalt  }
0x50: {  	_ =	shalt  }
0x51: {  	_ =	shalt  }
0x52: {  	_ =	shalt  }
0x53: {  	_ =	shalt  }
0x54: {  	_ =	shalt  }
0x55: {  	_ =	shalt  }
0x56: {  	_ =	shalt  }
0x57: {  	_ =	shalt  }
0x58: {  	_ =	shalt  }
0x59: {  	_ =	shalt  }
0x5a: {  	_ =	shalt  }
0x5b: {  	_ =	shalt  }
0x5c: {  	_ =	shalt  }
0x5d: {  	_ =	shalt  }
0x5e: {  	_ =	shalt  }
0x5f: {  	_ =	shalt  }
0x60: {  	_ =	shalt  }
0x61: {  	_ =	shalt  }
0x62: {  	_ =	shalt  }
0x63: {  	_ =	shalt  }
0x64: {  	_ =	shalt  }
0x65: {  	_ =	shalt  }
0x66: {  	_ =	shalt  }
0x67: {  	_ =	shalt  }
0x68: {  	_ =	shalt  }
0x69: {  	_ =	shalt  }
0x6a: {  	_ =	shalt  }
0x6b: {  	_ =	shalt  }
0x6c: {  	_ =	shalt  }
0x6d: {  	_ =	shalt  }
0x6e: {  	_ =	shalt  }
0x6f: {  	_ =	shalt  }
0x70: {  	_ =	shalt  }
0x71: {  	_ =	shalt  }
0x72: {  	_ =	shalt  }
0x73: {  	_ =	shalt  }
0x74: {  	_ =	shalt  }
0x75: {  	_ =	shalt  }
0x76: {  	_ =	shalt  }
0x77: {  	_ =	shalt  }
0x78: {  	_ =	shalt  }
0x79: {  	_ =	shalt  }
0x7a: {  	_ =	shalt  }
0x7b: {  	_ =	shalt  }
0x7c: {  	_ =	shalt  }
0x7d: {  	_ =	shalt  }
0x7e: {  	_ =	shalt  }
0x7f: {  	_ =	shalt  }
0x80: {  	_ =	shalt  }
0x81: {  	_ =	shalt  }
0x82: {  	_ =	shalt  }
0x83: {  	_ =	shalt  }
0x84: {  	_ =	shalt  }
0x85: {  	_ =	shalt  }
0x86: {  	_ =	shalt  }
0x87: {  	_ =	shalt  }
.Lfunc_end0:
.L_simem_size_0:
called_computation.2_lowered:
.L_overlay_start_0:
0x88: {  	s2 =	sld [smem:$0x3FD9]  }
0x89: {  	s3 =	sld [smem:$0x3FFE];
	_ =	sdelay $0x1  }
0x8a: {  	s1 =	srdreg.scid  }
0x8b: {  	s0 =	sand.u32 $0x1, s1  }
0x8c: {  	s17 =	sshll.u32 s0, $0xA;
	s2 =	sadd.s32 s3, s2  }
0x8d: {  	s2 =	sadd.s32 s2, s17  }
0x8e: {  	[smem:$0x3FBD] =	sst s2  }
0x8f: {  	_ = 	snop  }
0x90: {  	s2 =	sld [smem:$0x3FD0];
	(tm) =	ssettm $0x1  }
0x91: {  	s18 =	sld [smem:$0x3FFB];
	_ =	sdelay $0x3  }
0x92: {  	_ =	strace s18  }
0x93: {  	s3 =	sld [smem:$0x3FFC];
	_ =	sdelay $0x3  }
0x94: {  	_ =	strace s3  }
0x95: {  	s3 =	sld [smem:$0x3FFD];
	_ =	sdelay $0x3  }
0x96: {  	_ =	strace s3  }
0x97: {  	_ =	strace $0x8FFFFFFF  }
0x98: {  	s19 =	sld [smem:$0x3FDB];
	_ =	sdelay $0x1  }
0x99: {  	s4 =	simm.s32 $_scs_section_size  }
0x9a: {  	s5 =	simm.s32 $_size__tile_overlayer_lowered;
	s6 =	simm.s32 $_tile_overlayer_lowered  }
0x9b: {  	s22 =	simm.s32 $0x1BFF;
	s21 =	sshll.u32 s6, $0x1;
	s3 =	sadd.s32 s4, s19  }
0x9c: {  	s7 =	simm.s32 $0x0;
	s20 =	sshll.u32 s5, $0x1;
	s5 =	sadd.s32 s21, s3  }
0x9d: {  	[timem:s7], [sflag:s22] =	dma.local [hbm:s5], s20  }
0x9e: {  	_ =	swait.ge [sflag:s22], s20  }
0x9f: {  	s4 =	ssub.s32 $0x0, s20;
	[sflag:s22] =	ssyncset.done $0x0  }
0xa0: {  	[sflag:s22] =	ssyncadd.s32 s4;
	_ =	sdelay $0x1  }
0xa1: {  	s23 =	simm.s32 $0x1B8B  }
0xa2: {  	_ =	swait.ge [sflag:s23], $0x1  }
0xa3: {  	[sflag:s23] =	ssyncset.done $0x0  }
0xa4: {  	s25 =	simm.s32 $0x1B8E;
	s24 =	sld [smem:$0x3FFE];
	[sflag:s23] =	ssyncadd.s32 $0xFFFFFFFF  }
0xa5: {  	s26 =	simm.s32 $execute0_lowered;
	[smem:$0x3FD2] =	sst s25  }
0xa6: {  	s5 =	sshll.u32 s26, $0x1;
	_ =	strace $0x8000004C;
	[dreg:$0x1] =	wrdreg $0xFFFFFFFF  }
0xa7: {  	s28 =	simm.s32 $_size_execute0_lowered;
	s3 =	sadd.s32 s3, s5;
	[dreg:$0x0] =	wrdreg $0x0  }
0xa8: {  	s5 =	sshll.u32 s28, $0x1;
	[dreg:$0x2] =	wrdreg s3  }
0xa9: {  	[dreg:$0x3] =	wrdreg s5  }
0xaa: {  	[dreg:$0x4] =	wrdreg $0xC0  }
0xab: {  	_ =	task [dreg:s7], $0x5FFFF  }
0xac: {  	[dreg:$0x1] =	wrdreg $0xFFFFFFFF  }
0xad: {  	[dreg:$0x0] =	wrdreg $0x60  }
0xae: {  	[dreg:$0x2] =	wrdreg s24  }
0xaf: {  	[dreg:$0x3] =	wrdreg s2  }
0xb0: {  	[dreg:$0x4] =	wrdreg $0x92000  }
0xb1: {  	[dreg:$0x5] =	wrdreg $0x9  }
0xb2: {  	_ =	task.clear_ibuf [dreg:s7], $0x6FFFF;
	_ =	strace $0x9000004C  }
0xb3: {  	s29 =	simm.s32 $0x9;
	_ =	strace $0x8000004E  }
0xb4: {  	_ =	swait.ge [sflag:s29], $0x1  }
0xb5: {  	[sflag:s29] =	ssyncadd.s32 $0xFFFFFFFF  }
0xb6: {  	_ =	strace $0x9000004E  }
0xb7: {  	_ =	sfence  }
0xb8: {  	s30 =	sld [smem:$0x0];
	_ =	sdelay $0x2  }
0xb9: {  	s31 =	sshll.u32 s1, $0xD;
	s1 =	sshrl.u32 s1, $0x2  }
0xba: {  	s3 =	sand.u32 $0x4000, s31;
	s1 =	sadd.s32 s1, s30  }
0xbb: {  	s0 =	sor.u32 s3, s0;
	s1 =	sshll.u32 s1, $0x11  }
0xbc: {  	s0 =	sor.u32 s1, s0  }
0xbd: {  	s0 =	sadd.s32 $0x8F2B, s0  }
0xbe: {  	[sflag:s0] =	ssyncadd.remote.s32 $0x1  }
0xbf: {  	_ =	sfence.sel $0xFFFF  }
0xc0: {  	[dreg:$0x0] =	wrdreg $0xFFFFFFFF;
	(pc) =	sbr.abs _section_cstart, $3  }
0xc1: {  	[dreg:$0x1] =	wrdreg $0xFFFFFFFF  }
0xc2: {  	_ =	task.clear_ibuf [dreg:s7], $0x2FFFF;
	_ =	strace $0x9FFFFFFF  }
0xc3: {  	(tm) =	ssettm $0x7FFFFFFF  }
tec
execute0_lowered:
.L_overlay_start_1:
0x0: {  	(tag) =	ssettag $0x1  }
0x1: {  	s0 =	rddreg [dreg:$0x0]  }
0x2: {  	s1 =	rddreg [dreg:$0x1]  }
0x3: {  	s2 =	rddreg [dreg:$0x2]  }
0x4: {  	s3 =	srdreg.scid;
	s4 =	simm.s32 $0x0;
	s10 =	stileid.u32  }
0x5: {  	s29 =	simm.s32 $0x8800;
	s30 =	simm.s32 $0x1000;
	s7 =	smul.u32 $0xA000, s10  }
0x6: {  	s31 =	simm.s32 $0x2;
	s3 =	sand.u32 $0x1, s3;
	s9 =	smul.u32 $0x2800, s10  }
0x7: {  	[smem:$0x7FF] =	sst s4;
	s6 =	sadd.s32 $0x2C200, s0;
	s10 =	smul.u32 $0x28000, s10  }
0x8: {  	s11 =	sadd.s32 $0x5E000, s0;
	s5 =	smul.u32 $0xA0000, s3;
	_ =	strace $0x8000004D  }
0x9: {  	[dreg:$0x4] =	wrdreg s6;
	s8 =	smul.u32 $0x28000, s3;
	s3 =	ssub.s32 $0x2, s3  }
0xa: {  	s6 =	sadd.s32 $0x54000, s0;
	[dreg:$0x5] =	wrdreg s11;
	s13 =	sshrl.u32 s3, $0x1  }
0xb: {  	s14 =	sshrl.u32 s10, $0x2;
	s15 =	sadd.s32 s7, s2;
	s5 =	sadd.s32 s7, s5  }
0xc: {  	s3 =	ssub.s32 s3, s13;
	s8 =	sadd.s32 s9, s8;
	s10 =	sadd.s32 s14, s2  }
0xd: {  	s7 =	simm.s32 $0x80;
	s5 =	sshrl.u32 s5, $0x3;
	s3 =	smax.u32 s3, $0x1  }
0xe: {  	s23 =	sadd.s32 $0xA00, s10;
	s24 =	sadd.s32 $0x1400, s10;
	s25 =	sadd.s32 $0x1E00, s10  }
0xf: {  	s26 =	sadd.s32 $0x2800, s10;
	s16 =	sadd.s32 $0x3200, s10;
	[dreg:$0x7] =	wrdreg s3  }
0x10: {  	s17 =	sadd.s32 $0x3C00, s10;
	s18 =	sadd.s32 $0x4600, s10;
	[dreg:$0x8] =	wrdreg s23  }
0x11: {  	s19 =	sadd.s32 $0x5000, s10;
	s20 =	sadd.s32 $0x5A00, s10;
	[dreg:$0x9] =	wrdreg s24  }
0x12: {  	s21 =	sadd.s32 $0x6400, s10;
	s22 =	sadd.s32 $0x6E00, s10;
	[dreg:$0xa] =	wrdreg s25  }
0x13: {  	s28 =	sadd.s32 $0x9600, s10;
	s0 =	sadd.s32 s5, s0;
	[dreg:$0xb] =	wrdreg s26  }
0x14: {  	s23 =	sadd.s32 $0x7800, s10;
	s24 =	sadd.s32 $0x8200, s10;
	s25 =	sshrl.u32 s15, $0x3  }
0x15: {  	s26 =	sadd.s32 $0x8C00, s10;
	s3 =	simm.s32 $0x1;
	s0 =	sadd.s32 $0x3A00, s0  }
0x16: {  	v0 =	vimm.s32 $0x0;
	v1 =	vimm.s32 $0x1;
	s5 =	simm.s32 $0x800;
	[dreg:$0x6] =	wrdreg s0;
	s0 =	simm.s32 $0x3800  }
.LBB2_1:
0x17: {  	s9 =	simm.s32 $0x40;
	s11 =	simm.s32 $0x0  }
.LBB2_2:
0x18: {  	p0 =	sne.s32 s9, $0x27C0;
	[tilespmem:s11+$0x8800] =	vst v0;
	s11 =	smov.u32 s9;
	s9 =	sadd.s32 $0x40, s9  }
.Ltmp0:
0x19: {  	(pc) =	sbr.rel @p0 .LBB2_2-.Ltmp0, $2  }
0x1a: {  	_ =	sdelay $0x2  }
0x1b: {  	s11 =	sshra.s32 s11, $0x2  }
0x1c: {  	[tilespmem:s11+$0x8800] =	vst v0  }
0x1d: {  	[spmem:s10] =	stream.linear.scatter [tilespmem:s29], [sflag:$0x1], $0xA00, $0x38;
	[tilespmem:$0x13200] =	vst v63  }
0x1e: {  	s9 =	rddreg [dreg:$0x8]  }
0x1f: {  	[spmem:s9] =	stream.linear.scatter [tilespmem:s29], [sflag:$0x1], $0xA00, $0x38;
	[tilespmem:$0x13200] =	vst v63  }
0x20: {  	s11 =	rddreg [dreg:$0x9]  }
0x21: {  	[spmem:s11] =	stream.linear.scatter [tilespmem:s29], [sflag:$0x1], $0xA00, $0x38;
	[tilespmem:$0x13200] =	vst v63  }
0x22: {  	s12 =	rddreg [dreg:$0xa]  }
0x23: {  	[spmem:s12] =	stream.linear.scatter [tilespmem:s29], [sflag:$0x1], $0xA00, $0x38;
	[tilespmem:$0x13200] =	vst v63  }
0x24: {  	s13 =	rddreg [dreg:$0xb]  }
0x25: {  	[spmem:s13] =	stream.linear.scatter [tilespmem:s29], [sflag:$0x1], $0xA00, $0x38;
	[tilespmem:$0x13200] =	vst v63  }
0x26: {  	_ = 	snop  }
0x27: {  	[spmem:s16] =	stream.linear.scatter [tilespmem:s29], [sflag:$0x1], $0xA00, $0x38;
	[tilespmem:$0x13200] =	vst v63  }
0x28: {  	_ = 	snop  }
0x29: {  	[spmem:s17] =	stream.linear.scatter [tilespmem:s29], [sflag:$0x1], $0xA00, $0x38;
	[tilespmem:$0x13200] =	vst v63  }
0x2a: {  	_ = 	snop  }
0x2b: {  	[spmem:s18] =	stream.linear.scatter [tilespmem:s29], [sflag:$0x1], $0xA00, $0x38;
	[tilespmem:$0x13200] =	vst v63  }
0x2c: {  	_ = 	snop  }
0x2d: {  	[spmem:s19] =	stream.linear.scatter [tilespmem:s29], [sflag:$0x1], $0xA00, $0x38;
	[tilespmem:$0x13200] =	vst v63  }
0x2e: {  	_ = 	snop  }
0x2f: {  	[spmem:s20] =	stream.linear.scatter [tilespmem:s29], [sflag:$0x1], $0xA00, $0x38;
	[tilespmem:$0x13200] =	vst v63  }
0x30: {  	_ = 	snop  }
0x31: {  	[spmem:s21] =	stream.linear.scatter [tilespmem:s29], [sflag:$0x1], $0xA00, $0x38;
	[tilespmem:$0x13200] =	vst v63  }
0x32: {  	_ = 	snop  }
0x33: {  	[spmem:s22] =	stream.linear.scatter [tilespmem:s29], [sflag:$0x1], $0xA00, $0x38;
	[tilespmem:$0x13200] =	vst v63  }
0x34: {  	_ = 	snop  }
0x35: {  	[spmem:s23] =	stream.linear.scatter [tilespmem:s29], [sflag:$0x1], $0xA00, $0x38;
	[tilespmem:$0x13200] =	vst v63  }
0x36: {  	_ = 	snop  }
0x37: {  	[spmem:s24] =	stream.linear.scatter [tilespmem:s29], [sflag:$0x1], $0xA00, $0x38;
	[tilespmem:$0x13200] =	vst v63  }
0x38: {  	_ = 	snop  }
0x39: {  	[spmem:s26] =	stream.linear.scatter [tilespmem:s29], [sflag:$0x1], $0xA00, $0x38;
	[tilespmem:$0x13200] =	vst v63  }
0x3a: {  	_ = 	snop  }
0x3b: {  	[spmem:s28] =	stream.linear.scatter [tilespmem:s29], [sflag:$0x1], $0xA00, $0x38;
	[tilespmem:$0x13200] =	vst v63  }
0x3c: {  	s14 =	rddreg [dreg:$0x4];
	s9 =	simm.s32 $0x0  }
0x3d: {  	[tilespmem:s30], [sflag:$0x2] =	stream.linear.gather [hbm4b:s14+s9], $0x2800, $0x38;
	[tilespmem:$0x13200] =	vst v63  }
0x3e: {  	_ =	swait.ge [sflag:s31], $0x2800  }
0x3f: {  	[sflag:s31] =	ssyncset.done $0x0  }
0x40: {  	s15 =	rddreg [dreg:$0x5];
	[sflag:s31] =	ssyncadd.s32 $0xFFFFD800  }
0x41: {  	[tilespmem:s0], [sflag:$0x2] =	stream.linear.gather [hbm4b:s15+s9], $0x4000, $0x38;
	[tilespmem:$0x13200] =	vst v63  }
0x42: {  	_ =	swait.ge [sflag:s31], $0x4000  }
0x43: {  	[sflag:s31] =	ssyncset.done $0x0  }
0x44: {  	[sflag:s31] =	ssyncadd.s32 $0xFFFFC000  }
0x45: {  	_ =	swait.ge [sflag:s3], $0xA00  }
0x46: {  	[sflag:s3] =	ssyncset.done $0x0  }
0x47: {  	[sflag:s3] =	ssyncadd.s32 $0xFFFFF600  }
0x48: {  	_ =	swait.ge [sflag:s3], $0xA00  }
0x49: {  	[sflag:s3] =	ssyncset.done $0x0  }
0x4a: {  	[sflag:s3] =	ssyncadd.s32 $0xFFFFF600  }
0x4b: {  	_ =	swait.ge [sflag:s3], $0xA00  }
0x4c: {  	[sflag:s3] =	ssyncset.done $0x0  }
0x4d: {  	[sflag:s3] =	ssyncadd.s32 $0xFFFFF600  }
0x4e: {  	_ =	swait.ge [sflag:s3], $0xA00  }
0x4f: {  	[sflag:s3] =	ssyncset.done $0x0  }
0x50: {  	[sflag:s3] =	ssyncadd.s32 $0xFFFFF600  }
0x51: {  	_ =	swait.ge [sflag:s3], $0xA00  }
0x52: {  	[sflag:s3] =	ssyncset.done $0x0  }
0x53: {  	[sflag:s3] =	ssyncadd.s32 $0xFFFFF600  }
0x54: {  	_ =	swait.ge [sflag:s3], $0xA00  }
0x55: {  	[sflag:s3] =	ssyncset.done $0x0  }
0x56: {  	[sflag:s3] =	ssyncadd.s32 $0xFFFFF600  }
0x57: {  	_ =	swait.ge [sflag:s3], $0xA00  }
0x58: {  	[sflag:s3] =	ssyncset.done $0x0  }
0x59: {  	[sflag:s3] =	ssyncadd.s32 $0xFFFFF600  }
0x5a: {  	_ =	swait.ge [sflag:s3], $0xA00  }
0x5b: {  	[sflag:s3] =	ssyncset.done $0x0  }
0x5c: {  	[sflag:s3] =	ssyncadd.s32 $0xFFFFF600  }
0x5d: {  	_ =	swait.ge [sflag:s3], $0xA00  }
0x5e: {  	[sflag:s3] =	ssyncset.done $0x0  }
0x5f: {  	[sflag:s3] =	ssyncadd.s32 $0xFFFFF600  }
0x60: {  	_ =	swait.ge [sflag:s3], $0xA00  }
0x61: {  	[sflag:s3] =	ssyncset.done $0x0  }
0x62: {  	[sflag:s3] =	ssyncadd.s32 $0xFFFFF600  }
0x63: {  	_ =	swait.ge [sflag:s3], $0xA00  }
0x64: {  	[sflag:s3] =	ssyncset.done $0x0  }
0x65: {  	[sflag:s3] =	ssyncadd.s32 $0xFFFFF600  }
0x66: {  	_ =	swait.ge [sflag:s3], $0xA00  }
0x67: {  	[sflag:s3] =	ssyncset.done $0x0  }
0x68: {  	[sflag:s3] =	ssyncadd.s32 $0xFFFFF600  }
0x69: {  	_ =	swait.ge [sflag:s3], $0xA00  }
0x6a: {  	[sflag:s3] =	ssyncset.done $0x0  }
0x6b: {  	[sflag:s3] =	ssyncadd.s32 $0xFFFFF600  }
0x6c: {  	_ =	swait.ge [sflag:s3], $0xA00  }
0x6d: {  	[sflag:s3] =	ssyncset.done $0x0  }
0x6e: {  	[sflag:s3] =	ssyncadd.s32 $0xFFFFF600  }
0x6f: {  	_ =	swait.ge [sflag:s3], $0xA00  }
0x70: {  	[sflag:s3] =	ssyncset.done $0x0  }
0x71: {  	[sflag:s3] =	ssyncadd.s32 $0xFFFFF600  }
0x72: {  	_ =	swait.ge [sflag:s3], $0xA00  }
0x73: {  	[sflag:s3] =	ssyncset.done $0x0  }
0x74: {  	[sflag:s3] =	ssyncadd.s32 $0xFFFFF600  }
0x75: {  	s11 =	simm.s32 $0x0;
	[bflag:$0x0] =	sbarrier.arrive $0xFFFF  }
.LBB2_4:
0x76: {  	s12 =	sshll.u32 s11, $0xB  }
0x77: {  	s12 =	sadd.s32 s12, s8  }
0x78: {  	s12 =	sshrl.u32 s12, $0x3  }
0x79: {  	s13 =	sadd.s32 s1, s12  }
0x7a: {  	[tilespmem:s9], [sflag:$0x2] =	stream.linear.gather [hbm4b:s13+s9], $0x800, $0x38;
	[tilespmem:$0x13200] =	vst v63  }
0x7b: {  	_ =	swait.ge [sflag:s31], $0x800  }
0x7c: {  	[sflag:s31] =	ssyncset.done $0x0  }
0x7d: {  	s12 =	sadd.s32 s6, s12;
	[sflag:s31] =	ssyncadd.s32 $0xFFFFF800  }
0x7e: {  	[tilespmem:s5], [sflag:$0x2] =	stream.linear.gather [hbm4b:s12+s9], $0x800, $0x38;
	[tilespmem:$0x13200] =	vst v63  }
0x7f: {  	_ =	swait.ge [sflag:s31], $0x800  }
0x80: {  	[sflag:s31] =	ssyncset.done $0x0  }
0x81: {  	s12 =	simm.s32 $0x0;
	[sflag:s31] =	ssyncadd.s32 $0xFFFFF800  }
.LBB2_5:
0x82: {  	s13 =	sshra.s32 s12, $0x2  }
0x83: {  	v2 =	vld [tilespmem:s13+$0x0]  }
0x84: {  	v3 =	vld [tilespmem:s13+$0x800];
	_ =	sdelay $0x3  }
0x85: {  	v4 =	vand.u32 $0x1, v2  }
0x86: {  	v16 =	vand.u32 $0x1, v3;
	vm0 =	veq.s32 v4, $0x1  }
0x87: {  	v2 =	vshra.s32 v2, $0x1;
	v6 =	vmul.u32 $0x1400, v16;
	v5 =	vsel vm0, $0x1400, v0  }
0x88: {  	v3 =	vshra.s32 v3, $0x1;
	v2 =	vadd.s32 v2, v5  }
0x89: {  	v17 =	vadd.s32 v3, v6;
	_ =	sdelay $0x3  }
0x8a: {  	v2 =	vld.idx.msk [tilespmem:v2+s30+$0x0], $0xffff  }
0x8b: {  	v5 =	vld.idx.msk [tilespmem:v17+s30+$0x0], $0xffff;
	_ =	sdelay $0x3  }
0x8c: {  	v2 =	vshll.u32 v2, $0x7  }
0x8d: {  	v18 =	vld [tilespmem:s13+$0x10];
	v2 =	vadd.s32 v2, v5  }
0x8e: {  	v19 =	vld [tilespmem:s13+$0x810];
	_ =	sdelay $0x3  }
0x8f: {  	v7 =	vand.u32 $0x1, v18;
	v2 =	vld.idx.msk [tilespmem:v2+s0+$0x0], $0xffff  }
0x90: {  	v20 =	vand.u32 $0x1, v19;
	vm9 =	veq.s32 v7, $0x1  }
0x91: {  	v9 =	vmul.u32 $0x1400, v20;
	v8 =	vsel vm9, $0x1400, v0;
	v5 =	vshra.s32 v18, $0x1  }
0x92: {  	v6 =	vshra.s32 v19, $0x1;
	v5 =	vadd.s32 v5, v8  }
0x93: {  	v3 =	vshll.u32 v3, $0x7;
	v21 =	vadd.s32 v6, v9  }
0x94: {  	v2 =	vadd.s32 v3, v2;
	v3 =	vshll.u32 v16, $0x4  }
0x95: {  	[tilespmem:s13+$0x7800] =	vst v2;
	v2 =	vshll.u32 v1, v3  }
0x96: {  	[tilespmem:s13+$0x8000] =	vst v2  }
0x97: {  	v2 =	vld.idx.msk [tilespmem:v5+s30+$0x0], $0xffff  }
0x98: {  	v3 =	vld.idx.msk [tilespmem:v21+s30+$0x0], $0xffff;
	_ =	sdelay $0x3  }
0x99: {  	v2 =	vshll.u32 v2, $0x7  }
0x9a: {  	v2 =	vadd.s32 v2, v3;
	v3 =	vld [tilespmem:s13+$0x20]  }
0x9b: {  	v22 =	vld [tilespmem:s13+$0x820];
	_ =	sdelay $0x3  }
0x9c: {  	v2 =	vld.idx.msk [tilespmem:v2+s0+$0x0], $0xffff;
	v23 =	vand.u32 $0x1, v3  }
0x9d: {  	v24 =	vand.u32 $0x1, v22;
	vm10 =	veq.s32 v23, $0x1  }
0x9e: {  	v26 =	vmul.u32 $0x1400, v24;
	v3 =	vshra.s32 v3, $0x1;
	v25 =	vsel vm10, $0x1400, v0  }
0x9f: {  	v4 =	vshra.s32 v22, $0x1;
	v3 =	vadd.s32 v3, v25  }
0xa0: {  	v27 =	vadd.s32 v4, v26;
	v6 =	vshll.u32 v6, $0x7  }
0xa1: {  	v28 =	vshll.u32 v20, $0x4;
	v2 =	vadd.s32 v6, v2  }
0xa2: {  	[tilespmem:s13+$0x7810] =	vst v2;
	v2 =	vshll.u32 v1, v28  }
0xa3: {  	[tilespmem:s13+$0x8010] =	vst v2  }
0xa4: {  	v2 =	vld.idx.msk [tilespmem:v3+s30+$0x0], $0xffff  }
0xa5: {  	v3 =	vld.idx.msk [tilespmem:v27+s30+$0x0], $0xffff;
	_ =	sdelay $0x3  }
0xa6: {  	v2 =	vshll.u32 v2, $0x7  }
0xa7: {  	v2 =	vadd.s32 v2, v3;
	v3 =	vld [tilespmem:s13+$0x30]  }
0xa8: {  	v29 =	vld [tilespmem:s13+$0x830];
	_ =	sdelay $0x3  }
0xa9: {  	v2 =	vld.idx.msk [tilespmem:v2+s0+$0x0], $0xffff;
	v30 =	vand.u32 $0x1, v3  }
0xaa: {  	v31 =	vand.u32 $0x1, v29;
	vm11 =	veq.s32 v30, $0x1  }
0xab: {  	v33 =	vmul.u32 $0x1400, v31;
	v3 =	vshra.s32 v3, $0x1;
	v32 =	vsel vm11, $0x1400, v0  }
0xac: {  	v6 =	vshra.s32 v29, $0x1;
	v3 =	vadd.s32 v3, v32  }
0xad: {  	v4 =	vshll.u32 v4, $0x7;
	v34 =	vadd.s32 v6, v33  }
0xae: {  	v35 =	vshll.u32 v24, $0x4;
	v2 =	vadd.s32 v4, v2  }
0xaf: {  	[tilespmem:s13+$0x7820] =	vst v2;
	v2 =	vshll.u32 v1, v35  }
0xb0: {  	[tilespmem:s13+$0x8020] =	vst v2  }
0xb1: {  	v2 =	vld.idx.msk [tilespmem:v3+s30+$0x0], $0xffff  }
0xb2: {  	v3 =	vld.idx.msk [tilespmem:v34+s30+$0x0], $0xffff;
	_ =	sdelay $0x3  }
0xb3: {  	v2 =	vshll.u32 v2, $0x7  }
0xb4: {  	v2 =	vadd.s32 v2, v3;
	v3 =	vld [tilespmem:s13+$0x40]  }
0xb5: {  	v36 =	vld [tilespmem:s13+$0x840];
	_ =	sdelay $0x3  }
0xb6: {  	v2 =	vld.idx.msk [tilespmem:v2+s0+$0x0], $0xffff;
	v37 =	vand.u32 $0x1, v3  }
0xb7: {  	v38 =	vand.u32 $0x1, v36;
	vm12 =	veq.s32 v37, $0x1  }
0xb8: {  	v40 =	vmul.u32 $0x1400, v38;
	v3 =	vshra.s32 v3, $0x1;
	v39 =	vsel vm12, $0x1400, v0  }
0xb9: {  	v4 =	vshra.s32 v36, $0x1;
	v3 =	vadd.s32 v3, v39  }
0xba: {  	v6 =	vshll.u32 v6, $0x7;
	v41 =	vadd.s32 v4, v40  }
0xbb: {  	v42 =	vshll.u32 v31, $0x4;
	v2 =	vadd.s32 v6, v2  }
0xbc: {  	[tilespmem:s13+$0x7830] =	vst v2;
	v2 =	vshll.u32 v1, v42  }
0xbd: {  	[tilespmem:s13+$0x8030] =	vst v2  }
0xbe: {  	v2 =	vld.idx.msk [tilespmem:v3+s30+$0x0], $0xffff  }
0xbf: {  	v3 =	vld.idx.msk [tilespmem:v41+s30+$0x0], $0xffff;
	_ =	sdelay $0x3  }
0xc0: {  	v2 =	vshll.u32 v2, $0x7  }
0xc1: {  	v2 =	vadd.s32 v2, v3;
	v3 =	vld [tilespmem:s13+$0x50]  }
0xc2: {  	v43 =	vld [tilespmem:s13+$0x850];
	_ =	sdelay $0x3  }
0xc3: {  	v2 =	vld.idx.msk [tilespmem:v2+s0+$0x0], $0xffff;
	v44 =	vand.u32 $0x1, v3  }
0xc4: {  	v45 =	vand.u32 $0x1, v43;
	vm13 =	veq.s32 v44, $0x1  }
0xc5: {  	v47 =	vmul.u32 $0x1400, v45;
	v3 =	vshra.s32 v3, $0x1;
	v46 =	vsel vm13, $0x1400, v0  }
0xc6: {  	v6 =	vshra.s32 v43, $0x1;
	v3 =	vadd.s32 v3, v46  }
0xc7: {  	v4 =	vshll.u32 v4, $0x7;
	v48 =	vadd.s32 v6, v47  }
0xc8: {  	v49 =	vshll.u32 v38, $0x4;
	v2 =	vadd.s32 v4, v2  }
0xc9: {  	[tilespmem:s13+$0x7840] =	vst v2;
	v2 =	vshll.u32 v1, v49  }
0xca: {  	[tilespmem:s13+$0x8040] =	vst v2  }
0xcb: {  	v2 =	vld.idx.msk [tilespmem:v3+s30+$0x0], $0xffff  }
0xcc: {  	v3 =	vld.idx.msk [tilespmem:v48+s30+$0x0], $0xffff;
	_ =	sdelay $0x3  }
0xcd: {  	v2 =	vshll.u32 v2, $0x7  }
0xce: {  	v2 =	vadd.s32 v2, v3;
	v3 =	vld [tilespmem:s13+$0x60]  }
0xcf: {  	v50 =	vld [tilespmem:s13+$0x860];
	_ =	sdelay $0x3  }
0xd0: {  	v2 =	vld.idx.msk [tilespmem:v2+s0+$0x0], $0xffff;
	v51 =	vand.u32 $0x1, v3  }
0xd1: {  	v52 =	vand.u32 $0x1, v50;
	vm14 =	veq.s32 v51, $0x1  }
0xd2: {  	v54 =	vmul.u32 $0x1400, v52;
	v3 =	vshra.s32 v3, $0x1;
	v53 =	vsel vm14, $0x1400, v0  }
0xd3: {  	v4 =	vshra.s32 v50, $0x1;
	v3 =	vadd.s32 v3, v53  }
0xd4: {  	v6 =	vshll.u32 v6, $0x7;
	v55 =	vadd.s32 v4, v54  }
0xd5: {  	v56 =	vshll.u32 v45, $0x4;
	v2 =	vadd.s32 v6, v2  }
0xd6: {  	[tilespmem:s13+$0x7850] =	vst v2;
	v2 =	vshll.u32 v1, v56  }
0xd7: {  	[tilespmem:s13+$0x8050] =	vst v2  }
0xd8: {  	v2 =	vld.idx.msk [tilespmem:v3+s30+$0x0], $0xffff  }
0xd9: {  	v3 =	vld.idx.msk [tilespmem:v55+s30+$0x0], $0xffff;
	_ =	sdelay $0x3  }
0xda: {  	v2 =	vshll.u32 v2, $0x7  }
0xdb: {  	v2 =	vadd.s32 v2, v3;
	v3 =	vld [tilespmem:s13+$0x70]  }
0xdc: {  	v57 =	vld [tilespmem:s13+$0x870];
	_ =	sdelay $0x3  }
0xdd: {  	v2 =	vld.idx.msk [tilespmem:v2+s0+$0x0], $0xffff;
	v58 =	vand.u32 $0x1, v3  }
0xde: {  	v59 =	vand.u32 $0x1, v57;
	vm15 =	veq.s32 v58, $0x1  }
0xdf: {  	v61 =	vmul.u32 $0x1400, v59;
	v3 =	vshra.s32 v3, $0x1;
	v60 =	vsel vm15, $0x1400, v0  }
0xe0: {  	v6 =	vshra.s32 v57, $0x1;
	v3 =	vadd.s32 v3, v60  }
0xe1: {  	v4 =	vshll.u32 v4, $0x7;
	v62 =	vadd.s32 v6, v61  }
0xe2: {  	v63 =	vshll.u32 v52, $0x4;
	v2 =	vadd.s32 v4, v2  }
0xe3: {  	[tilespmem:s13+$0x7860] =	vst v2;
	v2 =	vshll.u32 v1, v63  }
0xe4: {  	[tilespmem:s13+$0x8060] =	vst v2  }
0xe5: {  	v2 =	vld.idx.msk [tilespmem:v3+s30+$0x0], $0xffff  }
0xe6: {  	v3 =	vld.idx.msk [tilespmem:v62+s30+$0x0], $0xffff;
	_ =	sdelay $0x3  }
0xe7: {  	v2 =	vshll.u32 v2, $0x7  }
0xe8: {  	v2 =	vadd.s32 v2, v3;
	_ =	sdelay $0x4  }
0xe9: {  	v2 =	vld.idx.msk [tilespmem:v2+s0+$0x0], $0xffff;
	_ =	sdelay $0x2  }
0xea: {  	p0 =	sne.s32 s12, $0x1E00  }
.Ltmp1:
0xeb: {  	v3 =	vshll.u32 v6, $0x7;
	(pc) =	sbr.rel @p0 .LBB2_5-.Ltmp1, $4  }
0xec: {  	v2 =	vadd.s32 v3, v2;
	v3 =	vshll.u32 v59, $0x4  }
0xed: {  	[tilespmem:s13+$0x7870] =	vst v2;
	v2 =	vshll.u32 v1, v3  }
0xee: {  	s12 =	sadd.s32 $0x200, s12;
	s14 =	sadd.s32 $0x7800, s13;
	s15 =	sadd.s32 $0x8000, s13;
	[tilespmem:s13+$0x8070] =	vst v2  }
0xef: {  	[spmem:s2] =	stream.indirect.scatter.add.s32 [tilespmem:s15], [sflag:$0x1], $0x1, s14, s7, $0xb8;
	[tilespmem:$0x13200] =	vst v63  }
0xf0: {  	_ =	swait.ge [sflag:s3], $0x80  }
0xf1: {  	[sflag:s3] =	ssyncset.done $0x0  }
0xf2: {  	[sflag:s3] =	ssyncadd.s32 $0xFFFFFF80  }
0xf3: {  	_ =	swait.ge [sflag:s3], $0x80  }
0xf4: {  	[sflag:s3] =	ssyncset.done $0x0  }
0xf5: {  	[sflag:s3] =	ssyncadd.s32 $0xFFFFFF80  }
0xf6: {  	_ =	swait.ge [sflag:s3], $0x80  }
0xf7: {  	[sflag:s3] =	ssyncset.done $0x0  }
0xf8: {  	[sflag:s3] =	ssyncadd.s32 $0xFFFFFF80  }
0xf9: {  	_ =	swait.ge [sflag:s3], $0x80  }
0xfa: {  	[sflag:s3] =	ssyncset.done $0x0  }
0xfb: {  	[sflag:s3] =	ssyncadd.s32 $0xFFFFFF80  }
0xfc: {  	_ =	swait.ge [sflag:s3], $0x80  }
0xfd: {  	[sflag:s3] =	ssyncset.done $0x0  }
0xfe: {  	[sflag:s3] =	ssyncadd.s32 $0xFFFFFF80  }
0xff: {  	_ =	swait.ge [sflag:s3], $0x80  }
0x100: {  	[sflag:s3] =	ssyncset.done $0x0  }
0x101: {  	[sflag:s3] =	ssyncadd.s32 $0xFFFFFF80  }
0x102: {  	_ =	swait.ge [sflag:s3], $0x80  }
0x103: {  	[sflag:s3] =	ssyncset.done $0x0  }
0x104: {  	[sflag:s3] =	ssyncadd.s32 $0xFFFFFF80  }
0x105: {  	_ =	swait.ge [sflag:s3], $0x80  }
0x106: {  	[sflag:s3] =	ssyncset.done $0x0  }
0x107: {  	[sflag:s3] =	ssyncadd.s32 $0xFFFFFF80  }
0x108: {  	_ =	swait.ge [sflag:s3], $0x80  }
0x109: {  	[sflag:s3] =	ssyncset.done $0x0  }
0x10a: {  	[sflag:s3] =	ssyncadd.s32 $0xFFFFFF80  }
0x10b: {  	_ =	swait.ge [sflag:s3], $0x80  }
0x10c: {  	[sflag:s3] =	ssyncset.done $0x0  }
0x10d: {  	[sflag:s3] =	ssyncadd.s32 $0xFFFFFF80  }
0x10e: {  	_ =	swait.ge [sflag:s3], $0x80  }
0x10f: {  	[sflag:s3] =	ssyncset.done $0x0  }
0x110: {  	[sflag:s3] =	ssyncadd.s32 $0xFFFFFF80  }
0x111: {  	_ =	swait.ge [sflag:s3], $0x80  }
0x112: {  	[sflag:s3] =	ssyncset.done $0x0  }
0x113: {  	[sflag:s3] =	ssyncadd.s32 $0xFFFFFF80  }
0x114: {  	_ =	swait.ge [sflag:s3], $0x80  }
0x115: {  	[sflag:s3] =	ssyncset.done $0x0  }
0x116: {  	[sflag:s3] =	ssyncadd.s32 $0xFFFFFF80  }
0x117: {  	_ =	swait.ge [sflag:s3], $0x80  }
0x118: {  	[sflag:s3] =	ssyncset.done $0x0  }
0x119: {  	s11 =	sadd.s32 $0x1, s11;
	[sflag:s3] =	ssyncadd.s32 $0xFFFFFF80  }
0x11a: {  	p0 =	sne.s32 s11, $0x5;
	_ =	swait.ge [sflag:s3], $0x80  }
.Ltmp2:
0x11b: {  	[sflag:s3] =	ssyncset.done $0x0;
	(pc) =	sbr.rel @p0 .LBB2_4-.Ltmp2, $4  }
0x11c: {  	[sflag:s3] =	ssyncadd.s32 $0xFFFFFF80  }
0x11d: {  	_ =	swait.ge [sflag:s3], $0x80  }
0x11e: {  	[sflag:s3] =	ssyncset.done $0x0  }
0x11f: {  	[sflag:s3] =	ssyncadd.s32 $0xFFFFFF80  }
0x120: {  	s9 =	stileid.u32  }
0x121: {  	[bflag:$0x0] =	sbarrier.arrive $0xFFFF;
	s9 =	sshll.u32 s9, $0x6  }
0x122: {  	s11 =	rddreg [dreg:$0x6];
	s9 =	sor.u32 $0x1C02, s9  }
0x123: {  	[hbm:s11], [sflag:s9] =	dma.local [spmem:s25], $0x1400  }
0x124: {  	_ =	swait.ge [sflag:s31], $0x1400  }
0x125: {  	s4 =	sadd.s32 $0x1, s4;
	s15 =	rddreg [dreg:$0x7]  }
0x126: {  	p0 =	sne.s32 s4, s15  }
.Ltmp3:
0x127: {  	_ = 	snop;
	(pc) =	sbr.rel @p0 .LBB2_1-.Ltmp3, $3  }
0x128: {  	_ =	sdelay $0x1  }
0x129: {  	[sflag:s31] =	ssyncset.done $0x0  }
0x12a: {  	[sflag:s31] =	ssyncadd.s32 $0xFFFFEC00  }
0x12b: {  	_ =	sfence.sel $0x180000  }
0x12c: {  	[bflag:$0x0] =	sbarrier.arrive $0xFFFF  }
0x12d: {  	_ =	strace $0x9000004D  }
0x12e: {  	s0 =	stileid.u32;
	[bflag:$0x2] =	sbarrier.arrive $0xFFFF  }
0x12f: {  	p0 =	sne.s32 s0, $0x0;
	s0 =	rddreg [dreg:$0x3]  }
0x130: {  	s0 =	sadd.s32 @!p0 $0x100000, s0  }
0x131: {  	[sflag:s0] =	ssyncadd.tile.s32 @!p0 $0x1;
	_ =	shalt  }
.Lfunc_end2:
_tile_overlayer_lowered:
.L_overlay_start_2:
0x132: {  	(tag) =	ssettag $0x2  }
0x133: {  	s0 =	rddreg [dreg:$0x0];
	s2 =	stileid.u32  }
0x134: {  	s1 =	rddreg [dreg:$0x1];
	p0 =	sne.s32 s2, $0x0  }
0x135: {  	s3 =	rddreg [dreg:$0x2];
	[bflag:$0x3] =	sbarrier.arrive $0xFFFF;
	s2 =	simm.s32 @!p0 $0x1C02  }
0x136: {  	[timem:s3], [sflag:s2] =	dma.local @!p0 [hbm:s0], s1  }
0x137: {  	s0 =	simm.s32 @!p0 $0x2  }
0x138: {  	_ =	swait.ge @!p0 [sflag:s0], s1  }
0x139: {  	s1 =	ssub.s32 @!p0 $0x0, s1;
	[sflag:s0] =	ssyncset.done @!p0 $0x0  }
0x13a: {  	[sflag:s0] =	ssyncadd.s32 @!p0 s1  }
0x13b: {  	[bflag:$0x3] =	sbarrier.arrive $0xFFFF  }
0x13c: {  	_ =	shalt  }

// kernel: kernel.18.cloned.1.call-start
scs
__scs_entry_jumppad:
0x0: {  	(pc) =	sbr.rel $0x88, $3  }
0x1: {  	(tag) =	ssettag $0x0;
	lr =	simm.s32 $0x1  }
0x2: {  	[smem:$0x3F96] =	sst lr;
	_ =	strace $0xD0000000  }
0x3: {  	_ = 	snop  }
0x4: {  	_ = 	snop  }
0x5: {  	_ = 	snop  }
0x6: {  	_ = 	snop  }
0x7: {  	_ = 	snop  }
__scs_overlays_trampoline_lowered:
0x8: {  	[smem:$0x3FA5] =	sst s0  }
0x9: {  	[smem:$0x3FA6] =	sst s1  }
0xa: {  	[smem:$0x3FA7] =	sst s2  }
0xb: {  	[smem:$0x3FA8] =	sst s3  }
0xc: {  	[smem:$0x3FA9] =	sst s4  }
0xd: {  	[smem:$0x3FAA] =	sst s5  }
0xe: {  	[smem:$0x3FAB] =	sst s6  }
0xf: {  	[smem:$0x3FAC] =	sst s7  }
0x10: {  	[smem:$0x3FAD] =	sst s8  }
0x11: {  	[smem:$0x3FAE] =	sst s9;
	s0 =	simm.s32 @!p0 $0x0  }
0x12: {  	s1 =	sld [smem:$0x3F94];
	s0 =	simm.s32 @p0 $0x1  }
0x13: {  	[smem:$0x3FAF] =	sst s0;
	s0 =	simm.s32 @!p1 $0x0  }
0x14: {  	s2 =	sld [smem:$0x3F93];
	s0 =	simm.s32 @p1 $0x1  }
0x15: {  	[smem:$0x3FB0] =	sst s0;
	s0 =	simm.s32 @!p2 $0x0  }
0x16: {  	s3 =	sld [smem:$0x3FDB];
	s0 =	simm.s32 @p2 $0x1  }
0x17: {  	s4 =	simm.s32 $0x1BF5;
	[smem:$0x3FB2] =	sst s0  }
0x18: {  	s0 =	sld [smem:$0x3F95];
	_ =	swait.ge [sflag:s4], $0x0  }
0x19: {  	s7 =	sld [smem:$0x3F96]  }
0x1a: {  	s8 =	sadd.s32 $0xFFFFE003, lr  }
0x1b: {  	s9 =	sadd.s32 $0xFFFFFEF7, lr;
	s5 =	simm.s32 $0xFFFFFFFF;
	p2 =	slt.u32 s8, $0xFFFFF086  }
0x1c: {  	p1 =	slt.u32 s9, $0xF7A;
	s5 =	simm.s32 @!p2 $0x0  }
0x1d: {  	s5 =	simm.s32 @p1 $0x1;
	p0 =	seq.s32 s7, s2  }
0x1e: {  	s7 =	smul.u32 @!p0 $0xF7A, s2;
	p2 =	seq.s32 @!p0 s5, $0x0  }
0x1f: {  	s9 =	smul.u32 $0xF7A, s1;
	s8 =	simm.s32 @!p0 $0x1BF5;
	p2 =	por !p2, p0  }
0x20: {  	[sflag:s8] =	ssyncset.s32 @!p0 $0xFFFFF086;
	s6 =	sadd.s32 @!p0 s3, s7;
	s7 =	simm.s32 @!p0 $0x108  }
0x21: {  	s3 =	sadd.s32 s3, s9;
	s6 =	sadd.s32 @!p0 $0x88, s6;
	s7 =	simm.s32 @p2 $0x1082  }
0x22: {  	[simem:s7], [sflag:s8] =	dma.local @!p0 [hbm:s6], $0xF7A  }
0x23: {  	s9 =	sor.u32 $0xD0000000, s2;
	s6 =	simm.s32 $0x108;
	_ =	swait.ge @!p0 [sflag:s8], $0x0  }
0x24: {  	s3 =	sadd.s32 $0x88, s3;
	s6 =	simm.s32 @!p1 $0x1082;
	[sflag:s4] =	ssyncset.s32 $0xFFFFF086  }
0x25: {  	[simem:s6], [sflag:s4] =	dma.local [hbm:s3], $0xF7A  }
0x26: {  	[smem:$0x3F96] =	sst s1;
	(tag) =	ssettag s2;
	_ =	strace s9  }
0x27: {  	s1 =	sld [smem:$0x3FA6]  }
0x28: {  	s2 =	sld [smem:$0x3FA7]  }
0x29: {  	s4 =	sld [smem:$0x3FA9]  }
0x2a: {  	p0 =	seq.s32 s5, $0x0;
	s5 =	sld [smem:$0x3FAA]  }
0x2b: {  	s6 =	sld [smem:$0x3FAB]  }
0x2c: {  	s7 =	sld [smem:$0x3FAC]  }
0x2d: {  	s3 =	simm.s32 $0x108;
	s8 =	sld [smem:$0x3FAD]  }
0x2e: {  	s3 =	simm.s32 @!p0 $0x1082;
	s9 =	sld [smem:$0x3FAE]  }
0x2f: {  	lr =	sadd.s32 s0, s3;
	s0 =	sld [smem:$0x3FA5]  }
0x30: {  	s3 =	sld [smem:$0x3FA8]  }
0x31: {  	[smem:$0x3FB1] =	sst s10  }
0x32: {  	s10 =	sld [smem:$0x3FAF];
	_ =	sdelay $0x3  }
0x33: {  	p0 =	seq.s32 s10, $0x1;
	s10 =	sld [smem:$0x3FB1];
	_ =	sdelay $0x3  }
0x34: {  	[smem:$0x3FB1] =	sst s10  }
0x35: {  	s10 =	sld [smem:$0x3FB0];
	_ =	sdelay $0x3  }
0x36: {  	p1 =	seq.s32 s10, $0x1;
	s10 =	sld [smem:$0x3FB1];
	_ =	sdelay $0x3  }
0x37: {  	[smem:$0x3FB1] =	sst s10  }
0x38: {  	s10 =	sld [smem:$0x3FB2]  }
0x39: {  	_ = 	snop;
	(pc) =	sbr.ind lr, $3  }
0x3a: {  	_ = 	snop  }
0x3b: {  	_ = 	snop  }
0x3c: {  	p2 =	seq.s32 s10, $0x1;
	s10 =	sld [smem:$0x3FB1]  }
0x3d: {  	_ =	shalt  }
0x3e: {  	_ =	shalt  }
0x3f: {  	_ =	shalt  }
0x40: {  	_ =	shalt  }
0x41: {  	_ =	shalt  }
0x42: {  	_ =	shalt  }
0x43: {  	_ =	shalt  }
0x44: {  	_ =	shalt  }
0x45: {  	_ =	shalt  }
0x46: {  	_ =	shalt  }
0x47: {  	_ =	shalt  }
0x48: {  	_ =	shalt  }
0x49: {  	_ =	shalt  }
0x4a: {  	_ =	shalt  }
0x4b: {  	_ =	shalt  }
0x4c: {  	_ =	shalt  }
0x4d: {  	_ =	shalt  }
0x4e: {  	_ =	shalt  }
0x4f: {  	_ =	shalt  }
0x50: {  	_ =	shalt  }
0x51: {  	_ =	shalt  }
0x52: {  	_ =	shalt  }
0x53: {  	_ =	shalt  }
0x54: {  	_ =	shalt  }
0x55: {  	_ =	shalt  }
0x56: {  	_ =	shalt  }
0x57: {  	_ =	shalt  }
0x58: {  	_ =	shalt  }
0x59: {  	_ =	shalt  }
0x5a: {  	_ =	shalt  }
0x5b: {  	_ =	shalt  }
0x5c: {  	_ =	shalt  }
0x5d: {  	_ =	shalt  }
0x5e: {  	_ =	shalt  }
0x5f: {  	_ =	shalt  }
0x60: {  	_ =	shalt  }
0x61: {  	_ =	shalt  }
0x62: {  	_ =	shalt  }
0x63: {  	_ =	shalt  }
0x64: {  	_ =	shalt  }
0x65: {  	_ =	shalt  }
0x66: {  	_ =	shalt  }
0x67: {  	_ =	shalt  }
0x68: {  	_ =	shalt  }
0x69: {  	_ =	shalt  }
0x6a: {  	_ =	shalt  }
0x6b: {  	_ =	shalt  }
0x6c: {  	_ =	shalt  }
0x6d: {  	_ =	shalt  }
0x6e: {  	_ =	shalt  }
0x6f: {  	_ =	shalt  }
0x70: {  	_ =	shalt  }
0x71: {  	_ =	shalt  }
0x72: {  	_ =	shalt  }
0x73: {  	_ =	shalt  }
0x74: {  	_ =	shalt  }
0x75: {  	_ =	shalt  }
0x76: {  	_ =	shalt  }
0x77: {  	_ =	shalt  }
0x78: {  	_ =	shalt  }
0x79: {  	_ =	shalt  }
0x7a: {  	_ =	shalt  }
0x7b: {  	_ =	shalt  }
0x7c: {  	_ =	shalt  }
0x7d: {  	_ =	shalt  }
0x7e: {  	_ =	shalt  }
0x7f: {  	_ =	shalt  }
0x80: {  	_ =	shalt  }
0x81: {  	_ =	shalt  }
0x82: {  	_ =	shalt  }
0x83: {  	_ =	shalt  }
0x84: {  	_ =	shalt  }
0x85: {  	_ =	shalt  }
0x86: {  	_ =	shalt  }
0x87: {  	_ =	shalt  }
.Lfunc_end0:
.L_simem_size_0:
called_computation.3_lowered:
.L_overlay_start_0:
0x88: {  	s2 =	sld [smem:$0x3FD9]  }
0x89: {  	s3 =	sld [smem:$0x3FFE];
	_ =	sdelay $0x1  }
0x8a: {  	s1 =	srdreg.scid  }
0x8b: {  	s0 =	sand.u32 $0x1, s1  }
0x8c: {  	s17 =	sshll.u32 s0, $0xA;
	s2 =	sadd.s32 s3, s2  }
0x8d: {  	s2 =	sadd.s32 s2, s17  }
0x8e: {  	[smem:$0x3FBD] =	sst s2  }
0x8f: {  	_ = 	snop  }
0x90: {  	s2 =	sld [smem:$0x3FD0];
	(tm) =	ssettm $0x1  }
0x91: {  	s18 =	sld [smem:$0x3FFB];
	_ =	sdelay $0x3  }
0x92: {  	_ =	strace s18  }
0x93: {  	s3 =	sld [smem:$0x3FFC];
	_ =	sdelay $0x3  }
0x94: {  	_ =	strace s3  }
0x95: {  	s3 =	sld [smem:$0x3FFD];
	_ =	sdelay $0x3  }
0x96: {  	_ =	strace s3  }
0x97: {  	_ =	strace $0x8FFFFFFF  }
0x98: {  	s19 =	sld [smem:$0x3FDB];
	_ =	sdelay $0x1  }
0x99: {  	s4 =	simm.s32 $_scs_section_size  }
0x9a: {  	s5 =	simm.s32 $_size__tile_overlayer_lowered;
	s6 =	simm.s32 $_tile_overlayer_lowered  }
0x9b: {  	s22 =	simm.s32 $0x1BFF;
	s21 =	sshll.u32 s6, $0x1;
	s3 =	sadd.s32 s4, s19  }
0x9c: {  	s7 =	simm.s32 $0x0;
	s20 =	sshll.u32 s5, $0x1;
	s5 =	sadd.s32 s21, s3  }
0x9d: {  	[timem:s7], [sflag:s22] =	dma.local [hbm:s5], s20  }
0x9e: {  	_ =	swait.ge [sflag:s22], s20  }
0x9f: {  	s4 =	ssub.s32 $0x0, s20;
	[sflag:s22] =	ssyncset.done $0x0  }
0xa0: {  	[sflag:s22] =	ssyncadd.s32 s4;
	_ =	sdelay $0x1  }
0xa1: {  	s23 =	simm.s32 $0x1B8B  }
0xa2: {  	_ =	swait.ge [sflag:s23], $0x1  }
0xa3: {  	[sflag:s23] =	ssyncset.done $0x0  }
0xa4: {  	s25 =	simm.s32 $0x1B8E;
	s24 =	sld [smem:$0x3FFE];
	[sflag:s23] =	ssyncadd.s32 $0xFFFFFFFF  }
0xa5: {  	s26 =	simm.s32 $execute0_lowered;
	[smem:$0x3FD2] =	sst s25  }
0xa6: {  	s5 =	sshll.u32 s26, $0x1;
	_ =	strace $0x8000004F;
	[dreg:$0x1] =	wrdreg $0xFFFFFFFF  }
0xa7: {  	s28 =	simm.s32 $_size_execute0_lowered;
	s3 =	sadd.s32 s3, s5;
	[dreg:$0x0] =	wrdreg $0x0  }
0xa8: {  	s5 =	sshll.u32 s28, $0x1;
	[dreg:$0x2] =	wrdreg s3  }
0xa9: {  	[dreg:$0x3] =	wrdreg s5  }
0xaa: {  	[dreg:$0x4] =	wrdreg $0xC0  }
0xab: {  	_ =	task [dreg:s7], $0x5FFFF  }
0xac: {  	[dreg:$0x1] =	wrdreg $0xFFFFFFFF  }
0xad: {  	[dreg:$0x0] =	wrdreg $0x60  }
0xae: {  	[dreg:$0x2] =	wrdreg s24  }
0xaf: {  	[dreg:$0x3] =	wrdreg s2  }
0xb0: {  	[dreg:$0x4] =	wrdreg $0x92000  }
0xb1: {  	[dreg:$0x5] =	wrdreg $0x9  }
0xb2: {  	_ =	task.clear_ibuf [dreg:s7], $0x6FFFF;
	_ =	strace $0x9000004F  }
0xb3: {  	s29 =	simm.s32 $0x9;
	_ =	strace $0x80000051  }
0xb4: {  	_ =	swait.ge [sflag:s29], $0x1  }
0xb5: {  	[sflag:s29] =	ssyncadd.s32 $0xFFFFFFFF  }
0xb6: {  	_ =	strace $0x90000051  }
0xb7: {  	_ =	sfence  }
0xb8: {  	s30 =	sld [smem:$0x0];
	_ =	sdelay $0x2  }
0xb9: {  	s31 =	sshll.u32 s1, $0xD;
	s1 =	sshrl.u32 s1, $0x2  }
0xba: {  	s3 =	sand.u32 $0x4000, s31;
	s1 =	sadd.s32 s1, s30  }
0xbb: {  	s0 =	sor.u32 s3, s0;
	s1 =	sshll.u32 s1, $0x11  }
0xbc: {  	s0 =	sor.u32 s1, s0  }
0xbd: {  	s0 =	sadd.s32 $0x8F2B, s0  }
0xbe: {  	[sflag:s0] =	ssyncadd.remote.s32 $0x1  }
0xbf: {  	_ =	sfence.sel $0xFFFF  }
0xc0: {  	[dreg:$0x0] =	wrdreg $0xFFFFFFFF;
	(pc) =	sbr.abs _section_cstart, $3  }
0xc1: {  	[dreg:$0x1] =	wrdreg $0xFFFFFFFF  }
0xc2: {  	_ =	task.clear_ibuf [dreg:s7], $0x2FFFF;
	_ =	strace $0x9FFFFFFF  }
0xc3: {  	(tm) =	ssettm $0x7FFFFFFF  }
tec
execute0_lowered:
.L_overlay_start_1:
0x0: {  	(tag) =	ssettag $0x1  }
0x1: {  	s0 =	rddreg [dreg:$0x0]  }
0x2: {  	s1 =	rddreg [dreg:$0x1]  }
0x3: {  	s2 =	rddreg [dreg:$0x2]  }
0x4: {  	s3 =	srdreg.scid;
	s4 =	simm.s32 $0x0;
	s10 =	stileid.u32  }
0x5: {  	s29 =	simm.s32 $0x8800;
	s30 =	simm.s32 $0x1000;
	s7 =	smul.u32 $0xA000, s10  }
0x6: {  	s31 =	simm.s32 $0x2;
	s3 =	sand.u32 $0x1, s3;
	s9 =	smul.u32 $0x2800, s10  }
0x7: {  	[smem:$0x7FF] =	sst s4;
	s6 =	sadd.s32 $0x2C200, s0;
	s10 =	smul.u32 $0x28000, s10  }
0x8: {  	s11 =	sadd.s32 $0x5E000, s0;
	s5 =	smul.u32 $0xA0000, s3;
	_ =	strace $0x80000050  }
0x9: {  	[dreg:$0x4] =	wrdreg s6;
	s8 =	smul.u32 $0x28000, s3;
	s3 =	ssub.s32 $0x2, s3  }
0xa: {  	s6 =	sadd.s32 $0x54000, s0;
	[dreg:$0x5] =	wrdreg s11;
	s13 =	sshrl.u32 s3, $0x1  }
0xb: {  	s14 =	sshrl.u32 s10, $0x2;
	s15 =	sadd.s32 s7, s2;
	s5 =	sadd.s32 s7, s5  }
0xc: {  	s3 =	ssub.s32 s3, s13;
	s8 =	sadd.s32 s9, s8;
	s10 =	sadd.s32 s14, s2  }
0xd: {  	s7 =	simm.s32 $0x80;
	s5 =	sshrl.u32 s5, $0x3;
	s3 =	smax.u32 s3, $0x1  }
0xe: {  	s23 =	sadd.s32 $0xA00, s10;
	s24 =	sadd.s32 $0x1400, s10;
	s25 =	sadd.s32 $0x1E00, s10  }
0xf: {  	s26 =	sadd.s32 $0x2800, s10;
	s16 =	sadd.s32 $0x3200, s10;
	[dreg:$0x7] =	wrdreg s3  }
0x10: {  	s17 =	sadd.s32 $0x3C00, s10;
	s18 =	sadd.s32 $0x4600, s10;
	[dreg:$0x8] =	wrdreg s23  }
0x11: {  	s19 =	sadd.s32 $0x5000, s10;
	s20 =	sadd.s32 $0x5A00, s10;
	[dreg:$0x9] =	wrdreg s24  }
0x12: {  	s21 =	sadd.s32 $0x6400, s10;
	s22 =	sadd.s32 $0x6E00, s10;
	[dreg:$0xa] =	wrdreg s25  }
0x13: {  	s28 =	sadd.s32 $0x9600, s10;
	s0 =	sadd.s32 s5, s0;
	[dreg:$0xb] =	wrdreg s26  }
0x14: {  	s23 =	sadd.s32 $0x7800, s10;
	s24 =	sadd.s32 $0x8200, s10;
	s25 =	sshrl.u32 s15, $0x3  }
0x15: {  	s26 =	sadd.s32 $0x8C00, s10;
	s3 =	simm.s32 $0x1;
	s0 =	sadd.s32 $0x3A00, s0  }
0x16: {  	v0 =	vimm.s32 $0x0;
	v1 =	vimm.s32 $0x1;
	s5 =	simm.s32 $0x800;
	[dreg:$0x6] =	wrdreg s0;
	s0 =	simm.s32 $0x3800  }
.LBB2_1:
0x17: {  	s9 =	simm.s32 $0x40;
	s11 =	simm.s32 $0x0  }
.LBB2_2:
0x18: {  	p0 =	sne.s32 s9, $0x27C0;
	[tilespmem:s11+$0x8800] =	vst v0;
	s11 =	smov.u32 s9;
	s9 =	sadd.s32 $0x40, s9  }
.Ltmp0:
0x19: {  	(pc) =	sbr.rel @p0 .LBB2_2-.Ltmp0, $2  }
0x1a: {  	_ =	sdelay $0x2  }
0x1b: {  	s11 =	sshra.s32 s11, $0x2  }
0x1c: {  	[tilespmem:s11+$0x8800] =	vst v0  }
0x1d: {  	[spmem:s10] =	stream.linear.scatter [tilespmem:s29], [sflag:$0x1], $0xA00, $0x38;
	[tilespmem:$0x13200] =	vst v63  }
0x1e: {  	s9 =	rddreg [dreg:$0x8]  }
0x1f: {  	[spmem:s9] =	stream.linear.scatter [tilespmem:s29], [sflag:$0x1], $0xA00, $0x38;
	[tilespmem:$0x13200] =	vst v63  }
0x20: {  	s11 =	rddreg [dreg:$0x9]  }
0x21: {  	[spmem:s11] =	stream.linear.scatter [tilespmem:s29], [sflag:$0x1], $0xA00, $0x38;
	[tilespmem:$0x13200] =	vst v63  }
0x22: {  	s12 =	rddreg [dreg:$0xa]  }
0x23: {  	[spmem:s12] =	stream.linear.scatter [tilespmem:s29], [sflag:$0x1], $0xA00, $0x38;
	[tilespmem:$0x13200] =	vst v63  }
0x24: {  	s13 =	rddreg [dreg:$0xb]  }
0x25: {  	[spmem:s13] =	stream.linear.scatter [tilespmem:s29], [sflag:$0x1], $0xA00, $0x38;
	[tilespmem:$0x13200] =	vst v63  }
0x26: {  	_ = 	snop  }
0x27: {  	[spmem:s16] =	stream.linear.scatter [tilespmem:s29], [sflag:$0x1], $0xA00, $0x38;
	[tilespmem:$0x13200] =	vst v63  }
0x28: {  	_ = 	snop  }
0x29: {  	[spmem:s17] =	stream.linear.scatter [tilespmem:s29], [sflag:$0x1], $0xA00, $0x38;
	[tilespmem:$0x13200] =	vst v63  }
0x2a: {  	_ = 	snop  }
0x2b: {  	[spmem:s18] =	stream.linear.scatter [tilespmem:s29], [sflag:$0x1], $0xA00, $0x38;
	[tilespmem:$0x13200] =	vst v63  }
0x2c: {  	_ = 	snop  }
0x2d: {  	[spmem:s19] =	stream.linear.scatter [tilespmem:s29], [sflag:$0x1], $0xA00, $0x38;
	[tilespmem:$0x13200] =	vst v63  }
0x2e: {  	_ = 	snop  }
0x2f: {  	[spmem:s20] =	stream.linear.scatter [tilespmem:s29], [sflag:$0x1], $0xA00, $0x38;
	[tilespmem:$0x13200] =	vst v63  }
0x30: {  	_ = 	snop  }
0x31: {  	[spmem:s21] =	stream.linear.scatter [tilespmem:s29], [sflag:$0x1], $0xA00, $0x38;
	[tilespmem:$0x13200] =	vst v63  }
0x32: {  	_ = 	snop  }
0x33: {  	[spmem:s22] =	stream.linear.scatter [tilespmem:s29], [sflag:$0x1], $0xA00, $0x38;
	[tilespmem:$0x13200] =	vst v63  }
0x34: {  	_ = 	snop  }
0x35: {  	[spmem:s23] =	stream.linear.scatter [tilespmem:s29], [sflag:$0x1], $0xA00, $0x38;
	[tilespmem:$0x13200] =	vst v63  }
0x36: {  	_ = 	snop  }
0x37: {  	[spmem:s24] =	stream.linear.scatter [tilespmem:s29], [sflag:$0x1], $0xA00, $0x38;
	[tilespmem:$0x13200] =	vst v63  }
0x38: {  	_ = 	snop  }
0x39: {  	[spmem:s26] =	stream.linear.scatter [tilespmem:s29], [sflag:$0x1], $0xA00, $0x38;
	[tilespmem:$0x13200] =	vst v63  }
0x3a: {  	_ = 	snop  }
0x3b: {  	[spmem:s28] =	stream.linear.scatter [tilespmem:s29], [sflag:$0x1], $0xA00, $0x38;
	[tilespmem:$0x13200] =	vst v63  }
0x3c: {  	s14 =	rddreg [dreg:$0x4];
	s9 =	simm.s32 $0x0  }
0x3d: {  	[tilespmem:s30], [sflag:$0x2] =	stream.linear.gather [hbm4b:s14+s9], $0x2800, $0x38;
	[tilespmem:$0x13200] =	vst v63  }
0x3e: {  	_ =	swait.ge [sflag:s31], $0x2800  }
0x3f: {  	[sflag:s31] =	ssyncset.done $0x0  }
0x40: {  	s15 =	rddreg [dreg:$0x5];
	[sflag:s31] =	ssyncadd.s32 $0xFFFFD800  }
0x41: {  	[tilespmem:s0], [sflag:$0x2] =	stream.linear.gather [hbm4b:s15+s9], $0x4000, $0x38;
	[tilespmem:$0x13200] =	vst v63  }
0x42: {  	_ =	swait.ge [sflag:s31], $0x4000  }
0x43: {  	[sflag:s31] =	ssyncset.done $0x0  }
0x44: {  	[sflag:s31] =	ssyncadd.s32 $0xFFFFC000  }
0x45: {  	_ =	swait.ge [sflag:s3], $0xA00  }
0x46: {  	[sflag:s3] =	ssyncset.done $0x0  }
0x47: {  	[sflag:s3] =	ssyncadd.s32 $0xFFFFF600  }
0x48: {  	_ =	swait.ge [sflag:s3], $0xA00  }
0x49: {  	[sflag:s3] =	ssyncset.done $0x0  }
0x4a: {  	[sflag:s3] =	ssyncadd.s32 $0xFFFFF600  }
0x4b: {  	_ =	swait.ge [sflag:s3], $0xA00  }
0x4c: {  	[sflag:s3] =	ssyncset.done $0x0  }
0x4d: {  	[sflag:s3] =	ssyncadd.s32 $0xFFFFF600  }
0x4e: {  	_ =	swait.ge [sflag:s3], $0xA00  }
0x4f: {  	[sflag:s3] =	ssyncset.done $0x0  }
0x50: {  	[sflag:s3] =	ssyncadd.s32 $0xFFFFF600  }
0x51: {  	_ =	swait.ge [sflag:s3], $0xA00  }
0x52: {  	[sflag:s3] =	ssyncset.done $0x0  }
0x53: {  	[sflag:s3] =	ssyncadd.s32 $0xFFFFF600  }
0x54: {  	_ =	swait.ge [sflag:s3], $0xA00  }
0x55: {  	[sflag:s3] =	ssyncset.done $0x0  }
0x56: {  	[sflag:s3] =	ssyncadd.s32 $0xFFFFF600  }
0x57: {  	_ =	swait.ge [sflag:s3], $0xA00  }
0x58: {  	[sflag:s3] =	ssyncset.done $0x0  }
0x59: {  	[sflag:s3] =	ssyncadd.s32 $0xFFFFF600  }
0x5a: {  	_ =	swait.ge [sflag:s3], $0xA00  }
0x5b: {  	[sflag:s3] =	ssyncset.done $0x0  }
0x5c: {  	[sflag:s3] =	ssyncadd.s32 $0xFFFFF600  }
0x5d: {  	_ =	swait.ge [sflag:s3], $0xA00  }
0x5e: {  	[sflag:s3] =	ssyncset.done $0x0  }
0x5f: {  	[sflag:s3] =	ssyncadd.s32 $0xFFFFF600  }
0x60: {  	_ =	swait.ge [sflag:s3], $0xA00  }
0x61: {  	[sflag:s3] =	ssyncset.done $0x0  }
0x62: {  	[sflag:s3] =	ssyncadd.s32 $0xFFFFF600  }
0x63: {  	_ =	swait.ge [sflag:s3], $0xA00  }
0x64: {  	[sflag:s3] =	ssyncset.done $0x0  }
0x65: {  	[sflag:s3] =	ssyncadd.s32 $0xFFFFF600  }
0x66: {  	_ =	swait.ge [sflag:s3], $0xA00  }
0x67: {  	[sflag:s3] =	ssyncset.done $0x0  }
0x68: {  	[sflag:s3] =	ssyncadd.s32 $0xFFFFF600  }
0x69: {  	_ =	swait.ge [sflag:s3], $0xA00  }
0x6a: {  	[sflag:s3] =	ssyncset.done $0x0  }
0x6b: {  	[sflag:s3] =	ssyncadd.s32 $0xFFFFF600  }
0x6c: {  	_ =	swait.ge [sflag:s3], $0xA00  }
0x6d: {  	[sflag:s3] =	ssyncset.done $0x0  }
0x6e: {  	[sflag:s3] =	ssyncadd.s32 $0xFFFFF600  }
0x6f: {  	_ =	swait.ge [sflag:s3], $0xA00  }
0x70: {  	[sflag:s3] =	ssyncset.done $0x0  }
0x71: {  	[sflag:s3] =	ssyncadd.s32 $0xFFFFF600  }
0x72: {  	_ =	swait.ge [sflag:s3], $0xA00  }
0x73: {  	[sflag:s3] =	ssyncset.done $0x0  }
0x74: {  	[sflag:s3] =	ssyncadd.s32 $0xFFFFF600  }
0x75: {  	s11 =	simm.s32 $0x0;
	[bflag:$0x0] =	sbarrier.arrive $0xFFFF  }
.LBB2_4:
0x76: {  	s12 =	sshll.u32 s11, $0xB  }
0x77: {  	s12 =	sadd.s32 s12, s8  }
0x78: {  	s12 =	sshrl.u32 s12, $0x3  }
0x79: {  	s13 =	sadd.s32 s1, s12  }
0x7a: {  	[tilespmem:s9], [sflag:$0x2] =	stream.linear.gather [hbm4b:s13+s9], $0x800, $0x38;
	[tilespmem:$0x13200] =	vst v63  }
0x7b: {  	_ =	swait.ge [sflag:s31], $0x800  }
0x7c: {  	[sflag:s31] =	ssyncset.done $0x0  }
0x7d: {  	s12 =	sadd.s32 s6, s12;
	[sflag:s31] =	ssyncadd.s32 $0xFFFFF800  }
0x7e: {  	[tilespmem:s5], [sflag:$0x2] =	stream.linear.gather [hbm4b:s12+s9], $0x800, $0x38;
	[tilespmem:$0x13200] =	vst v63  }
0x7f: {  	_ =	swait.ge [sflag:s31], $0x800  }
0x80: {  	[sflag:s31] =	ssyncset.done $0x0  }
0x81: {  	s12 =	simm.s32 $0x0;
	[sflag:s31] =	ssyncadd.s32 $0xFFFFF800  }
.LBB2_5:
0x82: {  	s13 =	sshra.s32 s12, $0x2  }
0x83: {  	v2 =	vld [tilespmem:s13+$0x0]  }
0x84: {  	v3 =	vld [tilespmem:s13+$0x800];
	_ =	sdelay $0x3  }
0x85: {  	v4 =	vand.u32 $0x1, v2  }
0x86: {  	v16 =	vand.u32 $0x1, v3;
	vm0 =	veq.s32 v4, $0x1  }
0x87: {  	v2 =	vshra.s32 v2, $0x1;
	v6 =	vmul.u32 $0x1400, v16;
	v5 =	vsel vm0, $0x1400, v0  }
0x88: {  	v3 =	vshra.s32 v3, $0x1;
	v2 =	vadd.s32 v2, v5  }
0x89: {  	v17 =	vadd.s32 v3, v6;
	_ =	sdelay $0x3  }
0x8a: {  	v2 =	vld.idx.msk [tilespmem:v2+s30+$0x0], $0xffff  }
0x8b: {  	v5 =	vld.idx.msk [tilespmem:v17+s30+$0x0], $0xffff;
	_ =	sdelay $0x3  }
0x8c: {  	v2 =	vshll.u32 v2, $0x7  }
0x8d: {  	v18 =	vld [tilespmem:s13+$0x10];
	v2 =	vadd.s32 v2, v5  }
0x8e: {  	v19 =	vld [tilespmem:s13+$0x810];
	_ =	sdelay $0x3  }
0x8f: {  	v7 =	vand.u32 $0x1, v18;
	v2 =	vld.idx.msk [tilespmem:v2+s0+$0x0], $0xffff  }
0x90: {  	v20 =	vand.u32 $0x1, v19;
	vm9 =	veq.s32 v7, $0x1  }
0x91: {  	v9 =	vmul.u32 $0x1400, v20;
	v8 =	vsel vm9, $0x1400, v0;
	v5 =	vshra.s32 v18, $0x1  }
0x92: {  	v6 =	vshra.s32 v19, $0x1;
	v5 =	vadd.s32 v5, v8  }
0x93: {  	v3 =	vshll.u32 v3, $0x7;
	v21 =	vadd.s32 v6, v9  }
0x94: {  	v2 =	vadd.s32 v3, v2;
	v3 =	vshll.u32 v16, $0x4  }
0x95: {  	[tilespmem:s13+$0x7800] =	vst v2;
	v2 =	vshll.u32 v1, v3  }
0x96: {  	[tilespmem:s13+$0x8000] =	vst v2  }
0x97: {  	v2 =	vld.idx.msk [tilespmem:v5+s30+$0x0], $0xffff  }
0x98: {  	v3 =	vld.idx.msk [tilespmem:v21+s30+$0x0], $0xffff;
	_ =	sdelay $0x3  }
0x99: {  	v2 =	vshll.u32 v2, $0x7  }
0x9a: {  	v2 =	vadd.s32 v2, v3;
	v3 =	vld [tilespmem:s13+$0x20]  }
0x9b: {  	v22 =	vld [tilespmem:s13+$0x820];
	_ =	sdelay $0x3  }
0x9c: {  	v2 =	vld.idx.msk [tilespmem:v2+s0+$0x0], $0xffff;
	v23 =	vand.u32 $0x1, v3  }
0x9d: {  	v24 =	vand.u32 $0x1, v22;
	vm10 =	veq.s32 v23, $0x1  }
0x9e: {  	v26 =	vmul.u32 $0x1400, v24;
	v3 =	vshra.s32 v3, $0x1;
	v25 =	vsel vm10, $0x1400, v0  }
0x9f: {  	v4 =	vshra.s32 v22, $0x1;
	v3 =	vadd.s32 v3, v25  }
0xa0: {  	v27 =	vadd.s32 v4, v26;
	v6 =	vshll.u32 v6, $0x7  }
0xa1: {  	v28 =	vshll.u32 v20, $0x4;
	v2 =	vadd.s32 v6, v2  }
0xa2: {  	[tilespmem:s13+$0x7810] =	vst v2;
	v2 =	vshll.u32 v1, v28  }
0xa3: {  	[tilespmem:s13+$0x8010] =	vst v2  }
0xa4: {  	v2 =	vld.idx.msk [tilespmem:v3+s30+$0x0], $0xffff  }
0xa5: {  	v3 =	vld.idx.msk [tilespmem:v27+s30+$0x0], $0xffff;
	_ =	sdelay $0x3  }
0xa6: {  	v2 =	vshll.u32 v2, $0x7  }
0xa7: {  	v2 =	vadd.s32 v2, v3;
	v3 =	vld [tilespmem:s13+$0x30]  }
0xa8: {  	v29 =	vld [tilespmem:s13+$0x830];
	_ =	sdelay $0x3  }
0xa9: {  	v2 =	vld.idx.msk [tilespmem:v2+s0+$0x0], $0xffff;
	v30 =	vand.u32 $0x1, v3  }
0xaa: {  	v31 =	vand.u32 $0x1, v29;
	vm11 =	veq.s32 v30, $0x1  }
0xab: {  	v33 =	vmul.u32 $0x1400, v31;
	v3 =	vshra.s32 v3, $0x1;
	v32 =	vsel vm11, $0x1400, v0  }
0xac: {  	v6 =	vshra.s32 v29, $0x1;
	v3 =	vadd.s32 v3, v32  }
0xad: {  	v4 =	vshll.u32 v4, $0x7;
	v34 =	vadd.s32 v6, v33  }
0xae: {  	v35 =	vshll.u32 v24, $0x4;
	v2 =	vadd.s32 v4, v2  }
0xaf: {  	[tilespmem:s13+$0x7820] =	vst v2;
	v2 =	vshll.u32 v1, v35  }
0xb0: {  	[tilespmem:s13+$0x8020] =	vst v2  }
0xb1: {  	v2 =	vld.idx.msk [tilespmem:v3+s30+$0x0], $0xffff  }
0xb2: {  	v3 =	vld.idx.msk [tilespmem:v34+s30+$0x0], $0xffff;
	_ =	sdelay $0x3  }
0xb3: {  	v2 =	vshll.u32 v2, $0x7  }
0xb4: {  	v2 =	vadd.s32 v2, v3;
	v3 =	vld [tilespmem:s13+$0x40]  }
0xb5: {  	v36 =	vld [tilespmem:s13+$0x840];
	_ =	sdelay $0x3  }
0xb6: {  	v2 =	vld.idx.msk [tilespmem:v2+s0+$0x0], $0xffff;
	v37 =	vand.u32 $0x1, v3  }
0xb7: {  	v38 =	vand.u32 $0x1, v36;
	vm12 =	veq.s32 v37, $0x1  }
0xb8: {  	v40 =	vmul.u32 $0x1400, v38;
	v3 =	vshra.s32 v3, $0x1;
	v39 =	vsel vm12, $0x1400, v0  }
0xb9: {  	v4 =	vshra.s32 v36, $0x1;
	v3 =	vadd.s32 v3, v39  }
0xba: {  	v6 =	vshll.u32 v6, $0x7;
	v41 =	vadd.s32 v4, v40  }
0xbb: {  	v42 =	vshll.u32 v31, $0x4;
	v2 =	vadd.s32 v6, v2  }
0xbc: {  	[tilespmem:s13+$0x7830] =	vst v2;
	v2 =	vshll.u32 v1, v42  }
0xbd: {  	[tilespmem:s13+$0x8030] =	vst v2  }
0xbe: {  	v2 =	vld.idx.msk [tilespmem:v3+s30+$0x0], $0xffff  }
0xbf: {  	v3 =	vld.idx.msk [tilespmem:v41+s30+$0x0], $0xffff;
	_ =	sdelay $0x3  }
0xc0: {  	v2 =	vshll.u32 v2, $0x7  }
0xc1: {  	v2 =	vadd.s32 v2, v3;
	v3 =	vld [tilespmem:s13+$0x50]  }
0xc2: {  	v43 =	vld [tilespmem:s13+$0x850];
	_ =	sdelay $0x3  }
0xc3: {  	v2 =	vld.idx.msk [tilespmem:v2+s0+$0x0], $0xffff;
	v44 =	vand.u32 $0x1, v3  }
0xc4: {  	v45 =	vand.u32 $0x1, v43;
	vm13 =	veq.s32 v44, $0x1  }
0xc5: {  	v47 =	vmul.u32 $0x1400, v45;
	v3 =	vshra.s32 v3, $0x1;
	v46 =	vsel vm13, $0x1400, v0  }
0xc6: {  	v6 =	vshra.s32 v43, $0x1;
	v3 =	vadd.s32 v3, v46  }
0xc7: {  	v4 =	vshll.u32 v4, $0x7;
	v48 =	vadd.s32 v6, v47  }
0xc8: {  	v49 =	vshll.u32 v38, $0x4;
	v2 =	vadd.s32 v4, v2  }
0xc9: {  	[tilespmem:s13+$0x7840] =	vst v2;
	v2 =	vshll.u32 v1, v49  }
0xca: {  	[tilespmem:s13+$0x8040] =	vst v2  }
0xcb: {  	v2 =	vld.idx.msk [tilespmem:v3+s30+$0x0], $0xffff  }
0xcc: {  	v3 =	vld.idx.msk [tilespmem:v48+s30+$0x0], $0xffff;
	_ =	sdelay $0x3  }
0xcd: {  	v2 =	vshll.u32 v2, $0x7  }
0xce: {  	v2 =	vadd.s32 v2, v3;
	v3 =	vld [tilespmem:s13+$0x60]  }
0xcf: {  	v50 =	vld [tilespmem:s13+$0x860];
	_ =	sdelay $0x3  }
0xd0: {  	v2 =	vld.idx.msk [tilespmem:v2+s0+$0x0], $0xffff;
	v51 =	vand.u32 $0x1, v3  }
0xd1: {  	v52 =	vand.u32 $0x1, v50;
	vm14 =	veq.s32 v51, $0x1  }
0xd2: {  	v54 =	vmul.u32 $0x1400, v52;
	v3 =	vshra.s32 v3, $0x1;
	v53 =	vsel vm14, $0x1400, v0  }
0xd3: {  	v4 =	vshra.s32 v50, $0x1;
	v3 =	vadd.s32 v3, v53  }
0xd4: {  	v6 =	vshll.u32 v6, $0x7;
	v55 =	vadd.s32 v4, v54  }
0xd5: {  	v56 =	vshll.u32 v45, $0x4;
	v2 =	vadd.s32 v6, v2  }
0xd6: {  	[tilespmem:s13+$0x7850] =	vst v2;
	v2 =	vshll.u32 v1, v56  }
0xd7: {  	[tilespmem:s13+$0x8050] =	vst v2  }
0xd8: {  	v2 =	vld.idx.msk [tilespmem:v3+s30+$0x0], $0xffff  }
0xd9: {  	v3 =	vld.idx.msk [tilespmem:v55+s30+$0x0], $0xffff;
	_ =	sdelay $0x3  }
0xda: {  	v2 =	vshll.u32 v2, $0x7  }
0xdb: {  	v2 =	vadd.s32 v2, v3;
	v3 =	vld [tilespmem:s13+$0x70]  }
0xdc: {  	v57 =	vld [tilespmem:s13+$0x870];
	_ =	sdelay $0x3  }
0xdd: {  	v2 =	vld.idx.msk [tilespmem:v2+s0+$0x0], $0xffff;
	v58 =	vand.u32 $0x1, v3  }
0xde: {  	v59 =	vand.u32 $0x1, v57;
	vm15 =	veq.s32 v58, $0x1  }
0xdf: {  	v61 =	vmul.u32 $0x1400, v59;
	v3 =	vshra.s32 v3, $0x1;
	v60 =	vsel vm15, $0x1400, v0  }
0xe0: {  	v6 =	vshra.s32 v57, $0x1;
	v3 =	vadd.s32 v3, v60  }
0xe1: {  	v4 =	vshll.u32 v4, $0x7;
	v62 =	vadd.s32 v6, v61  }
0xe2: {  	v63 =	vshll.u32 v52, $0x4;
	v2 =	vadd.s32 v4, v2  }
0xe3: {  	[tilespmem:s13+$0x7860] =	vst v2;
	v2 =	vshll.u32 v1, v63  }
0xe4: {  	[tilespmem:s13+$0x8060] =	vst v2  }
0xe5: {  	v2 =	vld.idx.msk [tilespmem:v3+s30+$0x0], $0xffff  }
0xe6: {  	v3 =	vld.idx.msk [tilespmem:v62+s30+$0x0], $0xffff;
	_ =	sdelay $0x3  }
0xe7: {  	v2 =	vshll.u32 v2, $0x7  }
0xe8: {  	v2 =	vadd.s32 v2, v3;
	_ =	sdelay $0x4  }
0xe9: {  	v2 =	vld.idx.msk [tilespmem:v2+s0+$0x0], $0xffff;
	_ =	sdelay $0x2  }
0xea: {  	p0 =	sne.s32 s12, $0x1E00  }
.Ltmp1:
0xeb: {  	v3 =	vshll.u32 v6, $0x7;
	(pc) =	sbr.rel @p0 .LBB2_5-.Ltmp1, $4  }
0xec: {  	v2 =	vadd.s32 v3, v2;
	v3 =	vshll.u32 v59, $0x4  }
0xed: {  	[tilespmem:s13+$0x7870] =	vst v2;
	v2 =	vshll.u32 v1, v3  }
0xee: {  	s12 =	sadd.s32 $0x200, s12;
	s14 =	sadd.s32 $0x7800, s13;
	s15 =	sadd.s32 $0x8000, s13;
	[tilespmem:s13+$0x8070] =	vst v2  }
0xef: {  	[spmem:s2] =	stream.indirect.scatter.add.s32 [tilespmem:s15], [sflag:$0x1], $0x1, s14, s7, $0xb8;
	[tilespmem:$0x13200] =	vst v63  }
0xf0: {  	_ =	swait.ge [sflag:s3], $0x80  }
0xf1: {  	[sflag:s3] =	ssyncset.done $0x0  }
0xf2: {  	[sflag:s3] =	ssyncadd.s32 $0xFFFFFF80  }
0xf3: {  	_ =	swait.ge [sflag:s3], $0x80  }
0xf4: {  	[sflag:s3] =	ssyncset.done $0x0  }
0xf5: {  	[sflag:s3] =	ssyncadd.s32 $0xFFFFFF80  }
0xf6: {  	_ =	swait.ge [sflag:s3], $0x80  }
0xf7: {  	[sflag:s3] =	ssyncset.done $0x0  }
0xf8: {  	[sflag:s3] =	ssyncadd.s32 $0xFFFFFF80  }
0xf9: {  	_ =	swait.ge [sflag:s3], $0x80  }
0xfa: {  	[sflag:s3] =	ssyncset.done $0x0  }
0xfb: {  	[sflag:s3] =	ssyncadd.s32 $0xFFFFFF80  }
0xfc: {  	_ =	swait.ge [sflag:s3], $0x80  }
0xfd: {  	[sflag:s3] =	ssyncset.done $0x0  }
0xfe: {  	[sflag:s3] =	ssyncadd.s32 $0xFFFFFF80  }
0xff: {  	_ =	swait.ge [sflag:s3], $0x80  }
0x100: {  	[sflag:s3] =	ssyncset.done $0x0  }
0x101: {  	[sflag:s3] =	ssyncadd.s32 $0xFFFFFF80  }
0x102: {  	_ =	swait.ge [sflag:s3], $0x80  }
0x103: {  	[sflag:s3] =	ssyncset.done $0x0  }
0x104: {  	[sflag:s3] =	ssyncadd.s32 $0xFFFFFF80  }
0x105: {  	_ =	swait.ge [sflag:s3], $0x80  }
0x106: {  	[sflag:s3] =	ssyncset.done $0x0  }
0x107: {  	[sflag:s3] =	ssyncadd.s32 $0xFFFFFF80  }
0x108: {  	_ =	swait.ge [sflag:s3], $0x80  }
0x109: {  	[sflag:s3] =	ssyncset.done $0x0  }
0x10a: {  	[sflag:s3] =	ssyncadd.s32 $0xFFFFFF80  }
0x10b: {  	_ =	swait.ge [sflag:s3], $0x80  }
0x10c: {  	[sflag:s3] =	ssyncset.done $0x0  }
0x10d: {  	[sflag:s3] =	ssyncadd.s32 $0xFFFFFF80  }
0x10e: {  	_ =	swait.ge [sflag:s3], $0x80  }
0x10f: {  	[sflag:s3] =	ssyncset.done $0x0  }
0x110: {  	[sflag:s3] =	ssyncadd.s32 $0xFFFFFF80  }
0x111: {  	_ =	swait.ge [sflag:s3], $0x80  }
0x112: {  	[sflag:s3] =	ssyncset.done $0x0  }
0x113: {  	[sflag:s3] =	ssyncadd.s32 $0xFFFFFF80  }
0x114: {  	_ =	swait.ge [sflag:s3], $0x80  }
0x115: {  	[sflag:s3] =	ssyncset.done $0x0  }
0x116: {  	[sflag:s3] =	ssyncadd.s32 $0xFFFFFF80  }
0x117: {  	_ =	swait.ge [sflag:s3], $0x80  }
0x118: {  	[sflag:s3] =	ssyncset.done $0x0  }
0x119: {  	s11 =	sadd.s32 $0x1, s11;
	[sflag:s3] =	ssyncadd.s32 $0xFFFFFF80  }
0x11a: {  	p0 =	sne.s32 s11, $0x5;
	_ =	swait.ge [sflag:s3], $0x80  }
.Ltmp2:
0x11b: {  	[sflag:s3] =	ssyncset.done $0x0;
	(pc) =	sbr.rel @p0 .LBB2_4-.Ltmp2, $4  }
0x11c: {  	[sflag:s3] =	ssyncadd.s32 $0xFFFFFF80  }
0x11d: {  	_ =	swait.ge [sflag:s3], $0x80  }
0x11e: {  	[sflag:s3] =	ssyncset.done $0x0  }
0x11f: {  	[sflag:s3] =	ssyncadd.s32 $0xFFFFFF80  }
0x120: {  	s9 =	stileid.u32  }
0x121: {  	[bflag:$0x0] =	sbarrier.arrive $0xFFFF;
	s9 =	sshll.u32 s9, $0x6  }
0x122: {  	s11 =	rddreg [dreg:$0x6];
	s9 =	sor.u32 $0x1C02, s9  }
0x123: {  	[hbm:s11], [sflag:s9] =	dma.local [spmem:s25], $0x1400  }
0x124: {  	_ =	swait.ge [sflag:s31], $0x1400  }
0x125: {  	s4 =	sadd.s32 $0x1, s4;
	s15 =	rddreg [dreg:$0x7]  }
0x126: {  	p0 =	sne.s32 s4, s15  }
.Ltmp3:
0x127: {  	_ = 	snop;
	(pc) =	sbr.rel @p0 .LBB2_1-.Ltmp3, $3  }
0x128: {  	_ =	sdelay $0x1  }
0x129: {  	[sflag:s31] =	ssyncset.done $0x0  }
0x12a: {  	[sflag:s31] =	ssyncadd.s32 $0xFFFFEC00  }
0x12b: {  	_ =	sfence.sel $0x180000  }
0x12c: {  	[bflag:$0x0] =	sbarrier.arrive $0xFFFF  }
0x12d: {  	_ =	strace $0x90000050  }
0x12e: {  	s0 =	stileid.u32;
	[bflag:$0x2] =	sbarrier.arrive $0xFFFF  }
0x12f: {  	p0 =	sne.s32 s0, $0x0;
	s0 =	rddreg [dreg:$0x3]  }
0x130: {  	s0 =	sadd.s32 @!p0 $0x100000, s0  }
0x131: {  	[sflag:s0] =	ssyncadd.tile.s32 @!p0 $0x1;
	_ =	shalt  }
.Lfunc_end2:
_tile_overlayer_lowered:
.L_overlay_start_2:
0x132: {  	(tag) =	ssettag $0x2  }
0x133: {  	s0 =	rddreg [dreg:$0x0];
	s2 =	stileid.u32  }
0x134: {  	s1 =	rddreg [dreg:$0x1];
	p0 =	sne.s32 s2, $0x0  }
0x135: {  	s3 =	rddreg [dreg:$0x2];
	[bflag:$0x3] =	sbarrier.arrive $0xFFFF;
	s2 =	simm.s32 @!p0 $0x1C02  }
0x136: {  	[timem:s3], [sflag:s2] =	dma.local @!p0 [hbm:s0], s1  }
0x137: {  	s0 =	simm.s32 @!p0 $0x2  }
0x138: {  	_ =	swait.ge @!p0 [sflag:s0], s1  }
0x139: {  	s1 =	ssub.s32 @!p0 $0x0, s1;
	[sflag:s0] =	ssyncset.done @!p0 $0x0  }
0x13a: {  	[sflag:s0] =	ssyncadd.s32 @!p0 s1  }
0x13b: {  	[bflag:$0x3] =	sbarrier.arrive $0xFFFF  }
0x13c: {  	_ =	shalt  }

// kernel: kernel.21.cloned.1.call-start
scs
__scs_entry_jumppad:
0x0: {  	(pc) =	sbr.rel $0x88, $3  }
0x1: {  	(tag) =	ssettag $0x0;
	lr =	simm.s32 $0x1  }
0x2: {  	[smem:$0x3F96] =	sst lr;
	_ =	strace $0xD0000000  }
0x3: {  	_ = 	snop  }
0x4: {  	_ = 	snop  }
0x5: {  	_ = 	snop  }
0x6: {  	_ = 	snop  }
0x7: {  	_ = 	snop  }
__scs_overlays_trampoline_lowered:
0x8: {  	[smem:$0x3FA5] =	sst s0  }
0x9: {  	[smem:$0x3FA6] =	sst s1  }
0xa: {  	[smem:$0x3FA7] =	sst s2  }
0xb: {  	[smem:$0x3FA8] =	sst s3  }
0xc: {  	[smem:$0x3FA9] =	sst s4  }
0xd: {  	[smem:$0x3FAA] =	sst s5  }
0xe: {  	[smem:$0x3FAB] =	sst s6  }
0xf: {  	[smem:$0x3FAC] =	sst s7  }
0x10: {  	[smem:$0x3FAD] =	sst s8  }
0x11: {  	[smem:$0x3FAE] =	sst s9;
	s0 =	simm.s32 @!p0 $0x0  }
0x12: {  	s1 =	sld [smem:$0x3F94];
	s0 =	simm.s32 @p0 $0x1  }
0x13: {  	[smem:$0x3FAF] =	sst s0;
	s0 =	simm.s32 @!p1 $0x0  }
0x14: {  	s2 =	sld [smem:$0x3F93];
	s0 =	simm.s32 @p1 $0x1  }
0x15: {  	[smem:$0x3FB0] =	sst s0;
	s0 =	simm.s32 @!p2 $0x0  }
0x16: {  	s3 =	sld [smem:$0x3FDB];
	s0 =	simm.s32 @p2 $0x1  }
0x17: {  	s4 =	simm.s32 $0x1BF5;
	[smem:$0x3FB2] =	sst s0  }
0x18: {  	s0 =	sld [smem:$0x3F95];
	_ =	swait.ge [sflag:s4], $0x0  }
0x19: {  	s7 =	sld [smem:$0x3F96]  }
0x1a: {  	s8 =	sadd.s32 $0xFFFFE003, lr  }
0x1b: {  	s9 =	sadd.s32 $0xFFFFFEF7, lr;
	s5 =	simm.s32 $0xFFFFFFFF;
	p2 =	slt.u32 s8, $0xFFFFF086  }
0x1c: {  	p1 =	slt.u32 s9, $0xF7A;
	s5 =	simm.s32 @!p2 $0x0  }
0x1d: {  	s5 =	simm.s32 @p1 $0x1;
	p0 =	seq.s32 s7, s2  }
0x1e: {  	s7 =	smul.u32 @!p0 $0xF7A, s2;
	p2 =	seq.s32 @!p0 s5, $0x0  }
0x1f: {  	s9 =	smul.u32 $0xF7A, s1;
	s8 =	simm.s32 @!p0 $0x1BF5;
	p2 =	por !p2, p0  }
0x20: {  	[sflag:s8] =	ssyncset.s32 @!p0 $0xFFFFF086;
	s6 =	sadd.s32 @!p0 s3, s7;
	s7 =	simm.s32 @!p0 $0x108  }
0x21: {  	s3 =	sadd.s32 s3, s9;
	s6 =	sadd.s32 @!p0 $0x88, s6;
	s7 =	simm.s32 @p2 $0x1082  }
0x22: {  	[simem:s7], [sflag:s8] =	dma.local @!p0 [hbm:s6], $0xF7A  }
0x23: {  	s9 =	sor.u32 $0xD0000000, s2;
	s6 =	simm.s32 $0x108;
	_ =	swait.ge @!p0 [sflag:s8], $0x0  }
0x24: {  	s3 =	sadd.s32 $0x88, s3;
	s6 =	simm.s32 @!p1 $0x1082;
	[sflag:s4] =	ssyncset.s32 $0xFFFFF086  }
0x25: {  	[simem:s6], [sflag:s4] =	dma.local [hbm:s3], $0xF7A  }
0x26: {  	[smem:$0x3F96] =	sst s1;
	(tag) =	ssettag s2;
	_ =	strace s9  }
0x27: {  	s1 =	sld [smem:$0x3FA6]  }
0x28: {  	s2 =	sld [smem:$0x3FA7]  }
0x29: {  	s4 =	sld [smem:$0x3FA9]  }
0x2a: {  	p0 =	seq.s32 s5, $0x0;
	s5 =	sld [smem:$0x3FAA]  }
0x2b: {  	s6 =	sld [smem:$0x3FAB]  }
0x2c: {  	s7 =	sld [smem:$0x3FAC]  }
0x2d: {  	s3 =	simm.s32 $0x108;
	s8 =	sld [smem:$0x3FAD]  }
0x2e: {  	s3 =	simm.s32 @!p0 $0x1082;
	s9 =	sld [smem:$0x3FAE]  }
0x2f: {  	lr =	sadd.s32 s0, s3;
	s0 =	sld [smem:$0x3FA5]  }
0x30: {  	s3 =	sld [smem:$0x3FA8]  }
0x31: {  	[smem:$0x3FB1] =	sst s10  }
0x32: {  	s10 =	sld [smem:$0x3FAF];
	_ =	sdelay $0x3  }
0x33: {  	p0 =	seq.s32 s10, $0x1;
	s10 =	sld [smem:$0x3FB1];
	_ =	sdelay $0x3  }
0x34: {  	[smem:$0x3FB1] =	sst s10  }
0x35: {  	s10 =	sld [smem:$0x3FB0];
	_ =	sdelay $0x3  }
0x36: {  	p1 =	seq.s32 s10, $0x1;
	s10 =	sld [smem:$0x3FB1];
	_ =	sdelay $0x3  }
0x37: {  	[smem:$0x3FB1] =	sst s10  }
0x38: {  	s10 =	sld [smem:$0x3FB2]  }
0x39: {  	_ = 	snop;
	(pc) =	sbr.ind lr, $3  }
0x3a: {  	_ = 	snop  }
0x3b: {  	_ = 	snop  }
0x3c: {  	p2 =	seq.s32 s10, $0x1;
	s10 =	sld [smem:$0x3FB1]  }
0x3d: {  	_ =	shalt  }
0x3e: {  	_ =	shalt  }
0x3f: {  	_ =	shalt  }
0x40: {  	_ =	shalt  }
0x41: {  	_ =	shalt  }
0x42: {  	_ =	shalt  }
0x43: {  	_ =	shalt  }
0x44: {  	_ =	shalt  }
0x45: {  	_ =	shalt  }
0x46: {  	_ =	shalt  }
0x47: {  	_ =	shalt  }
0x48: {  	_ =	shalt  }
0x49: {  	_ =	shalt  }
0x4a: {  	_ =	shalt  }
0x4b: {  	_ =	shalt  }
0x4c: {  	_ =	shalt  }
0x4d: {  	_ =	shalt  }
0x4e: {  	_ =	shalt  }
0x4f: {  	_ =	shalt  }
0x50: {  	_ =	shalt  }
0x51: {  	_ =	shalt  }
0x52: {  	_ =	shalt  }
0x53: {  	_ =	shalt  }
0x54: {  	_ =	shalt  }
0x55: {  	_ =	shalt  }
0x56: {  	_ =	shalt  }
0x57: {  	_ =	shalt  }
0x58: {  	_ =	shalt  }
0x59: {  	_ =	shalt  }
0x5a: {  	_ =	shalt  }
0x5b: {  	_ =	shalt  }
0x5c: {  	_ =	shalt  }
0x5d: {  	_ =	shalt  }
0x5e: {  	_ =	shalt  }
0x5f: {  	_ =	shalt  }
0x60: {  	_ =	shalt  }
0x61: {  	_ =	shalt  }
0x62: {  	_ =	shalt  }
0x63: {  	_ =	shalt  }
0x64: {  	_ =	shalt  }
0x65: {  	_ =	shalt  }
0x66: {  	_ =	shalt  }
0x67: {  	_ =	shalt  }
0x68: {  	_ =	shalt  }
0x69: {  	_ =	shalt  }
0x6a: {  	_ =	shalt  }
0x6b: {  	_ =	shalt  }
0x6c: {  	_ =	shalt  }
0x6d: {  	_ =	shalt  }
0x6e: {  	_ =	shalt  }
0x6f: {  	_ =	shalt  }
0x70: {  	_ =	shalt  }
0x71: {  	_ =	shalt  }
0x72: {  	_ =	shalt  }
0x73: {  	_ =	shalt  }
0x74: {  	_ =	shalt  }
0x75: {  	_ =	shalt  }
0x76: {  	_ =	shalt  }
0x77: {  	_ =	shalt  }
0x78: {  	_ =	shalt  }
0x79: {  	_ =	shalt  }
0x7a: {  	_ =	shalt  }
0x7b: {  	_ =	shalt  }
0x7c: {  	_ =	shalt  }
0x7d: {  	_ =	shalt  }
0x7e: {  	_ =	shalt  }
0x7f: {  	_ =	shalt  }
0x80: {  	_ =	shalt  }
0x81: {  	_ =	shalt  }
0x82: {  	_ =	shalt  }
0x83: {  	_ =	shalt  }
0x84: {  	_ =	shalt  }
0x85: {  	_ =	shalt  }
0x86: {  	_ =	shalt  }
0x87: {  	_ =	shalt  }
.Lfunc_end0:
.L_simem_size_0:
called_computation.4_lowered:
.L_overlay_start_0:
0x88: {  	s2 =	sld [smem:$0x3FD9]  }
0x89: {  	s3 =	sld [smem:$0x3FFE];
	_ =	sdelay $0x1  }
0x8a: {  	s1 =	srdreg.scid  }
0x8b: {  	s0 =	sand.u32 $0x1, s1  }
0x8c: {  	s17 =	sshll.u32 s0, $0xA;
	s2 =	sadd.s32 s3, s2  }
0x8d: {  	s2 =	sadd.s32 s2, s17  }
0x8e: {  	[smem:$0x3FBD] =	sst s2  }
0x8f: {  	_ = 	snop  }
0x90: {  	s2 =	sld [smem:$0x3FD0];
	(tm) =	ssettm $0x1  }
0x91: {  	s18 =	sld [smem:$0x3FFB];
	_ =	sdelay $0x3  }
0x92: {  	_ =	strace s18  }
0x93: {  	s3 =	sld [smem:$0x3FFC];
	_ =	sdelay $0x3  }
0x94: {  	_ =	strace s3  }
0x95: {  	s3 =	sld [smem:$0x3FFD];
	_ =	sdelay $0x3  }
0x96: {  	_ =	strace s3  }
0x97: {  	_ =	strace $0x8FFFFFFF  }
0x98: {  	s19 =	sld [smem:$0x3FDB];
	_ =	sdelay $0x1  }
0x99: {  	s4 =	simm.s32 $_scs_section_size  }
0x9a: {  	s5 =	simm.s32 $_size__tile_overlayer_lowered;
	s6 =	simm.s32 $_tile_overlayer_lowered  }
0x9b: {  	s22 =	simm.s32 $0x1BFF;
	s21 =	sshll.u32 s6, $0x1;
	s3 =	sadd.s32 s4, s19  }
0x9c: {  	s7 =	simm.s32 $0x0;
	s20 =	sshll.u32 s5, $0x1;
	s5 =	sadd.s32 s21, s3  }
0x9d: {  	[timem:s7], [sflag:s22] =	dma.local [hbm:s5], s20  }
0x9e: {  	_ =	swait.ge [sflag:s22], s20  }
0x9f: {  	s4 =	ssub.s32 $0x0, s20;
	[sflag:s22] =	ssyncset.done $0x0  }
0xa0: {  	[sflag:s22] =	ssyncadd.s32 s4;
	_ =	sdelay $0x1  }
0xa1: {  	s23 =	simm.s32 $0x1B8B  }
0xa2: {  	_ =	swait.ge [sflag:s23], $0x1  }
0xa3: {  	[sflag:s23] =	ssyncset.done $0x0  }
0xa4: {  	s25 =	simm.s32 $0x1B8E;
	s24 =	sld [smem:$0x3FFE];
	[sflag:s23] =	ssyncadd.s32 $0xFFFFFFFF  }
0xa5: {  	s26 =	simm.s32 $execute0_lowered;
	[smem:$0x3FD2] =	sst s25  }
0xa6: {  	s5 =	sshll.u32 s26, $0x1;
	_ =	strace $0x80000052;
	[dreg:$0x1] =	wrdreg $0xFFFFFFFF  }
0xa7: {  	s28 =	simm.s32 $_size_execute0_lowered;
	s3 =	sadd.s32 s3, s5;
	[dreg:$0x0] =	wrdreg $0x0  }
0xa8: {  	s5 =	sshll.u32 s28, $0x1;
	[dreg:$0x2] =	wrdreg s3  }
0xa9: {  	[dreg:$0x3] =	wrdreg s5  }
0xaa: {  	[dreg:$0x4] =	wrdreg $0xC0  }
0xab: {  	_ =	task [dreg:s7], $0x5FFFF  }
0xac: {  	[dreg:$0x1] =	wrdreg $0xFFFFFFFF  }
0xad: {  	[dreg:$0x0] =	wrdreg $0x60  }
0xae: {  	[dreg:$0x2] =	wrdreg s24  }
0xaf: {  	[dreg:$0x3] =	wrdreg s2  }
0xb0: {  	[dreg:$0x4] =	wrdreg $0x92000  }
0xb1: {  	[dreg:$0x5] =	wrdreg $0x9  }
0xb2: {  	_ =	task.clear_ibuf [dreg:s7], $0x6FFFF;
	_ =	strace $0x90000052  }
0xb3: {  	s29 =	simm.s32 $0x9;
	_ =	strace $0x80000054  }
0xb4: {  	_ =	swait.ge [sflag:s29], $0x1  }
0xb5: {  	[sflag:s29] =	ssyncadd.s32 $0xFFFFFFFF  }
0xb6: {  	_ =	strace $0x90000054  }
0xb7: {  	_ =	sfence  }
0xb8: {  	s30 =	sld [smem:$0x0];
	_ =	sdelay $0x2  }
0xb9: {  	s31 =	sshll.u32 s1, $0xD;
	s1 =	sshrl.u32 s1, $0x2  }
0xba: {  	s3 =	sand.u32 $0x4000, s31;
	s1 =	sadd.s32 s1, s30  }
0xbb: {  	s0 =	sor.u32 s3, s0;
	s1 =	sshll.u32 s1, $0x11  }
0xbc: {  	s0 =	sor.u32 s1, s0  }
0xbd: {  	s0 =	sadd.s32 $0x8F2B, s0  }
0xbe: {  	[sflag:s0] =	ssyncadd.remote.s32 $0x1  }
0xbf: {  	_ =	sfence.sel $0xFFFF  }
0xc0: {  	[dreg:$0x0] =	wrdreg $0xFFFFFFFF;
	(pc) =	sbr.abs _section_cstart, $3  }
0xc1: {  	[dreg:$0x1] =	wrdreg $0xFFFFFFFF  }
0xc2: {  	_ =	task.clear_ibuf [dreg:s7], $0x2FFFF;
	_ =	strace $0x9FFFFFFF  }
0xc3: {  	(tm) =	ssettm $0x7FFFFFFF  }
tec
execute0_lowered:
.L_overlay_start_1:
0x0: {  	(tag) =	ssettag $0x1  }
0x1: {  	s0 =	rddreg [dreg:$0x0]  }
0x2: {  	s1 =	rddreg [dreg:$0x1]  }
0x3: {  	s2 =	rddreg [dreg:$0x2]  }
0x4: {  	s3 =	srdreg.scid;
	s4 =	simm.s32 $0x0;
	s10 =	stileid.u32  }
0x5: {  	s29 =	simm.s32 $0x8800;
	s30 =	simm.s32 $0x1000;
	s7 =	smul.u32 $0xA000, s10  }
0x6: {  	s31 =	simm.s32 $0x2;
	s3 =	sand.u32 $0x1, s3;
	s9 =	smul.u32 $0x2800, s10  }
0x7: {  	[smem:$0x7FF] =	sst s4;
	s6 =	sadd.s32 $0x2C200, s0;
	s10 =	smul.u32 $0x28000, s10  }
0x8: {  	s11 =	sadd.s32 $0x5E000, s0;
	s5 =	smul.u32 $0xA0000, s3;
	_ =	strace $0x80000053  }
0x9: {  	[dreg:$0x4] =	wrdreg s6;
	s8 =	smul.u32 $0x28000, s3;
	s3 =	ssub.s32 $0x2, s3  }
0xa: {  	s6 =	sadd.s32 $0x54000, s0;
	[dreg:$0x5] =	wrdreg s11;
	s13 =	sshrl.u32 s3, $0x1  }
0xb: {  	s14 =	sshrl.u32 s10, $0x2;
	s15 =	sadd.s32 s7, s2;
	s5 =	sadd.s32 s7, s5  }
0xc: {  	s3 =	ssub.s32 s3, s13;
	s8 =	sadd.s32 s9, s8;
	s10 =	sadd.s32 s14, s2  }
0xd: {  	s7 =	simm.s32 $0x80;
	s5 =	sshrl.u32 s5, $0x3;
	s3 =	smax.u32 s3, $0x1  }
0xe: {  	s23 =	sadd.s32 $0xA00, s10;
	s24 =	sadd.s32 $0x1400, s10;
	s25 =	sadd.s32 $0x1E00, s10  }
0xf: {  	s26 =	sadd.s32 $0x2800, s10;
	s16 =	sadd.s32 $0x3200, s10;
	[dreg:$0x7] =	wrdreg s3  }
0x10: {  	s17 =	sadd.s32 $0x3C00, s10;
	s18 =	sadd.s32 $0x4600, s10;
	[dreg:$0x8] =	wrdreg s23  }
0x11: {  	s19 =	sadd.s32 $0x5000, s10;
	s20 =	sadd.s32 $0x5A00, s10;
	[dreg:$0x9] =	wrdreg s24  }
0x12: {  	s21 =	sadd.s32 $0x6400, s10;
	s22 =	sadd.s32 $0x6E00, s10;
	[dreg:$0xa] =	wrdreg s25  }
0x13: {  	s28 =	sadd.s32 $0x9600, s10;
	s0 =	sadd.s32 s5, s0;
	[dreg:$0xb] =	wrdreg s26  }
0x14: {  	s23 =	sadd.s32 $0x7800, s10;
	s24 =	sadd.s32 $0x8200, s10;
	s25 =	sshrl.u32 s15, $0x3  }
0x15: {  	s26 =	sadd.s32 $0x8C00, s10;
	s3 =	simm.s32 $0x1;
	s0 =	sadd.s32 $0x3A00, s0  }
0x16: {  	v0 =	vimm.s32 $0x0;
	v1 =	vimm.s32 $0x1;
	s5 =	simm.s32 $0x800;
	[dreg:$0x6] =	wrdreg s0;
	s0 =	simm.s32 $0x3800  }
.LBB2_1:
0x17: {  	s9 =	simm.s32 $0x40;
	s11 =	simm.s32 $0x0  }
.LBB2_2:
0x18: {  	p0 =	sne.s32 s9, $0x27C0;
	[tilespmem:s11+$0x8800] =	vst v0;
	s11 =	smov.u32 s9;
	s9 =	sadd.s32 $0x40, s9  }
.Ltmp0:
0x19: {  	(pc) =	sbr.rel @p0 .LBB2_2-.Ltmp0, $2  }
0x1a: {  	_ =	sdelay $0x2  }
0x1b: {  	s11 =	sshra.s32 s11, $0x2  }
0x1c: {  	[tilespmem:s11+$0x8800] =	vst v0  }
0x1d: {  	[spmem:s10] =	stream.linear.scatter [tilespmem:s29], [sflag:$0x1], $0xA00, $0x38;
	[tilespmem:$0x13200] =	vst v63  }
0x1e: {  	s9 =	rddreg [dreg:$0x8]  }
0x1f: {  	[spmem:s9] =	stream.linear.scatter [tilespmem:s29], [sflag:$0x1], $0xA00, $0x38;
	[tilespmem:$0x13200] =	vst v63  }
0x20: {  	s11 =	rddreg [dreg:$0x9]  }
0x21: {  	[spmem:s11] =	stream.linear.scatter [tilespmem:s29], [sflag:$0x1], $0xA00, $0x38;
	[tilespmem:$0x13200] =	vst v63  }
0x22: {  	s12 =	rddreg [dreg:$0xa]  }
0x23: {  	[spmem:s12] =	stream.linear.scatter [tilespmem:s29], [sflag:$0x1], $0xA00, $0x38;
	[tilespmem:$0x13200] =	vst v63  }
0x24: {  	s13 =	rddreg [dreg:$0xb]  }
0x25: {  	[spmem:s13] =	stream.linear.scatter [tilespmem:s29], [sflag:$0x1], $0xA00, $0x38;
	[tilespmem:$0x13200] =	vst v63  }
0x26: {  	_ = 	snop  }
0x27: {  	[spmem:s16] =	stream.linear.scatter [tilespmem:s29], [sflag:$0x1], $0xA00, $0x38;
	[tilespmem:$0x13200] =	vst v63  }
0x28: {  	_ = 	snop  }
0x29: {  	[spmem:s17] =	stream.linear.scatter [tilespmem:s29], [sflag:$0x1], $0xA00, $0x38;
	[tilespmem:$0x13200] =	vst v63  }
0x2a: {  	_ = 	snop  }
0x2b: {  	[spmem:s18] =	stream.linear.scatter [tilespmem:s29], [sflag:$0x1], $0xA00, $0x38;
	[tilespmem:$0x13200] =	vst v63  }
0x2c: {  	_ = 	snop  }
0x2d: {  	[spmem:s19] =	stream.linear.scatter [tilespmem:s29], [sflag:$0x1], $0xA00, $0x38;
	[tilespmem:$0x13200] =	vst v63  }
0x2e: {  	_ = 	snop  }
0x2f: {  	[spmem:s20] =	stream.linear.scatter [tilespmem:s29], [sflag:$0x1], $0xA00, $0x38;
	[tilespmem:$0x13200] =	vst v63  }
0x30: {  	_ = 	snop  }
0x31: {  	[spmem:s21] =	stream.linear.scatter [tilespmem:s29], [sflag:$0x1], $0xA00, $0x38;
	[tilespmem:$0x13200] =	vst v63  }
0x32: {  	_ = 	snop  }
0x33: {  	[spmem:s22] =	stream.linear.scatter [tilespmem:s29], [sflag:$0x1], $0xA00, $0x38;
	[tilespmem:$0x13200] =	vst v63  }
0x34: {  	_ = 	snop  }
0x35: {  	[spmem:s23] =	stream.linear.scatter [tilespmem:s29], [sflag:$0x1], $0xA00, $0x38;
	[tilespmem:$0x13200] =	vst v63  }
0x36: {  	_ = 	snop  }
0x37: {  	[spmem:s24] =	stream.linear.scatter [tilespmem:s29], [sflag:$0x1], $0xA00, $0x38;
	[tilespmem:$0x13200] =	vst v63  }
0x38: {  	_ = 	snop  }
0x39: {  	[spmem:s26] =	stream.linear.scatter [tilespmem:s29], [sflag:$0x1], $0xA00, $0x38;
	[tilespmem:$0x13200] =	vst v63  }
0x3a: {  	_ = 	snop  }
0x3b: {  	[spmem:s28] =	stream.linear.scatter [tilespmem:s29], [sflag:$0x1], $0xA00, $0x38;
	[tilespmem:$0x13200] =	vst v63  }
0x3c: {  	s14 =	rddreg [dreg:$0x4];
	s9 =	simm.s32 $0x0  }
0x3d: {  	[tilespmem:s30], [sflag:$0x2] =	stream.linear.gather [hbm4b:s14+s9], $0x2800, $0x38;
	[tilespmem:$0x13200] =	vst v63  }
0x3e: {  	_ =	swait.ge [sflag:s31], $0x2800  }
0x3f: {  	[sflag:s31] =	ssyncset.done $0x0  }
0x40: {  	s15 =	rddreg [dreg:$0x5];
	[sflag:s31] =	ssyncadd.s32 $0xFFFFD800  }
0x41: {  	[tilespmem:s0], [sflag:$0x2] =	stream.linear.gather [hbm4b:s15+s9], $0x4000, $0x38;
	[tilespmem:$0x13200] =	vst v63  }
0x42: {  	_ =	swait.ge [sflag:s31], $0x4000  }
0x43: {  	[sflag:s31] =	ssyncset.done $0x0  }
0x44: {  	[sflag:s31] =	ssyncadd.s32 $0xFFFFC000  }
0x45: {  	_ =	swait.ge [sflag:s3], $0xA00  }
0x46: {  	[sflag:s3] =	ssyncset.done $0x0  }
0x47: {  	[sflag:s3] =	ssyncadd.s32 $0xFFFFF600  }
0x48: {  	_ =	swait.ge [sflag:s3], $0xA00  }
0x49: {  	[sflag:s3] =	ssyncset.done $0x0  }
0x4a: {  	[sflag:s3] =	ssyncadd.s32 $0xFFFFF600  }
0x4b: {  	_ =	swait.ge [sflag:s3], $0xA00  }
0x4c: {  	[sflag:s3] =	ssyncset.done $0x0  }
0x4d: {  	[sflag:s3] =	ssyncadd.s32 $0xFFFFF600  }
0x4e: {  	_ =	swait.ge [sflag:s3], $0xA00  }
0x4f: {  	[sflag:s3] =	ssyncset.done $0x0  }
0x50: {  	[sflag:s3] =	ssyncadd.s32 $0xFFFFF600  }
0x51: {  	_ =	swait.ge [sflag:s3], $0xA00  }
0x52: {  	[sflag:s3] =	ssyncset.done $0x0  }
0x53: {  	[sflag:s3] =	ssyncadd.s32 $0xFFFFF600  }
0x54: {  	_ =	swait.ge [sflag:s3], $0xA00  }
0x55: {  	[sflag:s3] =	ssyncset.done $0x0  }
0x56: {  	[sflag:s3] =	ssyncadd.s32 $0xFFFFF600  }
0x57: {  	_ =	swait.ge [sflag:s3], $0xA00  }
0x58: {  	[sflag:s3] =	ssyncset.done $0x0  }
0x59: {  	[sflag:s3] =	ssyncadd.s32 $0xFFFFF600  }
0x5a: {  	_ =	swait.ge [sflag:s3], $0xA00  }
0x5b: {  	[sflag:s3] =	ssyncset.done $0x0  }
0x5c: {  	[sflag:s3] =	ssyncadd.s32 $0xFFFFF600  }
0x5d: {  	_ =	swait.ge [sflag:s3], $0xA00  }
0x5e: {  	[sflag:s3] =	ssyncset.done $0x0  }
0x5f: {  	[sflag:s3] =	ssyncadd.s32 $0xFFFFF600  }
0x60: {  	_ =	swait.ge [sflag:s3], $0xA00  }
0x61: {  	[sflag:s3] =	ssyncset.done $0x0  }
0x62: {  	[sflag:s3] =	ssyncadd.s32 $0xFFFFF600  }
0x63: {  	_ =	swait.ge [sflag:s3], $0xA00  }
0x64: {  	[sflag:s3] =	ssyncset.done $0x0  }
0x65: {  	[sflag:s3] =	ssyncadd.s32 $0xFFFFF600  }
0x66: {  	_ =	swait.ge [sflag:s3], $0xA00  }
0x67: {  	[sflag:s3] =	ssyncset.done $0x0  }
0x68: {  	[sflag:s3] =	ssyncadd.s32 $0xFFFFF600  }
0x69: {  	_ =	swait.ge [sflag:s3], $0xA00  }
0x6a: {  	[sflag:s3] =	ssyncset.done $0x0  }
0x6b: {  	[sflag:s3] =	ssyncadd.s32 $0xFFFFF600  }
0x6c: {  	_ =	swait.ge [sflag:s3], $0xA00  }
0x6d: {  	[sflag:s3] =	ssyncset.done $0x0  }
0x6e: {  	[sflag:s3] =	ssyncadd.s32 $0xFFFFF600  }
0x6f: {  	_ =	swait.ge [sflag:s3], $0xA00  }
0x70: {  	[sflag:s3] =	ssyncset.done $0x0  }
0x71: {  	[sflag:s3] =	ssyncadd.s32 $0xFFFFF600  }
0x72: {  	_ =	swait.ge [sflag:s3], $0xA00  }
0x73: {  	[sflag:s3] =	ssyncset.done $0x0  }
0x74: {  	[sflag:s3] =	ssyncadd.s32 $0xFFFFF600  }
0x75: {  	s11 =	simm.s32 $0x0;
	[bflag:$0x0] =	sbarrier.arrive $0xFFFF  }
.LBB2_4:
0x76: {  	s12 =	sshll.u32 s11, $0xB  }
0x77: {  	s12 =	sadd.s32 s12, s8  }
0x78: {  	s12 =	sshrl.u32 s12, $0x3  }
0x79: {  	s13 =	sadd.s32 s1, s12  }
0x7a: {  	[tilespmem:s9], [sflag:$0x2] =	stream.linear.gather [hbm4b:s13+s9], $0x800, $0x38;
	[tilespmem:$0x13200] =	vst v63  }
0x7b: {  	_ =	swait.ge [sflag:s31], $0x800  }
0x7c: {  	[sflag:s31] =	ssyncset.done $0x0  }
0x7d: {  	s12 =	sadd.s32 s6, s12;
	[sflag:s31] =	ssyncadd.s32 $0xFFFFF800  }
0x7e: {  	[tilespmem:s5], [sflag:$0x2] =	stream.linear.gather [hbm4b:s12+s9], $0x800, $0x38;
	[tilespmem:$0x13200] =	vst v63  }
0x7f: {  	_ =	swait.ge [sflag:s31], $0x800  }
0x80: {  	[sflag:s31] =	ssyncset.done $0x0  }
0x81: {  	s12 =	simm.s32 $0x0;
	[sflag:s31] =	ssyncadd.s32 $0xFFFFF800  }
.LBB2_5:
0x82: {  	s13 =	sshra.s32 s12, $0x2  }
0x83: {  	v2 =	vld [tilespmem:s13+$0x0]  }
0x84: {  	v3 =	vld [tilespmem:s13+$0x800];
	_ =	sdelay $0x3  }
0x85: {  	v4 =	vand.u32 $0x1, v2  }
0x86: {  	v16 =	vand.u32 $0x1, v3;
	vm0 =	veq.s32 v4, $0x1  }
0x87: {  	v2 =	vshra.s32 v2, $0x1;
	v6 =	vmul.u32 $0x1400, v16;
	v5 =	vsel vm0, $0x1400, v0  }
0x88: {  	v3 =	vshra.s32 v3, $0x1;
	v2 =	vadd.s32 v2, v5  }
0x89: {  	v17 =	vadd.s32 v3, v6;
	_ =	sdelay $0x3  }
0x8a: {  	v2 =	vld.idx.msk [tilespmem:v2+s30+$0x0], $0xffff  }
0x8b: {  	v5 =	vld.idx.msk [tilespmem:v17+s30+$0x0], $0xffff;
	_ =	sdelay $0x3  }
0x8c: {  	v2 =	vshll.u32 v2, $0x7  }
0x8d: {  	v18 =	vld [tilespmem:s13+$0x10];
	v2 =	vadd.s32 v2, v5  }
0x8e: {  	v19 =	vld [tilespmem:s13+$0x810];
	_ =	sdelay $0x3  }
0x8f: {  	v7 =	vand.u32 $0x1, v18;
	v2 =	vld.idx.msk [tilespmem:v2+s0+$0x0], $0xffff  }
0x90: {  	v20 =	vand.u32 $0x1, v19;
	vm9 =	veq.s32 v7, $0x1  }
0x91: {  	v9 =	vmul.u32 $0x1400, v20;
	v8 =	vsel vm9, $0x1400, v0;
	v5 =	vshra.s32 v18, $0x1  }
0x92: {  	v6 =	vshra.s32 v19, $0x1;
	v5 =	vadd.s32 v5, v8  }
0x93: {  	v3 =	vshll.u32 v3, $0x7;
	v21 =	vadd.s32 v6, v9  }
0x94: {  	v2 =	vadd.s32 v3, v2;
	v3 =	vshll.u32 v16, $0x4  }
0x95: {  	[tilespmem:s13+$0x7800] =	vst v2;
	v2 =	vshll.u32 v1, v3  }
0x96: {  	[tilespmem:s13+$0x8000] =	vst v2  }
0x97: {  	v2 =	vld.idx.msk [tilespmem:v5+s30+$0x0], $0xffff  }
0x98: {  	v3 =	vld.idx.msk [tilespmem:v21+s30+$0x0], $0xffff;
	_ =	sdelay $0x3  }
0x99: {  	v2 =	vshll.u32 v2, $0x7  }
0x9a: {  	v2 =	vadd.s32 v2, v3;
	v3 =	vld [tilespmem:s13+$0x20]  }
0x9b: {  	v22 =	vld [tilespmem:s13+$0x820];
	_ =	sdelay $0x3  }
0x9c: {  	v2 =	vld.idx.msk [tilespmem:v2+s0+$0x0], $0xffff;
	v23 =	vand.u32 $0x1, v3  }
0x9d: {  	v24 =	vand.u32 $0x1, v22;
	vm10 =	veq.s32 v23, $0x1  }
0x9e: {  	v26 =	vmul.u32 $0x1400, v24;
	v3 =	vshra.s32 v3, $0x1;
	v25 =	vsel vm10, $0x1400, v0  }
0x9f: {  	v4 =	vshra.s32 v22, $0x1;
	v3 =	vadd.s32 v3, v25  }
0xa0: {  	v27 =	vadd.s32 v4, v26;
	v6 =	vshll.u32 v6, $0x7  }
0xa1: {  	v28 =	vshll.u32 v20, $0x4;
	v2 =	vadd.s32 v6, v2  }
0xa2: {  	[tilespmem:s13+$0x7810] =	vst v2;
	v2 =	vshll.u32 v1, v28  }
0xa3: {  	[tilespmem:s13+$0x8010] =	vst v2  }
0xa4: {  	v2 =	vld.idx.msk [tilespmem:v3+s30+$0x0], $0xffff  }
0xa5: {  	v3 =	vld.idx.msk [tilespmem:v27+s30+$0x0], $0xffff;
	_ =	sdelay $0x3  }
0xa6: {  	v2 =	vshll.u32 v2, $0x7  }
0xa7: {  	v2 =	vadd.s32 v2, v3;
	v3 =	vld [tilespmem:s13+$0x30]  }
0xa8: {  	v29 =	vld [tilespmem:s13+$0x830];
	_ =	sdelay $0x3  }
0xa9: {  	v2 =	vld.idx.msk [tilespmem:v2+s0+$0x0], $0xffff;
	v30 =	vand.u32 $0x1, v3  }
0xaa: {  	v31 =	vand.u32 $0x1, v29;
	vm11 =	veq.s32 v30, $0x1  }
0xab: {  	v33 =	vmul.u32 $0x1400, v31;
	v3 =	vshra.s32 v3, $0x1;
	v32 =	vsel vm11, $0x1400, v0  }
0xac: {  	v6 =	vshra.s32 v29, $0x1;
	v3 =	vadd.s32 v3, v32  }
0xad: {  	v4 =	vshll.u32 v4, $0x7;
	v34 =	vadd.s32 v6, v33  }
0xae: {  	v35 =	vshll.u32 v24, $0x4;
	v2 =	vadd.s32 v4, v2  }
0xaf: {  	[tilespmem:s13+$0x7820] =	vst v2;
	v2 =	vshll.u32 v1, v35  }
0xb0: {  	[tilespmem:s13+$0x8020] =	vst v2  }
0xb1: {  	v2 =	vld.idx.msk [tilespmem:v3+s30+$0x0], $0xffff  }
0xb2: {  	v3 =	vld.idx.msk [tilespmem:v34+s30+$0x0], $0xffff;
	_ =	sdelay $0x3  }
0xb3: {  	v2 =	vshll.u32 v2, $0x7  }
0xb4: {  	v2 =	vadd.s32 v2, v3;
	v3 =	vld [tilespmem:s13+$0x40]  }
0xb5: {  	v36 =	vld [tilespmem:s13+$0x840];
	_ =	sdelay $0x3  }
0xb6: {  	v2 =	vld.idx.msk [tilespmem:v2+s0+$0x0], $0xffff;
	v37 =	vand.u32 $0x1, v3  }
0xb7: {  	v38 =	vand.u32 $0x1, v36;
	vm12 =	veq.s32 v37, $0x1  }
0xb8: {  	v40 =	vmul.u32 $0x1400, v38;
	v3 =	vshra.s32 v3, $0x1;
	v39 =	vsel vm12, $0x1400, v0  }
0xb9: {  	v4 =	vshra.s32 v36, $0x1;
	v3 =	vadd.s32 v3, v39  }
0xba: {  	v6 =	vshll.u32 v6, $0x7;
	v41 =	vadd.s32 v4, v40  }
0xbb: {  	v42 =	vshll.u32 v31, $0x4;
	v2 =	vadd.s32 v6, v2  }
0xbc: {  	[tilespmem:s13+$0x7830] =	vst v2;
	v2 =	vshll.u32 v1, v42  }
0xbd: {  	[tilespmem:s13+$0x8030] =	vst v2  }
0xbe: {  	v2 =	vld.idx.msk [tilespmem:v3+s30+$0x0], $0xffff  }
0xbf: {  	v3 =	vld.idx.msk [tilespmem:v41+s30+$0x0], $0xffff;
	_ =	sdelay $0x3  }
0xc0: {  	v2 =	vshll.u32 v2, $0x7  }
0xc1: {  	v2 =	vadd.s32 v2, v3;
	v3 =	vld [tilespmem:s13+$0x50]  }
0xc2: {  	v43 =	vld [tilespmem:s13+$0x850];
	_ =	sdelay $0x3  }
0xc3: {  	v2 =	vld.idx.msk [tilespmem:v2+s0+$0x0], $0xffff;
	v44 =	vand.u32 $0x1, v3  }
0xc4: {  	v45 =	vand.u32 $0x1, v43;
	vm13 =	veq.s32 v44, $0x1  }
0xc5: {  	v47 =	vmul.u32 $0x1400, v45;
	v3 =	vshra.s32 v3, $0x1;
	v46 =	vsel vm13, $0x1400, v0  }
0xc6: {  	v6 =	vshra.s32 v43, $0x1;
	v3 =	vadd.s32 v3, v46  }
0xc7: {  	v4 =	vshll.u32 v4, $0x7;
	v48 =	vadd.s32 v6, v47  }
0xc8: {  	v49 =	vshll.u32 v38, $0x4;
	v2 =	vadd.s32 v4, v2  }
0xc9: {  	[tilespmem:s13+$0x7840] =	vst v2;
	v2 =	vshll.u32 v1, v49  }
0xca: {  	[tilespmem:s13+$0x8040] =	vst v2  }
0xcb: {  	v2 =	vld.idx.msk [tilespmem:v3+s30+$0x0], $0xffff  }
0xcc: {  	v3 =	vld.idx.msk [tilespmem:v48+s30+$0x0], $0xffff;
	_ =	sdelay $0x3  }
0xcd: {  	v2 =	vshll.u32 v2, $0x7  }
0xce: {  	v2 =	vadd.s32 v2, v3;
	v3 =	vld [tilespmem:s13+$0x60]  }
0xcf: {  	v50 =	vld [tilespmem:s13+$0x860];
	_ =	sdelay $0x3  }
0xd0: {  	v2 =	vld.idx.msk [tilespmem:v2+s0+$0x0], $0xffff;
	v51 =	vand.u32 $0x1, v3  }
0xd1: {  	v52 =	vand.u32 $0x1, v50;
	vm14 =	veq.s32 v51, $0x1  }
0xd2: {  	v54 =	vmul.u32 $0x1400, v52;
	v3 =	vshra.s32 v3, $0x1;
	v53 =	vsel vm14, $0x1400, v0  }
0xd3: {  	v4 =	vshra.s32 v50, $0x1;
	v3 =	vadd.s32 v3, v53  }
0xd4: {  	v6 =	vshll.u32 v6, $0x7;
	v55 =	vadd.s32 v4, v54  }
0xd5: {  	v56 =	vshll.u32 v45, $0x4;
	v2 =	vadd.s32 v6, v2  }
0xd6: {  	[tilespmem:s13+$0x7850] =	vst v2;
	v2 =	vshll.u32 v1, v56  }
0xd7: {  	[tilespmem:s13+$0x8050] =	vst v2  }
0xd8: {  	v2 =	vld.idx.msk [tilespmem:v3+s30+$0x0], $0xffff  }
0xd9: {  	v3 =	vld.idx.msk [tilespmem:v55+s30+$0x0], $0xffff;
	_ =	sdelay $0x3  }
0xda: {  	v2 =	vshll.u32 v2, $0x7  }
0xdb: {  	v2 =	vadd.s32 v2, v3;
	v3 =	vld [tilespmem:s13+$0x70]  }
0xdc: {  	v57 =	vld [tilespmem:s13+$0x870];
	_ =	sdelay $0x3  }
0xdd: {  	v2 =	vld.idx.msk [tilespmem:v2+s0+$0x0], $0xffff;
	v58 =	vand.u32 $0x1, v3  }
0xde: {  	v59 =	vand.u32 $0x1, v57;
	vm15 =	veq.s32 v58, $0x1  }
0xdf: {  	v61 =	vmul.u32 $0x1400, v59;
	v3 =	vshra.s32 v3, $0x1;
	v60 =	vsel vm15, $0x1400, v0  }
0xe0: {  	v6 =	vshra.s32 v57, $0x1;
	v3 =	vadd.s32 v3, v60  }
0xe1: {  	v4 =	vshll.u32 v4, $0x7;
	v62 =	vadd.s32 v6, v61  }
0xe2: {  	v63 =	vshll.u32 v52, $0x4;
	v2 =	vadd.s32 v4, v2  }
0xe3: {  	[tilespmem:s13+$0x7860] =	vst v2;
	v2 =	vshll.u32 v1, v63  }
0xe4: {  	[tilespmem:s13+$0x8060] =	vst v2  }
0xe5: {  	v2 =	vld.idx.msk [tilespmem:v3+s30+$0x0], $0xffff  }
0xe6: {  	v3 =	vld.idx.msk [tilespmem:v62+s30+$0x0], $0xffff;
	_ =	sdelay $0x3  }
0xe7: {  	v2 =	vshll.u32 v2, $0x7  }
0xe8: {  	v2 =	vadd.s32 v2, v3;
	_ =	sdelay $0x4  }
0xe9: {  	v2 =	vld.idx.msk [tilespmem:v2+s0+$0x0], $0xffff;
	_ =	sdelay $0x2  }
0xea: {  	p0 =	sne.s32 s12, $0x1E00  }
.Ltmp1:
0xeb: {  	v3 =	vshll.u32 v6, $0x7;
	(pc) =	sbr.rel @p0 .LBB2_5-.Ltmp1, $4  }
0xec: {  	v2 =	vadd.s32 v3, v2;
	v3 =	vshll.u32 v59, $0x4  }
0xed: {  	[tilespmem:s13+$0x7870] =	vst v2;
	v2 =	vshll.u32 v1, v3  }
0xee: {  	s12 =	sadd.s32 $0x200, s12;
	s14 =	sadd.s32 $0x7800, s13;
	s15 =	sadd.s32 $0x8000, s13;
	[tilespmem:s13+$0x8070] =	vst v2  }
0xef: {  	[spmem:s2] =	stream.indirect.scatter.add.s32 [tilespmem:s15], [sflag:$0x1], $0x1, s14, s7, $0xb8;
	[tilespmem:$0x13200] =	vst v63  }
0xf0: {  	_ =	swait.ge [sflag:s3], $0x80  }
0xf1: {  	[sflag:s3] =	ssyncset.done $0x0  }
0xf2: {  	[sflag:s3] =	ssyncadd.s32 $0xFFFFFF80  }
0xf3: {  	_ =	swait.ge [sflag:s3], $0x80  }
0xf4: {  	[sflag:s3] =	ssyncset.done $0x0  }
0xf5: {  	[sflag:s3] =	ssyncadd.s32 $0xFFFFFF80  }
0xf6: {  	_ =	swait.ge [sflag:s3], $0x80  }
0xf7: {  	[sflag:s3] =	ssyncset.done $0x0  }
0xf8: {  	[sflag:s3] =	ssyncadd.s32 $0xFFFFFF80  }
0xf9: {  	_ =	swait.ge [sflag:s3], $0x80  }
0xfa: {  	[sflag:s3] =	ssyncset.done $0x0  }
0xfb: {  	[sflag:s3] =	ssyncadd.s32 $0xFFFFFF80  }
0xfc: {  	_ =	swait.ge [sflag:s3], $0x80  }
0xfd: {  	[sflag:s3] =	ssyncset.done $0x0  }
0xfe: {  	[sflag:s3] =	ssyncadd.s32 $0xFFFFFF80  }
0xff: {  	_ =	swait.ge [sflag:s3], $0x80  }
0x100: {  	[sflag:s3] =	ssyncset.done $0x0  }
0x101: {  	[sflag:s3] =	ssyncadd.s32 $0xFFFFFF80  }
0x102: {  	_ =	swait.ge [sflag:s3], $0x80  }
0x103: {  	[sflag:s3] =	ssyncset.done $0x0  }
0x104: {  	[sflag:s3] =	ssyncadd.s32 $0xFFFFFF80  }
0x105: {  	_ =	swait.ge [sflag:s3], $0x80  }
0x106: {  	[sflag:s3] =	ssyncset.done $0x0  }
0x107: {  	[sflag:s3] =	ssyncadd.s32 $0xFFFFFF80  }
0x108: {  	_ =	swait.ge [sflag:s3], $0x80  }
0x109: {  	[sflag:s3] =	ssyncset.done $0x0  }
0x10a: {  	[sflag:s3] =	ssyncadd.s32 $0xFFFFFF80  }
0x10b: {  	_ =	swait.ge [sflag:s3], $0x80  }
0x10c: {  	[sflag:s3] =	ssyncset.done $0x0  }
0x10d: {  	[sflag:s3] =	ssyncadd.s32 $0xFFFFFF80  }
0x10e: {  	_ =	swait.ge [sflag:s3], $0x80  }
0x10f: {  	[sflag:s3] =	ssyncset.done $0x0  }
0x110: {  	[sflag:s3] =	ssyncadd.s32 $0xFFFFFF80  }
0x111: {  	_ =	swait.ge [sflag:s3], $0x80  }
0x112: {  	[sflag:s3] =	ssyncset.done $0x0  }
0x113: {  	[sflag:s3] =	ssyncadd.s32 $0xFFFFFF80  }
0x114: {  	_ =	swait.ge [sflag:s3], $0x80  }
0x115: {  	[sflag:s3] =	ssyncset.done $0x0  }
0x116: {  	[sflag:s3] =	ssyncadd.s32 $0xFFFFFF80  }
0x117: {  	_ =	swait.ge [sflag:s3], $0x80  }
0x118: {  	[sflag:s3] =	ssyncset.done $0x0  }
0x119: {  	s11 =	sadd.s32 $0x1, s11;
	[sflag:s3] =	ssyncadd.s32 $0xFFFFFF80  }
0x11a: {  	p0 =	sne.s32 s11, $0x5;
	_ =	swait.ge [sflag:s3], $0x80  }
.Ltmp2:
0x11b: {  	[sflag:s3] =	ssyncset.done $0x0;
	(pc) =	sbr.rel @p0 .LBB2_4-.Ltmp2, $4  }
0x11c: {  	[sflag:s3] =	ssyncadd.s32 $0xFFFFFF80  }
0x11d: {  	_ =	swait.ge [sflag:s3], $0x80  }
0x11e: {  	[sflag:s3] =	ssyncset.done $0x0  }
0x11f: {  	[sflag:s3] =	ssyncadd.s32 $0xFFFFFF80  }
0x120: {  	s9 =	stileid.u32  }
0x121: {  	[bflag:$0x0] =	sbarrier.arrive $0xFFFF;
	s9 =	sshll.u32 s9, $0x6  }
0x122: {  	s11 =	rddreg [dreg:$0x6];
	s9 =	sor.u32 $0x1C02, s9  }
0x123: {  	[hbm:s11], [sflag:s9] =	dma.local [spmem:s25], $0x1400  }
0x124: {  	_ =	swait.ge [sflag:s31], $0x1400  }
0x125: {  	s4 =	sadd.s32 $0x1, s4;
	s15 =	rddreg [dreg:$0x7]  }
0x126: {  	p0 =	sne.s32 s4, s15  }
.Ltmp3:
0x127: {  	_ = 	snop;
	(pc) =	sbr.rel @p0 .LBB2_1-.Ltmp3, $3  }
0x128: {  	_ =	sdelay $0x1  }
0x129: {  	[sflag:s31] =	ssyncset.done $0x0  }
0x12a: {  	[sflag:s31] =	ssyncadd.s32 $0xFFFFEC00  }
0x12b: {  	_ =	sfence.sel $0x180000  }
0x12c: {  	[bflag:$0x0] =	sbarrier.arrive $0xFFFF  }
0x12d: {  	_ =	strace $0x90000053  }
0x12e: {  	s0 =	stileid.u32;
	[bflag:$0x2] =	sbarrier.arrive $0xFFFF  }
0x12f: {  	p0 =	sne.s32 s0, $0x0;
	s0 =	rddreg [dreg:$0x3]  }
0x130: {  	s0 =	sadd.s32 @!p0 $0x100000, s0  }
0x131: {  	[sflag:s0] =	ssyncadd.tile.s32 @!p0 $0x1;
	_ =	shalt  }
.Lfunc_end2:
_tile_overlayer_lowered:
.L_overlay_start_2:
0x132: {  	(tag) =	ssettag $0x2  }
0x133: {  	s0 =	rddreg [dreg:$0x0];
	s2 =	stileid.u32  }
0x134: {  	s1 =	rddreg [dreg:$0x1];
	p0 =	sne.s32 s2, $0x0  }
0x135: {  	s3 =	rddreg [dreg:$0x2];
	[bflag:$0x3] =	sbarrier.arrive $0xFFFF;
	s2 =	simm.s32 @!p0 $0x1C02  }
0x136: {  	[timem:s3], [sflag:s2] =	dma.local @!p0 [hbm:s0], s1  }
0x137: {  	s0 =	simm.s32 @!p0 $0x2  }
0x138: {  	_ =	swait.ge @!p0 [sflag:s0], s1  }
0x139: {  	s1 =	ssub.s32 @!p0 $0x0, s1;
	[sflag:s0] =	ssyncset.done @!p0 $0x0  }
0x13a: {  	[sflag:s0] =	ssyncadd.s32 @!p0 s1  }
0x13b: {  	[bflag:$0x3] =	sbarrier.arrive $0xFFFF  }
0x13c: {  	_ =	shalt  }

</sc_bundles>
